<compile_context>
chip_gen: v7x
topology: tpu7x:2x2x1
jax: 0.10.2.dev20260603
libtpu: 0.0.44.dev20260713+nightly
codegen_flags: <defaults>
</compile_context>

<pallas_src>
import functools

import jax
import jax.numpy as jnp
from jax import lax
from jax.experimental import pallas as pl
from jax.experimental.pallas import tpu as pltpu
from jax.experimental.pallas import tpu_sc as plsc

NC = 2
NS = 16
NW = NC * NS
K = 100
CH = 100
NQ = 4
QQ = CH // NQ
NB = 3
FB = 4
DEGW = 128


def _sc_mesh():
    return plsc.VectorSubcoreMesh(
        core_axis_name="c", subcore_axis_name="s", num_cores=NC, num_subcores=NS
    )


def _stripe(n, s):
    sz = ((n + NS - 1) // NS + 7) // 8 * 8
    base = jnp.minimum(s * sz, n - sz)
    return base, sz


def _make_deg_call(n, e):
    @functools.partial(
        pl.kernel,
        out_type=jax.ShapeDtypeStruct((NC, n, DEGW), jnp.float32),
        mesh=_sc_mesh(),
        scratch_types=(
            [pltpu.VMEM((CH, K), jnp.int32),
             pltpu.VMEM((K, DEGW), jnp.float32),
             pltpu.VMEM_SHARED((n, DEGW), jnp.float32)]
            + [pltpu.SemaphoreType.DMA] * FB
        ),
    )
    def deg_kernel(row_hbm, ones_hbm, zeros_hbm, out_hbm, rowv, ones_v,
                   acc_sh, *sems):
        c = lax.axis_index("c")
        s = lax.axis_index("s")
        wid = s * NC + c
        sb, sz = _stripe(n, s)
        pltpu.sync_copy(zeros_hbm.at[pl.ds(sb, sz)], acc_sh.at[pl.ds(sb, sz)])
        pltpu.sync_copy(ones_hbm, ones_v)
        pltpu.sync_copy(row_hbm.at[wid], rowv)
        plsc.subcore_barrier()

        def body(g, carry):
            for t in range(FB):
                j = g * FB + t

                @pl.when(j >= FB)
                def _():
                    pltpu.make_async_copy(ones_v, acc_sh.at[rowv.at[j]],
                                          sems[t]).wait()

                pltpu.async_copy(ones_v, acc_sh.at[rowv.at[j]], sems[t],
                                 add=True)
            return carry

        lax.fori_loop(0, CH // FB, body, 0)
        for t in range(FB):
            pltpu.make_async_copy(ones_v, acc_sh.at[rowv.at[0]],
                                  sems[t]).wait()
        plsc.subcore_barrier()
        pltpu.sync_copy(acc_sh.at[pl.ds(sb, sz)], out_hbm.at[c, pl.ds(sb, sz)])

    return deg_kernel


def _make_scatter_call(n, d, e):
    @functools.partial(
        pl.kernel,
        out_type=jax.ShapeDtypeStruct((NC, n, d), jnp.float32),
        mesh=_sc_mesh(),
        scratch_types=(
            [pltpu.VMEM((QQ, K), jnp.int32)] * 2
            + [pltpu.VMEM((K, d), jnp.float32)] * NB
            + [pltpu.SemaphoreType.DMA] * (2 * NB)
            + [pltpu.VMEM_SHARED((n, d), jnp.float32)]
        ),
    )
    def scatter_kernel(h2_hbm, row_hbm, col_hbm, zeros_hbm, out_hbm,
                       colv, rowv, *rest):
        bufs = rest[:NB]
        gsem = rest[NB:2 * NB]
        ssem = rest[2 * NB:3 * NB]
        acc_sh = rest[3 * NB]
        c = lax.axis_index("c")
        s = lax.axis_index("s")
        wid = s * NC + c
        sb, sz = _stripe(n, s)

        @pl.when(c == 0)
        def _():
            pltpu.sync_copy(h2_hbm.at[pl.ds(sb, sz)], acc_sh.at[pl.ds(sb, sz)])

        @pl.when(c != 0)
        def _():
            pltpu.sync_copy(zeros_hbm.at[pl.ds(sb, sz)],
                            acc_sh.at[pl.ds(sb, sz)])

        plsc.subcore_barrier()

        for q in range(NQ):
            pltpu.sync_copy(col_hbm.at[wid, q], colv)
            pltpu.sync_copy(row_hbm.at[wid, q], rowv)

            pltpu.async_copy(h2_hbm.at[colv.at[0]], bufs[0], gsem[0])
            pltpu.async_copy(h2_hbm.at[colv.at[1]], bufs[1], gsem[1])

            def step(j, t):
                bb = (t + 2) % NB
                pltpu.make_async_copy(h2_hbm.at[colv.at[j]], bufs[t],
                                      gsem[t]).wait()
                pltpu.async_copy(bufs[t], acc_sh.at[rowv.at[j]], ssem[t],
                                 add=True)

                @pl.when(jnp.logical_and(j >= 1, j + 2 < QQ))
                def _():
                    pltpu.make_async_copy(bufs[bb], acc_sh.at[rowv.at[j]],
                                          ssem[bb]).wait()

                @pl.when(j + 2 < QQ)
                def _():
                    pltpu.async_copy(h2_hbm.at[colv.at[j + 2]], bufs[bb],
                                     gsem[bb])

            def body(g, carry):
                for t in range(NB):
                    step(NB * g + t, t)
                return carry

            lax.fori_loop(0, QQ // NB, body, 0)
            for j in range(QQ - QQ % NB, QQ):
                step(j, j % NB)
            for j in range(QQ - NB, QQ):
                pltpu.make_async_copy(bufs[j % NB], acc_sh.at[rowv.at[0]],
                                      ssem[j % NB]).wait()

        plsc.subcore_barrier()
        pltpu.sync_copy(acc_sh.at[pl.ds(sb, sz)], out_hbm.at[c, pl.ds(sb, sz)])

    return scatter_kernel


def _h2_body(x_ref, wt_ref, b_ref, degp_ref, h2_ref):
    parts = degp_ref[...]
    deg = parts[0] + parts[1]
    dinv = lax.rsqrt(deg[:, 0:1] + 1.0)
    h = jnp.dot(x_ref[...], wt_ref[...], preferred_element_type=jnp.float32)
    h2_ref[...] = (h + b_ref[...]) * dinv


def _final_body(parts_ref, degp_ref, out_ref):
    dparts = degp_ref[...]
    deg = dparts[0] + dparts[1]
    dinv = lax.rsqrt(deg[:, 0:1] + 1.0)
    acc = parts_ref[0] + parts_ref[1]
    out_ref[...] = acc * dinv


def kernel(x, edge_index, W, b):
    n, d_in = x.shape
    d_out = W.shape[0]
    e = edge_index.shape[1]
    assert e == NW * CH * K and n % NS == 0

    row = edge_index[0].astype(jnp.int32)
    col = edge_index[1].astype(jnp.int32)
    row3 = row.reshape(NW, CH, K)
    w_t = W.T
    b2 = b.reshape(1, d_out)
    ones_k = jnp.ones((K, DEGW), jnp.float32)
    zeros_nd = jnp.zeros((n, d_out), jnp.float32)

    degp = _make_deg_call(n, e)(row3, ones_k, zeros_nd)

    blk = 1000
    grid = (n // blk,)
    h2 = pl.pallas_call(
        _h2_body,
        grid=grid,
        in_specs=[
            pl.BlockSpec((blk, d_in), lambda i: (i, 0)),
            pl.BlockSpec((d_in, d_out), lambda i: (0, 0)),
            pl.BlockSpec((1, d_out), lambda i: (0, 0)),
            pl.BlockSpec((NC, blk, DEGW), lambda i: (0, i, 0)),
        ],
        out_specs=pl.BlockSpec((blk, d_out), lambda i: (i, 0)),
        out_shape=jax.ShapeDtypeStruct((n, d_out), jnp.float32),
    )(x, w_t, b2, degp)

    row4 = row.reshape(NW, NQ, QQ, K)
    col4 = col.reshape(NW, NQ, QQ, K)
    parts = _make_scatter_call(n, d_out, e)(h2, row4, col4, zeros_nd)

    out = pl.pallas_call(
        _final_body,
        grid=grid,
        in_specs=[
            pl.BlockSpec((NC, blk, d_out), lambda i: (0, i, 0)),
            pl.BlockSpec((NC, blk, DEGW), lambda i: (0, i, 0)),
        ],
        out_specs=pl.BlockSpec((blk, d_out), lambda i: (i, 0)),
        out_shape=jax.ShapeDtypeStruct((n, d_out), jnp.float32),
    )(parts, degp)
    return out

# --- scband reference (transcript-rebuilt; emitter-appended) ---
"""Pipeline reference for scband-gcnconv-46299747451336 (READ-ONLY COPY).

The authoritative reference and input builder live on the scoring server;
editing this copy changes nothing except your own understanding.
"""

import jax, jax.numpy as jnp
import numpy as np

N = 10000
E = 320000
D_IN = 128
D_OUT = 128


def setup_inputs(seed: int = 0) -> dict:
    key = jax.random.key(seed)
    k1, k2, k3, k4 = jax.random.split(key, 4)
    x = jax.random.normal(k1, (N, D_IN), dtype=jnp.float32)
    edge_index = jax.random.randint(k2, (2, E), 0, N)
    W = jax.random.normal(k3, (D_OUT, D_IN), dtype=jnp.float32) * (1.0 / np.sqrt(D_IN))
    b = jax.random.normal(k4, (D_OUT,), dtype=jnp.float32) * (1.0 / np.sqrt(D_IN))
    return {"x": x, "edge_index": edge_index, "W": W, "b": b}


def reference(x, edge_index, W, b):
    node_num = x.shape[0]
    # addSelfConnect: append (i, i) for every node
    selfconn = jnp.stack([jnp.arange(node_num, dtype=edge_index.dtype)] * 2, axis=0)
    ei = jnp.concatenate([edge_index, selfconn], axis=1)
    # linear layer
    h = x @ W.T + b
    row = ei[0]
    col = ei[1]
    # calDegree: count occurrences of each node id in row (np.unique w/ counts == bincount)
    deg = jnp.bincount(row, length=node_num).astype(jnp.float32)
    deg_sqrt = jnp.power(deg, -0.5)
    norm = deg_sqrt[row] * deg_sqrt[col]
    # gather target node features and scale
    tar = jnp.take(h, col, axis=0) * norm[:, None]
    # AggrSum: mask @ H where mask[i,j] = (row[j] == i) is exactly a scatter-add by row
    aggr = jax.ops.segment_sum(tar, row, num_segments=node_num)
    return aggr

if __name__ == "__main__":
    import jax
    _d = setup_inputs()
    print(jax.jit(kernel)(*tuple(_d.values())))

</pallas_src>

<mosaic_0001>
#map = affine_map<(d0, d1) -> (0, 0)>
#map1 = affine_map<(d0, d1) -> (0, 0, 0, 0)>
#map2 = affine_map<(d0, d1) -> (0, 0, 0)>
module attributes {stable_mosaic.version = 14 : i64} {
  func.func @scatter_kernel(%arg0: i32, %arg1: i32, %arg2: memref<10000x128xf32, #tpu.memory_space<hbm>>, %arg3: memref<32x4x25x100xi32, #tpu.memory_space<hbm>>, %arg4: memref<32x4x25x100xi32, #tpu.memory_space<hbm>>, %arg5: memref<10000x128xf32, #tpu.memory_space<hbm>>, %arg6: memref<2x10000x128xf32, #tpu.memory_space<hbm>>, %arg7: memref<25x100xi32, #tpu.memory_space<vmem>>, %arg8: memref<25x100xi32, #tpu.memory_space<vmem>>, %arg9: memref<100x128xf32, #tpu.memory_space<vmem>>, %arg10: memref<100x128xf32, #tpu.memory_space<vmem>>, %arg11: memref<100x128xf32, #tpu.memory_space<vmem>>, %arg12: memref<!tpu.dma_semaphore, #tpu.memory_space<semaphore_mem>>, %arg13: memref<!tpu.dma_semaphore, #tpu.memory_space<semaphore_mem>>, %arg14: memref<!tpu.dma_semaphore, #tpu.memory_space<semaphore_mem>>, %arg15: memref<!tpu.dma_semaphore, #tpu.memory_space<semaphore_mem>>, %arg16: memref<!tpu.dma_semaphore, #tpu.memory_space<semaphore_mem>>, %arg17: memref<!tpu.dma_semaphore, #tpu.memory_space<semaphore_mem>>, %arg18: memref<10000x128xf32, #tpu.memory_space<vmem_shared>>) attributes {dimension_semantics = [#tpu.dimension_semantics<core_parallel>, #tpu.dimension_semantics<subcore_parallel>], iteration_bounds = array<i64: 2, 16>, scalar_prefetch = 0 : i64, scratch_operands = 12 : i64, tpu.core_type = #tpu.core_type<sc_vector_subcore>, window_params = [{transform_indices = #map}, {transform_indices = #map1}, {transform_indices = #map1}, {transform_indices = #map}, {transform_indices = #map2}]} {
    %mul3A = arith.constant 2 : i32
    %mul3A_0 = arith.muli %arg1, %mul3A : i32
    %add3A = arith.addi %mul3A_0, %arg0 : i32
    %mul3A_1 = arith.constant 632 : i32
    %mul3A_2 = arith.muli %arg1, %mul3A_1 : i32
    %min3A = arith.constant 9368 : i32
    %min3A_3 = arith.minsi %mul3A_2, %min3A : i32
    %eq3A = arith.constant 0 : i32
    %eq3A_4 = arith.cmpi eq, %arg0, %eq3A : i32
    %convert_element_type3A = arith.extui %eq3A_4 : i1 to i32
    %cond3A = arith.constant 0 : i32
    %cond3A_5 = arith.cmpi ne, %convert_element_type3A, %cond3A : i32
    scf.if %cond3A_5 {
      "tpu.region"() ({
        %run_scoped3A_258 = tpu.sem_alloc : memref<!tpu.dma_semaphore, #tpu.memory_space<semaphore_mem>>
        %dma_start3A_259 = arith.constant 0 : i32
        %dma_start3A_260 = tpu.memref_slice %arg18[%min3A_3, %dma_start3A_259] : memref<10000x128xf32, #tpu.memory_space<vmem_shared>> -> memref<632x128xf32, #tpu.memory_space<vmem_shared>>
        %dma_start3A_261 = arith.constant 0 : i32
        %dma_start3A_262 = tpu.memref_slice %arg2[%min3A_3, %dma_start3A_261] : memref<10000x128xf32, #tpu.memory_space<hbm>> -> memref<632x128xf32, #tpu.memory_space<hbm>>
        tpu.enqueue_dma source(%dma_start3A_262 : memref<632x128xf32, #tpu.memory_space<hbm>>) target(%dma_start3A_260 : memref<632x128xf32, #tpu.memory_space<vmem_shared>>) target_semaphore(%run_scoped3A_258 : memref<!tpu.dma_semaphore, #tpu.memory_space<semaphore_mem>>)
        %dma_wait3A_263 = arith.constant 0 : i32
        %dma_wait3A_264 = tpu.memref_slice %arg18[%min3A_3, %dma_wait3A_263] : memref<10000x128xf32, #tpu.memory_space<vmem_shared>> -> memref<632x128xf32, #tpu.memory_space<vmem_shared>>
        %dma_wait3A_265 = arith.constant 0 : i32
        %dma_wait3A_266 = tpu.memref_slice %arg2[%min3A_3, %dma_wait3A_265] : memref<10000x128xf32, #tpu.memory_space<hbm>> -> memref<632x128xf32, #tpu.memory_space<hbm>>
        tpu.wait_dma2 semaphore(%run_scoped3A_258 : memref<!tpu.dma_semaphore, #tpu.memory_space<semaphore_mem>>) src(%dma_wait3A_266 : memref<632x128xf32, #tpu.memory_space<hbm>>) dst(%dma_wait3A_264 : memref<632x128xf32, #tpu.memory_space<vmem_shared>>)
        tpu.yield
      }) : () -> ()
    } else {
    }
    %ne3A = arith.constant 0 : i32
    %ne3A_6 = arith.cmpi ne, %arg0, %ne3A : i32
    %convert_element_type3A_7 = arith.extui %ne3A_6 : i1 to i32
    %cond3A_8 = arith.constant 0 : i32
    %cond3A_9 = arith.cmpi ne, %convert_element_type3A_7, %cond3A_8 : i32
    scf.if %cond3A_9 {
      "tpu.region"() ({
        %run_scoped3A_258 = tpu.sem_alloc : memref<!tpu.dma_semaphore, #tpu.memory_space<semaphore_mem>>
        %dma_start3A_259 = arith.constant 0 : i32
        %dma_start3A_260 = tpu.memref_slice %arg18[%min3A_3, %dma_start3A_259] : memref<10000x128xf32, #tpu.memory_space<vmem_shared>> -> memref<632x128xf32, #tpu.memory_space<vmem_shared>>
        %dma_start3A_261 = arith.constant 0 : i32
        %dma_start3A_262 = tpu.memref_slice %arg5[%min3A_3, %dma_start3A_261] : memref<10000x128xf32, #tpu.memory_space<hbm>> -> memref<632x128xf32, #tpu.memory_space<hbm>>
        tpu.enqueue_dma source(%dma_start3A_262 : memref<632x128xf32, #tpu.memory_space<hbm>>) target(%dma_start3A_260 : memref<632x128xf32, #tpu.memory_space<vmem_shared>>) target_semaphore(%run_scoped3A_258 : memref<!tpu.dma_semaphore, #tpu.memory_space<semaphore_mem>>)
        %dma_wait3A_263 = arith.constant 0 : i32
        %dma_wait3A_264 = tpu.memref_slice %arg18[%min3A_3, %dma_wait3A_263] : memref<10000x128xf32, #tpu.memory_space<vmem_shared>> -> memref<632x128xf32, #tpu.memory_space<vmem_shared>>
        %dma_wait3A_265 = arith.constant 0 : i32
        %dma_wait3A_266 = tpu.memref_slice %arg5[%min3A_3, %dma_wait3A_265] : memref<10000x128xf32, #tpu.memory_space<hbm>> -> memref<632x128xf32, #tpu.memory_space<hbm>>
        tpu.wait_dma2 semaphore(%run_scoped3A_258 : memref<!tpu.dma_semaphore, #tpu.memory_space<semaphore_mem>>) src(%dma_wait3A_266 : memref<632x128xf32, #tpu.memory_space<hbm>>) dst(%dma_wait3A_264 : memref<632x128xf32, #tpu.memory_space<vmem_shared>>)
        tpu.yield
      }) : () -> ()
    } else {
    }
    %barrier3A = arith.constant 0 : index
    tpu.barrier barrier_id(%barrier3A)
    %run_scoped3A = arith.constant 0 : i32
    "tpu.region"() ({
      %run_scoped3A_258 = tpu.sem_alloc : memref<!tpu.dma_semaphore, #tpu.memory_space<semaphore_mem>>
      %dma_start3A_259 = arith.constant 0 : i32
      %dma_start3A_260 = arith.constant 0 : i32
      %dma_start3A_261 = tpu.memref_slice %arg4[%add3A, %run_scoped3A, %dma_start3A_259, %dma_start3A_260] : memref<32x4x25x100xi32, #tpu.memory_space<hbm>> -> memref<1x1x25x100xi32, #tpu.memory_space<hbm>>
      %dma_start3A_262 = tpu.memref_squeeze %dma_start3A_261 : memref<1x1x25x100xi32, #tpu.memory_space<hbm>> -> memref<25x100xi32, #tpu.memory_space<hbm>>
      %dma_start3A_263 = arith.constant 0 : i32
      %dma_start3A_264 = arith.constant 0 : i32
      %dma_start3A_265 = tpu.memref_slice %arg4[%add3A, %run_scoped3A, %dma_start3A_263, %dma_start3A_264] : memref<32x4x25x100xi32, #tpu.memory_space<hbm>> -> memref<1x1x25x100xi32, #tpu.memory_space<hbm>>
      %dma_start3A_266 = tpu.memref_squeeze %dma_start3A_265 : memref<1x1x25x100xi32, #tpu.memory_space<hbm>> -> memref<25x100xi32, #tpu.memory_space<hbm>>
      tpu.enqueue_dma source(%dma_start3A_266 : memref<25x100xi32, #tpu.memory_space<hbm>>) target(%arg7 : memref<25x100xi32, #tpu.memory_space<vmem>>) target_semaphore(%run_scoped3A_258 : memref<!tpu.dma_semaphore, #tpu.memory_space<semaphore_mem>>)
      %dma_wait3A_267 = arith.constant 0 : i32
      %dma_wait3A_268 = arith.constant 0 : i32
      %dma_wait3A_269 = tpu.memref_slice %arg4[%add3A, %run_scoped3A, %dma_wait3A_267, %dma_wait3A_268] : memref<32x4x25x100xi32, #tpu.memory_space<hbm>> -> memref<1x1x25x100xi32, #tpu.memory_space<hbm>>
      %dma_wait3A_270 = tpu.memref_squeeze %dma_wait3A_269 : memref<1x1x25x100xi32, #tpu.memory_space<hbm>> -> memref<25x100xi32, #tpu.memory_space<hbm>>
      %dma_wait3A_271 = arith.constant 0 : i32
      %dma_wait3A_272 = arith.constant 0 : i32
      %dma_wait3A_273 = tpu.memref_slice %arg4[%add3A, %run_scoped3A, %dma_wait3A_271, %dma_wait3A_272] : memref<32x4x25x100xi32, #tpu.memory_space<hbm>> -> memref<1x1x25x100xi32, #tpu.memory_space<hbm>>
      %dma_wait3A_274 = tpu.memref_squeeze %dma_wait3A_273 : memref<1x1x25x100xi32, #tpu.memory_space<hbm>> -> memref<25x100xi32, #tpu.memory_space<hbm>>
      tpu.wait_dma2 semaphore(%run_scoped3A_258 : memref<!tpu.dma_semaphore, #tpu.memory_space<semaphore_mem>>) src(%dma_wait3A_274 : memref<25x100xi32, #tpu.memory_space<hbm>>) dst(%arg7 : memref<25x100xi32, #tpu.memory_space<vmem>>)
      tpu.yield
    }) : () -> ()
    %run_scoped3A_10 = arith.constant 0 : i32
    "tpu.region"() ({
      %run_scoped3A_258 = tpu.sem_alloc : memref<!tpu.dma_semaphore, #tpu.memory_space<semaphore_mem>>
      %dma_start3A_259 = arith.constant 0 : i32
      %dma_start3A_260 = arith.constant 0 : i32
      %dma_start3A_261 = tpu.memref_slice %arg3[%add3A, %run_scoped3A_10, %dma_start3A_259, %dma_start3A_260] : memref<32x4x25x100xi32, #tpu.memory_space<hbm>> -> memref<1x1x25x100xi32, #tpu.memory_space<hbm>>
      %dma_start3A_262 = tpu.memref_squeeze %dma_start3A_261 : memref<1x1x25x100xi32, #tpu.memory_space<hbm>> -> memref<25x100xi32, #tpu.memory_space<hbm>>
      %dma_start3A_263 = arith.constant 0 : i32
      %dma_start3A_264 = arith.constant 0 : i32
      %dma_start3A_265 = tpu.memref_slice %arg3[%add3A, %run_scoped3A_10, %dma_start3A_263, %dma_start3A_264] : memref<32x4x25x100xi32, #tpu.memory_space<hbm>> -> memref<1x1x25x100xi32, #tpu.memory_space<hbm>>
      %dma_start3A_266 = tpu.memref_squeeze %dma_start3A_265 : memref<1x1x25x100xi32, #tpu.memory_space<hbm>> -> memref<25x100xi32, #tpu.memory_space<hbm>>
      tpu.enqueue_dma source(%dma_start3A_266 : memref<25x100xi32, #tpu.memory_space<hbm>>) target(%arg8 : memref<25x100xi32, #tpu.memory_space<vmem>>) target_semaphore(%run_scoped3A_258 : memref<!tpu.dma_semaphore, #tpu.memory_space<semaphore_mem>>)
      %dma_wait3A_267 = arith.constant 0 : i32
      %dma_wait3A_268 = arith.constant 0 : i32
      %dma_wait3A_269 = tpu.memref_slice %arg3[%add3A, %run_scoped3A_10, %dma_wait3A_267, %dma_wait3A_268] : memref<32x4x25x100xi32, #tpu.memory_space<hbm>> -> memref<1x1x25x100xi32, #tpu.memory_space<hbm>>
      %dma_wait3A_270 = tpu.memref_squeeze %dma_wait3A_269 : memref<1x1x25x100xi32, #tpu.memory_space<hbm>> -> memref<25x100xi32, #tpu.memory_space<hbm>>
      %dma_wait3A_271 = arith.constant 0 : i32
      %dma_wait3A_272 = arith.constant 0 : i32
      %dma_wait3A_273 = tpu.memref_slice %arg3[%add3A, %run_scoped3A_10, %dma_wait3A_271, %dma_wait3A_272] : memref<32x4x25x100xi32, #tpu.memory_space<hbm>> -> memref<1x1x25x100xi32, #tpu.memory_space<hbm>>
      %dma_wait3A_274 = tpu.memref_squeeze %dma_wait3A_273 : memref<1x1x25x100xi32, #tpu.memory_space<hbm>> -> memref<25x100xi32, #tpu.memory_space<hbm>>
      tpu.wait_dma2 semaphore(%run_scoped3A_258 : memref<!tpu.dma_semaphore, #tpu.memory_space<semaphore_mem>>) src(%dma_wait3A_274 : memref<25x100xi32, #tpu.memory_space<hbm>>) dst(%arg8 : memref<25x100xi32, #tpu.memory_space<vmem>>)
      tpu.yield
    }) : () -> ()
    %dma_start3A = arith.constant 0 : i32
    %dma_start3A_11 = arith.constant 0 : i32
    %dma_start3A_12 = tpu.memref_slice %arg7[%dma_start3A, %dma_start3A_11] : memref<25x100xi32, #tpu.memory_space<vmem>> -> memref<1x100xi32, #tpu.memory_space<vmem>>
    %dma_start3A_13 = tpu.memref_squeeze %dma_start3A_12 : memref<1x100xi32, #tpu.memory_space<vmem>> -> memref<100xi32, #tpu.memory_space<vmem>>
    %dma_start3A_14 = arith.constant 0 : i32
    %dma_start3A_15 = arith.constant 0 : i32
    %dma_start3A_16 = tpu.memref_slice %arg2[%dma_start3A_14, %dma_start3A_15] : memref<10000x128xf32, #tpu.memory_space<hbm>> -> memref<10000x128xf32, #tpu.memory_space<hbm>>
    tpu.enqueue_indirect_dma source(%dma_start3A_16 : memref<10000x128xf32, #tpu.memory_space<hbm>>) target(%arg9 : memref<100x128xf32, #tpu.memory_space<vmem>>) offsets(%dma_start3A_13 : memref<100xi32, #tpu.memory_space<vmem>>) semaphore(%arg12 : memref<!tpu.dma_semaphore, #tpu.memory_space<semaphore_mem>>)
    %dma_start3A_17 = arith.constant 1 : i32
    %dma_start3A_18 = arith.constant 0 : i32
    %dma_start3A_19 = tpu.memref_slice %arg7[%dma_start3A_17, %dma_start3A_18] : memref<25x100xi32, #tpu.memory_space<vmem>> -> memref<1x100xi32, #tpu.memory_space<vmem>>
    %dma_start3A_20 = tpu.memref_squeeze %dma_start3A_19 : memref<1x100xi32, #tpu.memory_space<vmem>> -> memref<100xi32, #tpu.memory_space<vmem>>
    %dma_start3A_21 = arith.constant 0 : i32
    %dma_start3A_22 = arith.constant 0 : i32
    %dma_start3A_23 = tpu.memref_slice %arg2[%dma_start3A_21, %dma_start3A_22] : memref<10000x128xf32, #tpu.memory_space<hbm>> -> memref<10000x128xf32, #tpu.memory_space<hbm>>
    tpu.enqueue_indirect_dma source(%dma_start3A_23 : memref<10000x128xf32, #tpu.memory_space<hbm>>) target(%arg10 : memref<100x128xf32, #tpu.memory_space<vmem>>) offsets(%dma_start3A_20 : memref<100xi32, #tpu.memory_space<vmem>>) semaphore(%arg13 : memref<!tpu.dma_semaphore, #tpu.memory_space<semaphore_mem>>)
    %scan3A = arith.constant 0 : i32
    %scan3A_24 = arith.constant 0 : i32
    %scan3A_25 = arith.constant 8 : i32
    %scan3A_26 = arith.addi %scan3A_24, %scan3A_25 : i32
    %scan3A_27 = arith.constant 1 : i32
    scf.for %scan3A_258 = %scan3A_24 to %scan3A_26 step %scan3A_27  : i32 {
      %mul3A_259 = arith.constant 3 : i32
      %mul3A_260 = arith.muli %mul3A_259, %scan3A_258 : i32
      %add3A_261 = arith.constant 0 : i32
      %add3A_262 = arith.addi %mul3A_260, %add3A_261 : i32
      %dma_wait3A_263 = arith.constant 0 : i32
      %dma_wait3A_264 = tpu.memref_slice %arg7[%add3A_262, %dma_wait3A_263] : memref<25x100xi32, #tpu.memory_space<vmem>> -> memref<1x100xi32, #tpu.memory_space<vmem>>
      %dma_wait3A_265 = tpu.memref_squeeze %dma_wait3A_264 : memref<1x100xi32, #tpu.memory_space<vmem>> -> memref<100xi32, #tpu.memory_space<vmem>>
      %dma_wait3A_266 = arith.constant 0 : i32
      %dma_wait3A_267 = arith.constant 0 : i32
      %dma_wait3A_268 = tpu.memref_slice %arg2[%dma_wait3A_266, %dma_wait3A_267] : memref<10000x128xf32, #tpu.memory_space<hbm>> -> memref<10000x128xf32, #tpu.memory_space<hbm>>
      tpu.wait_indirect_dma semaphore(%arg12 : memref<!tpu.dma_semaphore, #tpu.memory_space<semaphore_mem>>) src(%dma_wait3A_268 : memref<10000x128xf32, #tpu.memory_space<hbm>>) dst(%arg9 : memref<100x128xf32, #tpu.memory_space<vmem>>)
      %dma_start3A_269 = arith.constant 0 : i32
      %dma_start3A_270 = tpu.memref_slice %arg8[%add3A_262, %dma_start3A_269] : memref<25x100xi32, #tpu.memory_space<vmem>> -> memref<1x100xi32, #tpu.memory_space<vmem>>
      %dma_start3A_271 = tpu.memref_squeeze %dma_start3A_270 : memref<1x100xi32, #tpu.memory_space<vmem>> -> memref<100xi32, #tpu.memory_space<vmem>>
      %dma_start3A_272 = arith.constant 0 : i32
      %dma_start3A_273 = arith.constant 0 : i32
      %dma_start3A_274 = tpu.memref_slice %arg18[%dma_start3A_272, %dma_start3A_273] : memref<10000x128xf32, #tpu.memory_space<vmem_shared>> -> memref<10000x128xf32, #tpu.memory_space<vmem_shared>>
      tpu.enqueue_indirect_dma source(%arg9 : memref<100x128xf32, #tpu.memory_space<vmem>>) target(%dma_start3A_274 : memref<10000x128xf32, #tpu.memory_space<vmem_shared>>) offsets(%dma_start3A_271 : memref<100xi32, #tpu.memory_space<vmem>>) semaphore(%arg15 : memref<!tpu.dma_semaphore, #tpu.memory_space<semaphore_mem>>) {add = true}
      %ge3A = arith.constant 1 : i32
      %ge3A_275 = arith.cmpi sge, %add3A_262, %ge3A : i32
      %add3A_276 = arith.constant 2 : i32
      %add3A_277 = arith.addi %add3A_262, %add3A_276 : i32
      %lt3A = arith.constant 25 : i32
      %lt3A_278 = arith.cmpi slt, %add3A_277, %lt3A : i32
      %and3A_279 = arith.andi %ge3A_275, %lt3A_278 : i1
      %convert_element_type3A_280 = arith.extui %and3A_279 : i1 to i32
      %cond3A_281 = arith.constant 0 : i32
      %cond3A_282 = arith.cmpi ne, %convert_element_type3A_280, %cond3A_281 : i32
      scf.if %cond3A_282 {
        %dma_wait3A_356 = arith.constant 0 : i32
        %dma_wait3A_357 = tpu.memref_slice %arg8[%add3A_262, %dma_wait3A_356] : memref<25x100xi32, #tpu.memory_space<vmem>> -> memref<1x100xi32, #tpu.memory_space<vmem>>
        %dma_wait3A_358 = tpu.memref_squeeze %dma_wait3A_357 : memref<1x100xi32, #tpu.memory_space<vmem>> -> memref<100xi32, #tpu.memory_space<vmem>>
        %dma_wait3A_359 = arith.constant 0 : i32
        %dma_wait3A_360 = arith.constant 0 : i32
        %dma_wait3A_361 = tpu.memref_slice %arg18[%dma_wait3A_359, %dma_wait3A_360] : memref<10000x128xf32, #tpu.memory_space<vmem_shared>> -> memref<10000x128xf32, #tpu.memory_space<vmem_shared>>
        tpu.wait_indirect_dma semaphore(%arg17 : memref<!tpu.dma_semaphore, #tpu.memory_space<semaphore_mem>>) src(%arg11 : memref<100x128xf32, #tpu.memory_space<vmem>>) dst(%dma_wait3A_361 : memref<10000x128xf32, #tpu.memory_space<vmem_shared>>)
      } else {
      }
      %add3A_283 = arith.constant 2 : i32
      %add3A_284 = arith.addi %add3A_262, %add3A_283 : i32
      %lt3A_285 = arith.constant 25 : i32
      %lt3A_286 = arith.cmpi slt, %add3A_284, %lt3A_285 : i32
      %convert_element_type3A_287 = arith.extui %lt3A_286 : i1 to i32
      %cond3A_288 = arith.constant 0 : i32
      %cond3A_289 = arith.cmpi ne, %convert_element_type3A_287, %cond3A_288 : i32
      scf.if %cond3A_289 {
        %add3A_356 = arith.constant 2 : i32
        %add3A_357 = arith.addi %add3A_262, %add3A_356 : i32
        %dma_start3A_358 = arith.constant 0 : i32
        %dma_start3A_359 = tpu.memref_slice %arg7[%add3A_357, %dma_start3A_358] : memref<25x100xi32, #tpu.memory_space<vmem>> -> memref<1x100xi32, #tpu.memory_space<vmem>>
        %dma_start3A_360 = tpu.memref_squeeze %dma_start3A_359 : memref<1x100xi32, #tpu.memory_space<vmem>> -> memref<100xi32, #tpu.memory_space<vmem>>
        %dma_start3A_361 = arith.constant 0 : i32
        %dma_start3A_362 = arith.constant 0 : i32
        %dma_start3A_363 = tpu.memref_slice %arg2[%dma_start3A_361, %dma_start3A_362] : memref<10000x128xf32, #tpu.memory_space<hbm>> -> memref<10000x128xf32, #tpu.memory_space<hbm>>
        tpu.enqueue_indirect_dma source(%dma_start3A_363 : memref<10000x128xf32, #tpu.memory_space<hbm>>) target(%arg11 : memref<100x128xf32, #tpu.memory_space<vmem>>) offsets(%dma_start3A_360 : memref<100xi32, #tpu.memory_space<vmem>>) semaphore(%arg14 : memref<!tpu.dma_semaphore, #tpu.memory_space<semaphore_mem>>)
      } else {
      }
      %mul3A_290 = arith.constant 3 : i32
      %mul3A_291 = arith.muli %mul3A_290, %scan3A_258 : i32
      %add3A_292 = arith.constant 1 : i32
      %add3A_293 = arith.addi %mul3A_291, %add3A_292 : i32
      %dma_wait3A_294 = arith.constant 0 : i32
      %dma_wait3A_295 = tpu.memref_slice %arg7[%add3A_293, %dma_wait3A_294] : memref<25x100xi32, #tpu.memory_space<vmem>> -> memref<1x100xi32, #tpu.memory_space<vmem>>
      %dma_wait3A_296 = tpu.memref_squeeze %dma_wait3A_295 : memref<1x100xi32, #tpu.memory_space<vmem>> -> memref<100xi32, #tpu.memory_space<vmem>>
      %dma_wait3A_297 = arith.constant 0 : i32
      %dma_wait3A_298 = arith.constant 0 : i32
      %dma_wait3A_299 = tpu.memref_slice %arg2[%dma_wait3A_297, %dma_wait3A_298] : memref<10000x128xf32, #tpu.memory_space<hbm>> -> memref<10000x128xf32, #tpu.memory_space<hbm>>
      tpu.wait_indirect_dma semaphore(%arg13 : memref<!tpu.dma_semaphore, #tpu.memory_space<semaphore_mem>>) src(%dma_wait3A_299 : memref<10000x128xf32, #tpu.memory_space<hbm>>) dst(%arg10 : memref<100x128xf32, #tpu.memory_space<vmem>>)
      %dma_start3A_300 = arith.constant 0 : i32
      %dma_start3A_301 = tpu.memref_slice %arg8[%add3A_293, %dma_start3A_300] : memref<25x100xi32, #tpu.memory_space<vmem>> -> memref<1x100xi32, #tpu.memory_space<vmem>>
      %dma_start3A_302 = tpu.memref_squeeze %dma_start3A_301 : memref<1x100xi32, #tpu.memory_space<vmem>> -> memref<100xi32, #tpu.memory_space<vmem>>
      %dma_start3A_303 = arith.constant 0 : i32
      %dma_start3A_304 = arith.constant 0 : i32
      %dma_start3A_305 = tpu.memref_slice %arg18[%dma_start3A_303, %dma_start3A_304] : memref<10000x128xf32, #tpu.memory_space<vmem_shared>> -> memref<10000x128xf32, #tpu.memory_space<vmem_shared>>
      tpu.enqueue_indirect_dma source(%arg10 : memref<100x128xf32, #tpu.memory_space<vmem>>) target(%dma_start3A_305 : memref<10000x128xf32, #tpu.memory_space<vmem_shared>>) offsets(%dma_start3A_302 : memref<100xi32, #tpu.memory_space<vmem>>) semaphore(%arg16 : memref<!tpu.dma_semaphore, #tpu.memory_space<semaphore_mem>>) {add = true}
      %ge3A_306 = arith.constant 1 : i32
      %ge3A_307 = arith.cmpi sge, %add3A_293, %ge3A_306 : i32
      %add3A_308 = arith.constant 2 : i32
      %add3A_309 = arith.addi %add3A_293, %add3A_308 : i32
      %lt3A_310 = arith.constant 25 : i32
      %lt3A_311 = arith.cmpi slt, %add3A_309, %lt3A_310 : i32
      %and3A_312 = arith.andi %ge3A_307, %lt3A_311 : i1
      %convert_element_type3A_313 = arith.extui %and3A_312 : i1 to i32
      %cond3A_314 = arith.constant 0 : i32
      %cond3A_315 = arith.cmpi ne, %convert_element_type3A_313, %cond3A_314 : i32
      scf.if %cond3A_315 {
        %dma_wait3A_356 = arith.constant 0 : i32
        %dma_wait3A_357 = tpu.memref_slice %arg8[%add3A_293, %dma_wait3A_356] : memref<25x100xi32, #tpu.memory_space<vmem>> -> memref<1x100xi32, #tpu.memory_space<vmem>>
        %dma_wait3A_358 = tpu.memref_squeeze %dma_wait3A_357 : memref<1x100xi32, #tpu.memory_space<vmem>> -> memref<100xi32, #tpu.memory_space<vmem>>
        %dma_wait3A_359 = arith.constant 0 : i32
        %dma_wait3A_360 = arith.constant 0 : i32
        %dma_wait3A_361 = tpu.memref_slice %arg18[%dma_wait3A_359, %dma_wait3A_360] : memref<10000x128xf32, #tpu.memory_space<vmem_shared>> -> memref<10000x128xf32, #tpu.memory_space<vmem_shared>>
        tpu.wait_indirect_dma semaphore(%arg15 : memref<!tpu.dma_semaphore, #tpu.memory_space<semaphore_mem>>) src(%arg9 : memref<100x128xf32, #tpu.memory_space<vmem>>) dst(%dma_wait3A_361 : memref<10000x128xf32, #tpu.memory_space<vmem_shared>>)
      } else {
      }
      %add3A_316 = arith.constant 2 : i32
      %add3A_317 = arith.addi %add3A_293, %add3A_316 : i32
      %lt3A_318 = arith.constant 25 : i32
      %lt3A_319 = arith.cmpi slt, %add3A_317, %lt3A_318 : i32
      %convert_element_type3A_320 = arith.extui %lt3A_319 : i1 to i32
      %cond3A_321 = arith.constant 0 : i32
      %cond3A_322 = arith.cmpi ne, %convert_element_type3A_320, %cond3A_321 : i32
      scf.if %cond3A_322 {
        %add3A_356 = arith.constant 2 : i32
        %add3A_357 = arith.addi %add3A_293, %add3A_356 : i32
        %dma_start3A_358 = arith.constant 0 : i32
        %dma_start3A_359 = tpu.memref_slice %arg7[%add3A_357, %dma_start3A_358] : memref<25x100xi32, #tpu.memory_space<vmem>> -> memref<1x100xi32, #tpu.memory_space<vmem>>
        %dma_start3A_360 = tpu.memref_squeeze %dma_start3A_359 : memref<1x100xi32, #tpu.memory_space<vmem>> -> memref<100xi32, #tpu.memory_space<vmem>>
        %dma_start3A_361 = arith.constant 0 : i32
        %dma_start3A_362 = arith.constant 0 : i32
        %dma_start3A_363 = tpu.memref_slice %arg2[%dma_start3A_361, %dma_start3A_362] : memref<10000x128xf32, #tpu.memory_space<hbm>> -> memref<10000x128xf32, #tpu.memory_space<hbm>>
        tpu.enqueue_indirect_dma source(%dma_start3A_363 : memref<10000x128xf32, #tpu.memory_space<hbm>>) target(%arg9 : memref<100x128xf32, #tpu.memory_space<vmem>>) offsets(%dma_start3A_360 : memref<100xi32, #tpu.memory_space<vmem>>) semaphore(%arg12 : memref<!tpu.dma_semaphore, #tpu.memory_space<semaphore_mem>>)
      } else {
      }
      %mul3A_323 = arith.constant 3 : i32
      %mul3A_324 = arith.muli %mul3A_323, %scan3A_258 : i32
      %add3A_325 = arith.constant 2 : i32
      %add3A_326 = arith.addi %mul3A_324, %add3A_325 : i32
      %dma_wait3A_327 = arith.constant 0 : i32
      %dma_wait3A_328 = tpu.memref_slice %arg7[%add3A_326, %dma_wait3A_327] : memref<25x100xi32, #tpu.memory_space<vmem>> -> memref<1x100xi32, #tpu.memory_space<vmem>>
      %dma_wait3A_329 = tpu.memref_squeeze %dma_wait3A_328 : memref<1x100xi32, #tpu.memory_space<vmem>> -> memref<100xi32, #tpu.memory_space<vmem>>
      %dma_wait3A_330 = arith.constant 0 : i32
      %dma_wait3A_331 = arith.constant 0 : i32
      %dma_wait3A_332 = tpu.memref_slice %arg2[%dma_wait3A_330, %dma_wait3A_331] : memref<10000x128xf32, #tpu.memory_space<hbm>> -> memref<10000x128xf32, #tpu.memory_space<hbm>>
      tpu.wait_indirect_dma semaphore(%arg14 : memref<!tpu.dma_semaphore, #tpu.memory_space<semaphore_mem>>) src(%dma_wait3A_332 : memref<10000x128xf32, #tpu.memory_space<hbm>>) dst(%arg11 : memref<100x128xf32, #tpu.memory_space<vmem>>)
      %dma_start3A_333 = arith.constant 0 : i32
      %dma_start3A_334 = tpu.memref_slice %arg8[%add3A_326, %dma_start3A_333] : memref<25x100xi32, #tpu.memory_space<vmem>> -> memref<1x100xi32, #tpu.memory_space<vmem>>
      %dma_start3A_335 = tpu.memref_squeeze %dma_start3A_334 : memref<1x100xi32, #tpu.memory_space<vmem>> -> memref<100xi32, #tpu.memory_space<vmem>>
      %dma_start3A_336 = arith.constant 0 : i32
      %dma_start3A_337 = arith.constant 0 : i32
      %dma_start3A_338 = tpu.memref_slice %arg18[%dma_start3A_336, %dma_start3A_337] : memref<10000x128xf32, #tpu.memory_space<vmem_shared>> -> memref<10000x128xf32, #tpu.memory_space<vmem_shared>>
      tpu.enqueue_indirect_dma source(%arg11 : memref<100x128xf32, #tpu.memory_space<vmem>>) target(%dma_start3A_338 : memref<10000x128xf32, #tpu.memory_space<vmem_shared>>) offsets(%dma_start3A_335 : memref<100xi32, #tpu.memory_space<vmem>>) semaphore(%arg17 : memref<!tpu.dma_semaphore, #tpu.memory_space<semaphore_mem>>) {add = true}
      %ge3A_339 = arith.constant 1 : i32
      %ge3A_340 = arith.cmpi sge, %add3A_326, %ge3A_339 : i32
      %add3A_341 = arith.constant 2 : i32
      %add3A_342 = arith.addi %add3A_326, %add3A_341 : i32
      %lt3A_343 = arith.constant 25 : i32
      %lt3A_344 = arith.cmpi slt, %add3A_342, %lt3A_343 : i32
      %and3A_345 = arith.andi %ge3A_340, %lt3A_344 : i1
      %convert_element_type3A_346 = arith.extui %and3A_345 : i1 to i32
      %cond3A_347 = arith.constant 0 : i32
      %cond3A_348 = arith.cmpi ne, %convert_element_type3A_346, %cond3A_347 : i32
      scf.if %cond3A_348 {
        %dma_wait3A_356 = arith.constant 0 : i32
        %dma_wait3A_357 = tpu.memref_slice %arg8[%add3A_326, %dma_wait3A_356] : memref<25x100xi32, #tpu.memory_space<vmem>> -> memref<1x100xi32, #tpu.memory_space<vmem>>
        %dma_wait3A_358 = tpu.memref_squeeze %dma_wait3A_357 : memref<1x100xi32, #tpu.memory_space<vmem>> -> memref<100xi32, #tpu.memory_space<vmem>>
        %dma_wait3A_359 = arith.constant 0 : i32
        %dma_wait3A_360 = arith.constant 0 : i32
        %dma_wait3A_361 = tpu.memref_slice %arg18[%dma_wait3A_359, %dma_wait3A_360] : memref<10000x128xf32, #tpu.memory_space<vmem_shared>> -> memref<10000x128xf32, #tpu.memory_space<vmem_shared>>
        tpu.wait_indirect_dma semaphore(%arg16 : memref<!tpu.dma_semaphore, #tpu.memory_space<semaphore_mem>>) src(%arg10 : memref<100x128xf32, #tpu.memory_space<vmem>>) dst(%dma_wait3A_361 : memref<10000x128xf32, #tpu.memory_space<vmem_shared>>)
      } else {
      }
      %add3A_349 = arith.constant 2 : i32
      %add3A_350 = arith.addi %add3A_326, %add3A_349 : i32
      %lt3A_351 = arith.constant 25 : i32
      %lt3A_352 = arith.cmpi slt, %add3A_350, %lt3A_351 : i32
      %convert_element_type3A_353 = arith.extui %lt3A_352 : i1 to i32
      %cond3A_354 = arith.constant 0 : i32
      %cond3A_355 = arith.cmpi ne, %convert_element_type3A_353, %cond3A_354 : i32
      scf.if %cond3A_355 {
        %add3A_356 = arith.constant 2 : i32
        %add3A_357 = arith.addi %add3A_326, %add3A_356 : i32
        %dma_start3A_358 = arith.constant 0 : i32
        %dma_start3A_359 = tpu.memref_slice %arg7[%add3A_357, %dma_start3A_358] : memref<25x100xi32, #tpu.memory_space<vmem>> -> memref<1x100xi32, #tpu.memory_space<vmem>>
        %dma_start3A_360 = tpu.memref_squeeze %dma_start3A_359 : memref<1x100xi32, #tpu.memory_space<vmem>> -> memref<100xi32, #tpu.memory_space<vmem>>
        %dma_start3A_361 = arith.constant 0 : i32
        %dma_start3A_362 = arith.constant 0 : i32
        %dma_start3A_363 = tpu.memref_slice %arg2[%dma_start3A_361, %dma_start3A_362] : memref<10000x128xf32, #tpu.memory_space<hbm>> -> memref<10000x128xf32, #tpu.memory_space<hbm>>
        tpu.enqueue_indirect_dma source(%dma_start3A_363 : memref<10000x128xf32, #tpu.memory_space<hbm>>) target(%arg10 : memref<100x128xf32, #tpu.memory_space<vmem>>) offsets(%dma_start3A_360 : memref<100xi32, #tpu.memory_space<vmem>>) semaphore(%arg13 : memref<!tpu.dma_semaphore, #tpu.memory_space<semaphore_mem>>)
      } else {
      }
    }
    %scan3A_28 = arith.constant 8 : i32
    %dma_wait3A = arith.constant 24 : i32
    %dma_wait3A_29 = arith.constant 0 : i32
    %dma_wait3A_30 = tpu.memref_slice %arg7[%dma_wait3A, %dma_wait3A_29] : memref<25x100xi32, #tpu.memory_space<vmem>> -> memref<1x100xi32, #tpu.memory_space<vmem>>
    %dma_wait3A_31 = tpu.memref_squeeze %dma_wait3A_30 : memref<1x100xi32, #tpu.memory_space<vmem>> -> memref<100xi32, #tpu.memory_space<vmem>>
    %dma_wait3A_32 = arith.constant 0 : i32
    %dma_wait3A_33 = arith.constant 0 : i32
    %dma_wait3A_34 = tpu.memref_slice %arg2[%dma_wait3A_32, %dma_wait3A_33] : memref<10000x128xf32, #tpu.memory_space<hbm>> -> memref<10000x128xf32, #tpu.memory_space<hbm>>
    tpu.wait_indirect_dma semaphore(%arg12 : memref<!tpu.dma_semaphore, #tpu.memory_space<semaphore_mem>>) src(%dma_wait3A_34 : memref<10000x128xf32, #tpu.memory_space<hbm>>) dst(%arg9 : memref<100x128xf32, #tpu.memory_space<vmem>>)
    %dma_start3A_35 = arith.constant 24 : i32
    %dma_start3A_36 = arith.constant 0 : i32
    %dma_start3A_37 = tpu.memref_slice %arg8[%dma_start3A_35, %dma_start3A_36] : memref<25x100xi32, #tpu.memory_space<vmem>> -> memref<1x100xi32, #tpu.memory_space<vmem>>
    %dma_start3A_38 = tpu.memref_squeeze %dma_start3A_37 : memref<1x100xi32, #tpu.memory_space<vmem>> -> memref<100xi32, #tpu.memory_space<vmem>>
    %dma_start3A_39 = arith.constant 0 : i32
    %dma_start3A_40 = arith.constant 0 : i32
    %dma_start3A_41 = tpu.memref_slice %arg18[%dma_start3A_39, %dma_start3A_40] : memref<10000x128xf32, #tpu.memory_space<vmem_shared>> -> memref<10000x128xf32, #tpu.memory_space<vmem_shared>>
    tpu.enqueue_indirect_dma source(%arg9 : memref<100x128xf32, #tpu.memory_space<vmem>>) target(%dma_start3A_41 : memref<10000x128xf32, #tpu.memory_space<vmem_shared>>) offsets(%dma_start3A_38 : memref<100xi32, #tpu.memory_space<vmem>>) semaphore(%arg15 : memref<!tpu.dma_semaphore, #tpu.memory_space<semaphore_mem>>) {add = true}
    %and3A = arith.constant true
    %and3A_42 = arith.constant false
    %and3A_43 = arith.andi %and3A, %and3A_42 : i1
    %convert_element_type3A_44 = arith.extui %and3A_43 : i1 to i32
    %cond3A_45 = arith.constant 0 : i32
    %cond3A_46 = arith.cmpi ne, %convert_element_type3A_44, %cond3A_45 : i32
    scf.if %cond3A_46 {
      %dma_wait3A_258 = arith.constant 24 : i32
      %dma_wait3A_259 = arith.constant 0 : i32
      %dma_wait3A_260 = tpu.memref_slice %arg8[%dma_wait3A_258, %dma_wait3A_259] : memref<25x100xi32, #tpu.memory_space<vmem>> -> memref<1x100xi32, #tpu.memory_space<vmem>>
      %dma_wait3A_261 = tpu.memref_squeeze %dma_wait3A_260 : memref<1x100xi32, #tpu.memory_space<vmem>> -> memref<100xi32, #tpu.memory_space<vmem>>
      %dma_wait3A_262 = arith.constant 0 : i32
      %dma_wait3A_263 = arith.constant 0 : i32
      %dma_wait3A_264 = tpu.memref_slice %arg18[%dma_wait3A_262, %dma_wait3A_263] : memref<10000x128xf32, #tpu.memory_space<vmem_shared>> -> memref<10000x128xf32, #tpu.memory_space<vmem_shared>>
      tpu.wait_indirect_dma semaphore(%arg17 : memref<!tpu.dma_semaphore, #tpu.memory_space<semaphore_mem>>) src(%arg11 : memref<100x128xf32, #tpu.memory_space<vmem>>) dst(%dma_wait3A_264 : memref<10000x128xf32, #tpu.memory_space<vmem_shared>>)
    } else {
    }
    %dma_wait3A_47 = arith.constant 0 : i32
    %dma_wait3A_48 = arith.constant 0 : i32
    %dma_wait3A_49 = tpu.memref_slice %arg8[%dma_wait3A_47, %dma_wait3A_48] : memref<25x100xi32, #tpu.memory_space<vmem>> -> memref<1x100xi32, #tpu.memory_space<vmem>>
    %dma_wait3A_50 = tpu.memref_squeeze %dma_wait3A_49 : memref<1x100xi32, #tpu.memory_space<vmem>> -> memref<100xi32, #tpu.memory_space<vmem>>
    %dma_wait3A_51 = arith.constant 0 : i32
    %dma_wait3A_52 = arith.constant 0 : i32
    %dma_wait3A_53 = tpu.memref_slice %arg18[%dma_wait3A_51, %dma_wait3A_52] : memref<10000x128xf32, #tpu.memory_space<vmem_shared>> -> memref<10000x128xf32, #tpu.memory_space<vmem_shared>>
    tpu.wait_indirect_dma semaphore(%arg16 : memref<!tpu.dma_semaphore, #tpu.memory_space<semaphore_mem>>) src(%arg10 : memref<100x128xf32, #tpu.memory_space<vmem>>) dst(%dma_wait3A_53 : memref<10000x128xf32, #tpu.memory_space<vmem_shared>>)
    %dma_wait3A_54 = arith.constant 0 : i32
    %dma_wait3A_55 = arith.constant 0 : i32
    %dma_wait3A_56 = tpu.memref_slice %arg8[%dma_wait3A_54, %dma_wait3A_55] : memref<25x100xi32, #tpu.memory_space<vmem>> -> memref<1x100xi32, #tpu.memory_space<vmem>>
    %dma_wait3A_57 = tpu.memref_squeeze %dma_wait3A_56 : memref<1x100xi32, #tpu.memory_space<vmem>> -> memref<100xi32, #tpu.memory_space<vmem>>
    %dma_wait3A_58 = arith.constant 0 : i32
    %dma_wait3A_59 = arith.constant 0 : i32
    %dma_wait3A_60 = tpu.memref_slice %arg18[%dma_wait3A_58, %dma_wait3A_59] : memref<10000x128xf32, #tpu.memory_space<vmem_shared>> -> memref<10000x128xf32, #tpu.memory_space<vmem_shared>>
    tpu.wait_indirect_dma semaphore(%arg17 : memref<!tpu.dma_semaphore, #tpu.memory_space<semaphore_mem>>) src(%arg11 : memref<100x128xf32, #tpu.memory_space<vmem>>) dst(%dma_wait3A_60 : memref<10000x128xf32, #tpu.memory_space<vmem_shared>>)
    %dma_wait3A_61 = arith.constant 0 : i32
    %dma_wait3A_62 = arith.constant 0 : i32
    %dma_wait3A_63 = tpu.memref_slice %arg8[%dma_wait3A_61, %dma_wait3A_62] : memref<25x100xi32, #tpu.memory_space<vmem>> -> memref<1x100xi32, #tpu.memory_space<vmem>>
    %dma_wait3A_64 = tpu.memref_squeeze %dma_wait3A_63 : memref<1x100xi32, #tpu.memory_space<vmem>> -> memref<100xi32, #tpu.memory_space<vmem>>
    %dma_wait3A_65 = arith.constant 0 : i32
    %dma_wait3A_66 = arith.constant 0 : i32
    %dma_wait3A_67 = tpu.memref_slice %arg18[%dma_wait3A_65, %dma_wait3A_66] : memref<10000x128xf32, #tpu.memory_space<vmem_shared>> -> memref<10000x128xf32, #tpu.memory_space<vmem_shared>>
    tpu.wait_indirect_dma semaphore(%arg15 : memref<!tpu.dma_semaphore, #tpu.memory_space<semaphore_mem>>) src(%arg9 : memref<100x128xf32, #tpu.memory_space<vmem>>) dst(%dma_wait3A_67 : memref<10000x128xf32, #tpu.memory_space<vmem_shared>>)
    %run_scoped3A_68 = arith.constant 1 : i32
    "tpu.region"() ({
      %run_scoped3A_258 = tpu.sem_alloc : memref<!tpu.dma_semaphore, #tpu.memory_space<semaphore_mem>>
      %dma_start3A_259 = arith.constant 0 : i32
      %dma_start3A_260 = arith.constant 0 : i32
      %dma_start3A_261 = tpu.memref_slice %arg4[%add3A, %run_scoped3A_68, %dma_start3A_259, %dma_start3A_260] : memref<32x4x25x100xi32, #tpu.memory_space<hbm>> -> memref<1x1x25x100xi32, #tpu.memory_space<hbm>>
      %dma_start3A_262 = tpu.memref_squeeze %dma_start3A_261 : memref<1x1x25x100xi32, #tpu.memory_space<hbm>> -> memref<25x100xi32, #tpu.memory_space<hbm>>
      %dma_start3A_263 = arith.constant 0 : i32
      %dma_start3A_264 = arith.constant 0 : i32
      %dma_start3A_265 = tpu.memref_slice %arg4[%add3A, %run_scoped3A_68, %dma_start3A_263, %dma_start3A_264] : memref<32x4x25x100xi32, #tpu.memory_space<hbm>> -> memref<1x1x25x100xi32, #tpu.memory_space<hbm>>
      %dma_start3A_266 = tpu.memref_squeeze %dma_start3A_265 : memref<1x1x25x100xi32, #tpu.memory_space<hbm>> -> memref<25x100xi32, #tpu.memory_space<hbm>>
      tpu.enqueue_dma source(%dma_start3A_266 : memref<25x100xi32, #tpu.memory_space<hbm>>) target(%arg7 : memref<25x100xi32, #tpu.memory_space<vmem>>) target_semaphore(%run_scoped3A_258 : memref<!tpu.dma_semaphore, #tpu.memory_space<semaphore_mem>>)
      %dma_wait3A_267 = arith.constant 0 : i32
      %dma_wait3A_268 = arith.constant 0 : i32
      %dma_wait3A_269 = tpu.memref_slice %arg4[%add3A, %run_scoped3A_68, %dma_wait3A_267, %dma_wait3A_268] : memref<32x4x25x100xi32, #tpu.memory_space<hbm>> -> memref<1x1x25x100xi32, #tpu.memory_space<hbm>>
      %dma_wait3A_270 = tpu.memref_squeeze %dma_wait3A_269 : memref<1x1x25x100xi32, #tpu.memory_space<hbm>> -> memref<25x100xi32, #tpu.memory_space<hbm>>
      %dma_wait3A_271 = arith.constant 0 : i32
      %dma_wait3A_272 = arith.constant 0 : i32
      %dma_wait3A_273 = tpu.memref_slice %arg4[%add3A, %run_scoped3A_68, %dma_wait3A_271, %dma_wait3A_272] : memref<32x4x25x100xi32, #tpu.memory_space<hbm>> -> memref<1x1x25x100xi32, #tpu.memory_space<hbm>>
      %dma_wait3A_274 = tpu.memref_squeeze %dma_wait3A_273 : memref<1x1x25x100xi32, #tpu.memory_space<hbm>> -> memref<25x100xi32, #tpu.memory_space<hbm>>
      tpu.wait_dma2 semaphore(%run_scoped3A_258 : memref<!tpu.dma_semaphore, #tpu.memory_space<semaphore_mem>>) src(%dma_wait3A_274 : memref<25x100xi32, #tpu.memory_space<hbm>>) dst(%arg7 : memref<25x100xi32, #tpu.memory_space<vmem>>)
      tpu.yield
    }) : () -> ()
    %run_scoped3A_69 = arith.constant 1 : i32
    "tpu.region"() ({
      %run_scoped3A_258 = tpu.sem_alloc : memref<!tpu.dma_semaphore, #tpu.memory_space<semaphore_mem>>
      %dma_start3A_259 = arith.constant 0 : i32
      %dma_start3A_260 = arith.constant 0 : i32
      %dma_start3A_261 = tpu.memref_slice %arg3[%add3A, %run_scoped3A_69, %dma_start3A_259, %dma_start3A_260] : memref<32x4x25x100xi32, #tpu.memory_space<hbm>> -> memref<1x1x25x100xi32, #tpu.memory_space<hbm>>
      %dma_start3A_262 = tpu.memref_squeeze %dma_start3A_261 : memref<1x1x25x100xi32, #tpu.memory_space<hbm>> -> memref<25x100xi32, #tpu.memory_space<hbm>>
      %dma_start3A_263 = arith.constant 0 : i32
      %dma_start3A_264 = arith.constant 0 : i32
      %dma_start3A_265 = tpu.memref_slice %arg3[%add3A, %run_scoped3A_69, %dma_start3A_263, %dma_start3A_264] : memref<32x4x25x100xi32, #tpu.memory_space<hbm>> -> memref<1x1x25x100xi32, #tpu.memory_space<hbm>>
      %dma_start3A_266 = tpu.memref_squeeze %dma_start3A_265 : memref<1x1x25x100xi32, #tpu.memory_space<hbm>> -> memref<25x100xi32, #tpu.memory_space<hbm>>
      tpu.enqueue_dma source(%dma_start3A_266 : memref<25x100xi32, #tpu.memory_space<hbm>>) target(%arg8 : memref<25x100xi32, #tpu.memory_space<vmem>>) target_semaphore(%run_scoped3A_258 : memref<!tpu.dma_semaphore, #tpu.memory_space<semaphore_mem>>)
      %dma_wait3A_267 = arith.constant 0 : i32
      %dma_wait3A_268 = arith.constant 0 : i32
      %dma_wait3A_269 = tpu.memref_slice %arg3[%add3A, %run_scoped3A_69, %dma_wait3A_267, %dma_wait3A_268] : memref<32x4x25x100xi32, #tpu.memory_space<hbm>> -> memref<1x1x25x100xi32, #tpu.memory_space<hbm>>
      %dma_wait3A_270 = tpu.memref_squeeze %dma_wait3A_269 : memref<1x1x25x100xi32, #tpu.memory_space<hbm>> -> memref<25x100xi32, #tpu.memory_space<hbm>>
      %dma_wait3A_271 = arith.constant 0 : i32
      %dma_wait3A_272 = arith.constant 0 : i32
      %dma_wait3A_273 = tpu.memref_slice %arg3[%add3A, %run_scoped3A_69, %dma_wait3A_271, %dma_wait3A_272] : memref<32x4x25x100xi32, #tpu.memory_space<hbm>> -> memref<1x1x25x100xi32, #tpu.memory_space<hbm>>
      %dma_wait3A_274 = tpu.memref_squeeze %dma_wait3A_273 : memref<1x1x25x100xi32, #tpu.memory_space<hbm>> -> memref<25x100xi32, #tpu.memory_space<hbm>>
      tpu.wait_dma2 semaphore(%run_scoped3A_258 : memref<!tpu.dma_semaphore, #tpu.memory_space<semaphore_mem>>) src(%dma_wait3A_274 : memref<25x100xi32, #tpu.memory_space<hbm>>) dst(%arg8 : memref<25x100xi32, #tpu.memory_space<vmem>>)
      tpu.yield
    }) : () -> ()
    %dma_start3A_70 = arith.constant 0 : i32
    %dma_start3A_71 = arith.constant 0 : i32
    %dma_start3A_72 = tpu.memref_slice %arg7[%dma_start3A_70, %dma_start3A_71] : memref<25x100xi32, #tpu.memory_space<vmem>> -> memref<1x100xi32, #tpu.memory_space<vmem>>
    %dma_start3A_73 = tpu.memref_squeeze %dma_start3A_72 : memref<1x100xi32, #tpu.memory_space<vmem>> -> memref<100xi32, #tpu.memory_space<vmem>>
    %dma_start3A_74 = arith.constant 0 : i32
    %dma_start3A_75 = arith.constant 0 : i32
    %dma_start3A_76 = tpu.memref_slice %arg2[%dma_start3A_74, %dma_start3A_75] : memref<10000x128xf32, #tpu.memory_space<hbm>> -> memref<10000x128xf32, #tpu.memory_space<hbm>>
    tpu.enqueue_indirect_dma source(%dma_start3A_76 : memref<10000x128xf32, #tpu.memory_space<hbm>>) target(%arg9 : memref<100x128xf32, #tpu.memory_space<vmem>>) offsets(%dma_start3A_73 : memref<100xi32, #tpu.memory_space<vmem>>) semaphore(%arg12 : memref<!tpu.dma_semaphore, #tpu.memory_space<semaphore_mem>>)
    %dma_start3A_77 = arith.constant 1 : i32
    %dma_start3A_78 = arith.constant 0 : i32
    %dma_start3A_79 = tpu.memref_slice %arg7[%dma_start3A_77, %dma_start3A_78] : memref<25x100xi32, #tpu.memory_space<vmem>> -> memref<1x100xi32, #tpu.memory_space<vmem>>
    %dma_start3A_80 = tpu.memref_squeeze %dma_start3A_79 : memref<1x100xi32, #tpu.memory_space<vmem>> -> memref<100xi32, #tpu.memory_space<vmem>>
    %dma_start3A_81 = arith.constant 0 : i32
    %dma_start3A_82 = arith.constant 0 : i32
    %dma_start3A_83 = tpu.memref_slice %arg2[%dma_start3A_81, %dma_start3A_82] : memref<10000x128xf32, #tpu.memory_space<hbm>> -> memref<10000x128xf32, #tpu.memory_space<hbm>>
    tpu.enqueue_indirect_dma source(%dma_start3A_83 : memref<10000x128xf32, #tpu.memory_space<hbm>>) target(%arg10 : memref<100x128xf32, #tpu.memory_space<vmem>>) offsets(%dma_start3A_80 : memref<100xi32, #tpu.memory_space<vmem>>) semaphore(%arg13 : memref<!tpu.dma_semaphore, #tpu.memory_space<semaphore_mem>>)
    %scan3A_84 = arith.constant 0 : i32
    %scan3A_85 = arith.constant 0 : i32
    %scan3A_86 = arith.constant 8 : i32
    %scan3A_87 = arith.addi %scan3A_85, %scan3A_86 : i32
    %scan3A_88 = arith.constant 1 : i32
    scf.for %scan3A_258 = %scan3A_85 to %scan3A_87 step %scan3A_88  : i32 {
      %mul3A_259 = arith.constant 3 : i32
      %mul3A_260 = arith.muli %mul3A_259, %scan3A_258 : i32
      %add3A_261 = arith.constant 0 : i32
      %add3A_262 = arith.addi %mul3A_260, %add3A_261 : i32
      %dma_wait3A_263 = arith.constant 0 : i32
      %dma_wait3A_264 = tpu.memref_slice %arg7[%add3A_262, %dma_wait3A_263] : memref<25x100xi32, #tpu.memory_space<vmem>> -> memref<1x100xi32, #tpu.memory_space<vmem>>
      %dma_wait3A_265 = tpu.memref_squeeze %dma_wait3A_264 : memref<1x100xi32, #tpu.memory_space<vmem>> -> memref<100xi32, #tpu.memory_space<vmem>>
      %dma_wait3A_266 = arith.constant 0 : i32
      %dma_wait3A_267 = arith.constant 0 : i32
      %dma_wait3A_268 = tpu.memref_slice %arg2[%dma_wait3A_266, %dma_wait3A_267] : memref<10000x128xf32, #tpu.memory_space<hbm>> -> memref<10000x128xf32, #tpu.memory_space<hbm>>
      tpu.wait_indirect_dma semaphore(%arg12 : memref<!tpu.dma_semaphore, #tpu.memory_space<semaphore_mem>>) src(%dma_wait3A_268 : memref<10000x128xf32, #tpu.memory_space<hbm>>) dst(%arg9 : memref<100x128xf32, #tpu.memory_space<vmem>>)
      %dma_start3A_269 = arith.constant 0 : i32
      %dma_start3A_270 = tpu.memref_slice %arg8[%add3A_262, %dma_start3A_269] : memref<25x100xi32, #tpu.memory_space<vmem>> -> memref<1x100xi32, #tpu.memory_space<vmem>>
      %dma_start3A_271 = tpu.memref_squeeze %dma_start3A_270 : memref<1x100xi32, #tpu.memory_space<vmem>> -> memref<100xi32, #tpu.memory_space<vmem>>
      %dma_start3A_272 = arith.constant 0 : i32
      %dma_start3A_273 = arith.constant 0 : i32
      %dma_start3A_274 = tpu.memref_slice %arg18[%dma_start3A_272, %dma_start3A_273] : memref<10000x128xf32, #tpu.memory_space<vmem_shared>> -> memref<10000x128xf32, #tpu.memory_space<vmem_shared>>
      tpu.enqueue_indirect_dma source(%arg9 : memref<100x128xf32, #tpu.memory_space<vmem>>) target(%dma_start3A_274 : memref<10000x128xf32, #tpu.memory_space<vmem_shared>>) offsets(%dma_start3A_271 : memref<100xi32, #tpu.memory_space<vmem>>) semaphore(%arg15 : memref<!tpu.dma_semaphore, #tpu.memory_space<semaphore_mem>>) {add = true}
      %ge3A = arith.constant 1 : i32
      %ge3A_275 = arith.cmpi sge, %add3A_262, %ge3A : i32
      %add3A_276 = arith.constant 2 : i32
      %add3A_277 = arith.addi %add3A_262, %add3A_276 : i32
      %lt3A = arith.constant 25 : i32
      %lt3A_278 = arith.cmpi slt, %add3A_277, %lt3A : i32
      %and3A_279 = arith.andi %ge3A_275, %lt3A_278 : i1
      %convert_element_type3A_280 = arith.extui %and3A_279 : i1 to i32
      %cond3A_281 = arith.constant 0 : i32
      %cond3A_282 = arith.cmpi ne, %convert_element_type3A_280, %cond3A_281 : i32
      scf.if %cond3A_282 {
        %dma_wait3A_356 = arith.constant 0 : i32
        %dma_wait3A_357 = tpu.memref_slice %arg8[%add3A_262, %dma_wait3A_356] : memref<25x100xi32, #tpu.memory_space<vmem>> -> memref<1x100xi32, #tpu.memory_space<vmem>>
        %dma_wait3A_358 = tpu.memref_squeeze %dma_wait3A_357 : memref<1x100xi32, #tpu.memory_space<vmem>> -> memref<100xi32, #tpu.memory_space<vmem>>
        %dma_wait3A_359 = arith.constant 0 : i32
        %dma_wait3A_360 = arith.constant 0 : i32
        %dma_wait3A_361 = tpu.memref_slice %arg18[%dma_wait3A_359, %dma_wait3A_360] : memref<10000x128xf32, #tpu.memory_space<vmem_shared>> -> memref<10000x128xf32, #tpu.memory_space<vmem_shared>>
        tpu.wait_indirect_dma semaphore(%arg17 : memref<!tpu.dma_semaphore, #tpu.memory_space<semaphore_mem>>) src(%arg11 : memref<100x128xf32, #tpu.memory_space<vmem>>) dst(%dma_wait3A_361 : memref<10000x128xf32, #tpu.memory_space<vmem_shared>>)
      } else {
      }
      %add3A_283 = arith.constant 2 : i32
      %add3A_284 = arith.addi %add3A_262, %add3A_283 : i32
      %lt3A_285 = arith.constant 25 : i32
      %lt3A_286 = arith.cmpi slt, %add3A_284, %lt3A_285 : i32
      %convert_element_type3A_287 = arith.extui %lt3A_286 : i1 to i32
      %cond3A_288 = arith.constant 0 : i32
      %cond3A_289 = arith.cmpi ne, %convert_element_type3A_287, %cond3A_288 : i32
      scf.if %cond3A_289 {
        %add3A_356 = arith.constant 2 : i32
        %add3A_357 = arith.addi %add3A_262, %add3A_356 : i32
        %dma_start3A_358 = arith.constant 0 : i32
        %dma_start3A_359 = tpu.memref_slice %arg7[%add3A_357, %dma_start3A_358] : memref<25x100xi32, #tpu.memory_space<vmem>> -> memref<1x100xi32, #tpu.memory_space<vmem>>
        %dma_start3A_360 = tpu.memref_squeeze %dma_start3A_359 : memref<1x100xi32, #tpu.memory_space<vmem>> -> memref<100xi32, #tpu.memory_space<vmem>>
        %dma_start3A_361 = arith.constant 0 : i32
        %dma_start3A_362 = arith.constant 0 : i32
        %dma_start3A_363 = tpu.memref_slice %arg2[%dma_start3A_361, %dma_start3A_362] : memref<10000x128xf32, #tpu.memory_space<hbm>> -> memref<10000x128xf32, #tpu.memory_space<hbm>>
        tpu.enqueue_indirect_dma source(%dma_start3A_363 : memref<10000x128xf32, #tpu.memory_space<hbm>>) target(%arg11 : memref<100x128xf32, #tpu.memory_space<vmem>>) offsets(%dma_start3A_360 : memref<100xi32, #tpu.memory_space<vmem>>) semaphore(%arg14 : memref<!tpu.dma_semaphore, #tpu.memory_space<semaphore_mem>>)
      } else {
      }
      %mul3A_290 = arith.constant 3 : i32
      %mul3A_291 = arith.muli %mul3A_290, %scan3A_258 : i32
      %add3A_292 = arith.constant 1 : i32
      %add3A_293 = arith.addi %mul3A_291, %add3A_292 : i32
      %dma_wait3A_294 = arith.constant 0 : i32
      %dma_wait3A_295 = tpu.memref_slice %arg7[%add3A_293, %dma_wait3A_294] : memref<25x100xi32, #tpu.memory_space<vmem>> -> memref<1x100xi32, #tpu.memory_space<vmem>>
      %dma_wait3A_296 = tpu.memref_squeeze %dma_wait3A_295 : memref<1x100xi32, #tpu.memory_space<vmem>> -> memref<100xi32, #tpu.memory_space<vmem>>
      %dma_wait3A_297 = arith.constant 0 : i32
      %dma_wait3A_298 = arith.constant 0 : i32
      %dma_wait3A_299 = tpu.memref_slice %arg2[%dma_wait3A_297, %dma_wait3A_298] : memref<10000x128xf32, #tpu.memory_space<hbm>> -> memref<10000x128xf32, #tpu.memory_space<hbm>>
      tpu.wait_indirect_dma semaphore(%arg13 : memref<!tpu.dma_semaphore, #tpu.memory_space<semaphore_mem>>) src(%dma_wait3A_299 : memref<10000x128xf32, #tpu.memory_space<hbm>>) dst(%arg10 : memref<100x128xf32, #tpu.memory_space<vmem>>)
      %dma_start3A_300 = arith.constant 0 : i32
      %dma_start3A_301 = tpu.memref_slice %arg8[%add3A_293, %dma_start3A_300] : memref<25x100xi32, #tpu.memory_space<vmem>> -> memref<1x100xi32, #tpu.memory_space<vmem>>
      %dma_start3A_302 = tpu.memref_squeeze %dma_start3A_301 : memref<1x100xi32, #tpu.memory_space<vmem>> -> memref<100xi32, #tpu.memory_space<vmem>>
      %dma_start3A_303 = arith.constant 0 : i32
      %dma_start3A_304 = arith.constant 0 : i32
      %dma_start3A_305 = tpu.memref_slice %arg18[%dma_start3A_303, %dma_start3A_304] : memref<10000x128xf32, #tpu.memory_space<vmem_shared>> -> memref<10000x128xf32, #tpu.memory_space<vmem_shared>>
      tpu.enqueue_indirect_dma source(%arg10 : memref<100x128xf32, #tpu.memory_space<vmem>>) target(%dma_start3A_305 : memref<10000x128xf32, #tpu.memory_space<vmem_shared>>) offsets(%dma_start3A_302 : memref<100xi32, #tpu.memory_space<vmem>>) semaphore(%arg16 : memref<!tpu.dma_semaphore, #tpu.memory_space<semaphore_mem>>) {add = true}
      %ge3A_306 = arith.constant 1 : i32
      %ge3A_307 = arith.cmpi sge, %add3A_293, %ge3A_306 : i32
      %add3A_308 = arith.constant 2 : i32
      %add3A_309 = arith.addi %add3A_293, %add3A_308 : i32
      %lt3A_310 = arith.constant 25 : i32
      %lt3A_311 = arith.cmpi slt, %add3A_309, %lt3A_310 : i32
      %and3A_312 = arith.andi %ge3A_307, %lt3A_311 : i1
      %convert_element_type3A_313 = arith.extui %and3A_312 : i1 to i32
      %cond3A_314 = arith.constant 0 : i32
      %cond3A_315 = arith.cmpi ne, %convert_element_type3A_313, %cond3A_314 : i32
      scf.if %cond3A_315 {
        %dma_wait3A_356 = arith.constant 0 : i32
        %dma_wait3A_357 = tpu.memref_slice %arg8[%add3A_293, %dma_wait3A_356] : memref<25x100xi32, #tpu.memory_space<vmem>> -> memref<1x100xi32, #tpu.memory_space<vmem>>
        %dma_wait3A_358 = tpu.memref_squeeze %dma_wait3A_357 : memref<1x100xi32, #tpu.memory_space<vmem>> -> memref<100xi32, #tpu.memory_space<vmem>>
        %dma_wait3A_359 = arith.constant 0 : i32
        %dma_wait3A_360 = arith.constant 0 : i32
        %dma_wait3A_361 = tpu.memref_slice %arg18[%dma_wait3A_359, %dma_wait3A_360] : memref<10000x128xf32, #tpu.memory_space<vmem_shared>> -> memref<10000x128xf32, #tpu.memory_space<vmem_shared>>
        tpu.wait_indirect_dma semaphore(%arg15 : memref<!tpu.dma_semaphore, #tpu.memory_space<semaphore_mem>>) src(%arg9 : memref<100x128xf32, #tpu.memory_space<vmem>>) dst(%dma_wait3A_361 : memref<10000x128xf32, #tpu.memory_space<vmem_shared>>)
      } else {
      }
      %add3A_316 = arith.constant 2 : i32
      %add3A_317 = arith.addi %add3A_293, %add3A_316 : i32
      %lt3A_318 = arith.constant 25 : i32
      %lt3A_319 = arith.cmpi slt, %add3A_317, %lt3A_318 : i32
      %convert_element_type3A_320 = arith.extui %lt3A_319 : i1 to i32
      %cond3A_321 = arith.constant 0 : i32
      %cond3A_322 = arith.cmpi ne, %convert_element_type3A_320, %cond3A_321 : i32
      scf.if %cond3A_322 {
        %add3A_356 = arith.constant 2 : i32
        %add3A_357 = arith.addi %add3A_293, %add3A_356 : i32
        %dma_start3A_358 = arith.constant 0 : i32
        %dma_start3A_359 = tpu.memref_slice %arg7[%add3A_357, %dma_start3A_358] : memref<25x100xi32, #tpu.memory_space<vmem>> -> memref<1x100xi32, #tpu.memory_space<vmem>>
        %dma_start3A_360 = tpu.memref_squeeze %dma_start3A_359 : memref<1x100xi32, #tpu.memory_space<vmem>> -> memref<100xi32, #tpu.memory_space<vmem>>
        %dma_start3A_361 = arith.constant 0 : i32
        %dma_start3A_362 = arith.constant 0 : i32
        %dma_start3A_363 = tpu.memref_slice %arg2[%dma_start3A_361, %dma_start3A_362] : memref<10000x128xf32, #tpu.memory_space<hbm>> -> memref<10000x128xf32, #tpu.memory_space<hbm>>
        tpu.enqueue_indirect_dma source(%dma_start3A_363 : memref<10000x128xf32, #tpu.memory_space<hbm>>) target(%arg9 : memref<100x128xf32, #tpu.memory_space<vmem>>) offsets(%dma_start3A_360 : memref<100xi32, #tpu.memory_space<vmem>>) semaphore(%arg12 : memref<!tpu.dma_semaphore, #tpu.memory_space<semaphore_mem>>)
      } else {
      }
      %mul3A_323 = arith.constant 3 : i32
      %mul3A_324 = arith.muli %mul3A_323, %scan3A_258 : i32
      %add3A_325 = arith.constant 2 : i32
      %add3A_326 = arith.addi %mul3A_324, %add3A_325 : i32
      %dma_wait3A_327 = arith.constant 0 : i32
      %dma_wait3A_328 = tpu.memref_slice %arg7[%add3A_326, %dma_wait3A_327] : memref<25x100xi32, #tpu.memory_space<vmem>> -> memref<1x100xi32, #tpu.memory_space<vmem>>
      %dma_wait3A_329 = tpu.memref_squeeze %dma_wait3A_328 : memref<1x100xi32, #tpu.memory_space<vmem>> -> memref<100xi32, #tpu.memory_space<vmem>>
      %dma_wait3A_330 = arith.constant 0 : i32
      %dma_wait3A_331 = arith.constant 0 : i32
      %dma_wait3A_332 = tpu.memref_slice %arg2[%dma_wait3A_330, %dma_wait3A_331] : memref<10000x128xf32, #tpu.memory_space<hbm>> -> memref<10000x128xf32, #tpu.memory_space<hbm>>
      tpu.wait_indirect_dma semaphore(%arg14 : memref<!tpu.dma_semaphore, #tpu.memory_space<semaphore_mem>>) src(%dma_wait3A_332 : memref<10000x128xf32, #tpu.memory_space<hbm>>) dst(%arg11 : memref<100x128xf32, #tpu.memory_space<vmem>>)
      %dma_start3A_333 = arith.constant 0 : i32
      %dma_start3A_334 = tpu.memref_slice %arg8[%add3A_326, %dma_start3A_333] : memref<25x100xi32, #tpu.memory_space<vmem>> -> memref<1x100xi32, #tpu.memory_space<vmem>>
      %dma_start3A_335 = tpu.memref_squeeze %dma_start3A_334 : memref<1x100xi32, #tpu.memory_space<vmem>> -> memref<100xi32, #tpu.memory_space<vmem>>
      %dma_start3A_336 = arith.constant 0 : i32
      %dma_start3A_337 = arith.constant 0 : i32
      %dma_start3A_338 = tpu.memref_slice %arg18[%dma_start3A_336, %dma_start3A_337] : memref<10000x128xf32, #tpu.memory_space<vmem_shared>> -> memref<10000x128xf32, #tpu.memory_space<vmem_shared>>
      tpu.enqueue_indirect_dma source(%arg11 : memref<100x128xf32, #tpu.memory_space<vmem>>) target(%dma_start3A_338 : memref<10000x128xf32, #tpu.memory_space<vmem_shared>>) offsets(%dma_start3A_335 : memref<100xi32, #tpu.memory_space<vmem>>) semaphore(%arg17 : memref<!tpu.dma_semaphore, #tpu.memory_space<semaphore_mem>>) {add = true}
      %ge3A_339 = arith.constant 1 : i32
      %ge3A_340 = arith.cmpi sge, %add3A_326, %ge3A_339 : i32
      %add3A_341 = arith.constant 2 : i32
      %add3A_342 = arith.addi %add3A_326, %add3A_341 : i32
      %lt3A_343 = arith.constant 25 : i32
      %lt3A_344 = arith.cmpi slt, %add3A_342, %lt3A_343 : i32
      %and3A_345 = arith.andi %ge3A_340, %lt3A_344 : i1
      %convert_element_type3A_346 = arith.extui %and3A_345 : i1 to i32
      %cond3A_347 = arith.constant 0 : i32
      %cond3A_348 = arith.cmpi ne, %convert_element_type3A_346, %cond3A_347 : i32
      scf.if %cond3A_348 {
        %dma_wait3A_356 = arith.constant 0 : i32
        %dma_wait3A_357 = tpu.memref_slice %arg8[%add3A_326, %dma_wait3A_356] : memref<25x100xi32, #tpu.memory_space<vmem>> -> memref<1x100xi32, #tpu.memory_space<vmem>>
        %dma_wait3A_358 = tpu.memref_squeeze %dma_wait3A_357 : memref<1x100xi32, #tpu.memory_space<vmem>> -> memref<100xi32, #tpu.memory_space<vmem>>
        %dma_wait3A_359 = arith.constant 0 : i32
        %dma_wait3A_360 = arith.constant 0 : i32
        %dma_wait3A_361 = tpu.memref_slice %arg18[%dma_wait3A_359, %dma_wait3A_360] : memref<10000x128xf32, #tpu.memory_space<vmem_shared>> -> memref<10000x128xf32, #tpu.memory_space<vmem_shared>>
        tpu.wait_indirect_dma semaphore(%arg16 : memref<!tpu.dma_semaphore, #tpu.memory_space<semaphore_mem>>) src(%arg10 : memref<100x128xf32, #tpu.memory_space<vmem>>) dst(%dma_wait3A_361 : memref<10000x128xf32, #tpu.memory_space<vmem_shared>>)
      } else {
      }
      %add3A_349 = arith.constant 2 : i32
      %add3A_350 = arith.addi %add3A_326, %add3A_349 : i32
      %lt3A_351 = arith.constant 25 : i32
      %lt3A_352 = arith.cmpi slt, %add3A_350, %lt3A_351 : i32
      %convert_element_type3A_353 = arith.extui %lt3A_352 : i1 to i32
      %cond3A_354 = arith.constant 0 : i32
      %cond3A_355 = arith.cmpi ne, %convert_element_type3A_353, %cond3A_354 : i32
      scf.if %cond3A_355 {
        %add3A_356 = arith.constant 2 : i32
        %add3A_357 = arith.addi %add3A_326, %add3A_356 : i32
        %dma_start3A_358 = arith.constant 0 : i32
        %dma_start3A_359 = tpu.memref_slice %arg7[%add3A_357, %dma_start3A_358] : memref<25x100xi32, #tpu.memory_space<vmem>> -> memref<1x100xi32, #tpu.memory_space<vmem>>
        %dma_start3A_360 = tpu.memref_squeeze %dma_start3A_359 : memref<1x100xi32, #tpu.memory_space<vmem>> -> memref<100xi32, #tpu.memory_space<vmem>>
        %dma_start3A_361 = arith.constant 0 : i32
        %dma_start3A_362 = arith.constant 0 : i32
        %dma_start3A_363 = tpu.memref_slice %arg2[%dma_start3A_361, %dma_start3A_362] : memref<10000x128xf32, #tpu.memory_space<hbm>> -> memref<10000x128xf32, #tpu.memory_space<hbm>>
        tpu.enqueue_indirect_dma source(%dma_start3A_363 : memref<10000x128xf32, #tpu.memory_space<hbm>>) target(%arg10 : memref<100x128xf32, #tpu.memory_space<vmem>>) offsets(%dma_start3A_360 : memref<100xi32, #tpu.memory_space<vmem>>) semaphore(%arg13 : memref<!tpu.dma_semaphore, #tpu.memory_space<semaphore_mem>>)
      } else {
      }
    }
    %scan3A_89 = arith.constant 8 : i32
    %dma_wait3A_90 = arith.constant 24 : i32
    %dma_wait3A_91 = arith.constant 0 : i32
    %dma_wait3A_92 = tpu.memref_slice %arg7[%dma_wait3A_90, %dma_wait3A_91] : memref<25x100xi32, #tpu.memory_space<vmem>> -> memref<1x100xi32, #tpu.memory_space<vmem>>
    %dma_wait3A_93 = tpu.memref_squeeze %dma_wait3A_92 : memref<1x100xi32, #tpu.memory_space<vmem>> -> memref<100xi32, #tpu.memory_space<vmem>>
    %dma_wait3A_94 = arith.constant 0 : i32
    %dma_wait3A_95 = arith.constant 0 : i32
    %dma_wait3A_96 = tpu.memref_slice %arg2[%dma_wait3A_94, %dma_wait3A_95] : memref<10000x128xf32, #tpu.memory_space<hbm>> -> memref<10000x128xf32, #tpu.memory_space<hbm>>
    tpu.wait_indirect_dma semaphore(%arg12 : memref<!tpu.dma_semaphore, #tpu.memory_space<semaphore_mem>>) src(%dma_wait3A_96 : memref<10000x128xf32, #tpu.memory_space<hbm>>) dst(%arg9 : memref<100x128xf32, #tpu.memory_space<vmem>>)
    %dma_start3A_97 = arith.constant 24 : i32
    %dma_start3A_98 = arith.constant 0 : i32
    %dma_start3A_99 = tpu.memref_slice %arg8[%dma_start3A_97, %dma_start3A_98] : memref<25x100xi32, #tpu.memory_space<vmem>> -> memref<1x100xi32, #tpu.memory_space<vmem>>
    %dma_start3A_100 = tpu.memref_squeeze %dma_start3A_99 : memref<1x100xi32, #tpu.memory_space<vmem>> -> memref<100xi32, #tpu.memory_space<vmem>>
    %dma_start3A_101 = arith.constant 0 : i32
    %dma_start3A_102 = arith.constant 0 : i32
    %dma_start3A_103 = tpu.memref_slice %arg18[%dma_start3A_101, %dma_start3A_102] : memref<10000x128xf32, #tpu.memory_space<vmem_shared>> -> memref<10000x128xf32, #tpu.memory_space<vmem_shared>>
    tpu.enqueue_indirect_dma source(%arg9 : memref<100x128xf32, #tpu.memory_space<vmem>>) target(%dma_start3A_103 : memref<10000x128xf32, #tpu.memory_space<vmem_shared>>) offsets(%dma_start3A_100 : memref<100xi32, #tpu.memory_space<vmem>>) semaphore(%arg15 : memref<!tpu.dma_semaphore, #tpu.memory_space<semaphore_mem>>) {add = true}
    %and3A_104 = arith.constant true
    %and3A_105 = arith.constant false
    %and3A_106 = arith.andi %and3A_104, %and3A_105 : i1
    %convert_element_type3A_107 = arith.extui %and3A_106 : i1 to i32
    %cond3A_108 = arith.constant 0 : i32
    %cond3A_109 = arith.cmpi ne, %convert_element_type3A_107, %cond3A_108 : i32
    scf.if %cond3A_109 {
      %dma_wait3A_258 = arith.constant 24 : i32
      %dma_wait3A_259 = arith.constant 0 : i32
      %dma_wait3A_260 = tpu.memref_slice %arg8[%dma_wait3A_258, %dma_wait3A_259] : memref<25x100xi32, #tpu.memory_space<vmem>> -> memref<1x100xi32, #tpu.memory_space<vmem>>
      %dma_wait3A_261 = tpu.memref_squeeze %dma_wait3A_260 : memref<1x100xi32, #tpu.memory_space<vmem>> -> memref<100xi32, #tpu.memory_space<vmem>>
      %dma_wait3A_262 = arith.constant 0 : i32
      %dma_wait3A_263 = arith.constant 0 : i32
      %dma_wait3A_264 = tpu.memref_slice %arg18[%dma_wait3A_262, %dma_wait3A_263] : memref<10000x128xf32, #tpu.memory_space<vmem_shared>> -> memref<10000x128xf32, #tpu.memory_space<vmem_shared>>
      tpu.wait_indirect_dma semaphore(%arg17 : memref<!tpu.dma_semaphore, #tpu.memory_space<semaphore_mem>>) src(%arg11 : memref<100x128xf32, #tpu.memory_space<vmem>>) dst(%dma_wait3A_264 : memref<10000x128xf32, #tpu.memory_space<vmem_shared>>)
    } else {
    }
    %dma_wait3A_110 = arith.constant 0 : i32
    %dma_wait3A_111 = arith.constant 0 : i32
    %dma_wait3A_112 = tpu.memref_slice %arg8[%dma_wait3A_110, %dma_wait3A_111] : memref<25x100xi32, #tpu.memory_space<vmem>> -> memref<1x100xi32, #tpu.memory_space<vmem>>
    %dma_wait3A_113 = tpu.memref_squeeze %dma_wait3A_112 : memref<1x100xi32, #tpu.memory_space<vmem>> -> memref<100xi32, #tpu.memory_space<vmem>>
    %dma_wait3A_114 = arith.constant 0 : i32
    %dma_wait3A_115 = arith.constant 0 : i32
    %dma_wait3A_116 = tpu.memref_slice %arg18[%dma_wait3A_114, %dma_wait3A_115] : memref<10000x128xf32, #tpu.memory_space<vmem_shared>> -> memref<10000x128xf32, #tpu.memory_space<vmem_shared>>
    tpu.wait_indirect_dma semaphore(%arg16 : memref<!tpu.dma_semaphore, #tpu.memory_space<semaphore_mem>>) src(%arg10 : memref<100x128xf32, #tpu.memory_space<vmem>>) dst(%dma_wait3A_116 : memref<10000x128xf32, #tpu.memory_space<vmem_shared>>)
    %dma_wait3A_117 = arith.constant 0 : i32
    %dma_wait3A_118 = arith.constant 0 : i32
    %dma_wait3A_119 = tpu.memref_slice %arg8[%dma_wait3A_117, %dma_wait3A_118] : memref<25x100xi32, #tpu.memory_space<vmem>> -> memref<1x100xi32, #tpu.memory_space<vmem>>
    %dma_wait3A_120 = tpu.memref_squeeze %dma_wait3A_119 : memref<1x100xi32, #tpu.memory_space<vmem>> -> memref<100xi32, #tpu.memory_space<vmem>>
    %dma_wait3A_121 = arith.constant 0 : i32
    %dma_wait3A_122 = arith.constant 0 : i32
    %dma_wait3A_123 = tpu.memref_slice %arg18[%dma_wait3A_121, %dma_wait3A_122] : memref<10000x128xf32, #tpu.memory_space<vmem_shared>> -> memref<10000x128xf32, #tpu.memory_space<vmem_shared>>
    tpu.wait_indirect_dma semaphore(%arg17 : memref<!tpu.dma_semaphore, #tpu.memory_space<semaphore_mem>>) src(%arg11 : memref<100x128xf32, #tpu.memory_space<vmem>>) dst(%dma_wait3A_123 : memref<10000x128xf32, #tpu.memory_space<vmem_shared>>)
    %dma_wait3A_124 = arith.constant 0 : i32
    %dma_wait3A_125 = arith.constant 0 : i32
    %dma_wait3A_126 = tpu.memref_slice %arg8[%dma_wait3A_124, %dma_wait3A_125] : memref<25x100xi32, #tpu.memory_space<vmem>> -> memref<1x100xi32, #tpu.memory_space<vmem>>
    %dma_wait3A_127 = tpu.memref_squeeze %dma_wait3A_126 : memref<1x100xi32, #tpu.memory_space<vmem>> -> memref<100xi32, #tpu.memory_space<vmem>>
    %dma_wait3A_128 = arith.constant 0 : i32
    %dma_wait3A_129 = arith.constant 0 : i32
    %dma_wait3A_130 = tpu.memref_slice %arg18[%dma_wait3A_128, %dma_wait3A_129] : memref<10000x128xf32, #tpu.memory_space<vmem_shared>> -> memref<10000x128xf32, #tpu.memory_space<vmem_shared>>
    tpu.wait_indirect_dma semaphore(%arg15 : memref<!tpu.dma_semaphore, #tpu.memory_space<semaphore_mem>>) src(%arg9 : memref<100x128xf32, #tpu.memory_space<vmem>>) dst(%dma_wait3A_130 : memref<10000x128xf32, #tpu.memory_space<vmem_shared>>)
    %run_scoped3A_131 = arith.constant 2 : i32
    "tpu.region"() ({
      %run_scoped3A_258 = tpu.sem_alloc : memref<!tpu.dma_semaphore, #tpu.memory_space<semaphore_mem>>
      %dma_start3A_259 = arith.constant 0 : i32
      %dma_start3A_260 = arith.constant 0 : i32
      %dma_start3A_261 = tpu.memref_slice %arg4[%add3A, %run_scoped3A_131, %dma_start3A_259, %dma_start3A_260] : memref<32x4x25x100xi32, #tpu.memory_space<hbm>> -> memref<1x1x25x100xi32, #tpu.memory_space<hbm>>
      %dma_start3A_262 = tpu.memref_squeeze %dma_start3A_261 : memref<1x1x25x100xi32, #tpu.memory_space<hbm>> -> memref<25x100xi32, #tpu.memory_space<hbm>>
      %dma_start3A_263 = arith.constant 0 : i32
      %dma_start3A_264 = arith.constant 0 : i32
      %dma_start3A_265 = tpu.memref_slice %arg4[%add3A, %run_scoped3A_131, %dma_start3A_263, %dma_start3A_264] : memref<32x4x25x100xi32, #tpu.memory_space<hbm>> -> memref<1x1x25x100xi32, #tpu.memory_space<hbm>>
      %dma_start3A_266 = tpu.memref_squeeze %dma_start3A_265 : memref<1x1x25x100xi32, #tpu.memory_space<hbm>> -> memref<25x100xi32, #tpu.memory_space<hbm>>
      tpu.enqueue_dma source(%dma_start3A_266 : memref<25x100xi32, #tpu.memory_space<hbm>>) target(%arg7 : memref<25x100xi32, #tpu.memory_space<vmem>>) target_semaphore(%run_scoped3A_258 : memref<!tpu.dma_semaphore, #tpu.memory_space<semaphore_mem>>)
      %dma_wait3A_267 = arith.constant 0 : i32
      %dma_wait3A_268 = arith.constant 0 : i32
      %dma_wait3A_269 = tpu.memref_slice %arg4[%add3A, %run_scoped3A_131, %dma_wait3A_267, %dma_wait3A_268] : memref<32x4x25x100xi32, #tpu.memory_space<hbm>> -> memref<1x1x25x100xi32, #tpu.memory_space<hbm>>
      %dma_wait3A_270 = tpu.memref_squeeze %dma_wait3A_269 : memref<1x1x25x100xi32, #tpu.memory_space<hbm>> -> memref<25x100xi32, #tpu.memory_space<hbm>>
      %dma_wait3A_271 = arith.constant 0 : i32
      %dma_wait3A_272 = arith.constant 0 : i32
      %dma_wait3A_273 = tpu.memref_slice %arg4[%add3A, %run_scoped3A_131, %dma_wait3A_271, %dma_wait3A_272] : memref<32x4x25x100xi32, #tpu.memory_space<hbm>> -> memref<1x1x25x100xi32, #tpu.memory_space<hbm>>
      %dma_wait3A_274 = tpu.memref_squeeze %dma_wait3A_273 : memref<1x1x25x100xi32, #tpu.memory_space<hbm>> -> memref<25x100xi32, #tpu.memory_space<hbm>>
      tpu.wait_dma2 semaphore(%run_scoped3A_258 : memref<!tpu.dma_semaphore, #tpu.memory_space<semaphore_mem>>) src(%dma_wait3A_274 : memref<25x100xi32, #tpu.memory_space<hbm>>) dst(%arg7 : memref<25x100xi32, #tpu.memory_space<vmem>>)
      tpu.yield
    }) : () -> ()
    %run_scoped3A_132 = arith.constant 2 : i32
    "tpu.region"() ({
      %run_scoped3A_258 = tpu.sem_alloc : memref<!tpu.dma_semaphore, #tpu.memory_space<semaphore_mem>>
      %dma_start3A_259 = arith.constant 0 : i32
      %dma_start3A_260 = arith.constant 0 : i32
      %dma_start3A_261 = tpu.memref_slice %arg3[%add3A, %run_scoped3A_132, %dma_start3A_259, %dma_start3A_260] : memref<32x4x25x100xi32, #tpu.memory_space<hbm>> -> memref<1x1x25x100xi32, #tpu.memory_space<hbm>>
      %dma_start3A_262 = tpu.memref_squeeze %dma_start3A_261 : memref<1x1x25x100xi32, #tpu.memory_space<hbm>> -> memref<25x100xi32, #tpu.memory_space<hbm>>
      %dma_start3A_263 = arith.constant 0 : i32
      %dma_start3A_264 = arith.constant 0 : i32
      %dma_start3A_265 = tpu.memref_slice %arg3[%add3A, %run_scoped3A_132, %dma_start3A_263, %dma_start3A_264] : memref<32x4x25x100xi32, #tpu.memory_space<hbm>> -> memref<1x1x25x100xi32, #tpu.memory_space<hbm>>
      %dma_start3A_266 = tpu.memref_squeeze %dma_start3A_265 : memref<1x1x25x100xi32, #tpu.memory_space<hbm>> -> memref<25x100xi32, #tpu.memory_space<hbm>>
      tpu.enqueue_dma source(%dma_start3A_266 : memref<25x100xi32, #tpu.memory_space<hbm>>) target(%arg8 : memref<25x100xi32, #tpu.memory_space<vmem>>) target_semaphore(%run_scoped3A_258 : memref<!tpu.dma_semaphore, #tpu.memory_space<semaphore_mem>>)
      %dma_wait3A_267 = arith.constant 0 : i32
      %dma_wait3A_268 = arith.constant 0 : i32
      %dma_wait3A_269 = tpu.memref_slice %arg3[%add3A, %run_scoped3A_132, %dma_wait3A_267, %dma_wait3A_268] : memref<32x4x25x100xi32, #tpu.memory_space<hbm>> -> memref<1x1x25x100xi32, #tpu.memory_space<hbm>>
      %dma_wait3A_270 = tpu.memref_squeeze %dma_wait3A_269 : memref<1x1x25x100xi32, #tpu.memory_space<hbm>> -> memref<25x100xi32, #tpu.memory_space<hbm>>
      %dma_wait3A_271 = arith.constant 0 : i32
      %dma_wait3A_272 = arith.constant 0 : i32
      %dma_wait3A_273 = tpu.memref_slice %arg3[%add3A, %run_scoped3A_132, %dma_wait3A_271, %dma_wait3A_272] : memref<32x4x25x100xi32, #tpu.memory_space<hbm>> -> memref<1x1x25x100xi32, #tpu.memory_space<hbm>>
      %dma_wait3A_274 = tpu.memref_squeeze %dma_wait3A_273 : memref<1x1x25x100xi32, #tpu.memory_space<hbm>> -> memref<25x100xi32, #tpu.memory_space<hbm>>
      tpu.wait_dma2 semaphore(%run_scoped3A_258 : memref<!tpu.dma_semaphore, #tpu.memory_space<semaphore_mem>>) src(%dma_wait3A_274 : memref<25x100xi32, #tpu.memory_space<hbm>>) dst(%arg8 : memref<25x100xi32, #tpu.memory_space<vmem>>)
      tpu.yield
    }) : () -> ()
    %dma_start3A_133 = arith.constant 0 : i32
    %dma_start3A_134 = arith.constant 0 : i32
    %dma_start3A_135 = tpu.memref_slice %arg7[%dma_start3A_133, %dma_start3A_134] : memref<25x100xi32, #tpu.memory_space<vmem>> -> memref<1x100xi32, #tpu.memory_space<vmem>>
    %dma_start3A_136 = tpu.memref_squeeze %dma_start3A_135 : memref<1x100xi32, #tpu.memory_space<vmem>> -> memref<100xi32, #tpu.memory_space<vmem>>
    %dma_start3A_137 = arith.constant 0 : i32
    %dma_start3A_138 = arith.constant 0 : i32
    %dma_start3A_139 = tpu.memref_slice %arg2[%dma_start3A_137, %dma_start3A_138] : memref<10000x128xf32, #tpu.memory_space<hbm>> -> memref<10000x128xf32, #tpu.memory_space<hbm>>
    tpu.enqueue_indirect_dma source(%dma_start3A_139 : memref<10000x128xf32, #tpu.memory_space<hbm>>) target(%arg9 : memref<100x128xf32, #tpu.memory_space<vmem>>) offsets(%dma_start3A_136 : memref<100xi32, #tpu.memory_space<vmem>>) semaphore(%arg12 : memref<!tpu.dma_semaphore, #tpu.memory_space<semaphore_mem>>)
    %dma_start3A_140 = arith.constant 1 : i32
    %dma_start3A_141 = arith.constant 0 : i32
    %dma_start3A_142 = tpu.memref_slice %arg7[%dma_start3A_140, %dma_start3A_141] : memref<25x100xi32, #tpu.memory_space<vmem>> -> memref<1x100xi32, #tpu.memory_space<vmem>>
    %dma_start3A_143 = tpu.memref_squeeze %dma_start3A_142 : memref<1x100xi32, #tpu.memory_space<vmem>> -> memref<100xi32, #tpu.memory_space<vmem>>
    %dma_start3A_144 = arith.constant 0 : i32
    %dma_start3A_145 = arith.constant 0 : i32
    %dma_start3A_146 = tpu.memref_slice %arg2[%dma_start3A_144, %dma_start3A_145] : memref<10000x128xf32, #tpu.memory_space<hbm>> -> memref<10000x128xf32, #tpu.memory_space<hbm>>
    tpu.enqueue_indirect_dma source(%dma_start3A_146 : memref<10000x128xf32, #tpu.memory_space<hbm>>) target(%arg10 : memref<100x128xf32, #tpu.memory_space<vmem>>) offsets(%dma_start3A_143 : memref<100xi32, #tpu.memory_space<vmem>>) semaphore(%arg13 : memref<!tpu.dma_semaphore, #tpu.memory_space<semaphore_mem>>)
    %scan3A_147 = arith.constant 0 : i32
    %scan3A_148 = arith.constant 0 : i32
    %scan3A_149 = arith.constant 8 : i32
    %scan3A_150 = arith.addi %scan3A_148, %scan3A_149 : i32
    %scan3A_151 = arith.constant 1 : i32
    scf.for %scan3A_258 = %scan3A_148 to %scan3A_150 step %scan3A_151  : i32 {
      %mul3A_259 = arith.constant 3 : i32
      %mul3A_260 = arith.muli %mul3A_259, %scan3A_258 : i32
      %add3A_261 = arith.constant 0 : i32
      %add3A_262 = arith.addi %mul3A_260, %add3A_261 : i32
      %dma_wait3A_263 = arith.constant 0 : i32
      %dma_wait3A_264 = tpu.memref_slice %arg7[%add3A_262, %dma_wait3A_263] : memref<25x100xi32, #tpu.memory_space<vmem>> -> memref<1x100xi32, #tpu.memory_space<vmem>>
      %dma_wait3A_265 = tpu.memref_squeeze %dma_wait3A_264 : memref<1x100xi32, #tpu.memory_space<vmem>> -> memref<100xi32, #tpu.memory_space<vmem>>
      %dma_wait3A_266 = arith.constant 0 : i32
      %dma_wait3A_267 = arith.constant 0 : i32
      %dma_wait3A_268 = tpu.memref_slice %arg2[%dma_wait3A_266, %dma_wait3A_267] : memref<10000x128xf32, #tpu.memory_space<hbm>> -> memref<10000x128xf32, #tpu.memory_space<hbm>>
      tpu.wait_indirect_dma semaphore(%arg12 : memref<!tpu.dma_semaphore, #tpu.memory_space<semaphore_mem>>) src(%dma_wait3A_268 : memref<10000x128xf32, #tpu.memory_space<hbm>>) dst(%arg9 : memref<100x128xf32, #tpu.memory_space<vmem>>)
      %dma_start3A_269 = arith.constant 0 : i32
      %dma_start3A_270 = tpu.memref_slice %arg8[%add3A_262, %dma_start3A_269] : memref<25x100xi32, #tpu.memory_space<vmem>> -> memref<1x100xi32, #tpu.memory_space<vmem>>
      %dma_start3A_271 = tpu.memref_squeeze %dma_start3A_270 : memref<1x100xi32, #tpu.memory_space<vmem>> -> memref<100xi32, #tpu.memory_space<vmem>>
      %dma_start3A_272 = arith.constant 0 : i32
      %dma_start3A_273 = arith.constant 0 : i32
      %dma_start3A_274 = tpu.memref_slice %arg18[%dma_start3A_272, %dma_start3A_273] : memref<10000x128xf32, #tpu.memory_space<vmem_shared>> -> memref<10000x128xf32, #tpu.memory_space<vmem_shared>>
      tpu.enqueue_indirect_dma source(%arg9 : memref<100x128xf32, #tpu.memory_space<vmem>>) target(%dma_start3A_274 : memref<10000x128xf32, #tpu.memory_space<vmem_shared>>) offsets(%dma_start3A_271 : memref<100xi32, #tpu.memory_space<vmem>>) semaphore(%arg15 : memref<!tpu.dma_semaphore, #tpu.memory_space<semaphore_mem>>) {add = true}
      %ge3A = arith.constant 1 : i32
      %ge3A_275 = arith.cmpi sge, %add3A_262, %ge3A : i32
      %add3A_276 = arith.constant 2 : i32
      %add3A_277 = arith.addi %add3A_262, %add3A_276 : i32
      %lt3A = arith.constant 25 : i32
      %lt3A_278 = arith.cmpi slt, %add3A_277, %lt3A : i32
      %and3A_279 = arith.andi %ge3A_275, %lt3A_278 : i1
      %convert_element_type3A_280 = arith.extui %and3A_279 : i1 to i32
      %cond3A_281 = arith.constant 0 : i32
      %cond3A_282 = arith.cmpi ne, %convert_element_type3A_280, %cond3A_281 : i32
      scf.if %cond3A_282 {
        %dma_wait3A_356 = arith.constant 0 : i32
        %dma_wait3A_357 = tpu.memref_slice %arg8[%add3A_262, %dma_wait3A_356] : memref<25x100xi32, #tpu.memory_space<vmem>> -> memref<1x100xi32, #tpu.memory_space<vmem>>
        %dma_wait3A_358 = tpu.memref_squeeze %dma_wait3A_357 : memref<1x100xi32, #tpu.memory_space<vmem>> -> memref<100xi32, #tpu.memory_space<vmem>>
        %dma_wait3A_359 = arith.constant 0 : i32
        %dma_wait3A_360 = arith.constant 0 : i32
        %dma_wait3A_361 = tpu.memref_slice %arg18[%dma_wait3A_359, %dma_wait3A_360] : memref<10000x128xf32, #tpu.memory_space<vmem_shared>> -> memref<10000x128xf32, #tpu.memory_space<vmem_shared>>
        tpu.wait_indirect_dma semaphore(%arg17 : memref<!tpu.dma_semaphore, #tpu.memory_space<semaphore_mem>>) src(%arg11 : memref<100x128xf32, #tpu.memory_space<vmem>>) dst(%dma_wait3A_361 : memref<10000x128xf32, #tpu.memory_space<vmem_shared>>)
      } else {
      }
      %add3A_283 = arith.constant 2 : i32
      %add3A_284 = arith.addi %add3A_262, %add3A_283 : i32
      %lt3A_285 = arith.constant 25 : i32
      %lt3A_286 = arith.cmpi slt, %add3A_284, %lt3A_285 : i32
      %convert_element_type3A_287 = arith.extui %lt3A_286 : i1 to i32
      %cond3A_288 = arith.constant 0 : i32
      %cond3A_289 = arith.cmpi ne, %convert_element_type3A_287, %cond3A_288 : i32
      scf.if %cond3A_289 {
        %add3A_356 = arith.constant 2 : i32
        %add3A_357 = arith.addi %add3A_262, %add3A_356 : i32
        %dma_start3A_358 = arith.constant 0 : i32
        %dma_start3A_359 = tpu.memref_slice %arg7[%add3A_357, %dma_start3A_358] : memref<25x100xi32, #tpu.memory_space<vmem>> -> memref<1x100xi32, #tpu.memory_space<vmem>>
        %dma_start3A_360 = tpu.memref_squeeze %dma_start3A_359 : memref<1x100xi32, #tpu.memory_space<vmem>> -> memref<100xi32, #tpu.memory_space<vmem>>
        %dma_start3A_361 = arith.constant 0 : i32
        %dma_start3A_362 = arith.constant 0 : i32
        %dma_start3A_363 = tpu.memref_slice %arg2[%dma_start3A_361, %dma_start3A_362] : memref<10000x128xf32, #tpu.memory_space<hbm>> -> memref<10000x128xf32, #tpu.memory_space<hbm>>
        tpu.enqueue_indirect_dma source(%dma_start3A_363 : memref<10000x128xf32, #tpu.memory_space<hbm>>) target(%arg11 : memref<100x128xf32, #tpu.memory_space<vmem>>) offsets(%dma_start3A_360 : memref<100xi32, #tpu.memory_space<vmem>>) semaphore(%arg14 : memref<!tpu.dma_semaphore, #tpu.memory_space<semaphore_mem>>)
      } else {
      }
      %mul3A_290 = arith.constant 3 : i32
      %mul3A_291 = arith.muli %mul3A_290, %scan3A_258 : i32
      %add3A_292 = arith.constant 1 : i32
      %add3A_293 = arith.addi %mul3A_291, %add3A_292 : i32
      %dma_wait3A_294 = arith.constant 0 : i32
      %dma_wait3A_295 = tpu.memref_slice %arg7[%add3A_293, %dma_wait3A_294] : memref<25x100xi32, #tpu.memory_space<vmem>> -> memref<1x100xi32, #tpu.memory_space<vmem>>
      %dma_wait3A_296 = tpu.memref_squeeze %dma_wait3A_295 : memref<1x100xi32, #tpu.memory_space<vmem>> -> memref<100xi32, #tpu.memory_space<vmem>>
      %dma_wait3A_297 = arith.constant 0 : i32
      %dma_wait3A_298 = arith.constant 0 : i32
      %dma_wait3A_299 = tpu.memref_slice %arg2[%dma_wait3A_297, %dma_wait3A_298] : memref<10000x128xf32, #tpu.memory_space<hbm>> -> memref<10000x128xf32, #tpu.memory_space<hbm>>
      tpu.wait_indirect_dma semaphore(%arg13 : memref<!tpu.dma_semaphore, #tpu.memory_space<semaphore_mem>>) src(%dma_wait3A_299 : memref<10000x128xf32, #tpu.memory_space<hbm>>) dst(%arg10 : memref<100x128xf32, #tpu.memory_space<vmem>>)
      %dma_start3A_300 = arith.constant 0 : i32
      %dma_start3A_301 = tpu.memref_slice %arg8[%add3A_293, %dma_start3A_300] : memref<25x100xi32, #tpu.memory_space<vmem>> -> memref<1x100xi32, #tpu.memory_space<vmem>>
      %dma_start3A_302 = tpu.memref_squeeze %dma_start3A_301 : memref<1x100xi32, #tpu.memory_space<vmem>> -> memref<100xi32, #tpu.memory_space<vmem>>
      %dma_start3A_303 = arith.constant 0 : i32
      %dma_start3A_304 = arith.constant 0 : i32
      %dma_start3A_305 = tpu.memref_slice %arg18[%dma_start3A_303, %dma_start3A_304] : memref<10000x128xf32, #tpu.memory_space<vmem_shared>> -> memref<10000x128xf32, #tpu.memory_space<vmem_shared>>
      tpu.enqueue_indirect_dma source(%arg10 : memref<100x128xf32, #tpu.memory_space<vmem>>) target(%dma_start3A_305 : memref<10000x128xf32, #tpu.memory_space<vmem_shared>>) offsets(%dma_start3A_302 : memref<100xi32, #tpu.memory_space<vmem>>) semaphore(%arg16 : memref<!tpu.dma_semaphore, #tpu.memory_space<semaphore_mem>>) {add = true}
      %ge3A_306 = arith.constant 1 : i32
      %ge3A_307 = arith.cmpi sge, %add3A_293, %ge3A_306 : i32
      %add3A_308 = arith.constant 2 : i32
      %add3A_309 = arith.addi %add3A_293, %add3A_308 : i32
      %lt3A_310 = arith.constant 25 : i32
      %lt3A_311 = arith.cmpi slt, %add3A_309, %lt3A_310 : i32
      %and3A_312 = arith.andi %ge3A_307, %lt3A_311 : i1
      %convert_element_type3A_313 = arith.extui %and3A_312 : i1 to i32
      %cond3A_314 = arith.constant 0 : i32
      %cond3A_315 = arith.cmpi ne, %convert_element_type3A_313, %cond3A_314 : i32
      scf.if %cond3A_315 {
        %dma_wait3A_356 = arith.constant 0 : i32
        %dma_wait3A_357 = tpu.memref_slice %arg8[%add3A_293, %dma_wait3A_356] : memref<25x100xi32, #tpu.memory_space<vmem>> -> memref<1x100xi32, #tpu.memory_space<vmem>>
        %dma_wait3A_358 = tpu.memref_squeeze %dma_wait3A_357 : memref<1x100xi32, #tpu.memory_space<vmem>> -> memref<100xi32, #tpu.memory_space<vmem>>
        %dma_wait3A_359 = arith.constant 0 : i32
        %dma_wait3A_360 = arith.constant 0 : i32
        %dma_wait3A_361 = tpu.memref_slice %arg18[%dma_wait3A_359, %dma_wait3A_360] : memref<10000x128xf32, #tpu.memory_space<vmem_shared>> -> memref<10000x128xf32, #tpu.memory_space<vmem_shared>>
        tpu.wait_indirect_dma semaphore(%arg15 : memref<!tpu.dma_semaphore, #tpu.memory_space<semaphore_mem>>) src(%arg9 : memref<100x128xf32, #tpu.memory_space<vmem>>) dst(%dma_wait3A_361 : memref<10000x128xf32, #tpu.memory_space<vmem_shared>>)
      } else {
      }
      %add3A_316 = arith.constant 2 : i32
      %add3A_317 = arith.addi %add3A_293, %add3A_316 : i32
      %lt3A_318 = arith.constant 25 : i32
      %lt3A_319 = arith.cmpi slt, %add3A_317, %lt3A_318 : i32
      %convert_element_type3A_320 = arith.extui %lt3A_319 : i1 to i32
      %cond3A_321 = arith.constant 0 : i32
      %cond3A_322 = arith.cmpi ne, %convert_element_type3A_320, %cond3A_321 : i32
      scf.if %cond3A_322 {
        %add3A_356 = arith.constant 2 : i32
        %add3A_357 = arith.addi %add3A_293, %add3A_356 : i32
        %dma_start3A_358 = arith.constant 0 : i32
        %dma_start3A_359 = tpu.memref_slice %arg7[%add3A_357, %dma_start3A_358] : memref<25x100xi32, #tpu.memory_space<vmem>> -> memref<1x100xi32, #tpu.memory_space<vmem>>
        %dma_start3A_360 = tpu.memref_squeeze %dma_start3A_359 : memref<1x100xi32, #tpu.memory_space<vmem>> -> memref<100xi32, #tpu.memory_space<vmem>>
        %dma_start3A_361 = arith.constant 0 : i32
        %dma_start3A_362 = arith.constant 0 : i32
        %dma_start3A_363 = tpu.memref_slice %arg2[%dma_start3A_361, %dma_start3A_362] : memref<10000x128xf32, #tpu.memory_space<hbm>> -> memref<10000x128xf32, #tpu.memory_space<hbm>>
        tpu.enqueue_indirect_dma source(%dma_start3A_363 : memref<10000x128xf32, #tpu.memory_space<hbm>>) target(%arg9 : memref<100x128xf32, #tpu.memory_space<vmem>>) offsets(%dma_start3A_360 : memref<100xi32, #tpu.memory_space<vmem>>) semaphore(%arg12 : memref<!tpu.dma_semaphore, #tpu.memory_space<semaphore_mem>>)
      } else {
      }
      %mul3A_323 = arith.constant 3 : i32
      %mul3A_324 = arith.muli %mul3A_323, %scan3A_258 : i32
      %add3A_325 = arith.constant 2 : i32
      %add3A_326 = arith.addi %mul3A_324, %add3A_325 : i32
      %dma_wait3A_327 = arith.constant 0 : i32
      %dma_wait3A_328 = tpu.memref_slice %arg7[%add3A_326, %dma_wait3A_327] : memref<25x100xi32, #tpu.memory_space<vmem>> -> memref<1x100xi32, #tpu.memory_space<vmem>>
      %dma_wait3A_329 = tpu.memref_squeeze %dma_wait3A_328 : memref<1x100xi32, #tpu.memory_space<vmem>> -> memref<100xi32, #tpu.memory_space<vmem>>
      %dma_wait3A_330 = arith.constant 0 : i32
      %dma_wait3A_331 = arith.constant 0 : i32
      %dma_wait3A_332 = tpu.memref_slice %arg2[%dma_wait3A_330, %dma_wait3A_331] : memref<10000x128xf32, #tpu.memory_space<hbm>> -> memref<10000x128xf32, #tpu.memory_space<hbm>>
      tpu.wait_indirect_dma semaphore(%arg14 : memref<!tpu.dma_semaphore, #tpu.memory_space<semaphore_mem>>) src(%dma_wait3A_332 : memref<10000x128xf32, #tpu.memory_space<hbm>>) dst(%arg11 : memref<100x128xf32, #tpu.memory_space<vmem>>)
      %dma_start3A_333 = arith.constant 0 : i32
      %dma_start3A_334 = tpu.memref_slice %arg8[%add3A_326, %dma_start3A_333] : memref<25x100xi32, #tpu.memory_space<vmem>> -> memref<1x100xi32, #tpu.memory_space<vmem>>
      %dma_start3A_335 = tpu.memref_squeeze %dma_start3A_334 : memref<1x100xi32, #tpu.memory_space<vmem>> -> memref<100xi32, #tpu.memory_space<vmem>>
      %dma_start3A_336 = arith.constant 0 : i32
      %dma_start3A_337 = arith.constant 0 : i32
      %dma_start3A_338 = tpu.memref_slice %arg18[%dma_start3A_336, %dma_start3A_337] : memref<10000x128xf32, #tpu.memory_space<vmem_shared>> -> memref<10000x128xf32, #tpu.memory_space<vmem_shared>>
      tpu.enqueue_indirect_dma source(%arg11 : memref<100x128xf32, #tpu.memory_space<vmem>>) target(%dma_start3A_338 : memref<10000x128xf32, #tpu.memory_space<vmem_shared>>) offsets(%dma_start3A_335 : memref<100xi32, #tpu.memory_space<vmem>>) semaphore(%arg17 : memref<!tpu.dma_semaphore, #tpu.memory_space<semaphore_mem>>) {add = true}
      %ge3A_339 = arith.constant 1 : i32
      %ge3A_340 = arith.cmpi sge, %add3A_326, %ge3A_339 : i32
      %add3A_341 = arith.constant 2 : i32
      %add3A_342 = arith.addi %add3A_326, %add3A_341 : i32
      %lt3A_343 = arith.constant 25 : i32
      %lt3A_344 = arith.cmpi slt, %add3A_342, %lt3A_343 : i32
      %and3A_345 = arith.andi %ge3A_340, %lt3A_344 : i1
      %convert_element_type3A_346 = arith.extui %and3A_345 : i1 to i32
      %cond3A_347 = arith.constant 0 : i32
      %cond3A_348 = arith.cmpi ne, %convert_element_type3A_346, %cond3A_347 : i32
      scf.if %cond3A_348 {
        %dma_wait3A_356 = arith.constant 0 : i32
        %dma_wait3A_357 = tpu.memref_slice %arg8[%add3A_326, %dma_wait3A_356] : memref<25x100xi32, #tpu.memory_space<vmem>> -> memref<1x100xi32, #tpu.memory_space<vmem>>
        %dma_wait3A_358 = tpu.memref_squeeze %dma_wait3A_357 : memref<1x100xi32, #tpu.memory_space<vmem>> -> memref<100xi32, #tpu.memory_space<vmem>>
        %dma_wait3A_359 = arith.constant 0 : i32
        %dma_wait3A_360 = arith.constant 0 : i32
        %dma_wait3A_361 = tpu.memref_slice %arg18[%dma_wait3A_359, %dma_wait3A_360] : memref<10000x128xf32, #tpu.memory_space<vmem_shared>> -> memref<10000x128xf32, #tpu.memory_space<vmem_shared>>
        tpu.wait_indirect_dma semaphore(%arg16 : memref<!tpu.dma_semaphore, #tpu.memory_space<semaphore_mem>>) src(%arg10 : memref<100x128xf32, #tpu.memory_space<vmem>>) dst(%dma_wait3A_361 : memref<10000x128xf32, #tpu.memory_space<vmem_shared>>)
      } else {
      }
      %add3A_349 = arith.constant 2 : i32
      %add3A_350 = arith.addi %add3A_326, %add3A_349 : i32
      %lt3A_351 = arith.constant 25 : i32
      %lt3A_352 = arith.cmpi slt, %add3A_350, %lt3A_351 : i32
      %convert_element_type3A_353 = arith.extui %lt3A_352 : i1 to i32
      %cond3A_354 = arith.constant 0 : i32
      %cond3A_355 = arith.cmpi ne, %convert_element_type3A_353, %cond3A_354 : i32
      scf.if %cond3A_355 {
        %add3A_356 = arith.constant 2 : i32
        %add3A_357 = arith.addi %add3A_326, %add3A_356 : i32
        %dma_start3A_358 = arith.constant 0 : i32
        %dma_start3A_359 = tpu.memref_slice %arg7[%add3A_357, %dma_start3A_358] : memref<25x100xi32, #tpu.memory_space<vmem>> -> memref<1x100xi32, #tpu.memory_space<vmem>>
        %dma_start3A_360 = tpu.memref_squeeze %dma_start3A_359 : memref<1x100xi32, #tpu.memory_space<vmem>> -> memref<100xi32, #tpu.memory_space<vmem>>
        %dma_start3A_361 = arith.constant 0 : i32
        %dma_start3A_362 = arith.constant 0 : i32
        %dma_start3A_363 = tpu.memref_slice %arg2[%dma_start3A_361, %dma_start3A_362] : memref<10000x128xf32, #tpu.memory_space<hbm>> -> memref<10000x128xf32, #tpu.memory_space<hbm>>
        tpu.enqueue_indirect_dma source(%dma_start3A_363 : memref<10000x128xf32, #tpu.memory_space<hbm>>) target(%arg10 : memref<100x128xf32, #tpu.memory_space<vmem>>) offsets(%dma_start3A_360 : memref<100xi32, #tpu.memory_space<vmem>>) semaphore(%arg13 : memref<!tpu.dma_semaphore, #tpu.memory_space<semaphore_mem>>)
      } else {
      }
    }
    %scan3A_152 = arith.constant 8 : i32
    %dma_wait3A_153 = arith.constant 24 : i32
    %dma_wait3A_154 = arith.constant 0 : i32
    %dma_wait3A_155 = tpu.memref_slice %arg7[%dma_wait3A_153, %dma_wait3A_154] : memref<25x100xi32, #tpu.memory_space<vmem>> -> memref<1x100xi32, #tpu.memory_space<vmem>>
    %dma_wait3A_156 = tpu.memref_squeeze %dma_wait3A_155 : memref<1x100xi32, #tpu.memory_space<vmem>> -> memref<100xi32, #tpu.memory_space<vmem>>
    %dma_wait3A_157 = arith.constant 0 : i32
    %dma_wait3A_158 = arith.constant 0 : i32
    %dma_wait3A_159 = tpu.memref_slice %arg2[%dma_wait3A_157, %dma_wait3A_158] : memref<10000x128xf32, #tpu.memory_space<hbm>> -> memref<10000x128xf32, #tpu.memory_space<hbm>>
    tpu.wait_indirect_dma semaphore(%arg12 : memref<!tpu.dma_semaphore, #tpu.memory_space<semaphore_mem>>) src(%dma_wait3A_159 : memref<10000x128xf32, #tpu.memory_space<hbm>>) dst(%arg9 : memref<100x128xf32, #tpu.memory_space<vmem>>)
    %dma_start3A_160 = arith.constant 24 : i32
    %dma_start3A_161 = arith.constant 0 : i32
    %dma_start3A_162 = tpu.memref_slice %arg8[%dma_start3A_160, %dma_start3A_161] : memref<25x100xi32, #tpu.memory_space<vmem>> -> memref<1x100xi32, #tpu.memory_space<vmem>>
    %dma_start3A_163 = tpu.memref_squeeze %dma_start3A_162 : memref<1x100xi32, #tpu.memory_space<vmem>> -> memref<100xi32, #tpu.memory_space<vmem>>
    %dma_start3A_164 = arith.constant 0 : i32
    %dma_start3A_165 = arith.constant 0 : i32
    %dma_start3A_166 = tpu.memref_slice %arg18[%dma_start3A_164, %dma_start3A_165] : memref<10000x128xf32, #tpu.memory_space<vmem_shared>> -> memref<10000x128xf32, #tpu.memory_space<vmem_shared>>
    tpu.enqueue_indirect_dma source(%arg9 : memref<100x128xf32, #tpu.memory_space<vmem>>) target(%dma_start3A_166 : memref<10000x128xf32, #tpu.memory_space<vmem_shared>>) offsets(%dma_start3A_163 : memref<100xi32, #tpu.memory_space<vmem>>) semaphore(%arg15 : memref<!tpu.dma_semaphore, #tpu.memory_space<semaphore_mem>>) {add = true}
    %and3A_167 = arith.constant true
    %and3A_168 = arith.constant false
    %and3A_169 = arith.andi %and3A_167, %and3A_168 : i1
    %convert_element_type3A_170 = arith.extui %and3A_169 : i1 to i32
    %cond3A_171 = arith.constant 0 : i32
    %cond3A_172 = arith.cmpi ne, %convert_element_type3A_170, %cond3A_171 : i32
    scf.if %cond3A_172 {
      %dma_wait3A_258 = arith.constant 24 : i32
      %dma_wait3A_259 = arith.constant 0 : i32
      %dma_wait3A_260 = tpu.memref_slice %arg8[%dma_wait3A_258, %dma_wait3A_259] : memref<25x100xi32, #tpu.memory_space<vmem>> -> memref<1x100xi32, #tpu.memory_space<vmem>>
      %dma_wait3A_261 = tpu.memref_squeeze %dma_wait3A_260 : memref<1x100xi32, #tpu.memory_space<vmem>> -> memref<100xi32, #tpu.memory_space<vmem>>
      %dma_wait3A_262 = arith.constant 0 : i32
      %dma_wait3A_263 = arith.constant 0 : i32
      %dma_wait3A_264 = tpu.memref_slice %arg18[%dma_wait3A_262, %dma_wait3A_263] : memref<10000x128xf32, #tpu.memory_space<vmem_shared>> -> memref<10000x128xf32, #tpu.memory_space<vmem_shared>>
      tpu.wait_indirect_dma semaphore(%arg17 : memref<!tpu.dma_semaphore, #tpu.memory_space<semaphore_mem>>) src(%arg11 : memref<100x128xf32, #tpu.memory_space<vmem>>) dst(%dma_wait3A_264 : memref<10000x128xf32, #tpu.memory_space<vmem_shared>>)
    } else {
    }
    %dma_wait3A_173 = arith.constant 0 : i32
    %dma_wait3A_174 = arith.constant 0 : i32
    %dma_wait3A_175 = tpu.memref_slice %arg8[%dma_wait3A_173, %dma_wait3A_174] : memref<25x100xi32, #tpu.memory_space<vmem>> -> memref<1x100xi32, #tpu.memory_space<vmem>>
    %dma_wait3A_176 = tpu.memref_squeeze %dma_wait3A_175 : memref<1x100xi32, #tpu.memory_space<vmem>> -> memref<100xi32, #tpu.memory_space<vmem>>
    %dma_wait3A_177 = arith.constant 0 : i32
    %dma_wait3A_178 = arith.constant 0 : i32
    %dma_wait3A_179 = tpu.memref_slice %arg18[%dma_wait3A_177, %dma_wait3A_178] : memref<10000x128xf32, #tpu.memory_space<vmem_shared>> -> memref<10000x128xf32, #tpu.memory_space<vmem_shared>>
    tpu.wait_indirect_dma semaphore(%arg16 : memref<!tpu.dma_semaphore, #tpu.memory_space<semaphore_mem>>) src(%arg10 : memref<100x128xf32, #tpu.memory_space<vmem>>) dst(%dma_wait3A_179 : memref<10000x128xf32, #tpu.memory_space<vmem_shared>>)
    %dma_wait3A_180 = arith.constant 0 : i32
    %dma_wait3A_181 = arith.constant 0 : i32
    %dma_wait3A_182 = tpu.memref_slice %arg8[%dma_wait3A_180, %dma_wait3A_181] : memref<25x100xi32, #tpu.memory_space<vmem>> -> memref<1x100xi32, #tpu.memory_space<vmem>>
    %dma_wait3A_183 = tpu.memref_squeeze %dma_wait3A_182 : memref<1x100xi32, #tpu.memory_space<vmem>> -> memref<100xi32, #tpu.memory_space<vmem>>
    %dma_wait3A_184 = arith.constant 0 : i32
    %dma_wait3A_185 = arith.constant 0 : i32
    %dma_wait3A_186 = tpu.memref_slice %arg18[%dma_wait3A_184, %dma_wait3A_185] : memref<10000x128xf32, #tpu.memory_space<vmem_shared>> -> memref<10000x128xf32, #tpu.memory_space<vmem_shared>>
    tpu.wait_indirect_dma semaphore(%arg17 : memref<!tpu.dma_semaphore, #tpu.memory_space<semaphore_mem>>) src(%arg11 : memref<100x128xf32, #tpu.memory_space<vmem>>) dst(%dma_wait3A_186 : memref<10000x128xf32, #tpu.memory_space<vmem_shared>>)
    %dma_wait3A_187 = arith.constant 0 : i32
    %dma_wait3A_188 = arith.constant 0 : i32
    %dma_wait3A_189 = tpu.memref_slice %arg8[%dma_wait3A_187, %dma_wait3A_188] : memref<25x100xi32, #tpu.memory_space<vmem>> -> memref<1x100xi32, #tpu.memory_space<vmem>>
    %dma_wait3A_190 = tpu.memref_squeeze %dma_wait3A_189 : memref<1x100xi32, #tpu.memory_space<vmem>> -> memref<100xi32, #tpu.memory_space<vmem>>
    %dma_wait3A_191 = arith.constant 0 : i32
    %dma_wait3A_192 = arith.constant 0 : i32
    %dma_wait3A_193 = tpu.memref_slice %arg18[%dma_wait3A_191, %dma_wait3A_192] : memref<10000x128xf32, #tpu.memory_space<vmem_shared>> -> memref<10000x128xf32, #tpu.memory_space<vmem_shared>>
    tpu.wait_indirect_dma semaphore(%arg15 : memref<!tpu.dma_semaphore, #tpu.memory_space<semaphore_mem>>) src(%arg9 : memref<100x128xf32, #tpu.memory_space<vmem>>) dst(%dma_wait3A_193 : memref<10000x128xf32, #tpu.memory_space<vmem_shared>>)
    %run_scoped3A_194 = arith.constant 3 : i32
    "tpu.region"() ({
      %run_scoped3A_258 = tpu.sem_alloc : memref<!tpu.dma_semaphore, #tpu.memory_space<semaphore_mem>>
      %dma_start3A_259 = arith.constant 0 : i32
      %dma_start3A_260 = arith.constant 0 : i32
      %dma_start3A_261 = tpu.memref_slice %arg4[%add3A, %run_scoped3A_194, %dma_start3A_259, %dma_start3A_260] : memref<32x4x25x100xi32, #tpu.memory_space<hbm>> -> memref<1x1x25x100xi32, #tpu.memory_space<hbm>>
      %dma_start3A_262 = tpu.memref_squeeze %dma_start3A_261 : memref<1x1x25x100xi32, #tpu.memory_space<hbm>> -> memref<25x100xi32, #tpu.memory_space<hbm>>
      %dma_start3A_263 = arith.constant 0 : i32
      %dma_start3A_264 = arith.constant 0 : i32
      %dma_start3A_265 = tpu.memref_slice %arg4[%add3A, %run_scoped3A_194, %dma_start3A_263, %dma_start3A_264] : memref<32x4x25x100xi32, #tpu.memory_space<hbm>> -> memref<1x1x25x100xi32, #tpu.memory_space<hbm>>
      %dma_start3A_266 = tpu.memref_squeeze %dma_start3A_265 : memref<1x1x25x100xi32, #tpu.memory_space<hbm>> -> memref<25x100xi32, #tpu.memory_space<hbm>>
      tpu.enqueue_dma source(%dma_start3A_266 : memref<25x100xi32, #tpu.memory_space<hbm>>) target(%arg7 : memref<25x100xi32, #tpu.memory_space<vmem>>) target_semaphore(%run_scoped3A_258 : memref<!tpu.dma_semaphore, #tpu.memory_space<semaphore_mem>>)
      %dma_wait3A_267 = arith.constant 0 : i32
      %dma_wait3A_268 = arith.constant 0 : i32
      %dma_wait3A_269 = tpu.memref_slice %arg4[%add3A, %run_scoped3A_194, %dma_wait3A_267, %dma_wait3A_268] : memref<32x4x25x100xi32, #tpu.memory_space<hbm>> -> memref<1x1x25x100xi32, #tpu.memory_space<hbm>>
      %dma_wait3A_270 = tpu.memref_squeeze %dma_wait3A_269 : memref<1x1x25x100xi32, #tpu.memory_space<hbm>> -> memref<25x100xi32, #tpu.memory_space<hbm>>
      %dma_wait3A_271 = arith.constant 0 : i32
      %dma_wait3A_272 = arith.constant 0 : i32
      %dma_wait3A_273 = tpu.memref_slice %arg4[%add3A, %run_scoped3A_194, %dma_wait3A_271, %dma_wait3A_272] : memref<32x4x25x100xi32, #tpu.memory_space<hbm>> -> memref<1x1x25x100xi32, #tpu.memory_space<hbm>>
      %dma_wait3A_274 = tpu.memref_squeeze %dma_wait3A_273 : memref<1x1x25x100xi32, #tpu.memory_space<hbm>> -> memref<25x100xi32, #tpu.memory_space<hbm>>
      tpu.wait_dma2 semaphore(%run_scoped3A_258 : memref<!tpu.dma_semaphore, #tpu.memory_space<semaphore_mem>>) src(%dma_wait3A_274 : memref<25x100xi32, #tpu.memory_space<hbm>>) dst(%arg7 : memref<25x100xi32, #tpu.memory_space<vmem>>)
      tpu.yield
    }) : () -> ()
    %run_scoped3A_195 = arith.constant 3 : i32
    "tpu.region"() ({
      %run_scoped3A_258 = tpu.sem_alloc : memref<!tpu.dma_semaphore, #tpu.memory_space<semaphore_mem>>
      %dma_start3A_259 = arith.constant 0 : i32
      %dma_start3A_260 = arith.constant 0 : i32
      %dma_start3A_261 = tpu.memref_slice %arg3[%add3A, %run_scoped3A_195, %dma_start3A_259, %dma_start3A_260] : memref<32x4x25x100xi32, #tpu.memory_space<hbm>> -> memref<1x1x25x100xi32, #tpu.memory_space<hbm>>
      %dma_start3A_262 = tpu.memref_squeeze %dma_start3A_261 : memref<1x1x25x100xi32, #tpu.memory_space<hbm>> -> memref<25x100xi32, #tpu.memory_space<hbm>>
      %dma_start3A_263 = arith.constant 0 : i32
      %dma_start3A_264 = arith.constant 0 : i32
      %dma_start3A_265 = tpu.memref_slice %arg3[%add3A, %run_scoped3A_195, %dma_start3A_263, %dma_start3A_264] : memref<32x4x25x100xi32, #tpu.memory_space<hbm>> -> memref<1x1x25x100xi32, #tpu.memory_space<hbm>>
      %dma_start3A_266 = tpu.memref_squeeze %dma_start3A_265 : memref<1x1x25x100xi32, #tpu.memory_space<hbm>> -> memref<25x100xi32, #tpu.memory_space<hbm>>
      tpu.enqueue_dma source(%dma_start3A_266 : memref<25x100xi32, #tpu.memory_space<hbm>>) target(%arg8 : memref<25x100xi32, #tpu.memory_space<vmem>>) target_semaphore(%run_scoped3A_258 : memref<!tpu.dma_semaphore, #tpu.memory_space<semaphore_mem>>)
      %dma_wait3A_267 = arith.constant 0 : i32
      %dma_wait3A_268 = arith.constant 0 : i32
      %dma_wait3A_269 = tpu.memref_slice %arg3[%add3A, %run_scoped3A_195, %dma_wait3A_267, %dma_wait3A_268] : memref<32x4x25x100xi32, #tpu.memory_space<hbm>> -> memref<1x1x25x100xi32, #tpu.memory_space<hbm>>
      %dma_wait3A_270 = tpu.memref_squeeze %dma_wait3A_269 : memref<1x1x25x100xi32, #tpu.memory_space<hbm>> -> memref<25x100xi32, #tpu.memory_space<hbm>>
      %dma_wait3A_271 = arith.constant 0 : i32
      %dma_wait3A_272 = arith.constant 0 : i32
      %dma_wait3A_273 = tpu.memref_slice %arg3[%add3A, %run_scoped3A_195, %dma_wait3A_271, %dma_wait3A_272] : memref<32x4x25x100xi32, #tpu.memory_space<hbm>> -> memref<1x1x25x100xi32, #tpu.memory_space<hbm>>
      %dma_wait3A_274 = tpu.memref_squeeze %dma_wait3A_273 : memref<1x1x25x100xi32, #tpu.memory_space<hbm>> -> memref<25x100xi32, #tpu.memory_space<hbm>>
      tpu.wait_dma2 semaphore(%run_scoped3A_258 : memref<!tpu.dma_semaphore, #tpu.memory_space<semaphore_mem>>) src(%dma_wait3A_274 : memref<25x100xi32, #tpu.memory_space<hbm>>) dst(%arg8 : memref<25x100xi32, #tpu.memory_space<vmem>>)
      tpu.yield
    }) : () -> ()
    %dma_start3A_196 = arith.constant 0 : i32
    %dma_start3A_197 = arith.constant 0 : i32
    %dma_start3A_198 = tpu.memref_slice %arg7[%dma_start3A_196, %dma_start3A_197] : memref<25x100xi32, #tpu.memory_space<vmem>> -> memref<1x100xi32, #tpu.memory_space<vmem>>
    %dma_start3A_199 = tpu.memref_squeeze %dma_start3A_198 : memref<1x100xi32, #tpu.memory_space<vmem>> -> memref<100xi32, #tpu.memory_space<vmem>>
    %dma_start3A_200 = arith.constant 0 : i32
    %dma_start3A_201 = arith.constant 0 : i32
    %dma_start3A_202 = tpu.memref_slice %arg2[%dma_start3A_200, %dma_start3A_201] : memref<10000x128xf32, #tpu.memory_space<hbm>> -> memref<10000x128xf32, #tpu.memory_space<hbm>>
    tpu.enqueue_indirect_dma source(%dma_start3A_202 : memref<10000x128xf32, #tpu.memory_space<hbm>>) target(%arg9 : memref<100x128xf32, #tpu.memory_space<vmem>>) offsets(%dma_start3A_199 : memref<100xi32, #tpu.memory_space<vmem>>) semaphore(%arg12 : memref<!tpu.dma_semaphore, #tpu.memory_space<semaphore_mem>>)
    %dma_start3A_203 = arith.constant 1 : i32
    %dma_start3A_204 = arith.constant 0 : i32
    %dma_start3A_205 = tpu.memref_slice %arg7[%dma_start3A_203, %dma_start3A_204] : memref<25x100xi32, #tpu.memory_space<vmem>> -> memref<1x100xi32, #tpu.memory_space<vmem>>
    %dma_start3A_206 = tpu.memref_squeeze %dma_start3A_205 : memref<1x100xi32, #tpu.memory_space<vmem>> -> memref<100xi32, #tpu.memory_space<vmem>>
    %dma_start3A_207 = arith.constant 0 : i32
    %dma_start3A_208 = arith.constant 0 : i32
    %dma_start3A_209 = tpu.memref_slice %arg2[%dma_start3A_207, %dma_start3A_208] : memref<10000x128xf32, #tpu.memory_space<hbm>> -> memref<10000x128xf32, #tpu.memory_space<hbm>>
    tpu.enqueue_indirect_dma source(%dma_start3A_209 : memref<10000x128xf32, #tpu.memory_space<hbm>>) target(%arg10 : memref<100x128xf32, #tpu.memory_space<vmem>>) offsets(%dma_start3A_206 : memref<100xi32, #tpu.memory_space<vmem>>) semaphore(%arg13 : memref<!tpu.dma_semaphore, #tpu.memory_space<semaphore_mem>>)
    %scan3A_210 = arith.constant 0 : i32
    %scan3A_211 = arith.constant 0 : i32
    %scan3A_212 = arith.constant 8 : i32
    %scan3A_213 = arith.addi %scan3A_211, %scan3A_212 : i32
    %scan3A_214 = arith.constant 1 : i32
    scf.for %scan3A_258 = %scan3A_211 to %scan3A_213 step %scan3A_214  : i32 {
      %mul3A_259 = arith.constant 3 : i32
      %mul3A_260 = arith.muli %mul3A_259, %scan3A_258 : i32
      %add3A_261 = arith.constant 0 : i32
      %add3A_262 = arith.addi %mul3A_260, %add3A_261 : i32
      %dma_wait3A_263 = arith.constant 0 : i32
      %dma_wait3A_264 = tpu.memref_slice %arg7[%add3A_262, %dma_wait3A_263] : memref<25x100xi32, #tpu.memory_space<vmem>> -> memref<1x100xi32, #tpu.memory_space<vmem>>
      %dma_wait3A_265 = tpu.memref_squeeze %dma_wait3A_264 : memref<1x100xi32, #tpu.memory_space<vmem>> -> memref<100xi32, #tpu.memory_space<vmem>>
      %dma_wait3A_266 = arith.constant 0 : i32
      %dma_wait3A_267 = arith.constant 0 : i32
      %dma_wait3A_268 = tpu.memref_slice %arg2[%dma_wait3A_266, %dma_wait3A_267] : memref<10000x128xf32, #tpu.memory_space<hbm>> -> memref<10000x128xf32, #tpu.memory_space<hbm>>
      tpu.wait_indirect_dma semaphore(%arg12 : memref<!tpu.dma_semaphore, #tpu.memory_space<semaphore_mem>>) src(%dma_wait3A_268 : memref<10000x128xf32, #tpu.memory_space<hbm>>) dst(%arg9 : memref<100x128xf32, #tpu.memory_space<vmem>>)
      %dma_start3A_269 = arith.constant 0 : i32
      %dma_start3A_270 = tpu.memref_slice %arg8[%add3A_262, %dma_start3A_269] : memref<25x100xi32, #tpu.memory_space<vmem>> -> memref<1x100xi32, #tpu.memory_space<vmem>>
      %dma_start3A_271 = tpu.memref_squeeze %dma_start3A_270 : memref<1x100xi32, #tpu.memory_space<vmem>> -> memref<100xi32, #tpu.memory_space<vmem>>
      %dma_start3A_272 = arith.constant 0 : i32
      %dma_start3A_273 = arith.constant 0 : i32
      %dma_start3A_274 = tpu.memref_slice %arg18[%dma_start3A_272, %dma_start3A_273] : memref<10000x128xf32, #tpu.memory_space<vmem_shared>> -> memref<10000x128xf32, #tpu.memory_space<vmem_shared>>
      tpu.enqueue_indirect_dma source(%arg9 : memref<100x128xf32, #tpu.memory_space<vmem>>) target(%dma_start3A_274 : memref<10000x128xf32, #tpu.memory_space<vmem_shared>>) offsets(%dma_start3A_271 : memref<100xi32, #tpu.memory_space<vmem>>) semaphore(%arg15 : memref<!tpu.dma_semaphore, #tpu.memory_space<semaphore_mem>>) {add = true}
      %ge3A = arith.constant 1 : i32
      %ge3A_275 = arith.cmpi sge, %add3A_262, %ge3A : i32
      %add3A_276 = arith.constant 2 : i32
      %add3A_277 = arith.addi %add3A_262, %add3A_276 : i32
      %lt3A = arith.constant 25 : i32
      %lt3A_278 = arith.cmpi slt, %add3A_277, %lt3A : i32
      %and3A_279 = arith.andi %ge3A_275, %lt3A_278 : i1
      %convert_element_type3A_280 = arith.extui %and3A_279 : i1 to i32
      %cond3A_281 = arith.constant 0 : i32
      %cond3A_282 = arith.cmpi ne, %convert_element_type3A_280, %cond3A_281 : i32
      scf.if %cond3A_282 {
        %dma_wait3A_356 = arith.constant 0 : i32
        %dma_wait3A_357 = tpu.memref_slice %arg8[%add3A_262, %dma_wait3A_356] : memref<25x100xi32, #tpu.memory_space<vmem>> -> memref<1x100xi32, #tpu.memory_space<vmem>>
        %dma_wait3A_358 = tpu.memref_squeeze %dma_wait3A_357 : memref<1x100xi32, #tpu.memory_space<vmem>> -> memref<100xi32, #tpu.memory_space<vmem>>
        %dma_wait3A_359 = arith.constant 0 : i32
        %dma_wait3A_360 = arith.constant 0 : i32
        %dma_wait3A_361 = tpu.memref_slice %arg18[%dma_wait3A_359, %dma_wait3A_360] : memref<10000x128xf32, #tpu.memory_space<vmem_shared>> -> memref<10000x128xf32, #tpu.memory_space<vmem_shared>>
        tpu.wait_indirect_dma semaphore(%arg17 : memref<!tpu.dma_semaphore, #tpu.memory_space<semaphore_mem>>) src(%arg11 : memref<100x128xf32, #tpu.memory_space<vmem>>) dst(%dma_wait3A_361 : memref<10000x128xf32, #tpu.memory_space<vmem_shared>>)
      } else {
      }
      %add3A_283 = arith.constant 2 : i32
      %add3A_284 = arith.addi %add3A_262, %add3A_283 : i32
      %lt3A_285 = arith.constant 25 : i32
      %lt3A_286 = arith.cmpi slt, %add3A_284, %lt3A_285 : i32
      %convert_element_type3A_287 = arith.extui %lt3A_286 : i1 to i32
      %cond3A_288 = arith.constant 0 : i32
      %cond3A_289 = arith.cmpi ne, %convert_element_type3A_287, %cond3A_288 : i32
      scf.if %cond3A_289 {
        %add3A_356 = arith.constant 2 : i32
        %add3A_357 = arith.addi %add3A_262, %add3A_356 : i32
        %dma_start3A_358 = arith.constant 0 : i32
        %dma_start3A_359 = tpu.memref_slice %arg7[%add3A_357, %dma_start3A_358] : memref<25x100xi32, #tpu.memory_space<vmem>> -> memref<1x100xi32, #tpu.memory_space<vmem>>
        %dma_start3A_360 = tpu.memref_squeeze %dma_start3A_359 : memref<1x100xi32, #tpu.memory_space<vmem>> -> memref<100xi32, #tpu.memory_space<vmem>>
        %dma_start3A_361 = arith.constant 0 : i32
        %dma_start3A_362 = arith.constant 0 : i32
        %dma_start3A_363 = tpu.memref_slice %arg2[%dma_start3A_361, %dma_start3A_362] : memref<10000x128xf32, #tpu.memory_space<hbm>> -> memref<10000x128xf32, #tpu.memory_space<hbm>>
        tpu.enqueue_indirect_dma source(%dma_start3A_363 : memref<10000x128xf32, #tpu.memory_space<hbm>>) target(%arg11 : memref<100x128xf32, #tpu.memory_space<vmem>>) offsets(%dma_start3A_360 : memref<100xi32, #tpu.memory_space<vmem>>) semaphore(%arg14 : memref<!tpu.dma_semaphore, #tpu.memory_space<semaphore_mem>>)
      } else {
      }
      %mul3A_290 = arith.constant 3 : i32
      %mul3A_291 = arith.muli %mul3A_290, %scan3A_258 : i32
      %add3A_292 = arith.constant 1 : i32
      %add3A_293 = arith.addi %mul3A_291, %add3A_292 : i32
      %dma_wait3A_294 = arith.constant 0 : i32
      %dma_wait3A_295 = tpu.memref_slice %arg7[%add3A_293, %dma_wait3A_294] : memref<25x100xi32, #tpu.memory_space<vmem>> -> memref<1x100xi32, #tpu.memory_space<vmem>>
      %dma_wait3A_296 = tpu.memref_squeeze %dma_wait3A_295 : memref<1x100xi32, #tpu.memory_space<vmem>> -> memref<100xi32, #tpu.memory_space<vmem>>
      %dma_wait3A_297 = arith.constant 0 : i32
      %dma_wait3A_298 = arith.constant 0 : i32
      %dma_wait3A_299 = tpu.memref_slice %arg2[%dma_wait3A_297, %dma_wait3A_298] : memref<10000x128xf32, #tpu.memory_space<hbm>> -> memref<10000x128xf32, #tpu.memory_space<hbm>>
      tpu.wait_indirect_dma semaphore(%arg13 : memref<!tpu.dma_semaphore, #tpu.memory_space<semaphore_mem>>) src(%dma_wait3A_299 : memref<10000x128xf32, #tpu.memory_space<hbm>>) dst(%arg10 : memref<100x128xf32, #tpu.memory_space<vmem>>)
      %dma_start3A_300 = arith.constant 0 : i32
      %dma_start3A_301 = tpu.memref_slice %arg8[%add3A_293, %dma_start3A_300] : memref<25x100xi32, #tpu.memory_space<vmem>> -> memref<1x100xi32, #tpu.memory_space<vmem>>
      %dma_start3A_302 = tpu.memref_squeeze %dma_start3A_301 : memref<1x100xi32, #tpu.memory_space<vmem>> -> memref<100xi32, #tpu.memory_space<vmem>>
      %dma_start3A_303 = arith.constant 0 : i32
      %dma_start3A_304 = arith.constant 0 : i32
      %dma_start3A_305 = tpu.memref_slice %arg18[%dma_start3A_303, %dma_start3A_304] : memref<10000x128xf32, #tpu.memory_space<vmem_shared>> -> memref<10000x128xf32, #tpu.memory_space<vmem_shared>>
      tpu.enqueue_indirect_dma source(%arg10 : memref<100x128xf32, #tpu.memory_space<vmem>>) target(%dma_start3A_305 : memref<10000x128xf32, #tpu.memory_space<vmem_shared>>) offsets(%dma_start3A_302 : memref<100xi32, #tpu.memory_space<vmem>>) semaphore(%arg16 : memref<!tpu.dma_semaphore, #tpu.memory_space<semaphore_mem>>) {add = true}
      %ge3A_306 = arith.constant 1 : i32
      %ge3A_307 = arith.cmpi sge, %add3A_293, %ge3A_306 : i32
      %add3A_308 = arith.constant 2 : i32
      %add3A_309 = arith.addi %add3A_293, %add3A_308 : i32
      %lt3A_310 = arith.constant 25 : i32
      %lt3A_311 = arith.cmpi slt, %add3A_309, %lt3A_310 : i32
      %and3A_312 = arith.andi %ge3A_307, %lt3A_311 : i1
      %convert_element_type3A_313 = arith.extui %and3A_312 : i1 to i32
      %cond3A_314 = arith.constant 0 : i32
      %cond3A_315 = arith.cmpi ne, %convert_element_type3A_313, %cond3A_314 : i32
      scf.if %cond3A_315 {
        %dma_wait3A_356 = arith.constant 0 : i32
        %dma_wait3A_357 = tpu.memref_slice %arg8[%add3A_293, %dma_wait3A_356] : memref<25x100xi32, #tpu.memory_space<vmem>> -> memref<1x100xi32, #tpu.memory_space<vmem>>
        %dma_wait3A_358 = tpu.memref_squeeze %dma_wait3A_357 : memref<1x100xi32, #tpu.memory_space<vmem>> -> memref<100xi32, #tpu.memory_space<vmem>>
        %dma_wait3A_359 = arith.constant 0 : i32
        %dma_wait3A_360 = arith.constant 0 : i32
        %dma_wait3A_361 = tpu.memref_slice %arg18[%dma_wait3A_359, %dma_wait3A_360] : memref<10000x128xf32, #tpu.memory_space<vmem_shared>> -> memref<10000x128xf32, #tpu.memory_space<vmem_shared>>
        tpu.wait_indirect_dma semaphore(%arg15 : memref<!tpu.dma_semaphore, #tpu.memory_space<semaphore_mem>>) src(%arg9 : memref<100x128xf32, #tpu.memory_space<vmem>>) dst(%dma_wait3A_361 : memref<10000x128xf32, #tpu.memory_space<vmem_shared>>)
      } else {
      }
      %add3A_316 = arith.constant 2 : i32
      %add3A_317 = arith.addi %add3A_293, %add3A_316 : i32
      %lt3A_318 = arith.constant 25 : i32
      %lt3A_319 = arith.cmpi slt, %add3A_317, %lt3A_318 : i32
      %convert_element_type3A_320 = arith.extui %lt3A_319 : i1 to i32
      %cond3A_321 = arith.constant 0 : i32
      %cond3A_322 = arith.cmpi ne, %convert_element_type3A_320, %cond3A_321 : i32
      scf.if %cond3A_322 {
        %add3A_356 = arith.constant 2 : i32
        %add3A_357 = arith.addi %add3A_293, %add3A_356 : i32
        %dma_start3A_358 = arith.constant 0 : i32
        %dma_start3A_359 = tpu.memref_slice %arg7[%add3A_357, %dma_start3A_358] : memref<25x100xi32, #tpu.memory_space<vmem>> -> memref<1x100xi32, #tpu.memory_space<vmem>>
        %dma_start3A_360 = tpu.memref_squeeze %dma_start3A_359 : memref<1x100xi32, #tpu.memory_space<vmem>> -> memref<100xi32, #tpu.memory_space<vmem>>
        %dma_start3A_361 = arith.constant 0 : i32
        %dma_start3A_362 = arith.constant 0 : i32
        %dma_start3A_363 = tpu.memref_slice %arg2[%dma_start3A_361, %dma_start3A_362] : memref<10000x128xf32, #tpu.memory_space<hbm>> -> memref<10000x128xf32, #tpu.memory_space<hbm>>
        tpu.enqueue_indirect_dma source(%dma_start3A_363 : memref<10000x128xf32, #tpu.memory_space<hbm>>) target(%arg9 : memref<100x128xf32, #tpu.memory_space<vmem>>) offsets(%dma_start3A_360 : memref<100xi32, #tpu.memory_space<vmem>>) semaphore(%arg12 : memref<!tpu.dma_semaphore, #tpu.memory_space<semaphore_mem>>)
      } else {
      }
      %mul3A_323 = arith.constant 3 : i32
      %mul3A_324 = arith.muli %mul3A_323, %scan3A_258 : i32
      %add3A_325 = arith.constant 2 : i32
      %add3A_326 = arith.addi %mul3A_324, %add3A_325 : i32
      %dma_wait3A_327 = arith.constant 0 : i32
      %dma_wait3A_328 = tpu.memref_slice %arg7[%add3A_326, %dma_wait3A_327] : memref<25x100xi32, #tpu.memory_space<vmem>> -> memref<1x100xi32, #tpu.memory_space<vmem>>
      %dma_wait3A_329 = tpu.memref_squeeze %dma_wait3A_328 : memref<1x100xi32, #tpu.memory_space<vmem>> -> memref<100xi32, #tpu.memory_space<vmem>>
      %dma_wait3A_330 = arith.constant 0 : i32
      %dma_wait3A_331 = arith.constant 0 : i32
      %dma_wait3A_332 = tpu.memref_slice %arg2[%dma_wait3A_330, %dma_wait3A_331] : memref<10000x128xf32, #tpu.memory_space<hbm>> -> memref<10000x128xf32, #tpu.memory_space<hbm>>
      tpu.wait_indirect_dma semaphore(%arg14 : memref<!tpu.dma_semaphore, #tpu.memory_space<semaphore_mem>>) src(%dma_wait3A_332 : memref<10000x128xf32, #tpu.memory_space<hbm>>) dst(%arg11 : memref<100x128xf32, #tpu.memory_space<vmem>>)
      %dma_start3A_333 = arith.constant 0 : i32
      %dma_start3A_334 = tpu.memref_slice %arg8[%add3A_326, %dma_start3A_333] : memref<25x100xi32, #tpu.memory_space<vmem>> -> memref<1x100xi32, #tpu.memory_space<vmem>>
      %dma_start3A_335 = tpu.memref_squeeze %dma_start3A_334 : memref<1x100xi32, #tpu.memory_space<vmem>> -> memref<100xi32, #tpu.memory_space<vmem>>
      %dma_start3A_336 = arith.constant 0 : i32
      %dma_start3A_337 = arith.constant 0 : i32
      %dma_start3A_338 = tpu.memref_slice %arg18[%dma_start3A_336, %dma_start3A_337] : memref<10000x128xf32, #tpu.memory_space<vmem_shared>> -> memref<10000x128xf32, #tpu.memory_space<vmem_shared>>
      tpu.enqueue_indirect_dma source(%arg11 : memref<100x128xf32, #tpu.memory_space<vmem>>) target(%dma_start3A_338 : memref<10000x128xf32, #tpu.memory_space<vmem_shared>>) offsets(%dma_start3A_335 : memref<100xi32, #tpu.memory_space<vmem>>) semaphore(%arg17 : memref<!tpu.dma_semaphore, #tpu.memory_space<semaphore_mem>>) {add = true}
      %ge3A_339 = arith.constant 1 : i32
      %ge3A_340 = arith.cmpi sge, %add3A_326, %ge3A_339 : i32
      %add3A_341 = arith.constant 2 : i32
      %add3A_342 = arith.addi %add3A_326, %add3A_341 : i32
      %lt3A_343 = arith.constant 25 : i32
      %lt3A_344 = arith.cmpi slt, %add3A_342, %lt3A_343 : i32
      %and3A_345 = arith.andi %ge3A_340, %lt3A_344 : i1
      %convert_element_type3A_346 = arith.extui %and3A_345 : i1 to i32
      %cond3A_347 = arith.constant 0 : i32
      %cond3A_348 = arith.cmpi ne, %convert_element_type3A_346, %cond3A_347 : i32
      scf.if %cond3A_348 {
        %dma_wait3A_356 = arith.constant 0 : i32
        %dma_wait3A_357 = tpu.memref_slice %arg8[%add3A_326, %dma_wait3A_356] : memref<25x100xi32, #tpu.memory_space<vmem>> -> memref<1x100xi32, #tpu.memory_space<vmem>>
        %dma_wait3A_358 = tpu.memref_squeeze %dma_wait3A_357 : memref<1x100xi32, #tpu.memory_space<vmem>> -> memref<100xi32, #tpu.memory_space<vmem>>
        %dma_wait3A_359 = arith.constant 0 : i32
        %dma_wait3A_360 = arith.constant 0 : i32
        %dma_wait3A_361 = tpu.memref_slice %arg18[%dma_wait3A_359, %dma_wait3A_360] : memref<10000x128xf32, #tpu.memory_space<vmem_shared>> -> memref<10000x128xf32, #tpu.memory_space<vmem_shared>>
        tpu.wait_indirect_dma semaphore(%arg16 : memref<!tpu.dma_semaphore, #tpu.memory_space<semaphore_mem>>) src(%arg10 : memref<100x128xf32, #tpu.memory_space<vmem>>) dst(%dma_wait3A_361 : memref<10000x128xf32, #tpu.memory_space<vmem_shared>>)
      } else {
      }
      %add3A_349 = arith.constant 2 : i32
      %add3A_350 = arith.addi %add3A_326, %add3A_349 : i32
      %lt3A_351 = arith.constant 25 : i32
      %lt3A_352 = arith.cmpi slt, %add3A_350, %lt3A_351 : i32
      %convert_element_type3A_353 = arith.extui %lt3A_352 : i1 to i32
      %cond3A_354 = arith.constant 0 : i32
      %cond3A_355 = arith.cmpi ne, %convert_element_type3A_353, %cond3A_354 : i32
      scf.if %cond3A_355 {
        %add3A_356 = arith.constant 2 : i32
        %add3A_357 = arith.addi %add3A_326, %add3A_356 : i32
        %dma_start3A_358 = arith.constant 0 : i32
        %dma_start3A_359 = tpu.memref_slice %arg7[%add3A_357, %dma_start3A_358] : memref<25x100xi32, #tpu.memory_space<vmem>> -> memref<1x100xi32, #tpu.memory_space<vmem>>
        %dma_start3A_360 = tpu.memref_squeeze %dma_start3A_359 : memref<1x100xi32, #tpu.memory_space<vmem>> -> memref<100xi32, #tpu.memory_space<vmem>>
        %dma_start3A_361 = arith.constant 0 : i32
        %dma_start3A_362 = arith.constant 0 : i32
        %dma_start3A_363 = tpu.memref_slice %arg2[%dma_start3A_361, %dma_start3A_362] : memref<10000x128xf32, #tpu.memory_space<hbm>> -> memref<10000x128xf32, #tpu.memory_space<hbm>>
        tpu.enqueue_indirect_dma source(%dma_start3A_363 : memref<10000x128xf32, #tpu.memory_space<hbm>>) target(%arg10 : memref<100x128xf32, #tpu.memory_space<vmem>>) offsets(%dma_start3A_360 : memref<100xi32, #tpu.memory_space<vmem>>) semaphore(%arg13 : memref<!tpu.dma_semaphore, #tpu.memory_space<semaphore_mem>>)
      } else {
      }
    }
    %scan3A_215 = arith.constant 8 : i32
    %dma_wait3A_216 = arith.constant 24 : i32
    %dma_wait3A_217 = arith.constant 0 : i32
    %dma_wait3A_218 = tpu.memref_slice %arg7[%dma_wait3A_216, %dma_wait3A_217] : memref<25x100xi32, #tpu.memory_space<vmem>> -> memref<1x100xi32, #tpu.memory_space<vmem>>
    %dma_wait3A_219 = tpu.memref_squeeze %dma_wait3A_218 : memref<1x100xi32, #tpu.memory_space<vmem>> -> memref<100xi32, #tpu.memory_space<vmem>>
    %dma_wait3A_220 = arith.constant 0 : i32
    %dma_wait3A_221 = arith.constant 0 : i32
    %dma_wait3A_222 = tpu.memref_slice %arg2[%dma_wait3A_220, %dma_wait3A_221] : memref<10000x128xf32, #tpu.memory_space<hbm>> -> memref<10000x128xf32, #tpu.memory_space<hbm>>
    tpu.wait_indirect_dma semaphore(%arg12 : memref<!tpu.dma_semaphore, #tpu.memory_space<semaphore_mem>>) src(%dma_wait3A_222 : memref<10000x128xf32, #tpu.memory_space<hbm>>) dst(%arg9 : memref<100x128xf32, #tpu.memory_space<vmem>>)
    %dma_start3A_223 = arith.constant 24 : i32
    %dma_start3A_224 = arith.constant 0 : i32
    %dma_start3A_225 = tpu.memref_slice %arg8[%dma_start3A_223, %dma_start3A_224] : memref<25x100xi32, #tpu.memory_space<vmem>> -> memref<1x100xi32, #tpu.memory_space<vmem>>
    %dma_start3A_226 = tpu.memref_squeeze %dma_start3A_225 : memref<1x100xi32, #tpu.memory_space<vmem>> -> memref<100xi32, #tpu.memory_space<vmem>>
    %dma_start3A_227 = arith.constant 0 : i32
    %dma_start3A_228 = arith.constant 0 : i32
    %dma_start3A_229 = tpu.memref_slice %arg18[%dma_start3A_227, %dma_start3A_228] : memref<10000x128xf32, #tpu.memory_space<vmem_shared>> -> memref<10000x128xf32, #tpu.memory_space<vmem_shared>>
    tpu.enqueue_indirect_dma source(%arg9 : memref<100x128xf32, #tpu.memory_space<vmem>>) target(%dma_start3A_229 : memref<10000x128xf32, #tpu.memory_space<vmem_shared>>) offsets(%dma_start3A_226 : memref<100xi32, #tpu.memory_space<vmem>>) semaphore(%arg15 : memref<!tpu.dma_semaphore, #tpu.memory_space<semaphore_mem>>) {add = true}
    %and3A_230 = arith.constant true
    %and3A_231 = arith.constant false
    %and3A_232 = arith.andi %and3A_230, %and3A_231 : i1
    %convert_element_type3A_233 = arith.extui %and3A_232 : i1 to i32
    %cond3A_234 = arith.constant 0 : i32
    %cond3A_235 = arith.cmpi ne, %convert_element_type3A_233, %cond3A_234 : i32
    scf.if %cond3A_235 {
      %dma_wait3A_258 = arith.constant 24 : i32
      %dma_wait3A_259 = arith.constant 0 : i32
      %dma_wait3A_260 = tpu.memref_slice %arg8[%dma_wait3A_258, %dma_wait3A_259] : memref<25x100xi32, #tpu.memory_space<vmem>> -> memref<1x100xi32, #tpu.memory_space<vmem>>
      %dma_wait3A_261 = tpu.memref_squeeze %dma_wait3A_260 : memref<1x100xi32, #tpu.memory_space<vmem>> -> memref<100xi32, #tpu.memory_space<vmem>>
      %dma_wait3A_262 = arith.constant 0 : i32
      %dma_wait3A_263 = arith.constant 0 : i32
      %dma_wait3A_264 = tpu.memref_slice %arg18[%dma_wait3A_262, %dma_wait3A_263] : memref<10000x128xf32, #tpu.memory_space<vmem_shared>> -> memref<10000x128xf32, #tpu.memory_space<vmem_shared>>
      tpu.wait_indirect_dma semaphore(%arg17 : memref<!tpu.dma_semaphore, #tpu.memory_space<semaphore_mem>>) src(%arg11 : memref<100x128xf32, #tpu.memory_space<vmem>>) dst(%dma_wait3A_264 : memref<10000x128xf32, #tpu.memory_space<vmem_shared>>)
    } else {
    }
    %dma_wait3A_236 = arith.constant 0 : i32
    %dma_wait3A_237 = arith.constant 0 : i32
    %dma_wait3A_238 = tpu.memref_slice %arg8[%dma_wait3A_236, %dma_wait3A_237] : memref<25x100xi32, #tpu.memory_space<vmem>> -> memref<1x100xi32, #tpu.memory_space<vmem>>
    %dma_wait3A_239 = tpu.memref_squeeze %dma_wait3A_238 : memref<1x100xi32, #tpu.memory_space<vmem>> -> memref<100xi32, #tpu.memory_space<vmem>>
    %dma_wait3A_240 = arith.constant 0 : i32
    %dma_wait3A_241 = arith.constant 0 : i32
    %dma_wait3A_242 = tpu.memref_slice %arg18[%dma_wait3A_240, %dma_wait3A_241] : memref<10000x128xf32, #tpu.memory_space<vmem_shared>> -> memref<10000x128xf32, #tpu.memory_space<vmem_shared>>
    tpu.wait_indirect_dma semaphore(%arg16 : memref<!tpu.dma_semaphore, #tpu.memory_space<semaphore_mem>>) src(%arg10 : memref<100x128xf32, #tpu.memory_space<vmem>>) dst(%dma_wait3A_242 : memref<10000x128xf32, #tpu.memory_space<vmem_shared>>)
    %dma_wait3A_243 = arith.constant 0 : i32
    %dma_wait3A_244 = arith.constant 0 : i32
    %dma_wait3A_245 = tpu.memref_slice %arg8[%dma_wait3A_243, %dma_wait3A_244] : memref<25x100xi32, #tpu.memory_space<vmem>> -> memref<1x100xi32, #tpu.memory_space<vmem>>
    %dma_wait3A_246 = tpu.memref_squeeze %dma_wait3A_245 : memref<1x100xi32, #tpu.memory_space<vmem>> -> memref<100xi32, #tpu.memory_space<vmem>>
    %dma_wait3A_247 = arith.constant 0 : i32
    %dma_wait3A_248 = arith.constant 0 : i32
    %dma_wait3A_249 = tpu.memref_slice %arg18[%dma_wait3A_247, %dma_wait3A_248] : memref<10000x128xf32, #tpu.memory_space<vmem_shared>> -> memref<10000x128xf32, #tpu.memory_space<vmem_shared>>
    tpu.wait_indirect_dma semaphore(%arg17 : memref<!tpu.dma_semaphore, #tpu.memory_space<semaphore_mem>>) src(%arg11 : memref<100x128xf32, #tpu.memory_space<vmem>>) dst(%dma_wait3A_249 : memref<10000x128xf32, #tpu.memory_space<vmem_shared>>)
    %dma_wait3A_250 = arith.constant 0 : i32
    %dma_wait3A_251 = arith.constant 0 : i32
    %dma_wait3A_252 = tpu.memref_slice %arg8[%dma_wait3A_250, %dma_wait3A_251] : memref<25x100xi32, #tpu.memory_space<vmem>> -> memref<1x100xi32, #tpu.memory_space<vmem>>
    %dma_wait3A_253 = tpu.memref_squeeze %dma_wait3A_252 : memref<1x100xi32, #tpu.memory_space<vmem>> -> memref<100xi32, #tpu.memory_space<vmem>>
    %dma_wait3A_254 = arith.constant 0 : i32
    %dma_wait3A_255 = arith.constant 0 : i32
    %dma_wait3A_256 = tpu.memref_slice %arg18[%dma_wait3A_254, %dma_wait3A_255] : memref<10000x128xf32, #tpu.memory_space<vmem_shared>> -> memref<10000x128xf32, #tpu.memory_space<vmem_shared>>
    tpu.wait_indirect_dma semaphore(%arg15 : memref<!tpu.dma_semaphore, #tpu.memory_space<semaphore_mem>>) src(%arg9 : memref<100x128xf32, #tpu.memory_space<vmem>>) dst(%dma_wait3A_256 : memref<10000x128xf32, #tpu.memory_space<vmem_shared>>)
    %barrier3A_257 = arith.constant 0 : index
    tpu.barrier barrier_id(%barrier3A_257)
    "tpu.region"() ({
      %run_scoped3A_258 = tpu.sem_alloc : memref<!tpu.dma_semaphore, #tpu.memory_space<semaphore_mem>>
      %dma_start3A_259 = arith.constant 0 : i32
      %dma_start3A_260 = tpu.memref_slice %arg6[%arg0, %min3A_3, %dma_start3A_259] : memref<2x10000x128xf32, #tpu.memory_space<hbm>> -> memref<1x632x128xf32, #tpu.memory_space<hbm>>
      %dma_start3A_261 = tpu.memref_squeeze %dma_start3A_260 : memref<1x632x128xf32, #tpu.memory_space<hbm>> -> memref<632x128xf32, #tpu.memory_space<hbm>>
      %dma_start3A_262 = arith.constant 0 : i32
      %dma_start3A_263 = tpu.memref_slice %arg18[%min3A_3, %dma_start3A_262] : memref<10000x128xf32, #tpu.memory_space<vmem_shared>> -> memref<632x128xf32, #tpu.memory_space<vmem_shared>>
      tpu.enqueue_dma source(%dma_start3A_263 : memref<632x128xf32, #tpu.memory_space<vmem_shared>>) target(%dma_start3A_261 : memref<632x128xf32, #tpu.memory_space<hbm>>) target_semaphore(%run_scoped3A_258 : memref<!tpu.dma_semaphore, #tpu.memory_space<semaphore_mem>>)
      %dma_wait3A_264 = arith.constant 0 : i32
      %dma_wait3A_265 = tpu.memref_slice %arg6[%arg0, %min3A_3, %dma_wait3A_264] : memref<2x10000x128xf32, #tpu.memory_space<hbm>> -> memref<1x632x128xf32, #tpu.memory_space<hbm>>
      %dma_wait3A_266 = tpu.memref_squeeze %dma_wait3A_265 : memref<1x632x128xf32, #tpu.memory_space<hbm>> -> memref<632x128xf32, #tpu.memory_space<hbm>>
      %dma_wait3A_267 = arith.constant 0 : i32
      %dma_wait3A_268 = tpu.memref_slice %arg18[%min3A_3, %dma_wait3A_267] : memref<10000x128xf32, #tpu.memory_space<vmem_shared>> -> memref<632x128xf32, #tpu.memory_space<vmem_shared>>
      tpu.wait_dma2 semaphore(%run_scoped3A_258 : memref<!tpu.dma_semaphore, #tpu.memory_space<semaphore_mem>>) src(%dma_wait3A_268 : memref<632x128xf32, #tpu.memory_space<vmem_shared>>) dst(%dma_wait3A_266 : memref<632x128xf32, #tpu.memory_space<hbm>>)
      tpu.yield
    }) : () -> ()
    return
  }
}

#map = affine_map<(d0, d1) -> (0, 0, 0)>
#map1 = affine_map<(d0, d1) -> (0, 0)>
module attributes {stable_mosaic.version = 14 : i64} {
  func.func @deg_kernel(%arg0: i32, %arg1: i32, %arg2: memref<32x100x100xi32, #tpu.memory_space<hbm>>, %arg3: memref<100x128xf32, #tpu.memory_space<hbm>>, %arg4: memref<10000x128xf32, #tpu.memory_space<hbm>>, %arg5: memref<2x10000x128xf32, #tpu.memory_space<hbm>>, %arg6: memref<100x100xi32, #tpu.memory_space<vmem>>, %arg7: memref<100x128xf32, #tpu.memory_space<vmem>>, %arg8: memref<10000x128xf32, #tpu.memory_space<vmem_shared>>, %arg9: memref<!tpu.dma_semaphore, #tpu.memory_space<semaphore_mem>>, %arg10: memref<!tpu.dma_semaphore, #tpu.memory_space<semaphore_mem>>, %arg11: memref<!tpu.dma_semaphore, #tpu.memory_space<semaphore_mem>>, %arg12: memref<!tpu.dma_semaphore, #tpu.memory_space<semaphore_mem>>) attributes {dimension_semantics = [#tpu.dimension_semantics<core_parallel>, #tpu.dimension_semantics<subcore_parallel>], iteration_bounds = array<i64: 2, 16>, scalar_prefetch = 0 : i64, scratch_operands = 7 : i64, tpu.core_type = #tpu.core_type<sc_vector_subcore>, window_params = [{transform_indices = #map}, {transform_indices = #map1}, {transform_indices = #map1}, {transform_indices = #map}]} {
    %mul3A = arith.constant 2 : i32
    %mul3A_0 = arith.muli %arg1, %mul3A : i32
    %add3A = arith.addi %mul3A_0, %arg0 : i32
    %mul3A_1 = arith.constant 632 : i32
    %mul3A_2 = arith.muli %arg1, %mul3A_1 : i32
    %min3A = arith.constant 9368 : i32
    %min3A_3 = arith.minsi %mul3A_2, %min3A : i32
    "tpu.region"() ({
      %run_scoped3A = tpu.sem_alloc : memref<!tpu.dma_semaphore, #tpu.memory_space<semaphore_mem>>
      %dma_start3A = arith.constant 0 : i32
      %dma_start3A_37 = tpu.memref_slice %arg8[%min3A_3, %dma_start3A] : memref<10000x128xf32, #tpu.memory_space<vmem_shared>> -> memref<632x128xf32, #tpu.memory_space<vmem_shared>>
      %dma_start3A_38 = arith.constant 0 : i32
      %dma_start3A_39 = tpu.memref_slice %arg4[%min3A_3, %dma_start3A_38] : memref<10000x128xf32, #tpu.memory_space<hbm>> -> memref<632x128xf32, #tpu.memory_space<hbm>>
      tpu.enqueue_dma source(%dma_start3A_39 : memref<632x128xf32, #tpu.memory_space<hbm>>) target(%dma_start3A_37 : memref<632x128xf32, #tpu.memory_space<vmem_shared>>) target_semaphore(%run_scoped3A : memref<!tpu.dma_semaphore, #tpu.memory_space<semaphore_mem>>)
      %dma_wait3A_40 = arith.constant 0 : i32
      %dma_wait3A_41 = tpu.memref_slice %arg8[%min3A_3, %dma_wait3A_40] : memref<10000x128xf32, #tpu.memory_space<vmem_shared>> -> memref<632x128xf32, #tpu.memory_space<vmem_shared>>
      %dma_wait3A_42 = arith.constant 0 : i32
      %dma_wait3A_43 = tpu.memref_slice %arg4[%min3A_3, %dma_wait3A_42] : memref<10000x128xf32, #tpu.memory_space<hbm>> -> memref<632x128xf32, #tpu.memory_space<hbm>>
      tpu.wait_dma2 semaphore(%run_scoped3A : memref<!tpu.dma_semaphore, #tpu.memory_space<semaphore_mem>>) src(%dma_wait3A_43 : memref<632x128xf32, #tpu.memory_space<hbm>>) dst(%dma_wait3A_41 : memref<632x128xf32, #tpu.memory_space<vmem_shared>>)
      tpu.yield
    }) : () -> ()
    "tpu.region"() ({
      %run_scoped3A = tpu.sem_alloc : memref<!tpu.dma_semaphore, #tpu.memory_space<semaphore_mem>>
      tpu.enqueue_dma source(%arg3 : memref<100x128xf32, #tpu.memory_space<hbm>>) target(%arg7 : memref<100x128xf32, #tpu.memory_space<vmem>>) target_semaphore(%run_scoped3A : memref<!tpu.dma_semaphore, #tpu.memory_space<semaphore_mem>>)
      tpu.wait_dma2 semaphore(%run_scoped3A : memref<!tpu.dma_semaphore, #tpu.memory_space<semaphore_mem>>) src(%arg3 : memref<100x128xf32, #tpu.memory_space<hbm>>) dst(%arg7 : memref<100x128xf32, #tpu.memory_space<vmem>>)
      tpu.yield
    }) : () -> ()
    "tpu.region"() ({
      %run_scoped3A = tpu.sem_alloc : memref<!tpu.dma_semaphore, #tpu.memory_space<semaphore_mem>>
      %dma_start3A = arith.constant 0 : i32
      %dma_start3A_37 = arith.constant 0 : i32
      %dma_start3A_38 = tpu.memref_slice %arg2[%add3A, %dma_start3A, %dma_start3A_37] : memref<32x100x100xi32, #tpu.memory_space<hbm>> -> memref<1x100x100xi32, #tpu.memory_space<hbm>>
      %dma_start3A_39 = tpu.memref_squeeze %dma_start3A_38 : memref<1x100x100xi32, #tpu.memory_space<hbm>> -> memref<100x100xi32, #tpu.memory_space<hbm>>
      %dma_start3A_40 = arith.constant 0 : i32
      %dma_start3A_41 = arith.constant 0 : i32
      %dma_start3A_42 = tpu.memref_slice %arg2[%add3A, %dma_start3A_40, %dma_start3A_41] : memref<32x100x100xi32, #tpu.memory_space<hbm>> -> memref<1x100x100xi32, #tpu.memory_space<hbm>>
      %dma_start3A_43 = tpu.memref_squeeze %dma_start3A_42 : memref<1x100x100xi32, #tpu.memory_space<hbm>> -> memref<100x100xi32, #tpu.memory_space<hbm>>
      tpu.enqueue_dma source(%dma_start3A_43 : memref<100x100xi32, #tpu.memory_space<hbm>>) target(%arg6 : memref<100x100xi32, #tpu.memory_space<vmem>>) target_semaphore(%run_scoped3A : memref<!tpu.dma_semaphore, #tpu.memory_space<semaphore_mem>>)
      %dma_wait3A_44 = arith.constant 0 : i32
      %dma_wait3A_45 = arith.constant 0 : i32
      %dma_wait3A_46 = tpu.memref_slice %arg2[%add3A, %dma_wait3A_44, %dma_wait3A_45] : memref<32x100x100xi32, #tpu.memory_space<hbm>> -> memref<1x100x100xi32, #tpu.memory_space<hbm>>
      %dma_wait3A_47 = tpu.memref_squeeze %dma_wait3A_46 : memref<1x100x100xi32, #tpu.memory_space<hbm>> -> memref<100x100xi32, #tpu.memory_space<hbm>>
      %dma_wait3A_48 = arith.constant 0 : i32
      %dma_wait3A_49 = arith.constant 0 : i32
      %dma_wait3A_50 = tpu.memref_slice %arg2[%add3A, %dma_wait3A_48, %dma_wait3A_49] : memref<32x100x100xi32, #tpu.memory_space<hbm>> -> memref<1x100x100xi32, #tpu.memory_space<hbm>>
      %dma_wait3A_51 = tpu.memref_squeeze %dma_wait3A_50 : memref<1x100x100xi32, #tpu.memory_space<hbm>> -> memref<100x100xi32, #tpu.memory_space<hbm>>
      tpu.wait_dma2 semaphore(%run_scoped3A : memref<!tpu.dma_semaphore, #tpu.memory_space<semaphore_mem>>) src(%dma_wait3A_51 : memref<100x100xi32, #tpu.memory_space<hbm>>) dst(%arg6 : memref<100x100xi32, #tpu.memory_space<vmem>>)
      tpu.yield
    }) : () -> ()
    %barrier3A = arith.constant 0 : index
    tpu.barrier barrier_id(%barrier3A)
    %scan3A = arith.constant 0 : i32
    %scan3A_4 = arith.constant 0 : i32
    %scan3A_5 = arith.constant 25 : i32
    %scan3A_6 = arith.addi %scan3A_4, %scan3A_5 : i32
    %scan3A_7 = arith.constant 1 : i32
    scf.for %scan3A_37 = %scan3A_4 to %scan3A_6 step %scan3A_7  : i32 {
      %mul3A_38 = arith.constant 4 : i32
      %mul3A_39 = arith.muli %scan3A_37, %mul3A_38 : i32
      %add3A_40 = arith.constant 0 : i32
      %add3A_41 = arith.addi %mul3A_39, %add3A_40 : i32
      %ge3A = arith.constant 4 : i32
      %ge3A_42 = arith.cmpi sge, %add3A_41, %ge3A : i32
      %convert_element_type3A = arith.extui %ge3A_42 : i1 to i32
      %cond3A = arith.constant 0 : i32
      %cond3A_43 = arith.cmpi ne, %convert_element_type3A, %cond3A : i32
      scf.if %cond3A_43 {
        %dma_wait3A_94 = arith.constant 0 : i32
        %dma_wait3A_95 = tpu.memref_slice %arg6[%add3A_41, %dma_wait3A_94] : memref<100x100xi32, #tpu.memory_space<vmem>> -> memref<1x100xi32, #tpu.memory_space<vmem>>
        %dma_wait3A_96 = tpu.memref_squeeze %dma_wait3A_95 : memref<1x100xi32, #tpu.memory_space<vmem>> -> memref<100xi32, #tpu.memory_space<vmem>>
        %dma_wait3A_97 = arith.constant 0 : i32
        %dma_wait3A_98 = arith.constant 0 : i32
        %dma_wait3A_99 = tpu.memref_slice %arg8[%dma_wait3A_97, %dma_wait3A_98] : memref<10000x128xf32, #tpu.memory_space<vmem_shared>> -> memref<10000x128xf32, #tpu.memory_space<vmem_shared>>
        tpu.wait_indirect_dma semaphore(%arg9 : memref<!tpu.dma_semaphore, #tpu.memory_space<semaphore_mem>>) src(%arg7 : memref<100x128xf32, #tpu.memory_space<vmem>>) dst(%dma_wait3A_99 : memref<10000x128xf32, #tpu.memory_space<vmem_shared>>)
      } else {
      }
      %dma_start3A = arith.constant 0 : i32
      %dma_start3A_44 = tpu.memref_slice %arg6[%add3A_41, %dma_start3A] : memref<100x100xi32, #tpu.memory_space<vmem>> -> memref<1x100xi32, #tpu.memory_space<vmem>>
      %dma_start3A_45 = tpu.memref_squeeze %dma_start3A_44 : memref<1x100xi32, #tpu.memory_space<vmem>> -> memref<100xi32, #tpu.memory_space<vmem>>
      %dma_start3A_46 = arith.constant 0 : i32
      %dma_start3A_47 = arith.constant 0 : i32
      %dma_start3A_48 = tpu.memref_slice %arg8[%dma_start3A_46, %dma_start3A_47] : memref<10000x128xf32, #tpu.memory_space<vmem_shared>> -> memref<10000x128xf32, #tpu.memory_space<vmem_shared>>
      tpu.enqueue_indirect_dma source(%arg7 : memref<100x128xf32, #tpu.memory_space<vmem>>) target(%dma_start3A_48 : memref<10000x128xf32, #tpu.memory_space<vmem_shared>>) offsets(%dma_start3A_45 : memref<100xi32, #tpu.memory_space<vmem>>) semaphore(%arg9 : memref<!tpu.dma_semaphore, #tpu.memory_space<semaphore_mem>>) {add = true}
      %mul3A_49 = arith.constant 4 : i32
      %mul3A_50 = arith.muli %scan3A_37, %mul3A_49 : i32
      %add3A_51 = arith.constant 1 : i32
      %add3A_52 = arith.addi %mul3A_50, %add3A_51 : i32
      %ge3A_53 = arith.constant 4 : i32
      %ge3A_54 = arith.cmpi sge, %add3A_52, %ge3A_53 : i32
      %convert_element_type3A_55 = arith.extui %ge3A_54 : i1 to i32
      %cond3A_56 = arith.constant 0 : i32
      %cond3A_57 = arith.cmpi ne, %convert_element_type3A_55, %cond3A_56 : i32
      scf.if %cond3A_57 {
        %dma_wait3A_94 = arith.constant 0 : i32
        %dma_wait3A_95 = tpu.memref_slice %arg6[%add3A_52, %dma_wait3A_94] : memref<100x100xi32, #tpu.memory_space<vmem>> -> memref<1x100xi32, #tpu.memory_space<vmem>>
        %dma_wait3A_96 = tpu.memref_squeeze %dma_wait3A_95 : memref<1x100xi32, #tpu.memory_space<vmem>> -> memref<100xi32, #tpu.memory_space<vmem>>
        %dma_wait3A_97 = arith.constant 0 : i32
        %dma_wait3A_98 = arith.constant 0 : i32
        %dma_wait3A_99 = tpu.memref_slice %arg8[%dma_wait3A_97, %dma_wait3A_98] : memref<10000x128xf32, #tpu.memory_space<vmem_shared>> -> memref<10000x128xf32, #tpu.memory_space<vmem_shared>>
        tpu.wait_indirect_dma semaphore(%arg10 : memref<!tpu.dma_semaphore, #tpu.memory_space<semaphore_mem>>) src(%arg7 : memref<100x128xf32, #tpu.memory_space<vmem>>) dst(%dma_wait3A_99 : memref<10000x128xf32, #tpu.memory_space<vmem_shared>>)
      } else {
      }
      %dma_start3A_58 = arith.constant 0 : i32
      %dma_start3A_59 = tpu.memref_slice %arg6[%add3A_52, %dma_start3A_58] : memref<100x100xi32, #tpu.memory_space<vmem>> -> memref<1x100xi32, #tpu.memory_space<vmem>>
      %dma_start3A_60 = tpu.memref_squeeze %dma_start3A_59 : memref<1x100xi32, #tpu.memory_space<vmem>> -> memref<100xi32, #tpu.memory_space<vmem>>
      %dma_start3A_61 = arith.constant 0 : i32
      %dma_start3A_62 = arith.constant 0 : i32
      %dma_start3A_63 = tpu.memref_slice %arg8[%dma_start3A_61, %dma_start3A_62] : memref<10000x128xf32, #tpu.memory_space<vmem_shared>> -> memref<10000x128xf32, #tpu.memory_space<vmem_shared>>
      tpu.enqueue_indirect_dma source(%arg7 : memref<100x128xf32, #tpu.memory_space<vmem>>) target(%dma_start3A_63 : memref<10000x128xf32, #tpu.memory_space<vmem_shared>>) offsets(%dma_start3A_60 : memref<100xi32, #tpu.memory_space<vmem>>) semaphore(%arg10 : memref<!tpu.dma_semaphore, #tpu.memory_space<semaphore_mem>>) {add = true}
      %mul3A_64 = arith.constant 4 : i32
      %mul3A_65 = arith.muli %scan3A_37, %mul3A_64 : i32
      %add3A_66 = arith.constant 2 : i32
      %add3A_67 = arith.addi %mul3A_65, %add3A_66 : i32
      %ge3A_68 = arith.constant 4 : i32
      %ge3A_69 = arith.cmpi sge, %add3A_67, %ge3A_68 : i32
      %convert_element_type3A_70 = arith.extui %ge3A_69 : i1 to i32
      %cond3A_71 = arith.constant 0 : i32
      %cond3A_72 = arith.cmpi ne, %convert_element_type3A_70, %cond3A_71 : i32
      scf.if %cond3A_72 {
        %dma_wait3A_94 = arith.constant 0 : i32
        %dma_wait3A_95 = tpu.memref_slice %arg6[%add3A_67, %dma_wait3A_94] : memref<100x100xi32, #tpu.memory_space<vmem>> -> memref<1x100xi32, #tpu.memory_space<vmem>>
        %dma_wait3A_96 = tpu.memref_squeeze %dma_wait3A_95 : memref<1x100xi32, #tpu.memory_space<vmem>> -> memref<100xi32, #tpu.memory_space<vmem>>
        %dma_wait3A_97 = arith.constant 0 : i32
        %dma_wait3A_98 = arith.constant 0 : i32
        %dma_wait3A_99 = tpu.memref_slice %arg8[%dma_wait3A_97, %dma_wait3A_98] : memref<10000x128xf32, #tpu.memory_space<vmem_shared>> -> memref<10000x128xf32, #tpu.memory_space<vmem_shared>>
        tpu.wait_indirect_dma semaphore(%arg11 : memref<!tpu.dma_semaphore, #tpu.memory_space<semaphore_mem>>) src(%arg7 : memref<100x128xf32, #tpu.memory_space<vmem>>) dst(%dma_wait3A_99 : memref<10000x128xf32, #tpu.memory_space<vmem_shared>>)
      } else {
      }
      %dma_start3A_73 = arith.constant 0 : i32
      %dma_start3A_74 = tpu.memref_slice %arg6[%add3A_67, %dma_start3A_73] : memref<100x100xi32, #tpu.memory_space<vmem>> -> memref<1x100xi32, #tpu.memory_space<vmem>>
      %dma_start3A_75 = tpu.memref_squeeze %dma_start3A_74 : memref<1x100xi32, #tpu.memory_space<vmem>> -> memref<100xi32, #tpu.memory_space<vmem>>
      %dma_start3A_76 = arith.constant 0 : i32
      %dma_start3A_77 = arith.constant 0 : i32
      %dma_start3A_78 = tpu.memref_slice %arg8[%dma_start3A_76, %dma_start3A_77] : memref<10000x128xf32, #tpu.memory_space<vmem_shared>> -> memref<10000x128xf32, #tpu.memory_space<vmem_shared>>
      tpu.enqueue_indirect_dma source(%arg7 : memref<100x128xf32, #tpu.memory_space<vmem>>) target(%dma_start3A_78 : memref<10000x128xf32, #tpu.memory_space<vmem_shared>>) offsets(%dma_start3A_75 : memref<100xi32, #tpu.memory_space<vmem>>) semaphore(%arg11 : memref<!tpu.dma_semaphore, #tpu.memory_space<semaphore_mem>>) {add = true}
      %mul3A_79 = arith.constant 4 : i32
      %mul3A_80 = arith.muli %scan3A_37, %mul3A_79 : i32
      %add3A_81 = arith.constant 3 : i32
      %add3A_82 = arith.addi %mul3A_80, %add3A_81 : i32
      %ge3A_83 = arith.constant 4 : i32
      %ge3A_84 = arith.cmpi sge, %add3A_82, %ge3A_83 : i32
      %convert_element_type3A_85 = arith.extui %ge3A_84 : i1 to i32
      %cond3A_86 = arith.constant 0 : i32
      %cond3A_87 = arith.cmpi ne, %convert_element_type3A_85, %cond3A_86 : i32
      scf.if %cond3A_87 {
        %dma_wait3A_94 = arith.constant 0 : i32
        %dma_wait3A_95 = tpu.memref_slice %arg6[%add3A_82, %dma_wait3A_94] : memref<100x100xi32, #tpu.memory_space<vmem>> -> memref<1x100xi32, #tpu.memory_space<vmem>>
        %dma_wait3A_96 = tpu.memref_squeeze %dma_wait3A_95 : memref<1x100xi32, #tpu.memory_space<vmem>> -> memref<100xi32, #tpu.memory_space<vmem>>
        %dma_wait3A_97 = arith.constant 0 : i32
        %dma_wait3A_98 = arith.constant 0 : i32
        %dma_wait3A_99 = tpu.memref_slice %arg8[%dma_wait3A_97, %dma_wait3A_98] : memref<10000x128xf32, #tpu.memory_space<vmem_shared>> -> memref<10000x128xf32, #tpu.memory_space<vmem_shared>>
        tpu.wait_indirect_dma semaphore(%arg12 : memref<!tpu.dma_semaphore, #tpu.memory_space<semaphore_mem>>) src(%arg7 : memref<100x128xf32, #tpu.memory_space<vmem>>) dst(%dma_wait3A_99 : memref<10000x128xf32, #tpu.memory_space<vmem_shared>>)
      } else {
      }
      %dma_start3A_88 = arith.constant 0 : i32
      %dma_start3A_89 = tpu.memref_slice %arg6[%add3A_82, %dma_start3A_88] : memref<100x100xi32, #tpu.memory_space<vmem>> -> memref<1x100xi32, #tpu.memory_space<vmem>>
      %dma_start3A_90 = tpu.memref_squeeze %dma_start3A_89 : memref<1x100xi32, #tpu.memory_space<vmem>> -> memref<100xi32, #tpu.memory_space<vmem>>
      %dma_start3A_91 = arith.constant 0 : i32
      %dma_start3A_92 = arith.constant 0 : i32
      %dma_start3A_93 = tpu.memref_slice %arg8[%dma_start3A_91, %dma_start3A_92] : memref<10000x128xf32, #tpu.memory_space<vmem_shared>> -> memref<10000x128xf32, #tpu.memory_space<vmem_shared>>
      tpu.enqueue_indirect_dma source(%arg7 : memref<100x128xf32, #tpu.memory_space<vmem>>) target(%dma_start3A_93 : memref<10000x128xf32, #tpu.memory_space<vmem_shared>>) offsets(%dma_start3A_90 : memref<100xi32, #tpu.memory_space<vmem>>) semaphore(%arg12 : memref<!tpu.dma_semaphore, #tpu.memory_space<semaphore_mem>>) {add = true}
    }
    %scan3A_8 = arith.constant 25 : i32
    %dma_wait3A = arith.constant 0 : i32
    %dma_wait3A_9 = arith.constant 0 : i32
    %dma_wait3A_10 = tpu.memref_slice %arg6[%dma_wait3A, %dma_wait3A_9] : memref<100x100xi32, #tpu.memory_space<vmem>> -> memref<1x100xi32, #tpu.memory_space<vmem>>
    %dma_wait3A_11 = tpu.memref_squeeze %dma_wait3A_10 : memref<1x100xi32, #tpu.memory_space<vmem>> -> memref<100xi32, #tpu.memory_space<vmem>>
    %dma_wait3A_12 = arith.constant 0 : i32
    %dma_wait3A_13 = arith.constant 0 : i32
    %dma_wait3A_14 = tpu.memref_slice %arg8[%dma_wait3A_12, %dma_wait3A_13] : memref<10000x128xf32, #tpu.memory_space<vmem_shared>> -> memref<10000x128xf32, #tpu.memory_space<vmem_shared>>
    tpu.wait_indirect_dma semaphore(%arg9 : memref<!tpu.dma_semaphore, #tpu.memory_space<semaphore_mem>>) src(%arg7 : memref<100x128xf32, #tpu.memory_space<vmem>>) dst(%dma_wait3A_14 : memref<10000x128xf32, #tpu.memory_space<vmem_shared>>)
    %dma_wait3A_15 = arith.constant 0 : i32
    %dma_wait3A_16 = arith.constant 0 : i32
    %dma_wait3A_17 = tpu.memref_slice %arg6[%dma_wait3A_15, %dma_wait3A_16] : memref<100x100xi32, #tpu.memory_space<vmem>> -> memref<1x100xi32, #tpu.memory_space<vmem>>
    %dma_wait3A_18 = tpu.memref_squeeze %dma_wait3A_17 : memref<1x100xi32, #tpu.memory_space<vmem>> -> memref<100xi32, #tpu.memory_space<vmem>>
    %dma_wait3A_19 = arith.constant 0 : i32
    %dma_wait3A_20 = arith.constant 0 : i32
    %dma_wait3A_21 = tpu.memref_slice %arg8[%dma_wait3A_19, %dma_wait3A_20] : memref<10000x128xf32, #tpu.memory_space<vmem_shared>> -> memref<10000x128xf32, #tpu.memory_space<vmem_shared>>
    tpu.wait_indirect_dma semaphore(%arg10 : memref<!tpu.dma_semaphore, #tpu.memory_space<semaphore_mem>>) src(%arg7 : memref<100x128xf32, #tpu.memory_space<vmem>>) dst(%dma_wait3A_21 : memref<10000x128xf32, #tpu.memory_space<vmem_shared>>)
    %dma_wait3A_22 = arith.constant 0 : i32
    %dma_wait3A_23 = arith.constant 0 : i32
    %dma_wait3A_24 = tpu.memref_slice %arg6[%dma_wait3A_22, %dma_wait3A_23] : memref<100x100xi32, #tpu.memory_space<vmem>> -> memref<1x100xi32, #tpu.memory_space<vmem>>
    %dma_wait3A_25 = tpu.memref_squeeze %dma_wait3A_24 : memref<1x100xi32, #tpu.memory_space<vmem>> -> memref<100xi32, #tpu.memory_space<vmem>>
    %dma_wait3A_26 = arith.constant 0 : i32
    %dma_wait3A_27 = arith.constant 0 : i32
    %dma_wait3A_28 = tpu.memref_slice %arg8[%dma_wait3A_26, %dma_wait3A_27] : memref<10000x128xf32, #tpu.memory_space<vmem_shared>> -> memref<10000x128xf32, #tpu.memory_space<vmem_shared>>
    tpu.wait_indirect_dma semaphore(%arg11 : memref<!tpu.dma_semaphore, #tpu.memory_space<semaphore_mem>>) src(%arg7 : memref<100x128xf32, #tpu.memory_space<vmem>>) dst(%dma_wait3A_28 : memref<10000x128xf32, #tpu.memory_space<vmem_shared>>)
    %dma_wait3A_29 = arith.constant 0 : i32
    %dma_wait3A_30 = arith.constant 0 : i32
    %dma_wait3A_31 = tpu.memref_slice %arg6[%dma_wait3A_29, %dma_wait3A_30] : memref<100x100xi32, #tpu.memory_space<vmem>> -> memref<1x100xi32, #tpu.memory_space<vmem>>
    %dma_wait3A_32 = tpu.memref_squeeze %dma_wait3A_31 : memref<1x100xi32, #tpu.memory_space<vmem>> -> memref<100xi32, #tpu.memory_space<vmem>>
    %dma_wait3A_33 = arith.constant 0 : i32
    %dma_wait3A_34 = arith.constant 0 : i32
    %dma_wait3A_35 = tpu.memref_slice %arg8[%dma_wait3A_33, %dma_wait3A_34] : memref<10000x128xf32, #tpu.memory_space<vmem_shared>> -> memref<10000x128xf32, #tpu.memory_space<vmem_shared>>
    tpu.wait_indirect_dma semaphore(%arg12 : memref<!tpu.dma_semaphore, #tpu.memory_space<semaphore_mem>>) src(%arg7 : memref<100x128xf32, #tpu.memory_space<vmem>>) dst(%dma_wait3A_35 : memref<10000x128xf32, #tpu.memory_space<vmem_shared>>)
    %barrier3A_36 = arith.constant 0 : index
    tpu.barrier barrier_id(%barrier3A_36)
    "tpu.region"() ({
      %run_scoped3A = tpu.sem_alloc : memref<!tpu.dma_semaphore, #tpu.memory_space<semaphore_mem>>
      %dma_start3A = arith.constant 0 : i32
      %dma_start3A_37 = tpu.memref_slice %arg5[%arg0, %min3A_3, %dma_start3A] : memref<2x10000x128xf32, #tpu.memory_space<hbm>> -> memref<1x632x128xf32, #tpu.memory_space<hbm>>
      %dma_start3A_38 = tpu.memref_squeeze %dma_start3A_37 : memref<1x632x128xf32, #tpu.memory_space<hbm>> -> memref<632x128xf32, #tpu.memory_space<hbm>>
      %dma_start3A_39 = arith.constant 0 : i32
      %dma_start3A_40 = tpu.memref_slice %arg8[%min3A_3, %dma_start3A_39] : memref<10000x128xf32, #tpu.memory_space<vmem_shared>> -> memref<632x128xf32, #tpu.memory_space<vmem_shared>>
      tpu.enqueue_dma source(%dma_start3A_40 : memref<632x128xf32, #tpu.memory_space<vmem_shared>>) target(%dma_start3A_38 : memref<632x128xf32, #tpu.memory_space<hbm>>) target_semaphore(%run_scoped3A : memref<!tpu.dma_semaphore, #tpu.memory_space<semaphore_mem>>)
      %dma_wait3A_41 = arith.constant 0 : i32
      %dma_wait3A_42 = tpu.memref_slice %arg5[%arg0, %min3A_3, %dma_wait3A_41] : memref<2x10000x128xf32, #tpu.memory_space<hbm>> -> memref<1x632x128xf32, #tpu.memory_space<hbm>>
      %dma_wait3A_43 = tpu.memref_squeeze %dma_wait3A_42 : memref<1x632x128xf32, #tpu.memory_space<hbm>> -> memref<632x128xf32, #tpu.memory_space<hbm>>
      %dma_wait3A_44 = arith.constant 0 : i32
      %dma_wait3A_45 = tpu.memref_slice %arg8[%min3A_3, %dma_wait3A_44] : memref<10000x128xf32, #tpu.memory_space<vmem_shared>> -> memref<632x128xf32, #tpu.memory_space<vmem_shared>>
      tpu.wait_dma2 semaphore(%run_scoped3A : memref<!tpu.dma_semaphore, #tpu.memory_space<semaphore_mem>>) src(%dma_wait3A_45 : memref<632x128xf32, #tpu.memory_space<vmem_shared>>) dst(%dma_wait3A_43 : memref<632x128xf32, #tpu.memory_space<hbm>>)
      tpu.yield
    }) : () -> ()
    return
  }
}

module attributes {stable_mosaic.version = 14 : i64} {
  func.func @_h2_body(%arg0: i32, %arg1: memref<1000x128xf32, #tpu.memory_space<vmem>>, %arg2: memref<128x128xf32, #tpu.memory_space<vmem>>, %arg3: memref<1x128xf32, #tpu.memory_space<vmem>>, %arg4: memref<2x1000x128xf32, #tpu.memory_space<vmem>>, %arg5: memref<1000x128xf32, #tpu.memory_space<vmem>>) attributes {dimension_semantics = [#tpu.dimension_semantics<arbitrary>], iteration_bounds = array<i64: 10>, scalar_prefetch = 0 : i64, scratch_operands = 0 : i64, tpu.core_type = #tpu.core_type<tc>, window_params = [{transform_indices = @transform_0, window_bounds = array<i64: 1000, 128>}, {pipeline_mode = #tpu.pipeline_mode<synchronous>, transform_indices = @transform_1, window_bounds = array<i64: 128, 128>}, {pipeline_mode = #tpu.pipeline_mode<synchronous>, transform_indices = @transform_2, window_bounds = array<i64: 1, 128>}, {transform_indices = @transform_3, window_bounds = array<i64: 2, 1000, 128>}, {transform_indices = @transform_4, window_bounds = array<i64: 1000, 128>}]} {
    %get3A = arith.constant 0 : index
    %get3A_0 = arith.constant 0 : index
    %get3A_1 = arith.constant 0 : index
    %get3A_2 = vector.load %arg4[%get3A, %get3A_0, %get3A_1] : memref<2x1000x128xf32, #tpu.memory_space<vmem>>, vector<2x1000x128xf32>
    %slice3A = vector.extract_strided_slice %get3A_2 {offsets = [0, 0, 0], sizes = [1, 1000, 128], strides = [1, 1, 1]} : vector<2x1000x128xf32> to vector<1x1000x128xf32>
    %squeeze3A = vector.shape_cast %slice3A : vector<1x1000x128xf32> to vector<1000x128xf32>
    %slice3A_3 = vector.extract_strided_slice %get3A_2 {offsets = [1, 0, 0], sizes = [1, 1000, 128], strides = [1, 1, 1]} : vector<2x1000x128xf32> to vector<1x1000x128xf32>
    %squeeze3A_4 = vector.shape_cast %slice3A_3 : vector<1x1000x128xf32> to vector<1000x128xf32>
    %add3A = arith.addf %squeeze3A, %squeeze3A_4 : vector<1000x128xf32>
    %slice3A_5 = vector.extract_strided_slice %add3A {offsets = [0, 0], sizes = [1000, 1], strides = [1, 1]} : vector<1000x128xf32> to vector<1000x1xf32>
    %add3A_6 = arith.constant 1.000000e+00 : f32
    %add3A_7 = vector.broadcast %add3A_6 : f32 to vector<1000x1xf32>
    %add3A_8 = arith.addf %slice3A_5, %add3A_7 : vector<1000x1xf32>
    %rsqrt3A = math.rsqrt %add3A_8 : vector<1000x1xf32>
    %get3A_9 = arith.constant 0 : index
    %get3A_10 = arith.constant 0 : index
    %get3A_11 = vector.load %arg1[%get3A_9, %get3A_10] : memref<1000x128xf32, #tpu.memory_space<vmem>>, vector<1000x128xf32>
    %get3A_12 = arith.constant 0 : index
    %get3A_13 = arith.constant 0 : index
    %get3A_14 = vector.load %arg2[%get3A_12, %get3A_13] : memref<128x128xf32, #tpu.memory_space<vmem>>, vector<128x128xf32>
    %dot_general3A = arith.constant dense<0.000000e+00> : vector<1000x128xf32>
    %dot_general3A_15 = tpu.matmul %get3A_11, %get3A_14, %dot_general3A {dimension_numbers = #tpu.dot_dimension_numbers<[1], [0], [0], [1], [0, 0, 1, 1], [], []>, transpose_lhs_hint = false} : vector<1000x128xf32>, vector<128x128xf32>, vector<1000x128xf32> -> vector<1000x128xf32>
    %get3A_16 = arith.constant 0 : index
    %get3A_17 = arith.constant 0 : index
    %get3A_18 = vector.load %arg3[%get3A_16, %get3A_17] : memref<1x128xf32, #tpu.memory_space<vmem>>, vector<1x128xf32>
    %add3A_19 = vector.broadcast %get3A_18 : vector<1x128xf32> to vector<1000x128xf32>
    %add3A_20 = arith.addf %dot_general3A_15, %add3A_19 : vector<1000x128xf32>
    %mul3A = vector.broadcast %rsqrt3A : vector<1000x1xf32> to vector<1000x128xf32>
    %mul3A_21 = arith.mulf %add3A_20, %mul3A : vector<1000x128xf32>
    %swap3A = arith.constant 0 : index
    %swap3A_22 = arith.constant 0 : index
    %swap3A_23 = vector.load %arg5[%swap3A, %swap3A_22] : memref<1000x128xf32, #tpu.memory_space<vmem>>, vector<1000x128xf32>
    tpu.vector_store %arg5[%swap3A, %swap3A_22], %mul3A_21 {strides = array<i32>} : memref<1000x128xf32, #tpu.memory_space<vmem>>, vector<1000x128xf32>,
    return
  }
  func.func @transform_0(%arg0: i32) -> (i32, i32) {
    %c0_i32 = arith.constant 0 : i32
    %c0_i32_0 = arith.constant 0 : i32
    return %arg0, %c0_i32 : i32, i32
  }
  func.func @transform_1(%arg0: i32) -> (i32, i32) {
    %c0_i32 = arith.constant 0 : i32
    %c0_i32_0 = arith.constant 0 : i32
    %c0_i32_1 = arith.constant 0 : i32
    return %c0_i32, %c0_i32_0 : i32, i32
  }
  func.func @transform_2(%arg0: i32) -> (i32, i32) {
    %c0_i32 = arith.constant 0 : i32
    %c0_i32_0 = arith.constant 0 : i32
    %c0_i32_1 = arith.constant 0 : i32
    return %c0_i32, %c0_i32_0 : i32, i32
  }
  func.func @transform_3(%arg0: i32) -> (i32, i32, i32) {
    %c0_i32 = arith.constant 0 : i32
    %c0_i32_0 = arith.constant 0 : i32
    %c0_i32_1 = arith.constant 0 : i32
    return %c0_i32, %arg0, %c0_i32_0 : i32, i32, i32
  }
  func.func @transform_4(%arg0: i32) -> (i32, i32) {
    %c0_i32 = arith.constant 0 : i32
    %c0_i32_0 = arith.constant 0 : i32
    return %arg0, %c0_i32 : i32, i32
  }
}

module attributes {stable_mosaic.version = 14 : i64} {
  func.func @_final_body(%arg0: i32, %arg1: memref<2x1000x128xf32, #tpu.memory_space<vmem>>, %arg2: memref<2x1000x128xf32, #tpu.memory_space<vmem>>, %arg3: memref<1000x128xf32, #tpu.memory_space<vmem>>) attributes {dimension_semantics = [#tpu.dimension_semantics<arbitrary>], iteration_bounds = array<i64: 10>, scalar_prefetch = 0 : i64, scratch_operands = 0 : i64, tpu.core_type = #tpu.core_type<tc>, window_params = [{transform_indices = @transform_0, window_bounds = array<i64: 2, 1000, 128>}, {transform_indices = @transform_1, window_bounds = array<i64: 2, 1000, 128>}, {transform_indices = @transform_2, window_bounds = array<i64: 1000, 128>}]} {
    %get3A = arith.constant 0 : index
    %get3A_0 = arith.constant 0 : index
    %get3A_1 = arith.constant 0 : index
    %get3A_2 = vector.load %arg2[%get3A, %get3A_0, %get3A_1] : memref<2x1000x128xf32, #tpu.memory_space<vmem>>, vector<2x1000x128xf32>
    %slice3A = vector.extract_strided_slice %get3A_2 {offsets = [0, 0, 0], sizes = [1, 1000, 128], strides = [1, 1, 1]} : vector<2x1000x128xf32> to vector<1x1000x128xf32>
    %squeeze3A = vector.shape_cast %slice3A : vector<1x1000x128xf32> to vector<1000x128xf32>
    %slice3A_3 = vector.extract_strided_slice %get3A_2 {offsets = [1, 0, 0], sizes = [1, 1000, 128], strides = [1, 1, 1]} : vector<2x1000x128xf32> to vector<1x1000x128xf32>
    %squeeze3A_4 = vector.shape_cast %slice3A_3 : vector<1x1000x128xf32> to vector<1000x128xf32>
    %add3A = arith.addf %squeeze3A, %squeeze3A_4 : vector<1000x128xf32>
    %slice3A_5 = vector.extract_strided_slice %add3A {offsets = [0, 0], sizes = [1000, 1], strides = [1, 1]} : vector<1000x128xf32> to vector<1000x1xf32>
    %add3A_6 = arith.constant 1.000000e+00 : f32
    %add3A_7 = vector.broadcast %add3A_6 : f32 to vector<1000x1xf32>
    %add3A_8 = arith.addf %slice3A_5, %add3A_7 : vector<1000x1xf32>
    %rsqrt3A = math.rsqrt %add3A_8 : vector<1000x1xf32>
    %get3A_9 = arith.constant 0 : index
    %get3A_10 = arith.constant 0 : index
    %get3A_11 = arith.constant 0 : index
    %get3A_12 = vector.load %arg1[%get3A_9, %get3A_10, %get3A_11] : memref<2x1000x128xf32, #tpu.memory_space<vmem>>, vector<1x1000x128xf32>
    %get3A_13 = vector.shape_cast %get3A_12 : vector<1x1000x128xf32> to vector<1000x128xf32>
    %get3A_14 = arith.constant 1 : index
    %get3A_15 = arith.constant 0 : index
    %get3A_16 = arith.constant 0 : index
    %get3A_17 = vector.load %arg1[%get3A_14, %get3A_15, %get3A_16] : memref<2x1000x128xf32, #tpu.memory_space<vmem>>, vector<1x1000x128xf32>
    %get3A_18 = vector.shape_cast %get3A_17 : vector<1x1000x128xf32> to vector<1000x128xf32>
    %add3A_19 = arith.addf %get3A_13, %get3A_18 : vector<1000x128xf32>
    %mul3A = vector.broadcast %rsqrt3A : vector<1000x1xf32> to vector<1000x128xf32>
    %mul3A_20 = arith.mulf %add3A_19, %mul3A : vector<1000x128xf32>
    %swap3A = arith.constant 0 : index
    %swap3A_21 = arith.constant 0 : index
    %swap3A_22 = vector.load %arg3[%swap3A, %swap3A_21] : memref<1000x128xf32, #tpu.memory_space<vmem>>, vector<1000x128xf32>
    tpu.vector_store %arg3[%swap3A, %swap3A_21], %mul3A_20 {strides = array<i32>} : memref<1000x128xf32, #tpu.memory_space<vmem>>, vector<1000x128xf32>,
    return
  }
  func.func @transform_0(%arg0: i32) -> (i32, i32, i32) {
    %c0_i32 = arith.constant 0 : i32
    %c0_i32_0 = arith.constant 0 : i32
    %c0_i32_1 = arith.constant 0 : i32
    return %c0_i32, %arg0, %c0_i32_0 : i32, i32, i32
  }
  func.func @transform_1(%arg0: i32) -> (i32, i32, i32) {
    %c0_i32 = arith.constant 0 : i32
    %c0_i32_0 = arith.constant 0 : i32
    %c0_i32_1 = arith.constant 0 : i32
    return %c0_i32, %arg0, %c0_i32_0 : i32, i32, i32
  }
  func.func @transform_2(%arg0: i32) -> (i32, i32) {
    %c0_i32 = arith.constant 0 : i32
    %c0_i32_0 = arith.constant 0 : i32
    return %arg0, %c0_i32 : i32, i32
  }
}

</mosaic_0001>

<sc_bundles>
// kernel: kernel.6.cloned.1.call-start
scs
__scs_entry_jumppad:
0x0: {  	(pc) =	sbr.rel $0x88, $3  }
0x1: {  	(tag) =	ssettag $0x0;
	lr =	simm.s32 $0x1  }
0x2: {  	[smem:$0x3F9D] =	sst lr;
	_ =	strace $0xD0000000  }
0x3: {  	_ = 	snop  }
0x4: {  	_ = 	snop  }
0x5: {  	_ = 	snop  }
0x6: {  	_ = 	snop  }
0x7: {  	_ = 	snop  }
__scs_overlays_trampoline_lowered:
0x8: {  	[smem:$0x3FAC] =	sst s0  }
0x9: {  	[smem:$0x3FAD] =	sst s1  }
0xa: {  	[smem:$0x3FAE] =	sst s2  }
0xb: {  	[smem:$0x3FAF] =	sst s3  }
0xc: {  	[smem:$0x3FB0] =	sst s4  }
0xd: {  	[smem:$0x3FB1] =	sst s5  }
0xe: {  	[smem:$0x3FB2] =	sst s6  }
0xf: {  	[smem:$0x3FB3] =	sst s7  }
0x10: {  	[smem:$0x3FB4] =	sst s8  }
0x11: {  	[smem:$0x3FB5] =	sst s9;
	s0 =	simm.s32 @!p0 $0x0  }
0x12: {  	s1 =	sld [smem:$0x3F9B];
	s0 =	simm.s32 @p0 $0x1  }
0x13: {  	[smem:$0x3FB6] =	sst s0;
	s0 =	simm.s32 @!p1 $0x0  }
0x14: {  	s2 =	sld [smem:$0x3F9A];
	s0 =	simm.s32 @p1 $0x1  }
0x15: {  	[smem:$0x3FB7] =	sst s0;
	s0 =	simm.s32 @!p2 $0x0  }
0x16: {  	s3 =	sld [smem:$0x3FDB];
	s0 =	simm.s32 @p2 $0x1  }
0x17: {  	s4 =	simm.s32 $0x1BF5;
	[smem:$0x3FB9] =	sst s0  }
0x18: {  	s0 =	sld [smem:$0x3F9C];
	_ =	swait.ge [sflag:s4], $0x0  }
0x19: {  	s7 =	sld [smem:$0x3F9D]  }
0x1a: {  	s8 =	sadd.s32 $0xFFFFE003, lr  }
0x1b: {  	s9 =	sadd.s32 $0xFFFFFEF7, lr;
	s5 =	simm.s32 $0xFFFFFFFF;
	p2 =	slt.u32 s8, $0xFFFFF086  }
0x1c: {  	p1 =	slt.u32 s9, $0xF7A;
	s5 =	simm.s32 @!p2 $0x0  }
0x1d: {  	s5 =	simm.s32 @p1 $0x1;
	p0 =	seq.s32 s7, s2  }
0x1e: {  	s7 =	smul.u32 @!p0 $0xF7A, s2;
	p2 =	seq.s32 @!p0 s5, $0x0  }
0x1f: {  	s9 =	smul.u32 $0xF7A, s1;
	s8 =	simm.s32 @!p0 $0x1BF5;
	p2 =	por !p2, p0  }
0x20: {  	[sflag:s8] =	ssyncset.s32 @!p0 $0xFFFFF086;
	s6 =	sadd.s32 @!p0 s3, s7;
	s7 =	simm.s32 @!p0 $0x108  }
0x21: {  	s3 =	sadd.s32 s3, s9;
	s6 =	sadd.s32 @!p0 $0x88, s6;
	s7 =	simm.s32 @p2 $0x1082  }
0x22: {  	[simem:s7], [sflag:s8] =	dma.local @!p0 [hbm:s6], $0xF7A  }
0x23: {  	s9 =	sor.u32 $0xD0000000, s2;
	s6 =	simm.s32 $0x108;
	_ =	swait.ge @!p0 [sflag:s8], $0x0  }
0x24: {  	s3 =	sadd.s32 $0x88, s3;
	s6 =	simm.s32 @!p1 $0x1082;
	[sflag:s4] =	ssyncset.s32 $0xFFFFF086  }
0x25: {  	[simem:s6], [sflag:s4] =	dma.local [hbm:s3], $0xF7A  }
0x26: {  	[smem:$0x3F9D] =	sst s1;
	(tag) =	ssettag s2;
	_ =	strace s9  }
0x27: {  	s1 =	sld [smem:$0x3FAD]  }
0x28: {  	s2 =	sld [smem:$0x3FAE]  }
0x29: {  	s4 =	sld [smem:$0x3FB0]  }
0x2a: {  	p0 =	seq.s32 s5, $0x0;
	s5 =	sld [smem:$0x3FB1]  }
0x2b: {  	s6 =	sld [smem:$0x3FB2]  }
0x2c: {  	s7 =	sld [smem:$0x3FB3]  }
0x2d: {  	s3 =	simm.s32 $0x108;
	s8 =	sld [smem:$0x3FB4]  }
0x2e: {  	s3 =	simm.s32 @!p0 $0x1082;
	s9 =	sld [smem:$0x3FB5]  }
0x2f: {  	lr =	sadd.s32 s0, s3;
	s0 =	sld [smem:$0x3FAC]  }
0x30: {  	s3 =	sld [smem:$0x3FAF]  }
0x31: {  	[smem:$0x3FB8] =	sst s10  }
0x32: {  	s10 =	sld [smem:$0x3FB6];
	_ =	sdelay $0x3  }
0x33: {  	p0 =	seq.s32 s10, $0x1;
	s10 =	sld [smem:$0x3FB8];
	_ =	sdelay $0x3  }
0x34: {  	[smem:$0x3FB8] =	sst s10  }
0x35: {  	s10 =	sld [smem:$0x3FB7];
	_ =	sdelay $0x3  }
0x36: {  	p1 =	seq.s32 s10, $0x1;
	s10 =	sld [smem:$0x3FB8];
	_ =	sdelay $0x3  }
0x37: {  	[smem:$0x3FB8] =	sst s10  }
0x38: {  	s10 =	sld [smem:$0x3FB9]  }
0x39: {  	_ = 	snop;
	(pc) =	sbr.ind lr, $3  }
0x3a: {  	_ = 	snop  }
0x3b: {  	_ = 	snop  }
0x3c: {  	p2 =	seq.s32 s10, $0x1;
	s10 =	sld [smem:$0x3FB8]  }
0x3d: {  	_ =	shalt  }
0x3e: {  	_ =	shalt  }
0x3f: {  	_ =	shalt  }
0x40: {  	_ =	shalt  }
0x41: {  	_ =	shalt  }
0x42: {  	_ =	shalt  }
0x43: {  	_ =	shalt  }
0x44: {  	_ =	shalt  }
0x45: {  	_ =	shalt  }
0x46: {  	_ =	shalt  }
0x47: {  	_ =	shalt  }
0x48: {  	_ =	shalt  }
0x49: {  	_ =	shalt  }
0x4a: {  	_ =	shalt  }
0x4b: {  	_ =	shalt  }
0x4c: {  	_ =	shalt  }
0x4d: {  	_ =	shalt  }
0x4e: {  	_ =	shalt  }
0x4f: {  	_ =	shalt  }
0x50: {  	_ =	shalt  }
0x51: {  	_ =	shalt  }
0x52: {  	_ =	shalt  }
0x53: {  	_ =	shalt  }
0x54: {  	_ =	shalt  }
0x55: {  	_ =	shalt  }
0x56: {  	_ =	shalt  }
0x57: {  	_ =	shalt  }
0x58: {  	_ =	shalt  }
0x59: {  	_ =	shalt  }
0x5a: {  	_ =	shalt  }
0x5b: {  	_ =	shalt  }
0x5c: {  	_ =	shalt  }
0x5d: {  	_ =	shalt  }
0x5e: {  	_ =	shalt  }
0x5f: {  	_ =	shalt  }
0x60: {  	_ =	shalt  }
0x61: {  	_ =	shalt  }
0x62: {  	_ =	shalt  }
0x63: {  	_ =	shalt  }
0x64: {  	_ =	shalt  }
0x65: {  	_ =	shalt  }
0x66: {  	_ =	shalt  }
0x67: {  	_ =	shalt  }
0x68: {  	_ =	shalt  }
0x69: {  	_ =	shalt  }
0x6a: {  	_ =	shalt  }
0x6b: {  	_ =	shalt  }
0x6c: {  	_ =	shalt  }
0x6d: {  	_ =	shalt  }
0x6e: {  	_ =	shalt  }
0x6f: {  	_ =	shalt  }
0x70: {  	_ =	shalt  }
0x71: {  	_ =	shalt  }
0x72: {  	_ =	shalt  }
0x73: {  	_ =	shalt  }
0x74: {  	_ =	shalt  }
0x75: {  	_ =	shalt  }
0x76: {  	_ =	shalt  }
0x77: {  	_ =	shalt  }
0x78: {  	_ =	shalt  }
0x79: {  	_ =	shalt  }
0x7a: {  	_ =	shalt  }
0x7b: {  	_ =	shalt  }
0x7c: {  	_ =	shalt  }
0x7d: {  	_ =	shalt  }
0x7e: {  	_ =	shalt  }
0x7f: {  	_ =	shalt  }
0x80: {  	_ =	shalt  }
0x81: {  	_ =	shalt  }
0x82: {  	_ =	shalt  }
0x83: {  	_ =	shalt  }
0x84: {  	_ =	shalt  }
0x85: {  	_ =	shalt  }
0x86: {  	_ =	shalt  }
0x87: {  	_ =	shalt  }
.Lfunc_end0:
.L_simem_size_0:
called_computation_lowered:
.L_overlay_start_0:
0x88: {  	s2 =	sld [smem:$0x3FD9]  }
0x89: {  	s3 =	sld [smem:$0x3FFE];
	_ =	sdelay $0x1  }
0x8a: {  	s1 =	srdreg.scid  }
0x8b: {  	s0 =	sand.u32 $0x1, s1  }
0x8c: {  	s17 =	sshll.u32 s0, $0xA;
	s2 =	sadd.s32 s3, s2  }
0x8d: {  	s2 =	sadd.s32 s2, s17  }
0x8e: {  	[smem:$0x3FC4] =	sst s2  }
0x8f: {  	_ = 	snop  }
0x90: {  	s2 =	sld [smem:$0x3FD0];
	(tm) =	ssettm $0x1  }
0x91: {  	s18 =	sld [smem:$0x3FFB];
	_ =	sdelay $0x3  }
0x92: {  	_ =	strace s18  }
0x93: {  	s3 =	sld [smem:$0x3FFC];
	_ =	sdelay $0x3  }
0x94: {  	_ =	strace s3  }
0x95: {  	s3 =	sld [smem:$0x3FFD];
	_ =	sdelay $0x3  }
0x96: {  	_ =	strace s3  }
0x97: {  	_ =	strace $0x8FFFFFFF  }
0x98: {  	s19 =	sld [smem:$0x3FDB];
	_ =	sdelay $0x1  }
0x99: {  	s4 =	simm.s32 $_scs_section_size  }
0x9a: {  	s5 =	simm.s32 $_size__tile_overlayer_lowered;
	s6 =	simm.s32 $_tile_overlayer_lowered  }
0x9b: {  	s22 =	simm.s32 $0x1BFF;
	s21 =	sshll.u32 s6, $0x1;
	s3 =	sadd.s32 s4, s19  }
0x9c: {  	s7 =	simm.s32 $0x0;
	s20 =	sshll.u32 s5, $0x1;
	s5 =	sadd.s32 s21, s3  }
0x9d: {  	[timem:s7], [sflag:s22] =	dma.local [hbm:s5], s20  }
0x9e: {  	_ =	swait.ge [sflag:s22], s20  }
0x9f: {  	s4 =	ssub.s32 $0x0, s20;
	[sflag:s22] =	ssyncset.done $0x0  }
0xa0: {  	[sflag:s22] =	ssyncadd.s32 s4;
	_ =	sdelay $0x1  }
0xa1: {  	s23 =	simm.s32 $0x1B8B  }
0xa2: {  	_ =	swait.ge [sflag:s23], $0x1  }
0xa3: {  	[sflag:s23] =	ssyncset.done $0x0  }
0xa4: {  	s25 =	simm.s32 $0x1B8E;
	s24 =	sld [smem:$0x3FFE];
	[sflag:s23] =	ssyncadd.s32 $0xFFFFFFFF  }
0xa5: {  	s26 =	simm.s32 $execute0_lowered;
	[smem:$0x3FD2] =	sst s25  }
0xa6: {  	s5 =	sshll.u32 s26, $0x1;
	_ =	strace $0x80000046;
	[dreg:$0x1] =	wrdreg $0xFFFFFFFF  }
0xa7: {  	s28 =	simm.s32 $_size_execute0_lowered;
	s3 =	sadd.s32 s3, s5;
	[dreg:$0x0] =	wrdreg $0x0  }
0xa8: {  	s5 =	sshll.u32 s28, $0x1;
	[dreg:$0x2] =	wrdreg s3  }
0xa9: {  	[dreg:$0x3] =	wrdreg s5  }
0xaa: {  	[dreg:$0x4] =	wrdreg $0xC0  }
0xab: {  	_ =	task [dreg:s7], $0x5FFFF  }
0xac: {  	[dreg:$0x1] =	wrdreg $0xFFFFFFFF  }
0xad: {  	[dreg:$0x0] =	wrdreg $0x60  }
0xae: {  	[dreg:$0x2] =	wrdreg s24  }
0xaf: {  	[dreg:$0x3] =	wrdreg s2  }
0xb0: {  	[dreg:$0x4] =	wrdreg $0x68000  }
0xb1: {  	[dreg:$0x5] =	wrdreg $0x9  }
0xb2: {  	_ =	task.clear_ibuf [dreg:s7], $0x6FFFF;
	_ =	strace $0x90000046  }
0xb3: {  	s29 =	simm.s32 $0x9;
	_ =	strace $0x80000048  }
0xb4: {  	_ =	swait.ge [sflag:s29], $0x1  }
0xb5: {  	[sflag:s29] =	ssyncadd.s32 $0xFFFFFFFF  }
0xb6: {  	_ =	strace $0x90000048  }
0xb7: {  	_ =	sfence  }
0xb8: {  	s30 =	sld [smem:$0x0];
	_ =	sdelay $0x2  }
0xb9: {  	s31 =	sshll.u32 s1, $0xD;
	s1 =	sshrl.u32 s1, $0x2  }
0xba: {  	s3 =	sand.u32 $0x4000, s31;
	s1 =	sadd.s32 s1, s30  }
0xbb: {  	s0 =	sor.u32 s3, s0;
	s1 =	sshll.u32 s1, $0x11  }
0xbc: {  	s0 =	sor.u32 s1, s0  }
0xbd: {  	s0 =	sadd.s32 $0x8F2B, s0  }
0xbe: {  	[sflag:s0] =	ssyncadd.remote.s32 $0x1  }
0xbf: {  	_ =	sfence.sel $0xFFFF  }
0xc0: {  	[dreg:$0x0] =	wrdreg $0xFFFFFFFF;
	(pc) =	sbr.abs _section_cstart, $3  }
0xc1: {  	[dreg:$0x1] =	wrdreg $0xFFFFFFFF  }
0xc2: {  	_ =	task.clear_ibuf [dreg:s7], $0x2FFFF;
	_ =	strace $0x9FFFFFFF  }
0xc3: {  	(tm) =	ssettm $0x7FFFFFFF  }
tec
execute0_lowered:
.L_overlay_start_1:
0x0: {  	(tag) =	ssettag $0x1  }
0x1: {  	s5 =	rddreg [dreg:$0x0]  }
0x2: {  	s6 =	rddreg [dreg:$0x1]  }
0x3: {  	s2 =	rddreg [dreg:$0x2]  }
0x4: {  	s0 =	rddreg [dreg:$0x3]  }
0x5: {  	s1 =	stileid.u32;
	s4 =	srdreg.scid  }
0x6: {  	s3 =	simm.s32 $0x0;
	s12 =	simm.s32 $0x3400;
	s13 =	simm.s32 $0x64  }
0x7: {  	s14 =	simm.s32 $0x80;
	s15 =	simm.s32 $0x100;
	s16 =	simm.s32 $0x180  }
0x8: {  	s17 =	simm.s32 $0x1;
	s18 =	simm.s32 $0x2;
	s19 =	simm.s32 $0x3  }
0x9: {  	s20 =	simm.s32 $0x4;
	s21 =	simm.s32 $0x0;
	s7 =	smul.u32 $0x278, s1  }
0xa: {  	s4 =	sand.u32 $0x1, s4;
	s8 =	sshll.u32 s1, $0x1;
	[smem:$0x7FF] =	sst s3  }
0xb: {  	s31 =	sshll.u32 s1, $0x6;
	s8 =	sor.u32 s4, s8;
	s9 =	smul.u32 $0x138800, s4  }
0xc: {  	_ =	strace $0x80000047;
	s11 =	ssub.s32 $0x2, s4;
	s4 =	sadd.s32 $0xE200, s5  }
0xd: {  	s7 =	smin.u32 s7, $0x2498;
	s8 =	smul.u32 $0x680, s8;
	s29 =	sshrl.u32 s11, $0x1  }
0xe: {  	s10 =	sshll.u32 s7, $0x7;
	s11 =	ssub.s32 s11, s29;
	s30 =	sshll.u32 s7, $0x4  }
0xf: {  	s9 =	sadd.s32 s9, s10;
	s8 =	sadd.s32 s8, s5;
	s10 =	sadd.s32 s10, s2  }
0x10: {  	s9 =	sshrl.u32 s9, $0x3;
	s7 =	sadd.s32 $0x1200, s8;
	s10 =	sshrl.u32 s10, $0x3  }
0x11: {  	s9 =	sadd.s32 s9, s5;
	s5 =	sadd.s32 s6, s30;
	s6 =	sor.u32 $0x1C05, s31  }
0x12: {  	s8 =	sadd.s32 $0xEA00, s9;
	s9 =	smax.u32 s11, $0x1;
	s11 =	simm.s32 $0x5  }
.LBB2_1:
0x13: {  	[spmem:s10], [sflag:s6] =	dma.local [hbm:s5], $0x2780  }
0x14: {  	_ =	swait.ge [sflag:s11], $0x2780  }
0x15: {  	[sflag:s11] =	ssyncset.done $0x0  }
0x16: {  	[sflag:s11] =	ssyncadd.s32 $0xFFFFD880  }
0x17: {  	[tilespmem:s12], [sflag:$0x5] =	stream.linear.gather [hbm4b:s4+s3], $0x3200, $0x38;
	[tilespmem:$0x1A080] =	vst v63  }
0x18: {  	_ =	swait.ge [sflag:s11], $0x3200  }
0x19: {  	[sflag:s11] =	ssyncset.done $0x0  }
0x1a: {  	[sflag:s11] =	ssyncadd.s32 $0xFFFFCE00  }
0x1b: {  	[tilespmem:s3], [sflag:$0x5] =	stream.linear.gather [hbm4b:s7+s3], $0x3200, $0x38;
	[tilespmem:$0x1A080] =	vst v63  }
0x1c: {  	_ =	swait.ge [sflag:s11], $0x3200  }
0x1d: {  	[sflag:s11] =	ssyncset.done $0x0  }
0x1e: {  	[sflag:s11] =	ssyncadd.s32 $0xFFFFCE00  }
0x1f: {  	[bflag:$0x0] =	sbarrier.arrive $0xFFFF  }
0x20: {  	[spmem:s2] =	stream.indirect.scatter.add.f32 [tilespmem:s12], [sflag:$0x1], $0x80, s3, s13, $0xb8;
	[tilespmem:$0x1A080] =	vst v63  }
0x21: {  	_ = 	snop  }
0x22: {  	[spmem:s2] =	stream.indirect.scatter.add.f32 [tilespmem:s12], [sflag:$0x2], $0x80, s14, s13, $0xb8;
	[tilespmem:$0x1A080] =	vst v63  }
0x23: {  	_ = 	snop  }
0x24: {  	[spmem:s2] =	stream.indirect.scatter.add.f32 [tilespmem:s12], [sflag:$0x3], $0x80, s15, s13, $0xb8;
	[tilespmem:$0x1A080] =	vst v63  }
0x25: {  	_ = 	snop  }
0x26: {  	[spmem:s2] =	stream.indirect.scatter.add.f32 [tilespmem:s12], [sflag:$0x4], $0x80, s16, s13, $0xb8;
	[tilespmem:$0x1A080] =	vst v63  }
0x27: {  	_ =	swait.ge [sflag:s17], $0x3200  }
0x28: {  	[sflag:s17] =	ssyncset.done $0x0  }
0x29: {  	s22 =	simm.s32 $0x200;
	[sflag:s17] =	ssyncadd.s32 $0xFFFFCE00  }
0x2a: {  	[spmem:s2] =	stream.indirect.scatter.add.f32 [tilespmem:s12], [sflag:$0x1], $0x80, s22, s13, $0xb8;
	[tilespmem:$0x1A080] =	vst v63  }
0x2b: {  	_ =	swait.ge [sflag:s18], $0x3200  }
0x2c: {  	[sflag:s18] =	ssyncset.done $0x0  }
0x2d: {  	s30 =	simm.s32 $0x280;
	[sflag:s18] =	ssyncadd.s32 $0xFFFFCE00  }
0x2e: {  	[spmem:s2] =	stream.indirect.scatter.add.f32 [tilespmem:s12], [sflag:$0x2], $0x80, s30, s13, $0xb8;
	[tilespmem:$0x1A080] =	vst v63  }
0x2f: {  	_ =	swait.ge [sflag:s19], $0x3200  }
0x30: {  	[sflag:s19] =	ssyncset.done $0x0  }
0x31: {  	s31 =	simm.s32 $0x300;
	[sflag:s19] =	ssyncadd.s32 $0xFFFFCE00  }
0x32: {  	[spmem:s2] =	stream.indirect.scatter.add.f32 [tilespmem:s12], [sflag:$0x3], $0x80, s31, s13, $0xb8;
	[tilespmem:$0x1A080] =	vst v63  }
0x33: {  	_ =	swait.ge [sflag:s20], $0x3200  }
0x34: {  	[sflag:s20] =	ssyncset.done $0x0  }
0x35: {  	s23 =	simm.s32 $0x380;
	s22 =	simm.s32 $0xFFFF4800;
	[sflag:s20] =	ssyncadd.s32 $0xFFFFCE00  }
.LBB2_2:
0x36: {  	[spmem:s2] =	stream.indirect.scatter.add.f32 [tilespmem:s12], [sflag:$0x4], $0x80, s23, s13, $0xb8;
	[tilespmem:$0x1A080] =	vst v63  }
0x37: {  	s23 =	smov.u32 s22  }
0x38: {  	p0 =	sne.s32 s22, $0xFFFFF800;
	s22 =	sadd.s32 $0x800, s22;
	_ =	swait.ge [sflag:s17], $0x3200  }
0x39: {  	s23 =	sshra.s32 s23, $0x2;
	[sflag:s17] =	ssyncset.done $0x0  }
0x3a: {  	s24 =	sadd.s32 $0x3200, s23;
	[sflag:s17] =	ssyncadd.s32 $0xFFFFCE00  }
0x3b: {  	[spmem:s2] =	stream.indirect.scatter.add.f32 [tilespmem:s12], [sflag:$0x1], $0x80, s24, s13, $0xb8;
	[tilespmem:$0x1A080] =	vst v63  }
0x3c: {  	_ =	swait.ge [sflag:s18], $0x3200  }
0x3d: {  	[sflag:s18] =	ssyncset.done $0x0  }
0x3e: {  	s24 =	sadd.s32 $0x3280, s23;
	[sflag:s18] =	ssyncadd.s32 $0xFFFFCE00  }
0x3f: {  	[spmem:s2] =	stream.indirect.scatter.add.f32 [tilespmem:s12], [sflag:$0x2], $0x80, s24, s13, $0xb8;
	[tilespmem:$0x1A080] =	vst v63  }
0x40: {  	_ =	swait.ge [sflag:s19], $0x3200  }
0x41: {  	[sflag:s19] =	ssyncset.done $0x0  }
.Ltmp0:
0x42: {  	s24 =	sadd.s32 $0x3300, s23;
	[sflag:s19] =	ssyncadd.s32 $0xFFFFCE00;
	(pc) =	sbr.rel @p0 .LBB2_2-.Ltmp0, $4  }
0x43: {  	[spmem:s2] =	stream.indirect.scatter.add.f32 [tilespmem:s12], [sflag:$0x3], $0x80, s24, s13, $0xb8;
	[tilespmem:$0x1A080] =	vst v63  }
0x44: {  	_ =	swait.ge [sflag:s20], $0x3200  }
0x45: {  	[sflag:s20] =	ssyncset.done $0x0  }
0x46: {  	s23 =	sadd.s32 $0x3380, s23;
	[sflag:s20] =	ssyncadd.s32 $0xFFFFCE00  }
0x47: {  	[spmem:s2] =	stream.indirect.scatter.add.f32 [tilespmem:s12], [sflag:$0x4], $0x80, s23, s13, $0xb8;
	[tilespmem:$0x1A080] =	vst v63  }
0x48: {  	_ =	swait.ge [sflag:s17], $0x3200  }
0x49: {  	[sflag:s17] =	ssyncset.done $0x0  }
0x4a: {  	[sflag:s17] =	ssyncadd.s32 $0xFFFFCE00  }
0x4b: {  	_ =	swait.ge [sflag:s18], $0x3200  }
0x4c: {  	[sflag:s18] =	ssyncset.done $0x0  }
0x4d: {  	[sflag:s18] =	ssyncadd.s32 $0xFFFFCE00  }
0x4e: {  	_ =	swait.ge [sflag:s19], $0x3200  }
0x4f: {  	[sflag:s19] =	ssyncset.done $0x0  }
0x50: {  	[sflag:s19] =	ssyncadd.s32 $0xFFFFCE00  }
0x51: {  	_ =	swait.ge [sflag:s20], $0x3200  }
0x52: {  	s21 =	sadd.s32 $0x1, s21;
	[sflag:s20] =	ssyncset.done $0x0  }
0x53: {  	p0 =	sne.s32 s21, s9;
	[sflag:s20] =	ssyncadd.s32 $0xFFFFCE00  }
.Ltmp1:
0x54: {  	[bflag:$0x0] =	sbarrier.arrive $0xFFFF;
	(pc) =	sbr.rel @p0 .LBB2_1-.Ltmp1, $4  }
0x55: {  	[hbm:s8], [sflag:s6] =	dma.local [spmem:s10], $0x2780  }
0x56: {  	_ =	swait.ge [sflag:s11], $0x2780  }
0x57: {  	[sflag:s11] =	ssyncset.done $0x0  }
0x58: {  	[sflag:s11] =	ssyncadd.s32 $0xFFFFD880  }
0x59: {  	_ =	sfence.sel $0x180000  }
0x5a: {  	[bflag:$0x0] =	sbarrier.arrive $0xFFFF  }
0x5b: {  	p0 =	sne.s32 s1, $0x0;
	_ =	strace $0x90000047  }
0x5c: {  	s0 =	sadd.s32 @!p0 $0x100000, s0;
	[bflag:$0x2] =	sbarrier.arrive $0xFFFF  }
0x5d: {  	[sflag:s0] =	ssyncadd.tile.s32 @!p0 $0x1;
	_ =	shalt  }
.Lfunc_end2:
_tile_overlayer_lowered:
.L_overlay_start_2:
0x5e: {  	(tag) =	ssettag $0x2  }
0x5f: {  	s0 =	rddreg [dreg:$0x0];
	s2 =	stileid.u32  }
0x60: {  	s1 =	rddreg [dreg:$0x1];
	p0 =	sne.s32 s2, $0x0  }
0x61: {  	s3 =	rddreg [dreg:$0x2];
	[bflag:$0x3] =	sbarrier.arrive $0xFFFF;
	s2 =	simm.s32 @!p0 $0x1C05  }
0x62: {  	[timem:s3], [sflag:s2] =	dma.local @!p0 [hbm:s0], s1  }
0x63: {  	s0 =	simm.s32 @!p0 $0x5  }
0x64: {  	_ =	swait.ge @!p0 [sflag:s0], s1  }
0x65: {  	s1 =	ssub.s32 @!p0 $0x0, s1;
	[sflag:s0] =	ssyncset.done @!p0 $0x0  }
0x66: {  	[sflag:s0] =	ssyncadd.s32 @!p0 s1  }
0x67: {  	[bflag:$0x3] =	sbarrier.arrive $0xFFFF  }
0x68: {  	_ =	shalt  }

// kernel: kernel.9.cloned.1.call-start
scs
__scs_entry_jumppad:
0x0: {  	(pc) =	sbr.rel $0x88, $3  }
0x1: {  	(tag) =	ssettag $0x0;
	lr =	simm.s32 $0x1  }
0x2: {  	[smem:$0x3F9D] =	sst lr;
	_ =	strace $0xD0000000  }
0x3: {  	_ = 	snop  }
0x4: {  	_ = 	snop  }
0x5: {  	_ = 	snop  }
0x6: {  	_ = 	snop  }
0x7: {  	_ = 	snop  }
__scs_overlays_trampoline_lowered:
0x8: {  	[smem:$0x3FAC] =	sst s0  }
0x9: {  	[smem:$0x3FAD] =	sst s1  }
0xa: {  	[smem:$0x3FAE] =	sst s2  }
0xb: {  	[smem:$0x3FAF] =	sst s3  }
0xc: {  	[smem:$0x3FB0] =	sst s4  }
0xd: {  	[smem:$0x3FB1] =	sst s5  }
0xe: {  	[smem:$0x3FB2] =	sst s6  }
0xf: {  	[smem:$0x3FB3] =	sst s7  }
0x10: {  	[smem:$0x3FB4] =	sst s8  }
0x11: {  	[smem:$0x3FB5] =	sst s9;
	s0 =	simm.s32 @!p0 $0x0  }
0x12: {  	s1 =	sld [smem:$0x3F9B];
	s0 =	simm.s32 @p0 $0x1  }
0x13: {  	[smem:$0x3FB6] =	sst s0;
	s0 =	simm.s32 @!p1 $0x0  }
0x14: {  	s2 =	sld [smem:$0x3F9A];
	s0 =	simm.s32 @p1 $0x1  }
0x15: {  	[smem:$0x3FB7] =	sst s0;
	s0 =	simm.s32 @!p2 $0x0  }
0x16: {  	s3 =	sld [smem:$0x3FDB];
	s0 =	simm.s32 @p2 $0x1  }
0x17: {  	s4 =	simm.s32 $0x1BF5;
	[smem:$0x3FB9] =	sst s0  }
0x18: {  	s0 =	sld [smem:$0x3F9C];
	_ =	swait.ge [sflag:s4], $0x0  }
0x19: {  	s7 =	sld [smem:$0x3F9D]  }
0x1a: {  	s8 =	sadd.s32 $0xFFFFE003, lr  }
0x1b: {  	s9 =	sadd.s32 $0xFFFFFEF7, lr;
	s5 =	simm.s32 $0xFFFFFFFF;
	p2 =	slt.u32 s8, $0xFFFFF086  }
0x1c: {  	p1 =	slt.u32 s9, $0xF7A;
	s5 =	simm.s32 @!p2 $0x0  }
0x1d: {  	s5 =	simm.s32 @p1 $0x1;
	p0 =	seq.s32 s7, s2  }
0x1e: {  	s7 =	smul.u32 @!p0 $0xF7A, s2;
	p2 =	seq.s32 @!p0 s5, $0x0  }
0x1f: {  	s9 =	smul.u32 $0xF7A, s1;
	s8 =	simm.s32 @!p0 $0x1BF5;
	p2 =	por !p2, p0  }
0x20: {  	[sflag:s8] =	ssyncset.s32 @!p0 $0xFFFFF086;
	s6 =	sadd.s32 @!p0 s3, s7;
	s7 =	simm.s32 @!p0 $0x108  }
0x21: {  	s3 =	sadd.s32 s3, s9;
	s6 =	sadd.s32 @!p0 $0x88, s6;
	s7 =	simm.s32 @p2 $0x1082  }
0x22: {  	[simem:s7], [sflag:s8] =	dma.local @!p0 [hbm:s6], $0xF7A  }
0x23: {  	s9 =	sor.u32 $0xD0000000, s2;
	s6 =	simm.s32 $0x108;
	_ =	swait.ge @!p0 [sflag:s8], $0x0  }
0x24: {  	s3 =	sadd.s32 $0x88, s3;
	s6 =	simm.s32 @!p1 $0x1082;
	[sflag:s4] =	ssyncset.s32 $0xFFFFF086  }
0x25: {  	[simem:s6], [sflag:s4] =	dma.local [hbm:s3], $0xF7A  }
0x26: {  	[smem:$0x3F9D] =	sst s1;
	(tag) =	ssettag s2;
	_ =	strace s9  }
0x27: {  	s1 =	sld [smem:$0x3FAD]  }
0x28: {  	s2 =	sld [smem:$0x3FAE]  }
0x29: {  	s4 =	sld [smem:$0x3FB0]  }
0x2a: {  	p0 =	seq.s32 s5, $0x0;
	s5 =	sld [smem:$0x3FB1]  }
0x2b: {  	s6 =	sld [smem:$0x3FB2]  }
0x2c: {  	s7 =	sld [smem:$0x3FB3]  }
0x2d: {  	s3 =	simm.s32 $0x108;
	s8 =	sld [smem:$0x3FB4]  }
0x2e: {  	s3 =	simm.s32 @!p0 $0x1082;
	s9 =	sld [smem:$0x3FB5]  }
0x2f: {  	lr =	sadd.s32 s0, s3;
	s0 =	sld [smem:$0x3FAC]  }
0x30: {  	s3 =	sld [smem:$0x3FAF]  }
0x31: {  	[smem:$0x3FB8] =	sst s10  }
0x32: {  	s10 =	sld [smem:$0x3FB6];
	_ =	sdelay $0x3  }
0x33: {  	p0 =	seq.s32 s10, $0x1;
	s10 =	sld [smem:$0x3FB8];
	_ =	sdelay $0x3  }
0x34: {  	[smem:$0x3FB8] =	sst s10  }
0x35: {  	s10 =	sld [smem:$0x3FB7];
	_ =	sdelay $0x3  }
0x36: {  	p1 =	seq.s32 s10, $0x1;
	s10 =	sld [smem:$0x3FB8];
	_ =	sdelay $0x3  }
0x37: {  	[smem:$0x3FB8] =	sst s10  }
0x38: {  	s10 =	sld [smem:$0x3FB9]  }
0x39: {  	_ = 	snop;
	(pc) =	sbr.ind lr, $3  }
0x3a: {  	_ = 	snop  }
0x3b: {  	_ = 	snop  }
0x3c: {  	p2 =	seq.s32 s10, $0x1;
	s10 =	sld [smem:$0x3FB8]  }
0x3d: {  	_ =	shalt  }
0x3e: {  	_ =	shalt  }
0x3f: {  	_ =	shalt  }
0x40: {  	_ =	shalt  }
0x41: {  	_ =	shalt  }
0x42: {  	_ =	shalt  }
0x43: {  	_ =	shalt  }
0x44: {  	_ =	shalt  }
0x45: {  	_ =	shalt  }
0x46: {  	_ =	shalt  }
0x47: {  	_ =	shalt  }
0x48: {  	_ =	shalt  }
0x49: {  	_ =	shalt  }
0x4a: {  	_ =	shalt  }
0x4b: {  	_ =	shalt  }
0x4c: {  	_ =	shalt  }
0x4d: {  	_ =	shalt  }
0x4e: {  	_ =	shalt  }
0x4f: {  	_ =	shalt  }
0x50: {  	_ =	shalt  }
0x51: {  	_ =	shalt  }
0x52: {  	_ =	shalt  }
0x53: {  	_ =	shalt  }
0x54: {  	_ =	shalt  }
0x55: {  	_ =	shalt  }
0x56: {  	_ =	shalt  }
0x57: {  	_ =	shalt  }
0x58: {  	_ =	shalt  }
0x59: {  	_ =	shalt  }
0x5a: {  	_ =	shalt  }
0x5b: {  	_ =	shalt  }
0x5c: {  	_ =	shalt  }
0x5d: {  	_ =	shalt  }
0x5e: {  	_ =	shalt  }
0x5f: {  	_ =	shalt  }
0x60: {  	_ =	shalt  }
0x61: {  	_ =	shalt  }
0x62: {  	_ =	shalt  }
0x63: {  	_ =	shalt  }
0x64: {  	_ =	shalt  }
0x65: {  	_ =	shalt  }
0x66: {  	_ =	shalt  }
0x67: {  	_ =	shalt  }
0x68: {  	_ =	shalt  }
0x69: {  	_ =	shalt  }
0x6a: {  	_ =	shalt  }
0x6b: {  	_ =	shalt  }
0x6c: {  	_ =	shalt  }
0x6d: {  	_ =	shalt  }
0x6e: {  	_ =	shalt  }
0x6f: {  	_ =	shalt  }
0x70: {  	_ =	shalt  }
0x71: {  	_ =	shalt  }
0x72: {  	_ =	shalt  }
0x73: {  	_ =	shalt  }
0x74: {  	_ =	shalt  }
0x75: {  	_ =	shalt  }
0x76: {  	_ =	shalt  }
0x77: {  	_ =	shalt  }
0x78: {  	_ =	shalt  }
0x79: {  	_ =	shalt  }
0x7a: {  	_ =	shalt  }
0x7b: {  	_ =	shalt  }
0x7c: {  	_ =	shalt  }
0x7d: {  	_ =	shalt  }
0x7e: {  	_ =	shalt  }
0x7f: {  	_ =	shalt  }
0x80: {  	_ =	shalt  }
0x81: {  	_ =	shalt  }
0x82: {  	_ =	shalt  }
0x83: {  	_ =	shalt  }
0x84: {  	_ =	shalt  }
0x85: {  	_ =	shalt  }
0x86: {  	_ =	shalt  }
0x87: {  	_ =	shalt  }
.Lfunc_end0:
.L_simem_size_0:
called_computation.1_lowered:
.L_overlay_start_0:
0x88: {  	s2 =	sld [smem:$0x3FD9]  }
0x89: {  	s3 =	sld [smem:$0x3FFE];
	_ =	sdelay $0x1  }
0x8a: {  	s1 =	srdreg.scid  }
0x8b: {  	s0 =	sand.u32 $0x1, s1  }
0x8c: {  	s17 =	sshll.u32 s0, $0xA;
	s2 =	sadd.s32 s3, s2  }
0x8d: {  	s2 =	sadd.s32 s2, s17  }
0x8e: {  	[smem:$0x3FC4] =	sst s2  }
0x8f: {  	_ = 	snop  }
0x90: {  	s2 =	sld [smem:$0x3FD0];
	(tm) =	ssettm $0x1  }
0x91: {  	s18 =	sld [smem:$0x3FFB];
	_ =	sdelay $0x3  }
0x92: {  	_ =	strace s18  }
0x93: {  	s3 =	sld [smem:$0x3FFC];
	_ =	sdelay $0x3  }
0x94: {  	_ =	strace s3  }
0x95: {  	s3 =	sld [smem:$0x3FFD];
	_ =	sdelay $0x3  }
0x96: {  	_ =	strace s3  }
0x97: {  	_ =	strace $0x8FFFFFFF  }
0x98: {  	s19 =	sld [smem:$0x3FDB];
	_ =	sdelay $0x1  }
0x99: {  	s4 =	simm.s32 $_scs_section_size  }
0x9a: {  	s5 =	simm.s32 $_size__tile_overlayer_lowered;
	s6 =	simm.s32 $_tile_overlayer_lowered  }
0x9b: {  	s22 =	simm.s32 $0x1BFF;
	s21 =	sshll.u32 s6, $0x1;
	s3 =	sadd.s32 s4, s19  }
0x9c: {  	s7 =	simm.s32 $0x0;
	s20 =	sshll.u32 s5, $0x1;
	s5 =	sadd.s32 s21, s3  }
0x9d: {  	[timem:s7], [sflag:s22] =	dma.local [hbm:s5], s20  }
0x9e: {  	_ =	swait.ge [sflag:s22], s20  }
0x9f: {  	s4 =	ssub.s32 $0x0, s20;
	[sflag:s22] =	ssyncset.done $0x0  }
0xa0: {  	[sflag:s22] =	ssyncadd.s32 s4;
	_ =	sdelay $0x1  }
0xa1: {  	s23 =	simm.s32 $0x1B8B  }
0xa2: {  	_ =	swait.ge [sflag:s23], $0x1  }
0xa3: {  	[sflag:s23] =	ssyncset.done $0x0  }
0xa4: {  	s25 =	simm.s32 $0x1B8E;
	s24 =	sld [smem:$0x3FFE];
	[sflag:s23] =	ssyncadd.s32 $0xFFFFFFFF  }
0xa5: {  	s26 =	simm.s32 $execute0_lowered;
	[smem:$0x3FD2] =	sst s25  }
0xa6: {  	s5 =	sshll.u32 s26, $0x1;
	_ =	strace $0x80000049;
	[dreg:$0x1] =	wrdreg $0xFFFFFFFF  }
0xa7: {  	s28 =	simm.s32 $_size_execute0_lowered;
	s3 =	sadd.s32 s3, s5;
	[dreg:$0x0] =	wrdreg $0x0  }
0xa8: {  	s5 =	sshll.u32 s28, $0x1;
	[dreg:$0x2] =	wrdreg s3  }
0xa9: {  	[dreg:$0x3] =	wrdreg s5  }
0xaa: {  	[dreg:$0x4] =	wrdreg $0xC0  }
0xab: {  	_ =	task [dreg:s7], $0x5FFFF  }
0xac: {  	[dreg:$0x1] =	wrdreg $0xFFFFFFFF  }
0xad: {  	[dreg:$0x0] =	wrdreg $0x60  }
0xae: {  	[dreg:$0x2] =	wrdreg s24  }
0xaf: {  	[dreg:$0x3] =	wrdreg s2  }
0xb0: {  	[dreg:$0x4] =	wrdreg $0xBC000  }
0xb1: {  	[dreg:$0x5] =	wrdreg $0x9  }
0xb2: {  	_ =	task.clear_ibuf [dreg:s7], $0x6FFFF;
	_ =	strace $0x90000049  }
0xb3: {  	s29 =	simm.s32 $0x9;
	_ =	strace $0x8000004B  }
0xb4: {  	_ =	swait.ge [sflag:s29], $0x1  }
0xb5: {  	[sflag:s29] =	ssyncadd.s32 $0xFFFFFFFF  }
0xb6: {  	_ =	strace $0x9000004B  }
0xb7: {  	_ =	sfence  }
0xb8: {  	s30 =	sld [smem:$0x0];
	_ =	sdelay $0x2  }
0xb9: {  	s31 =	sshll.u32 s1, $0xD;
	s1 =	sshrl.u32 s1, $0x2  }
0xba: {  	s3 =	sand.u32 $0x4000, s31;
	s1 =	sadd.s32 s1, s30  }
0xbb: {  	s0 =	sor.u32 s3, s0;
	s1 =	sshll.u32 s1, $0x11  }
0xbc: {  	s0 =	sor.u32 s1, s0  }
0xbd: {  	s0 =	sadd.s32 $0x8F2B, s0  }
0xbe: {  	[sflag:s0] =	ssyncadd.remote.s32 $0x1  }
0xbf: {  	_ =	sfence.sel $0xFFFF  }
0xc0: {  	[dreg:$0x0] =	wrdreg $0xFFFFFFFF;
	(pc) =	sbr.abs _section_cstart, $3  }
0xc1: {  	[dreg:$0x1] =	wrdreg $0xFFFFFFFF  }
0xc2: {  	_ =	task.clear_ibuf [dreg:s7], $0x2FFFF;
	_ =	strace $0x9FFFFFFF  }
0xc3: {  	(tm) =	ssettm $0x7FFFFFFF  }
tec
execute0_lowered:
.L_overlay_start_1:
0x0: {  	(tag) =	ssettag $0x1  }
0x1: {  	s0 =	rddreg [dreg:$0x0]  }
0x2: {  	s1 =	rddreg [dreg:$0x1]  }
0x3: {  	s2 =	rddreg [dreg:$0x2];
	s31 =	simm.s32 $0x0;
	s5 =	srdreg.scid  }
0x4: {  	s11 =	stileid.u32;
	[smem:$0x7FF] =	sst s31;
	s4 =	sadd.s32 $0x1200, s0  }
0x5: {  	s8 =	sand.u32 $0x1, s5;
	s26 =	smul.u32 $0x278, s11;
	s3 =	sadd.s32 $0x5CC00, s0  }
0x6: {  	s6 =	sshll.u32 s11, $0xC;
	s9 =	sadd.s32 $0x6CC00, s0;
	s7 =	sshll.u32 s8, $0xB  }
0x7: {  	_ =	strace $0x8000004A;
	s28 =	smul.u32 $0x138800, s8;
	s6 =	sor.u32 s7, s6  }
0x8: {  	[dreg:$0x10] =	wrdreg s8;
	p0 =	seq.s32 s8, $0x0;
	s12 =	sadd.s32 s9, s6  }
0x9: {  	s29 =	sadd.s32 s3, s6;
	s13 =	sor.u32 $0x200, s6;
	[dreg:$0x4] =	wrdreg s12  }
0xa: {  	s5 =	smin.u32 s26, $0x2498;
	[dreg:$0x5] =	wrdreg s29;
	s30 =	sadd.s32 s9, s13  }
0xb: {  	s15 =	sor.u32 $0x400, s6;
	s14 =	sadd.s32 s3, s13;
	[dreg:$0x6] =	wrdreg s30  }
0xc: {  	s1 =	smov.u32 @p0 s4;
	s16 =	sadd.s32 s9, s15;
	[dreg:$0x7] =	wrdreg s14  }
0xd: {  	s6 =	sor.u32 $0x600, s6;
	s17 =	sadd.s32 s3, s15;
	[dreg:$0x8] =	wrdreg s16  }
0xe: {  	s10 =	sshll.u32 s5, $0x7;
	s9 =	sadd.s32 s9, s6;
	[dreg:$0x9] =	wrdreg s17  }
0xf: {  	s5 =	sshll.u32 s5, $0x4;
	s3 =	sadd.s32 s3, s6;
	[dreg:$0xa] =	wrdreg s9  }
0x10: {  	s7 =	sadd.s32 s28, s10;
	s1 =	sadd.s32 s1, s5;
	[dreg:$0xb] =	wrdreg s3  }
0x11: {  	s19 =	sadd.s32 s10, s2;
	s18 =	sshrl.u32 s7, $0x3;
	[dreg:$0xd] =	wrdreg s1  }
0x12: {  	s21 =	sshrl.u32 s19, $0x3;
	s0 =	sadd.s32 s18, s0;
	s1 =	rddreg [dreg:$0xd]  }
0x13: {  	s20 =	sshll.u32 s11, $0x6;
	[dreg:$0xf] =	wrdreg s21;
	s0 =	sadd.s32 $0x7CC00, s0  }
0x14: {  	[dreg:$0xc] =	wrdreg s0;
	s0 =	sor.u32 $0x1C07, s20  }
0x15: {  	s5 =	simm.s32 $0x7;
	[dreg:$0xe] =	wrdreg s0  }
0x16: {  	[spmem:s21], [sflag:s0] =	dma.local [hbm:s1], $0x2780  }
0x17: {  	_ =	swait.ge [sflag:s5], $0x2780  }
0x18: {  	[sflag:s5] =	ssyncset.done $0x0  }
0x19: {  	[sflag:s5] =	ssyncadd.s32 $0xFFFFD880  }
0x1a: {  	[bflag:$0x0] =	sbarrier.arrive $0xFFFF  }
0x1b: {  	s22 =	rddreg [dreg:$0x4]  }
0x1c: {  	[tilespmem:s31], [sflag:$0x7] =	stream.linear.gather [hbm4b:s22+s31], $0xC80, $0x38;
	[tilespmem:$0x1F480] =	vst v63  }
0x1d: {  	_ =	swait.ge [sflag:s5], $0xC80  }
0x1e: {  	[sflag:s5] =	ssyncset.done $0x0  }
0x1f: {  	s24 =	simm.s32 $0x1000;
	s23 =	rddreg [dreg:$0x5];
	[sflag:s5] =	ssyncadd.s32 $0xFFFFF380  }
0x20: {  	[tilespmem:s24], [sflag:$0x7] =	stream.linear.gather [hbm4b:s23+s31], $0xC80, $0x38;
	[tilespmem:$0x1F480] =	vst v63  }
0x21: {  	_ =	swait.ge [sflag:s5], $0xC80  }
0x22: {  	[sflag:s5] =	ssyncset.done $0x0  }
0x23: {  	s10 =	simm.s32 $0x2000;
	s9 =	simm.s32 $0x64;
	[sflag:s5] =	ssyncadd.s32 $0xFFFFF380  }
0x24: {  	[tilespmem:s10], [sflag:$0x1] =	stream.indirect.gather [hbm4b:s4+s9], $0x80, s31, s9, $0xb8;
	[tilespmem:$0x1F480] =	vst v63  }
0x25: {  	s26 =	simm.s32 $0x80;
	s12 =	simm.s32 $0x5400;
	s13 =	simm.s32 $0x1  }
0x26: {  	[tilespmem:s12], [sflag:$0x2] =	stream.indirect.gather [hbm4b:s4+s9], $0x80, s26, s9, $0xb8;
	[tilespmem:$0x1F480] =	vst v63  }
0x27: {  	_ =	swait.ge [sflag:s13], $0x3200  }
0x28: {  	[sflag:s13] =	ssyncset.done $0x0  }
0x29: {  	s25 =	simm.s32 $0x1000;
	[sflag:s13] =	ssyncadd.s32 $0xFFFFCE00  }
0x2a: {  	[spmem:s2] =	stream.indirect.scatter.add.f32 [tilespmem:s10], [sflag:$0x4], $0x80, s25, s9, $0xb8;
	[tilespmem:$0x1F480] =	vst v63  }
0x2b: {  	s28 =	simm.s32 $0x100;
	s15 =	simm.s32 $0x8800;
	s16 =	simm.s32 $0x2  }
0x2c: {  	[tilespmem:s15], [sflag:$0x3] =	stream.indirect.gather [hbm4b:s4+s9], $0x80, s28, s9, $0xb8;
	[tilespmem:$0x1F480] =	vst v63  }
0x2d: {  	_ =	swait.ge [sflag:s16], $0x3200  }
0x2e: {  	[sflag:s16] =	ssyncset.done $0x0  }
0x2f: {  	s29 =	simm.s32 $0x1080;
	s18 =	simm.s32 $0x4;
	[sflag:s16] =	ssyncadd.s32 $0xFFFFCE00  }
0x30: {  	[spmem:s2] =	stream.indirect.scatter.add.f32 [tilespmem:s12], [sflag:$0x5], $0x80, s29, s9, $0xb8;
	[tilespmem:$0x1F480] =	vst v63  }
0x31: {  	_ =	swait.ge [sflag:s18], $0x3200  }
0x32: {  	[sflag:s18] =	ssyncset.done $0x0  }
0x33: {  	s30 =	simm.s32 $0x180;
	s20 =	simm.s32 $0x3;
	[sflag:s18] =	ssyncadd.s32 $0xFFFFCE00  }
0x34: {  	[tilespmem:s10], [sflag:$0x1] =	stream.indirect.gather [hbm4b:s4+s9], $0x80, s30, s9, $0xb8;
	[tilespmem:$0x1F480] =	vst v63  }
0x35: {  	_ =	swait.ge [sflag:s20], $0x3200  }
0x36: {  	[sflag:s20] =	ssyncset.done $0x0  }
0x37: {  	s1 =	simm.s32 $0x1100;
	s22 =	simm.s32 $0x5;
	[sflag:s20] =	ssyncadd.s32 $0xFFFFCE00  }
0x38: {  	[spmem:s2] =	stream.indirect.scatter.add.f32 [tilespmem:s15], [sflag:$0x6], $0x80, s1, s9, $0xb8;
	[tilespmem:$0x1F480] =	vst v63  }
0x39: {  	_ =	swait.ge [sflag:s22], $0x3200  }
0x3a: {  	[sflag:s22] =	ssyncset.done $0x0  }
0x3b: {  	s3 =	simm.s32 $0x200;
	[sflag:s22] =	ssyncadd.s32 $0xFFFFCE00  }
0x3c: {  	[tilespmem:s12], [sflag:$0x2] =	stream.indirect.gather [hbm4b:s4+s9], $0x80, s3, s9, $0xb8;
	[tilespmem:$0x1F480] =	vst v63  }
0x3d: {  	_ =	swait.ge [sflag:s13], $0x3200  }
0x3e: {  	[sflag:s13] =	ssyncset.done $0x0  }
0x3f: {  	s6 =	simm.s32 $0x1180;
	s25 =	simm.s32 $0x6;
	[sflag:s13] =	ssyncadd.s32 $0xFFFFCE00  }
0x40: {  	[spmem:s2] =	stream.indirect.scatter.add.f32 [tilespmem:s10], [sflag:$0x4], $0x80, s6, s9, $0xb8;
	[tilespmem:$0x1F480] =	vst v63  }
0x41: {  	_ =	swait.ge [sflag:s25], $0x3200  }
0x42: {  	[sflag:s25] =	ssyncset.done $0x0  }
0x43: {  	s7 =	simm.s32 $0x280;
	[sflag:s25] =	ssyncadd.s32 $0xFFFFCE00  }
0x44: {  	[tilespmem:s15], [sflag:$0x3] =	stream.indirect.gather [hbm4b:s4+s9], $0x80, s7, s9, $0xb8;
	[tilespmem:$0x1F480] =	vst v63  }
0x45: {  	_ =	swait.ge [sflag:s16], $0x3200  }
0x46: {  	[sflag:s16] =	ssyncset.done $0x0  }
0x47: {  	s8 =	simm.s32 $0x1200;
	[sflag:s16] =	ssyncadd.s32 $0xFFFFCE00  }
0x48: {  	[spmem:s2] =	stream.indirect.scatter.add.f32 [tilespmem:s12], [sflag:$0x5], $0x80, s8, s9, $0xb8;
	[tilespmem:$0x1F480] =	vst v63  }
0x49: {  	_ =	swait.ge [sflag:s18], $0x3200  }
0x4a: {  	[sflag:s18] =	ssyncset.done $0x0  }
0x4b: {  	s11 =	simm.s32 $0x300;
	[sflag:s18] =	ssyncadd.s32 $0xFFFFCE00  }
0x4c: {  	[tilespmem:s10], [sflag:$0x1] =	stream.indirect.gather [hbm4b:s4+s9], $0x80, s11, s9, $0xb8;
	[tilespmem:$0x1F480] =	vst v63  }
0x4d: {  	_ =	swait.ge [sflag:s20], $0x3200  }
0x4e: {  	[sflag:s20] =	ssyncset.done $0x0  }
0x4f: {  	s14 =	simm.s32 $0x1280;
	[sflag:s20] =	ssyncadd.s32 $0xFFFFCE00  }
0x50: {  	[spmem:s2] =	stream.indirect.scatter.add.f32 [tilespmem:s15], [sflag:$0x6], $0x80, s14, s9, $0xb8;
	[tilespmem:$0x1F480] =	vst v63  }
0x51: {  	_ =	swait.ge [sflag:s22], $0x3200  }
0x52: {  	[sflag:s22] =	ssyncset.done $0x0  }
0x53: {  	s17 =	simm.s32 $0x380;
	[sflag:s22] =	ssyncadd.s32 $0xFFFFCE00  }
0x54: {  	[tilespmem:s12], [sflag:$0x2] =	stream.indirect.gather [hbm4b:s4+s9], $0x80, s17, s9, $0xb8;
	[tilespmem:$0x1F480] =	vst v63  }
0x55: {  	_ =	swait.ge [sflag:s13], $0x3200  }
0x56: {  	[sflag:s13] =	ssyncset.done $0x0  }
0x57: {  	s19 =	simm.s32 $0x1300;
	[sflag:s13] =	ssyncadd.s32 $0xFFFFCE00  }
0x58: {  	[spmem:s2] =	stream.indirect.scatter.add.f32 [tilespmem:s10], [sflag:$0x4], $0x80, s19, s9, $0xb8;
	[tilespmem:$0x1F480] =	vst v63  }
0x59: {  	_ =	swait.ge [sflag:s25], $0x3200  }
0x5a: {  	[sflag:s25] =	ssyncset.done $0x0  }
0x5b: {  	s21 =	simm.s32 $0x400;
	[sflag:s25] =	ssyncadd.s32 $0xFFFFCE00  }
0x5c: {  	[tilespmem:s15], [sflag:$0x3] =	stream.indirect.gather [hbm4b:s4+s9], $0x80, s21, s9, $0xb8;
	[tilespmem:$0x1F480] =	vst v63  }
0x5d: {  	_ =	swait.ge [sflag:s16], $0x3200  }
0x5e: {  	[sflag:s16] =	ssyncset.done $0x0  }
0x5f: {  	s23 =	simm.s32 $0x1380;
	[sflag:s16] =	ssyncadd.s32 $0xFFFFCE00  }
0x60: {  	[spmem:s2] =	stream.indirect.scatter.add.f32 [tilespmem:s12], [sflag:$0x5], $0x80, s23, s9, $0xb8;
	[tilespmem:$0x1F480] =	vst v63  }
0x61: {  	_ =	swait.ge [sflag:s18], $0x3200  }
0x62: {  	[sflag:s18] =	ssyncset.done $0x0  }
0x63: {  	s24 =	simm.s32 $0x480;
	[sflag:s18] =	ssyncadd.s32 $0xFFFFCE00  }
0x64: {  	[tilespmem:s10], [sflag:$0x1] =	stream.indirect.gather [hbm4b:s4+s9], $0x80, s24, s9, $0xb8;
	[tilespmem:$0x1F480] =	vst v63  }
0x65: {  	_ =	swait.ge [sflag:s20], $0x3200  }
0x66: {  	[sflag:s20] =	ssyncset.done $0x0  }
0x67: {  	s26 =	simm.s32 $0x1400;
	[sflag:s20] =	ssyncadd.s32 $0xFFFFCE00  }
0x68: {  	[spmem:s2] =	stream.indirect.scatter.add.f32 [tilespmem:s15], [sflag:$0x6], $0x80, s26, s9, $0xb8;
	[tilespmem:$0x1F480] =	vst v63  }
0x69: {  	_ =	swait.ge [sflag:s22], $0x3200  }
0x6a: {  	[sflag:s22] =	ssyncset.done $0x0  }
0x6b: {  	s28 =	simm.s32 $0x500;
	[sflag:s22] =	ssyncadd.s32 $0xFFFFCE00  }
0x6c: {  	[tilespmem:s12], [sflag:$0x2] =	stream.indirect.gather [hbm4b:s4+s9], $0x80, s28, s9, $0xb8;
	[tilespmem:$0x1F480] =	vst v63  }
0x6d: {  	_ =	swait.ge [sflag:s13], $0x3200  }
0x6e: {  	[sflag:s13] =	ssyncset.done $0x0  }
0x6f: {  	s29 =	simm.s32 $0x1480;
	[sflag:s13] =	ssyncadd.s32 $0xFFFFCE00  }
0x70: {  	[spmem:s2] =	stream.indirect.scatter.add.f32 [tilespmem:s10], [sflag:$0x4], $0x80, s29, s9, $0xb8;
	[tilespmem:$0x1F480] =	vst v63  }
0x71: {  	_ =	swait.ge [sflag:s25], $0x3200  }
0x72: {  	[sflag:s25] =	ssyncset.done $0x0  }
0x73: {  	s30 =	simm.s32 $0x580;
	[sflag:s25] =	ssyncadd.s32 $0xFFFFCE00  }
0x74: {  	[tilespmem:s15], [sflag:$0x3] =	stream.indirect.gather [hbm4b:s4+s9], $0x80, s30, s9, $0xb8;
	[tilespmem:$0x1F480] =	vst v63  }
0x75: {  	_ =	swait.ge [sflag:s16], $0x3200  }
0x76: {  	[sflag:s16] =	ssyncset.done $0x0  }
0x77: {  	s1 =	simm.s32 $0x1500;
	[sflag:s16] =	ssyncadd.s32 $0xFFFFCE00  }
0x78: {  	[spmem:s2] =	stream.indirect.scatter.add.f32 [tilespmem:s12], [sflag:$0x5], $0x80, s1, s9, $0xb8;
	[tilespmem:$0x1F480] =	vst v63  }
0x79: {  	_ =	swait.ge [sflag:s18], $0x3200  }
0x7a: {  	[sflag:s18] =	ssyncset.done $0x0  }
0x7b: {  	s3 =	simm.s32 $0x600;
	[sflag:s18] =	ssyncadd.s32 $0xFFFFCE00  }
0x7c: {  	[tilespmem:s10], [sflag:$0x1] =	stream.indirect.gather [hbm4b:s4+s9], $0x80, s3, s9, $0xb8;
	[tilespmem:$0x1F480] =	vst v63  }
0x7d: {  	_ =	swait.ge [sflag:s20], $0x3200  }
0x7e: {  	[sflag:s20] =	ssyncset.done $0x0  }
0x7f: {  	s6 =	simm.s32 $0x1580;
	[sflag:s20] =	ssyncadd.s32 $0xFFFFCE00  }
0x80: {  	[spmem:s2] =	stream.indirect.scatter.add.f32 [tilespmem:s15], [sflag:$0x6], $0x80, s6, s9, $0xb8;
	[tilespmem:$0x1F480] =	vst v63  }
0x81: {  	_ =	swait.ge [sflag:s22], $0x3200  }
0x82: {  	[sflag:s22] =	ssyncset.done $0x0  }
0x83: {  	s7 =	simm.s32 $0x680;
	[sflag:s22] =	ssyncadd.s32 $0xFFFFCE00  }
0x84: {  	[tilespmem:s12], [sflag:$0x2] =	stream.indirect.gather [hbm4b:s4+s9], $0x80, s7, s9, $0xb8;
	[tilespmem:$0x1F480] =	vst v63  }
0x85: {  	_ =	swait.ge [sflag:s13], $0x3200  }
0x86: {  	[sflag:s13] =	ssyncset.done $0x0  }
0x87: {  	s8 =	simm.s32 $0x1600;
	[sflag:s13] =	ssyncadd.s32 $0xFFFFCE00  }
0x88: {  	[spmem:s2] =	stream.indirect.scatter.add.f32 [tilespmem:s10], [sflag:$0x4], $0x80, s8, s9, $0xb8;
	[tilespmem:$0x1F480] =	vst v63  }
0x89: {  	_ =	swait.ge [sflag:s25], $0x3200  }
0x8a: {  	[sflag:s25] =	ssyncset.done $0x0  }
0x8b: {  	s11 =	simm.s32 $0x700;
	[sflag:s25] =	ssyncadd.s32 $0xFFFFCE00  }
0x8c: {  	[tilespmem:s15], [sflag:$0x3] =	stream.indirect.gather [hbm4b:s4+s9], $0x80, s11, s9, $0xb8;
	[tilespmem:$0x1F480] =	vst v63  }
0x8d: {  	_ =	swait.ge [sflag:s16], $0x3200  }
0x8e: {  	[sflag:s16] =	ssyncset.done $0x0  }
0x8f: {  	s14 =	simm.s32 $0x1680;
	[sflag:s16] =	ssyncadd.s32 $0xFFFFCE00  }
0x90: {  	[spmem:s2] =	stream.indirect.scatter.add.f32 [tilespmem:s12], [sflag:$0x5], $0x80, s14, s9, $0xb8;
	[tilespmem:$0x1F480] =	vst v63  }
0x91: {  	_ =	swait.ge [sflag:s18], $0x3200  }
0x92: {  	[sflag:s18] =	ssyncset.done $0x0  }
0x93: {  	s17 =	simm.s32 $0x780;
	[sflag:s18] =	ssyncadd.s32 $0xFFFFCE00  }
0x94: {  	[tilespmem:s10], [sflag:$0x1] =	stream.indirect.gather [hbm4b:s4+s9], $0x80, s17, s9, $0xb8;
	[tilespmem:$0x1F480] =	vst v63  }
0x95: {  	_ =	swait.ge [sflag:s20], $0x3200  }
0x96: {  	[sflag:s20] =	ssyncset.done $0x0  }
0x97: {  	s19 =	simm.s32 $0x1700;
	[sflag:s20] =	ssyncadd.s32 $0xFFFFCE00  }
0x98: {  	[spmem:s2] =	stream.indirect.scatter.add.f32 [tilespmem:s15], [sflag:$0x6], $0x80, s19, s9, $0xb8;
	[tilespmem:$0x1F480] =	vst v63  }
0x99: {  	_ =	swait.ge [sflag:s22], $0x3200  }
0x9a: {  	[sflag:s22] =	ssyncset.done $0x0  }
0x9b: {  	s21 =	simm.s32 $0x800;
	[sflag:s22] =	ssyncadd.s32 $0xFFFFCE00  }
0x9c: {  	[tilespmem:s12], [sflag:$0x2] =	stream.indirect.gather [hbm4b:s4+s9], $0x80, s21, s9, $0xb8;
	[tilespmem:$0x1F480] =	vst v63  }
0x9d: {  	_ =	swait.ge [sflag:s13], $0x3200  }
0x9e: {  	[sflag:s13] =	ssyncset.done $0x0  }
0x9f: {  	s23 =	simm.s32 $0x1780;
	[sflag:s13] =	ssyncadd.s32 $0xFFFFCE00  }
0xa0: {  	[spmem:s2] =	stream.indirect.scatter.add.f32 [tilespmem:s10], [sflag:$0x4], $0x80, s23, s9, $0xb8;
	[tilespmem:$0x1F480] =	vst v63  }
0xa1: {  	_ =	swait.ge [sflag:s25], $0x3200  }
0xa2: {  	[sflag:s25] =	ssyncset.done $0x0  }
0xa3: {  	s24 =	simm.s32 $0x880;
	[sflag:s25] =	ssyncadd.s32 $0xFFFFCE00  }
0xa4: {  	[tilespmem:s15], [sflag:$0x3] =	stream.indirect.gather [hbm4b:s4+s9], $0x80, s24, s9, $0xb8;
	[tilespmem:$0x1F480] =	vst v63  }
0xa5: {  	_ =	swait.ge [sflag:s16], $0x3200  }
0xa6: {  	[sflag:s16] =	ssyncset.done $0x0  }
0xa7: {  	s26 =	simm.s32 $0x1800;
	[sflag:s16] =	ssyncadd.s32 $0xFFFFCE00  }
0xa8: {  	[spmem:s2] =	stream.indirect.scatter.add.f32 [tilespmem:s12], [sflag:$0x5], $0x80, s26, s9, $0xb8;
	[tilespmem:$0x1F480] =	vst v63  }
0xa9: {  	_ =	swait.ge [sflag:s18], $0x3200  }
0xaa: {  	[sflag:s18] =	ssyncset.done $0x0  }
0xab: {  	s28 =	simm.s32 $0x900;
	[sflag:s18] =	ssyncadd.s32 $0xFFFFCE00  }
0xac: {  	[tilespmem:s10], [sflag:$0x1] =	stream.indirect.gather [hbm4b:s4+s9], $0x80, s28, s9, $0xb8;
	[tilespmem:$0x1F480] =	vst v63  }
0xad: {  	_ =	swait.ge [sflag:s20], $0x3200  }
0xae: {  	[sflag:s20] =	ssyncset.done $0x0  }
0xaf: {  	s29 =	simm.s32 $0x1880;
	[sflag:s20] =	ssyncadd.s32 $0xFFFFCE00  }
0xb0: {  	[spmem:s2] =	stream.indirect.scatter.add.f32 [tilespmem:s15], [sflag:$0x6], $0x80, s29, s9, $0xb8;
	[tilespmem:$0x1F480] =	vst v63  }
0xb1: {  	_ =	swait.ge [sflag:s22], $0x3200  }
0xb2: {  	[sflag:s22] =	ssyncset.done $0x0  }
0xb3: {  	s30 =	simm.s32 $0x980;
	[sflag:s22] =	ssyncadd.s32 $0xFFFFCE00  }
0xb4: {  	[tilespmem:s12], [sflag:$0x2] =	stream.indirect.gather [hbm4b:s4+s9], $0x80, s30, s9, $0xb8;
	[tilespmem:$0x1F480] =	vst v63  }
0xb5: {  	_ =	swait.ge [sflag:s13], $0x3200  }
0xb6: {  	[sflag:s13] =	ssyncset.done $0x0  }
0xb7: {  	s1 =	simm.s32 $0x1900;
	[sflag:s13] =	ssyncadd.s32 $0xFFFFCE00  }
0xb8: {  	[spmem:s2] =	stream.indirect.scatter.add.f32 [tilespmem:s10], [sflag:$0x4], $0x80, s1, s9, $0xb8;
	[tilespmem:$0x1F480] =	vst v63  }
0xb9: {  	_ =	swait.ge [sflag:s25], $0x3200  }
0xba: {  	[sflag:s25] =	ssyncset.done $0x0  }
0xbb: {  	s3 =	simm.s32 $0xA00;
	[sflag:s25] =	ssyncadd.s32 $0xFFFFCE00  }
0xbc: {  	[tilespmem:s15], [sflag:$0x3] =	stream.indirect.gather [hbm4b:s4+s9], $0x80, s3, s9, $0xb8;
	[tilespmem:$0x1F480] =	vst v63  }
0xbd: {  	_ =	swait.ge [sflag:s16], $0x3200  }
0xbe: {  	[sflag:s16] =	ssyncset.done $0x0  }
0xbf: {  	s6 =	simm.s32 $0x1980;
	[sflag:s16] =	ssyncadd.s32 $0xFFFFCE00  }
0xc0: {  	[spmem:s2] =	stream.indirect.scatter.add.f32 [tilespmem:s12], [sflag:$0x5], $0x80, s6, s9, $0xb8;
	[tilespmem:$0x1F480] =	vst v63  }
0xc1: {  	_ =	swait.ge [sflag:s18], $0x3200  }
0xc2: {  	[sflag:s18] =	ssyncset.done $0x0  }
0xc3: {  	s7 =	simm.s32 $0xA80;
	[sflag:s18] =	ssyncadd.s32 $0xFFFFCE00  }
0xc4: {  	[tilespmem:s10], [sflag:$0x1] =	stream.indirect.gather [hbm4b:s4+s9], $0x80, s7, s9, $0xb8;
	[tilespmem:$0x1F480] =	vst v63  }
0xc5: {  	_ =	swait.ge [sflag:s20], $0x3200  }
0xc6: {  	[sflag:s20] =	ssyncset.done $0x0  }
0xc7: {  	s8 =	simm.s32 $0x1A00;
	[sflag:s20] =	ssyncadd.s32 $0xFFFFCE00  }
0xc8: {  	[spmem:s2] =	stream.indirect.scatter.add.f32 [tilespmem:s15], [sflag:$0x6], $0x80, s8, s9, $0xb8;
	[tilespmem:$0x1F480] =	vst v63  }
0xc9: {  	_ =	swait.ge [sflag:s22], $0x3200  }
0xca: {  	[sflag:s22] =	ssyncset.done $0x0  }
0xcb: {  	s11 =	simm.s32 $0xB00;
	[sflag:s22] =	ssyncadd.s32 $0xFFFFCE00  }
0xcc: {  	[tilespmem:s12], [sflag:$0x2] =	stream.indirect.gather [hbm4b:s4+s9], $0x80, s11, s9, $0xb8;
	[tilespmem:$0x1F480] =	vst v63  }
0xcd: {  	_ =	swait.ge [sflag:s13], $0x3200  }
0xce: {  	[sflag:s13] =	ssyncset.done $0x0  }
0xcf: {  	s14 =	simm.s32 $0x1A80;
	[sflag:s13] =	ssyncadd.s32 $0xFFFFCE00  }
0xd0: {  	[spmem:s2] =	stream.indirect.scatter.add.f32 [tilespmem:s10], [sflag:$0x4], $0x80, s14, s9, $0xb8;
	[tilespmem:$0x1F480] =	vst v63  }
0xd1: {  	_ =	swait.ge [sflag:s25], $0x3200  }
0xd2: {  	[sflag:s25] =	ssyncset.done $0x0  }
0xd3: {  	s17 =	simm.s32 $0xB80;
	[sflag:s25] =	ssyncadd.s32 $0xFFFFCE00  }
0xd4: {  	[tilespmem:s15], [sflag:$0x3] =	stream.indirect.gather [hbm4b:s4+s9], $0x80, s17, s9, $0xb8;
	[tilespmem:$0x1F480] =	vst v63  }
0xd5: {  	_ =	swait.ge [sflag:s16], $0x3200  }
0xd6: {  	[sflag:s16] =	ssyncset.done $0x0  }
0xd7: {  	s19 =	simm.s32 $0x1B00;
	[sflag:s16] =	ssyncadd.s32 $0xFFFFCE00  }
0xd8: {  	[spmem:s2] =	stream.indirect.scatter.add.f32 [tilespmem:s12], [sflag:$0x5], $0x80, s19, s9, $0xb8;
	[tilespmem:$0x1F480] =	vst v63  }
0xd9: {  	_ =	swait.ge [sflag:s18], $0x3200  }
0xda: {  	[sflag:s18] =	ssyncset.done $0x0  }
0xdb: {  	s21 =	simm.s32 $0xC00;
	[sflag:s18] =	ssyncadd.s32 $0xFFFFCE00  }
0xdc: {  	[tilespmem:s10], [sflag:$0x1] =	stream.indirect.gather [hbm4b:s4+s9], $0x80, s21, s9, $0xb8;
	[tilespmem:$0x1F480] =	vst v63  }
0xdd: {  	_ =	swait.ge [sflag:s20], $0x3200  }
0xde: {  	[sflag:s20] =	ssyncset.done $0x0  }
0xdf: {  	s23 =	simm.s32 $0x1B80;
	[sflag:s20] =	ssyncadd.s32 $0xFFFFCE00  }
0xe0: {  	[spmem:s2] =	stream.indirect.scatter.add.f32 [tilespmem:s15], [sflag:$0x6], $0x80, s23, s9, $0xb8;
	[tilespmem:$0x1F480] =	vst v63  }
0xe1: {  	_ =	swait.ge [sflag:s13], $0x3200  }
0xe2: {  	[sflag:s13] =	ssyncset.done $0x0  }
0xe3: {  	s24 =	simm.s32 $0x1C00;
	[sflag:s13] =	ssyncadd.s32 $0xFFFFCE00  }
0xe4: {  	[spmem:s2] =	stream.indirect.scatter.add.f32 [tilespmem:s10], [sflag:$0x4], $0x80, s24, s9, $0xb8;
	[tilespmem:$0x1F480] =	vst v63  }
0xe5: {  	_ =	swait.ge [sflag:s22], $0x3200  }
0xe6: {  	[sflag:s22] =	ssyncset.done $0x0  }
0xe7: {  	[sflag:s22] =	ssyncadd.s32 $0xFFFFCE00  }
0xe8: {  	_ =	swait.ge [sflag:s25], $0x3200  }
0xe9: {  	[sflag:s25] =	ssyncset.done $0x0  }
0xea: {  	[sflag:s25] =	ssyncadd.s32 $0xFFFFCE00  }
0xeb: {  	_ =	swait.ge [sflag:s18], $0x3200  }
0xec: {  	[sflag:s18] =	ssyncset.done $0x0  }
0xed: {  	s26 =	rddreg [dreg:$0x6];
	[sflag:s18] =	ssyncadd.s32 $0xFFFFCE00  }
0xee: {  	[tilespmem:s31], [sflag:$0x7] =	stream.linear.gather [hbm4b:s26+s31], $0xC80, $0x38;
	[tilespmem:$0x1F480] =	vst v63  }
0xef: {  	_ =	swait.ge [sflag:s5], $0xC80  }
0xf0: {  	[sflag:s5] =	ssyncset.done $0x0  }
0xf1: {  	s29 =	simm.s32 $0x1000;
	s28 =	rddreg [dreg:$0x7];
	[sflag:s5] =	ssyncadd.s32 $0xFFFFF380  }
0xf2: {  	[tilespmem:s29], [sflag:$0x7] =	stream.linear.gather [hbm4b:s28+s31], $0xC80, $0x38;
	[tilespmem:$0x1F480] =	vst v63  }
0xf3: {  	_ =	swait.ge [sflag:s5], $0xC80  }
0xf4: {  	[sflag:s5] =	ssyncset.done $0x0  }
0xf5: {  	[sflag:s5] =	ssyncadd.s32 $0xFFFFF380  }
0xf6: {  	[tilespmem:s10], [sflag:$0x1] =	stream.indirect.gather [hbm4b:s4+s9], $0x80, s31, s9, $0xb8;
	[tilespmem:$0x1F480] =	vst v63  }
0xf7: {  	s30 =	simm.s32 $0x80  }
0xf8: {  	[tilespmem:s12], [sflag:$0x2] =	stream.indirect.gather [hbm4b:s4+s9], $0x80, s30, s9, $0xb8;
	[tilespmem:$0x1F480] =	vst v63  }
0xf9: {  	_ =	swait.ge [sflag:s13], $0x3200  }
0xfa: {  	[sflag:s13] =	ssyncset.done $0x0  }
0xfb: {  	[sflag:s13] =	ssyncadd.s32 $0xFFFFCE00  }
0xfc: {  	[spmem:s2] =	stream.indirect.scatter.add.f32 [tilespmem:s10], [sflag:$0x4], $0x80, s29, s9, $0xb8;
	[tilespmem:$0x1F480] =	vst v63  }
0xfd: {  	s1 =	simm.s32 $0x100  }
0xfe: {  	[tilespmem:s15], [sflag:$0x3] =	stream.indirect.gather [hbm4b:s4+s9], $0x80, s1, s9, $0xb8;
	[tilespmem:$0x1F480] =	vst v63  }
0xff: {  	_ =	swait.ge [sflag:s16], $0x3200  }
0x100: {  	[sflag:s16] =	ssyncset.done $0x0  }
0x101: {  	s3 =	simm.s32 $0x1080;
	[sflag:s16] =	ssyncadd.s32 $0xFFFFCE00  }
0x102: {  	[spmem:s2] =	stream.indirect.scatter.add.f32 [tilespmem:s12], [sflag:$0x5], $0x80, s3, s9, $0xb8;
	[tilespmem:$0x1F480] =	vst v63  }
0x103: {  	_ =	swait.ge [sflag:s18], $0x3200  }
0x104: {  	[sflag:s18] =	ssyncset.done $0x0  }
0x105: {  	s6 =	simm.s32 $0x180;
	[sflag:s18] =	ssyncadd.s32 $0xFFFFCE00  }
0x106: {  	[tilespmem:s10], [sflag:$0x1] =	stream.indirect.gather [hbm4b:s4+s9], $0x80, s6, s9, $0xb8;
	[tilespmem:$0x1F480] =	vst v63  }
0x107: {  	_ =	swait.ge [sflag:s20], $0x3200  }
0x108: {  	[sflag:s20] =	ssyncset.done $0x0  }
0x109: {  	s7 =	simm.s32 $0x1100;
	[sflag:s20] =	ssyncadd.s32 $0xFFFFCE00  }
0x10a: {  	[spmem:s2] =	stream.indirect.scatter.add.f32 [tilespmem:s15], [sflag:$0x6], $0x80, s7, s9, $0xb8;
	[tilespmem:$0x1F480] =	vst v63  }
0x10b: {  	_ =	swait.ge [sflag:s22], $0x3200  }
0x10c: {  	[sflag:s22] =	ssyncset.done $0x0  }
0x10d: {  	s8 =	simm.s32 $0x200;
	[sflag:s22] =	ssyncadd.s32 $0xFFFFCE00  }
0x10e: {  	[tilespmem:s12], [sflag:$0x2] =	stream.indirect.gather [hbm4b:s4+s9], $0x80, s8, s9, $0xb8;
	[tilespmem:$0x1F480] =	vst v63  }
0x10f: {  	_ =	swait.ge [sflag:s13], $0x3200  }
0x110: {  	[sflag:s13] =	ssyncset.done $0x0  }
0x111: {  	s14 =	simm.s32 $0x1180;
	[sflag:s13] =	ssyncadd.s32 $0xFFFFCE00  }
0x112: {  	[spmem:s2] =	stream.indirect.scatter.add.f32 [tilespmem:s10], [sflag:$0x4], $0x80, s14, s9, $0xb8;
	[tilespmem:$0x1F480] =	vst v63  }
0x113: {  	_ =	swait.ge [sflag:s25], $0x3200  }
0x114: {  	[sflag:s25] =	ssyncset.done $0x0  }
0x115: {  	s17 =	simm.s32 $0x280;
	[sflag:s25] =	ssyncadd.s32 $0xFFFFCE00  }
0x116: {  	[tilespmem:s15], [sflag:$0x3] =	stream.indirect.gather [hbm4b:s4+s9], $0x80, s17, s9, $0xb8;
	[tilespmem:$0x1F480] =	vst v63  }
0x117: {  	_ =	swait.ge [sflag:s16], $0x3200  }
0x118: {  	[sflag:s16] =	ssyncset.done $0x0  }
0x119: {  	s19 =	simm.s32 $0x1200;
	[sflag:s16] =	ssyncadd.s32 $0xFFFFCE00  }
0x11a: {  	[spmem:s2] =	stream.indirect.scatter.add.f32 [tilespmem:s12], [sflag:$0x5], $0x80, s19, s9, $0xb8;
	[tilespmem:$0x1F480] =	vst v63  }
0x11b: {  	_ =	swait.ge [sflag:s18], $0x3200  }
0x11c: {  	[sflag:s18] =	ssyncset.done $0x0  }
0x11d: {  	s21 =	simm.s32 $0x300;
	[sflag:s18] =	ssyncadd.s32 $0xFFFFCE00  }
0x11e: {  	[tilespmem:s10], [sflag:$0x1] =	stream.indirect.gather [hbm4b:s4+s9], $0x80, s21, s9, $0xb8;
	[tilespmem:$0x1F480] =	vst v63  }
0x11f: {  	_ =	swait.ge [sflag:s20], $0x3200  }
0x120: {  	[sflag:s20] =	ssyncset.done $0x0  }
0x121: {  	s23 =	simm.s32 $0x1280;
	[sflag:s20] =	ssyncadd.s32 $0xFFFFCE00  }
0x122: {  	[spmem:s2] =	stream.indirect.scatter.add.f32 [tilespmem:s15], [sflag:$0x6], $0x80, s23, s9, $0xb8;
	[tilespmem:$0x1F480] =	vst v63  }
0x123: {  	_ =	swait.ge [sflag:s22], $0x3200  }
0x124: {  	[sflag:s22] =	ssyncset.done $0x0  }
0x125: {  	s24 =	simm.s32 $0x380;
	[sflag:s22] =	ssyncadd.s32 $0xFFFFCE00  }
0x126: {  	[tilespmem:s12], [sflag:$0x2] =	stream.indirect.gather [hbm4b:s4+s9], $0x80, s24, s9, $0xb8;
	[tilespmem:$0x1F480] =	vst v63  }
0x127: {  	_ =	swait.ge [sflag:s13], $0x3200  }
0x128: {  	[sflag:s13] =	ssyncset.done $0x0  }
0x129: {  	s26 =	simm.s32 $0x1300;
	[sflag:s13] =	ssyncadd.s32 $0xFFFFCE00  }
0x12a: {  	[spmem:s2] =	stream.indirect.scatter.add.f32 [tilespmem:s10], [sflag:$0x4], $0x80, s26, s9, $0xb8;
	[tilespmem:$0x1F480] =	vst v63  }
0x12b: {  	_ =	swait.ge [sflag:s25], $0x3200  }
0x12c: {  	[sflag:s25] =	ssyncset.done $0x0  }
0x12d: {  	s28 =	simm.s32 $0x400;
	[sflag:s25] =	ssyncadd.s32 $0xFFFFCE00  }
0x12e: {  	[tilespmem:s15], [sflag:$0x3] =	stream.indirect.gather [hbm4b:s4+s9], $0x80, s28, s9, $0xb8;
	[tilespmem:$0x1F480] =	vst v63  }
0x12f: {  	_ =	swait.ge [sflag:s16], $0x3200  }
0x130: {  	[sflag:s16] =	ssyncset.done $0x0  }
0x131: {  	s29 =	simm.s32 $0x1380;
	[sflag:s16] =	ssyncadd.s32 $0xFFFFCE00  }
0x132: {  	[spmem:s2] =	stream.indirect.scatter.add.f32 [tilespmem:s12], [sflag:$0x5], $0x80, s29, s9, $0xb8;
	[tilespmem:$0x1F480] =	vst v63  }
0x133: {  	_ =	swait.ge [sflag:s18], $0x3200  }
0x134: {  	[sflag:s18] =	ssyncset.done $0x0  }
0x135: {  	s30 =	simm.s32 $0x480;
	[sflag:s18] =	ssyncadd.s32 $0xFFFFCE00  }
0x136: {  	[tilespmem:s10], [sflag:$0x1] =	stream.indirect.gather [hbm4b:s4+s9], $0x80, s30, s9, $0xb8;
	[tilespmem:$0x1F480] =	vst v63  }
0x137: {  	_ =	swait.ge [sflag:s20], $0x3200  }
0x138: {  	[sflag:s20] =	ssyncset.done $0x0  }
0x139: {  	s0 =	simm.s32 $0x1400;
	[sflag:s20] =	ssyncadd.s32 $0xFFFFCE00  }
0x13a: {  	[spmem:s2] =	stream.indirect.scatter.add.f32 [tilespmem:s15], [sflag:$0x6], $0x80, s0, s9, $0xb8;
	[tilespmem:$0x1F480] =	vst v63  }
0x13b: {  	_ =	swait.ge [sflag:s22], $0x3200  }
0x13c: {  	[sflag:s22] =	ssyncset.done $0x0  }
0x13d: {  	s0 =	simm.s32 $0x500;
	[sflag:s22] =	ssyncadd.s32 $0xFFFFCE00  }
0x13e: {  	[tilespmem:s12], [sflag:$0x2] =	stream.indirect.gather [hbm4b:s4+s9], $0x80, s0, s9, $0xb8;
	[tilespmem:$0x1F480] =	vst v63  }
0x13f: {  	_ =	swait.ge [sflag:s13], $0x3200  }
0x140: {  	[sflag:s13] =	ssyncset.done $0x0  }
0x141: {  	s0 =	simm.s32 $0x1480;
	[sflag:s13] =	ssyncadd.s32 $0xFFFFCE00  }
0x142: {  	[spmem:s2] =	stream.indirect.scatter.add.f32 [tilespmem:s10], [sflag:$0x4], $0x80, s0, s9, $0xb8;
	[tilespmem:$0x1F480] =	vst v63  }
0x143: {  	_ =	swait.ge [sflag:s25], $0x3200  }
0x144: {  	[sflag:s25] =	ssyncset.done $0x0  }
0x145: {  	s0 =	simm.s32 $0x580;
	[sflag:s25] =	ssyncadd.s32 $0xFFFFCE00  }
0x146: {  	[tilespmem:s15], [sflag:$0x3] =	stream.indirect.gather [hbm4b:s4+s9], $0x80, s0, s9, $0xb8;
	[tilespmem:$0x1F480] =	vst v63  }
0x147: {  	_ =	swait.ge [sflag:s16], $0x3200  }
0x148: {  	[sflag:s16] =	ssyncset.done $0x0  }
0x149: {  	s0 =	simm.s32 $0x1500;
	[sflag:s16] =	ssyncadd.s32 $0xFFFFCE00  }
0x14a: {  	[spmem:s2] =	stream.indirect.scatter.add.f32 [tilespmem:s12], [sflag:$0x5], $0x80, s0, s9, $0xb8;
	[tilespmem:$0x1F480] =	vst v63  }
0x14b: {  	_ =	swait.ge [sflag:s18], $0x3200  }
0x14c: {  	[sflag:s18] =	ssyncset.done $0x0  }
0x14d: {  	s0 =	simm.s32 $0x600;
	[sflag:s18] =	ssyncadd.s32 $0xFFFFCE00  }
0x14e: {  	[tilespmem:s10], [sflag:$0x1] =	stream.indirect.gather [hbm4b:s4+s9], $0x80, s0, s9, $0xb8;
	[tilespmem:$0x1F480] =	vst v63  }
0x14f: {  	_ =	swait.ge [sflag:s20], $0x3200  }
0x150: {  	[sflag:s20] =	ssyncset.done $0x0  }
0x151: {  	s0 =	simm.s32 $0x1580;
	[sflag:s20] =	ssyncadd.s32 $0xFFFFCE00  }
0x152: {  	[spmem:s2] =	stream.indirect.scatter.add.f32 [tilespmem:s15], [sflag:$0x6], $0x80, s0, s9, $0xb8;
	[tilespmem:$0x1F480] =	vst v63  }
0x153: {  	_ =	swait.ge [sflag:s22], $0x3200  }
0x154: {  	[sflag:s22] =	ssyncset.done $0x0  }
0x155: {  	s0 =	simm.s32 $0x680;
	[sflag:s22] =	ssyncadd.s32 $0xFFFFCE00  }
0x156: {  	[tilespmem:s12], [sflag:$0x2] =	stream.indirect.gather [hbm4b:s4+s9], $0x80, s0, s9, $0xb8;
	[tilespmem:$0x1F480] =	vst v63  }
0x157: {  	_ =	swait.ge [sflag:s13], $0x3200  }
0x158: {  	[sflag:s13] =	ssyncset.done $0x0  }
0x159: {  	s0 =	simm.s32 $0x1600;
	[sflag:s13] =	ssyncadd.s32 $0xFFFFCE00  }
0x15a: {  	[spmem:s2] =	stream.indirect.scatter.add.f32 [tilespmem:s10], [sflag:$0x4], $0x80, s0, s9, $0xb8;
	[tilespmem:$0x1F480] =	vst v63  }
0x15b: {  	_ =	swait.ge [sflag:s25], $0x3200  }
0x15c: {  	[sflag:s25] =	ssyncset.done $0x0  }
0x15d: {  	s0 =	simm.s32 $0x700;
	[sflag:s25] =	ssyncadd.s32 $0xFFFFCE00  }
0x15e: {  	[tilespmem:s15], [sflag:$0x3] =	stream.indirect.gather [hbm4b:s4+s9], $0x80, s0, s9, $0xb8;
	[tilespmem:$0x1F480] =	vst v63  }
0x15f: {  	_ =	swait.ge [sflag:s16], $0x3200  }
0x160: {  	[sflag:s16] =	ssyncset.done $0x0  }
0x161: {  	s0 =	simm.s32 $0x1680;
	[sflag:s16] =	ssyncadd.s32 $0xFFFFCE00  }
0x162: {  	[spmem:s2] =	stream.indirect.scatter.add.f32 [tilespmem:s12], [sflag:$0x5], $0x80, s0, s9, $0xb8;
	[tilespmem:$0x1F480] =	vst v63  }
0x163: {  	_ =	swait.ge [sflag:s18], $0x3200  }
0x164: {  	[sflag:s18] =	ssyncset.done $0x0  }
0x165: {  	s0 =	simm.s32 $0x780;
	[sflag:s18] =	ssyncadd.s32 $0xFFFFCE00  }
0x166: {  	[tilespmem:s10], [sflag:$0x1] =	stream.indirect.gather [hbm4b:s4+s9], $0x80, s0, s9, $0xb8;
	[tilespmem:$0x1F480] =	vst v63  }
0x167: {  	_ =	swait.ge [sflag:s20], $0x3200  }
0x168: {  	[sflag:s20] =	ssyncset.done $0x0  }
0x169: {  	s0 =	simm.s32 $0x1700;
	[sflag:s20] =	ssyncadd.s32 $0xFFFFCE00  }
0x16a: {  	[spmem:s2] =	stream.indirect.scatter.add.f32 [tilespmem:s15], [sflag:$0x6], $0x80, s0, s9, $0xb8;
	[tilespmem:$0x1F480] =	vst v63  }
0x16b: {  	_ =	swait.ge [sflag:s22], $0x3200  }
0x16c: {  	[sflag:s22] =	ssyncset.done $0x0  }
0x16d: {  	s0 =	simm.s32 $0x800;
	[sflag:s22] =	ssyncadd.s32 $0xFFFFCE00  }
0x16e: {  	[tilespmem:s12], [sflag:$0x2] =	stream.indirect.gather [hbm4b:s4+s9], $0x80, s0, s9, $0xb8;
	[tilespmem:$0x1F480] =	vst v63  }
0x16f: {  	_ =	swait.ge [sflag:s13], $0x3200  }
0x170: {  	[sflag:s13] =	ssyncset.done $0x0  }
0x171: {  	s0 =	simm.s32 $0x1780;
	[sflag:s13] =	ssyncadd.s32 $0xFFFFCE00  }
0x172: {  	[spmem:s2] =	stream.indirect.scatter.add.f32 [tilespmem:s10], [sflag:$0x4], $0x80, s0, s9, $0xb8;
	[tilespmem:$0x1F480] =	vst v63  }
0x173: {  	_ =	swait.ge [sflag:s25], $0x3200  }
0x174: {  	[sflag:s25] =	ssyncset.done $0x0  }
0x175: {  	s0 =	simm.s32 $0x880;
	[sflag:s25] =	ssyncadd.s32 $0xFFFFCE00  }
0x176: {  	[tilespmem:s15], [sflag:$0x3] =	stream.indirect.gather [hbm4b:s4+s9], $0x80, s0, s9, $0xb8;
	[tilespmem:$0x1F480] =	vst v63  }
0x177: {  	_ =	swait.ge [sflag:s16], $0x3200  }
0x178: {  	[sflag:s16] =	ssyncset.done $0x0  }
0x179: {  	s0 =	simm.s32 $0x1800;
	[sflag:s16] =	ssyncadd.s32 $0xFFFFCE00  }
0x17a: {  	[spmem:s2] =	stream.indirect.scatter.add.f32 [tilespmem:s12], [sflag:$0x5], $0x80, s0, s9, $0xb8;
	[tilespmem:$0x1F480] =	vst v63  }
0x17b: {  	_ =	swait.ge [sflag:s18], $0x3200  }
0x17c: {  	[sflag:s18] =	ssyncset.done $0x0  }
0x17d: {  	s0 =	simm.s32 $0x900;
	[sflag:s18] =	ssyncadd.s32 $0xFFFFCE00  }
0x17e: {  	[tilespmem:s10], [sflag:$0x1] =	stream.indirect.gather [hbm4b:s4+s9], $0x80, s0, s9, $0xb8;
	[tilespmem:$0x1F480] =	vst v63  }
0x17f: {  	_ =	swait.ge [sflag:s20], $0x3200  }
0x180: {  	[sflag:s20] =	ssyncset.done $0x0  }
0x181: {  	s0 =	simm.s32 $0x1880;
	[sflag:s20] =	ssyncadd.s32 $0xFFFFCE00  }
0x182: {  	[spmem:s2] =	stream.indirect.scatter.add.f32 [tilespmem:s15], [sflag:$0x6], $0x80, s0, s9, $0xb8;
	[tilespmem:$0x1F480] =	vst v63  }
0x183: {  	_ =	swait.ge [sflag:s22], $0x3200  }
0x184: {  	[sflag:s22] =	ssyncset.done $0x0  }
0x185: {  	s0 =	simm.s32 $0x980;
	[sflag:s22] =	ssyncadd.s32 $0xFFFFCE00  }
0x186: {  	[tilespmem:s12], [sflag:$0x2] =	stream.indirect.gather [hbm4b:s4+s9], $0x80, s0, s9, $0xb8;
	[tilespmem:$0x1F480] =	vst v63  }
0x187: {  	_ =	swait.ge [sflag:s13], $0x3200  }
0x188: {  	[sflag:s13] =	ssyncset.done $0x0  }
0x189: {  	s0 =	simm.s32 $0x1900;
	[sflag:s13] =	ssyncadd.s32 $0xFFFFCE00  }
0x18a: {  	[spmem:s2] =	stream.indirect.scatter.add.f32 [tilespmem:s10], [sflag:$0x4], $0x80, s0, s9, $0xb8;
	[tilespmem:$0x1F480] =	vst v63  }
0x18b: {  	_ =	swait.ge [sflag:s25], $0x3200  }
0x18c: {  	[sflag:s25] =	ssyncset.done $0x0  }
0x18d: {  	s0 =	simm.s32 $0xA00;
	[sflag:s25] =	ssyncadd.s32 $0xFFFFCE00  }
0x18e: {  	[tilespmem:s15], [sflag:$0x3] =	stream.indirect.gather [hbm4b:s4+s9], $0x80, s0, s9, $0xb8;
	[tilespmem:$0x1F480] =	vst v63  }
0x18f: {  	_ =	swait.ge [sflag:s16], $0x3200  }
0x190: {  	[sflag:s16] =	ssyncset.done $0x0  }
0x191: {  	s0 =	simm.s32 $0x1980;
	[sflag:s16] =	ssyncadd.s32 $0xFFFFCE00  }
0x192: {  	[spmem:s2] =	stream.indirect.scatter.add.f32 [tilespmem:s12], [sflag:$0x5], $0x80, s0, s9, $0xb8;
	[tilespmem:$0x1F480] =	vst v63  }
0x193: {  	_ =	swait.ge [sflag:s18], $0x3200  }
0x194: {  	[sflag:s18] =	ssyncset.done $0x0  }
0x195: {  	s0 =	simm.s32 $0xA80;
	[sflag:s18] =	ssyncadd.s32 $0xFFFFCE00  }
0x196: {  	[tilespmem:s10], [sflag:$0x1] =	stream.indirect.gather [hbm4b:s4+s9], $0x80, s0, s9, $0xb8;
	[tilespmem:$0x1F480] =	vst v63  }
0x197: {  	_ =	swait.ge [sflag:s20], $0x3200  }
0x198: {  	[sflag:s20] =	ssyncset.done $0x0  }
0x199: {  	s0 =	simm.s32 $0x1A00;
	[sflag:s20] =	ssyncadd.s32 $0xFFFFCE00  }
0x19a: {  	[spmem:s2] =	stream.indirect.scatter.add.f32 [tilespmem:s15], [sflag:$0x6], $0x80, s0, s9, $0xb8;
	[tilespmem:$0x1F480] =	vst v63  }
0x19b: {  	_ =	swait.ge [sflag:s22], $0x3200  }
0x19c: {  	[sflag:s22] =	ssyncset.done $0x0  }
0x19d: {  	s0 =	simm.s32 $0xB00;
	[sflag:s22] =	ssyncadd.s32 $0xFFFFCE00  }
0x19e: {  	[tilespmem:s12], [sflag:$0x2] =	stream.indirect.gather [hbm4b:s4+s9], $0x80, s0, s9, $0xb8;
	[tilespmem:$0x1F480] =	vst v63  }
0x19f: {  	_ =	swait.ge [sflag:s13], $0x3200  }
0x1a0: {  	[sflag:s13] =	ssyncset.done $0x0  }
0x1a1: {  	s0 =	simm.s32 $0x1A80;
	[sflag:s13] =	ssyncadd.s32 $0xFFFFCE00  }
0x1a2: {  	[spmem:s2] =	stream.indirect.scatter.add.f32 [tilespmem:s10], [sflag:$0x4], $0x80, s0, s9, $0xb8;
	[tilespmem:$0x1F480] =	vst v63  }
0x1a3: {  	_ =	swait.ge [sflag:s25], $0x3200  }
0x1a4: {  	[sflag:s25] =	ssyncset.done $0x0  }
0x1a5: {  	s0 =	simm.s32 $0xB80;
	[sflag:s25] =	ssyncadd.s32 $0xFFFFCE00  }
0x1a6: {  	[tilespmem:s15], [sflag:$0x3] =	stream.indirect.gather [hbm4b:s4+s9], $0x80, s0, s9, $0xb8;
	[tilespmem:$0x1F480] =	vst v63  }
0x1a7: {  	_ =	swait.ge [sflag:s16], $0x3200  }
0x1a8: {  	[sflag:s16] =	ssyncset.done $0x0  }
0x1a9: {  	s0 =	simm.s32 $0x1B00;
	[sflag:s16] =	ssyncadd.s32 $0xFFFFCE00  }
0x1aa: {  	[spmem:s2] =	stream.indirect.scatter.add.f32 [tilespmem:s12], [sflag:$0x5], $0x80, s0, s9, $0xb8;
	[tilespmem:$0x1F480] =	vst v63  }
0x1ab: {  	_ =	swait.ge [sflag:s18], $0x3200  }
0x1ac: {  	[sflag:s18] =	ssyncset.done $0x0  }
0x1ad: {  	s0 =	simm.s32 $0xC00;
	[sflag:s18] =	ssyncadd.s32 $0xFFFFCE00  }
0x1ae: {  	[tilespmem:s10], [sflag:$0x1] =	stream.indirect.gather [hbm4b:s4+s9], $0x80, s0, s9, $0xb8;
	[tilespmem:$0x1F480] =	vst v63  }
0x1af: {  	_ =	swait.ge [sflag:s20], $0x3200  }
0x1b0: {  	[sflag:s20] =	ssyncset.done $0x0  }
0x1b1: {  	s0 =	simm.s32 $0x1B80;
	[sflag:s20] =	ssyncadd.s32 $0xFFFFCE00  }
0x1b2: {  	[spmem:s2] =	stream.indirect.scatter.add.f32 [tilespmem:s15], [sflag:$0x6], $0x80, s0, s9, $0xb8;
	[tilespmem:$0x1F480] =	vst v63  }
0x1b3: {  	_ =	swait.ge [sflag:s13], $0x3200  }
0x1b4: {  	[sflag:s13] =	ssyncset.done $0x0  }
0x1b5: {  	s0 =	simm.s32 $0x1C00;
	[sflag:s13] =	ssyncadd.s32 $0xFFFFCE00  }
0x1b6: {  	[spmem:s2] =	stream.indirect.scatter.add.f32 [tilespmem:s10], [sflag:$0x4], $0x80, s0, s9, $0xb8;
	[tilespmem:$0x1F480] =	vst v63  }
0x1b7: {  	_ =	swait.ge [sflag:s22], $0x3200  }
0x1b8: {  	[sflag:s22] =	ssyncset.done $0x0  }
0x1b9: {  	[sflag:s22] =	ssyncadd.s32 $0xFFFFCE00  }
0x1ba: {  	_ =	swait.ge [sflag:s25], $0x3200  }
0x1bb: {  	[sflag:s25] =	ssyncset.done $0x0  }
0x1bc: {  	[sflag:s25] =	ssyncadd.s32 $0xFFFFCE00  }
0x1bd: {  	_ =	swait.ge [sflag:s18], $0x3200  }
0x1be: {  	[sflag:s18] =	ssyncset.done $0x0  }
0x1bf: {  	s0 =	rddreg [dreg:$0x8];
	[sflag:s18] =	ssyncadd.s32 $0xFFFFCE00  }
0x1c0: {  	[tilespmem:s31], [sflag:$0x7] =	stream.linear.gather [hbm4b:s0+s31], $0xC80, $0x38;
	[tilespmem:$0x1F480] =	vst v63  }
0x1c1: {  	_ =	swait.ge [sflag:s5], $0xC80  }
0x1c2: {  	[sflag:s5] =	ssyncset.done $0x0  }
0x1c3: {  	s0 =	simm.s32 $0x1000;
	s11 =	rddreg [dreg:$0x9];
	[sflag:s5] =	ssyncadd.s32 $0xFFFFF380  }
0x1c4: {  	[tilespmem:s0], [sflag:$0x7] =	stream.linear.gather [hbm4b:s11+s31], $0xC80, $0x38;
	[tilespmem:$0x1F480] =	vst v63  }
0x1c5: {  	_ =	swait.ge [sflag:s5], $0xC80  }
0x1c6: {  	[sflag:s5] =	ssyncset.done $0x0  }
0x1c7: {  	[sflag:s5] =	ssyncadd.s32 $0xFFFFF380  }
0x1c8: {  	[tilespmem:s10], [sflag:$0x1] =	stream.indirect.gather [hbm4b:s4+s9], $0x80, s31, s9, $0xb8;
	[tilespmem:$0x1F480] =	vst v63  }
0x1c9: {  	s11 =	simm.s32 $0x80  }
0x1ca: {  	[tilespmem:s12], [sflag:$0x2] =	stream.indirect.gather [hbm4b:s4+s9], $0x80, s11, s9, $0xb8;
	[tilespmem:$0x1F480] =	vst v63  }
0x1cb: {  	_ =	swait.ge [sflag:s13], $0x3200  }
0x1cc: {  	[sflag:s13] =	ssyncset.done $0x0  }
0x1cd: {  	[sflag:s13] =	ssyncadd.s32 $0xFFFFCE00  }
0x1ce: {  	[spmem:s2] =	stream.indirect.scatter.add.f32 [tilespmem:s10], [sflag:$0x4], $0x80, s0, s9, $0xb8;
	[tilespmem:$0x1F480] =	vst v63  }
0x1cf: {  	_ = 	snop  }
0x1d0: {  	[tilespmem:s15], [sflag:$0x3] =	stream.indirect.gather [hbm4b:s4+s9], $0x80, s1, s9, $0xb8;
	[tilespmem:$0x1F480] =	vst v63  }
0x1d1: {  	_ =	swait.ge [sflag:s16], $0x3200  }
0x1d2: {  	[sflag:s16] =	ssyncset.done $0x0  }
0x1d3: {  	[sflag:s16] =	ssyncadd.s32 $0xFFFFCE00  }
0x1d4: {  	[spmem:s2] =	stream.indirect.scatter.add.f32 [tilespmem:s12], [sflag:$0x5], $0x80, s3, s9, $0xb8;
	[tilespmem:$0x1F480] =	vst v63  }
0x1d5: {  	_ =	swait.ge [sflag:s18], $0x3200  }
0x1d6: {  	[sflag:s18] =	ssyncset.done $0x0  }
0x1d7: {  	[sflag:s18] =	ssyncadd.s32 $0xFFFFCE00  }
0x1d8: {  	[tilespmem:s10], [sflag:$0x1] =	stream.indirect.gather [hbm4b:s4+s9], $0x80, s6, s9, $0xb8;
	[tilespmem:$0x1F480] =	vst v63  }
0x1d9: {  	_ =	swait.ge [sflag:s20], $0x3200  }
0x1da: {  	[sflag:s20] =	ssyncset.done $0x0  }
0x1db: {  	[sflag:s20] =	ssyncadd.s32 $0xFFFFCE00  }
0x1dc: {  	[spmem:s2] =	stream.indirect.scatter.add.f32 [tilespmem:s15], [sflag:$0x6], $0x80, s7, s9, $0xb8;
	[tilespmem:$0x1F480] =	vst v63  }
0x1dd: {  	_ =	swait.ge [sflag:s22], $0x3200  }
0x1de: {  	[sflag:s22] =	ssyncset.done $0x0  }
0x1df: {  	[sflag:s22] =	ssyncadd.s32 $0xFFFFCE00  }
0x1e0: {  	[tilespmem:s12], [sflag:$0x2] =	stream.indirect.gather [hbm4b:s4+s9], $0x80, s8, s9, $0xb8;
	[tilespmem:$0x1F480] =	vst v63  }
0x1e1: {  	_ =	swait.ge [sflag:s13], $0x3200  }
0x1e2: {  	[sflag:s13] =	ssyncset.done $0x0  }
0x1e3: {  	[sflag:s13] =	ssyncadd.s32 $0xFFFFCE00  }
0x1e4: {  	[spmem:s2] =	stream.indirect.scatter.add.f32 [tilespmem:s10], [sflag:$0x4], $0x80, s14, s9, $0xb8;
	[tilespmem:$0x1F480] =	vst v63  }
0x1e5: {  	_ =	swait.ge [sflag:s25], $0x3200  }
0x1e6: {  	[sflag:s25] =	ssyncset.done $0x0  }
0x1e7: {  	[sflag:s25] =	ssyncadd.s32 $0xFFFFCE00  }
0x1e8: {  	[tilespmem:s15], [sflag:$0x3] =	stream.indirect.gather [hbm4b:s4+s9], $0x80, s17, s9, $0xb8;
	[tilespmem:$0x1F480] =	vst v63  }
0x1e9: {  	_ =	swait.ge [sflag:s16], $0x3200  }
0x1ea: {  	[sflag:s16] =	ssyncset.done $0x0  }
0x1eb: {  	[sflag:s16] =	ssyncadd.s32 $0xFFFFCE00  }
0x1ec: {  	[spmem:s2] =	stream.indirect.scatter.add.f32 [tilespmem:s12], [sflag:$0x5], $0x80, s19, s9, $0xb8;
	[tilespmem:$0x1F480] =	vst v63  }
0x1ed: {  	_ =	swait.ge [sflag:s18], $0x3200  }
0x1ee: {  	[sflag:s18] =	ssyncset.done $0x0  }
0x1ef: {  	[sflag:s18] =	ssyncadd.s32 $0xFFFFCE00  }
0x1f0: {  	[tilespmem:s10], [sflag:$0x1] =	stream.indirect.gather [hbm4b:s4+s9], $0x80, s21, s9, $0xb8;
	[tilespmem:$0x1F480] =	vst v63  }
0x1f1: {  	_ =	swait.ge [sflag:s20], $0x3200  }
0x1f2: {  	[sflag:s20] =	ssyncset.done $0x0  }
0x1f3: {  	[sflag:s20] =	ssyncadd.s32 $0xFFFFCE00  }
0x1f4: {  	[spmem:s2] =	stream.indirect.scatter.add.f32 [tilespmem:s15], [sflag:$0x6], $0x80, s23, s9, $0xb8;
	[tilespmem:$0x1F480] =	vst v63  }
0x1f5: {  	_ =	swait.ge [sflag:s22], $0x3200  }
0x1f6: {  	[sflag:s22] =	ssyncset.done $0x0  }
0x1f7: {  	[sflag:s22] =	ssyncadd.s32 $0xFFFFCE00  }
0x1f8: {  	[tilespmem:s12], [sflag:$0x2] =	stream.indirect.gather [hbm4b:s4+s9], $0x80, s24, s9, $0xb8;
	[tilespmem:$0x1F480] =	vst v63  }
0x1f9: {  	_ =	swait.ge [sflag:s13], $0x3200  }
0x1fa: {  	[sflag:s13] =	ssyncset.done $0x0  }
0x1fb: {  	[sflag:s13] =	ssyncadd.s32 $0xFFFFCE00  }
0x1fc: {  	[spmem:s2] =	stream.indirect.scatter.add.f32 [tilespmem:s10], [sflag:$0x4], $0x80, s26, s9, $0xb8;
	[tilespmem:$0x1F480] =	vst v63  }
0x1fd: {  	_ =	swait.ge [sflag:s25], $0x3200  }
0x1fe: {  	[sflag:s25] =	ssyncset.done $0x0  }
0x1ff: {  	[sflag:s25] =	ssyncadd.s32 $0xFFFFCE00  }
0x200: {  	[tilespmem:s15], [sflag:$0x3] =	stream.indirect.gather [hbm4b:s4+s9], $0x80, s28, s9, $0xb8;
	[tilespmem:$0x1F480] =	vst v63  }
0x201: {  	_ =	swait.ge [sflag:s16], $0x3200  }
0x202: {  	[sflag:s16] =	ssyncset.done $0x0  }
0x203: {  	[sflag:s16] =	ssyncadd.s32 $0xFFFFCE00  }
0x204: {  	[spmem:s2] =	stream.indirect.scatter.add.f32 [tilespmem:s12], [sflag:$0x5], $0x80, s29, s9, $0xb8;
	[tilespmem:$0x1F480] =	vst v63  }
0x205: {  	_ =	swait.ge [sflag:s18], $0x3200  }
0x206: {  	[sflag:s18] =	ssyncset.done $0x0  }
0x207: {  	[sflag:s18] =	ssyncadd.s32 $0xFFFFCE00  }
0x208: {  	[tilespmem:s10], [sflag:$0x1] =	stream.indirect.gather [hbm4b:s4+s9], $0x80, s30, s9, $0xb8;
	[tilespmem:$0x1F480] =	vst v63  }
0x209: {  	_ =	swait.ge [sflag:s20], $0x3200  }
0x20a: {  	[sflag:s20] =	ssyncset.done $0x0  }
0x20b: {  	s11 =	simm.s32 $0x1400;
	[sflag:s20] =	ssyncadd.s32 $0xFFFFCE00  }
0x20c: {  	[spmem:s2] =	stream.indirect.scatter.add.f32 [tilespmem:s15], [sflag:$0x6], $0x80, s11, s9, $0xb8;
	[tilespmem:$0x1F480] =	vst v63  }
0x20d: {  	_ =	swait.ge [sflag:s22], $0x3200  }
0x20e: {  	[sflag:s22] =	ssyncset.done $0x0  }
0x20f: {  	s11 =	simm.s32 $0x500;
	[sflag:s22] =	ssyncadd.s32 $0xFFFFCE00  }
0x210: {  	[tilespmem:s12], [sflag:$0x2] =	stream.indirect.gather [hbm4b:s4+s9], $0x80, s11, s9, $0xb8;
	[tilespmem:$0x1F480] =	vst v63  }
0x211: {  	_ =	swait.ge [sflag:s13], $0x3200  }
0x212: {  	[sflag:s13] =	ssyncset.done $0x0  }
0x213: {  	s11 =	simm.s32 $0x1480;
	[sflag:s13] =	ssyncadd.s32 $0xFFFFCE00  }
0x214: {  	[spmem:s2] =	stream.indirect.scatter.add.f32 [tilespmem:s10], [sflag:$0x4], $0x80, s11, s9, $0xb8;
	[tilespmem:$0x1F480] =	vst v63  }
0x215: {  	_ =	swait.ge [sflag:s25], $0x3200  }
0x216: {  	[sflag:s25] =	ssyncset.done $0x0  }
0x217: {  	s11 =	simm.s32 $0x580;
	[sflag:s25] =	ssyncadd.s32 $0xFFFFCE00  }
0x218: {  	[tilespmem:s15], [sflag:$0x3] =	stream.indirect.gather [hbm4b:s4+s9], $0x80, s11, s9, $0xb8;
	[tilespmem:$0x1F480] =	vst v63  }
0x219: {  	_ =	swait.ge [sflag:s16], $0x3200  }
0x21a: {  	[sflag:s16] =	ssyncset.done $0x0  }
0x21b: {  	s11 =	simm.s32 $0x1500;
	[sflag:s16] =	ssyncadd.s32 $0xFFFFCE00  }
0x21c: {  	[spmem:s2] =	stream.indirect.scatter.add.f32 [tilespmem:s12], [sflag:$0x5], $0x80, s11, s9, $0xb8;
	[tilespmem:$0x1F480] =	vst v63  }
0x21d: {  	_ =	swait.ge [sflag:s18], $0x3200  }
0x21e: {  	[sflag:s18] =	ssyncset.done $0x0  }
0x21f: {  	s11 =	simm.s32 $0x600;
	[sflag:s18] =	ssyncadd.s32 $0xFFFFCE00  }
0x220: {  	[tilespmem:s10], [sflag:$0x1] =	stream.indirect.gather [hbm4b:s4+s9], $0x80, s11, s9, $0xb8;
	[tilespmem:$0x1F480] =	vst v63  }
0x221: {  	_ =	swait.ge [sflag:s20], $0x3200  }
0x222: {  	[sflag:s20] =	ssyncset.done $0x0  }
0x223: {  	s11 =	simm.s32 $0x1580;
	[sflag:s20] =	ssyncadd.s32 $0xFFFFCE00  }
0x224: {  	[spmem:s2] =	stream.indirect.scatter.add.f32 [tilespmem:s15], [sflag:$0x6], $0x80, s11, s9, $0xb8;
	[tilespmem:$0x1F480] =	vst v63  }
0x225: {  	_ =	swait.ge [sflag:s22], $0x3200  }
0x226: {  	[sflag:s22] =	ssyncset.done $0x0  }
0x227: {  	s11 =	simm.s32 $0x680;
	[sflag:s22] =	ssyncadd.s32 $0xFFFFCE00  }
0x228: {  	[tilespmem:s12], [sflag:$0x2] =	stream.indirect.gather [hbm4b:s4+s9], $0x80, s11, s9, $0xb8;
	[tilespmem:$0x1F480] =	vst v63  }
0x229: {  	_ =	swait.ge [sflag:s13], $0x3200  }
0x22a: {  	[sflag:s13] =	ssyncset.done $0x0  }
0x22b: {  	s11 =	simm.s32 $0x1600;
	[sflag:s13] =	ssyncadd.s32 $0xFFFFCE00  }
0x22c: {  	[spmem:s2] =	stream.indirect.scatter.add.f32 [tilespmem:s10], [sflag:$0x4], $0x80, s11, s9, $0xb8;
	[tilespmem:$0x1F480] =	vst v63  }
0x22d: {  	_ =	swait.ge [sflag:s25], $0x3200  }
0x22e: {  	[sflag:s25] =	ssyncset.done $0x0  }
0x22f: {  	s11 =	simm.s32 $0x700;
	[sflag:s25] =	ssyncadd.s32 $0xFFFFCE00  }
0x230: {  	[tilespmem:s15], [sflag:$0x3] =	stream.indirect.gather [hbm4b:s4+s9], $0x80, s11, s9, $0xb8;
	[tilespmem:$0x1F480] =	vst v63  }
0x231: {  	_ =	swait.ge [sflag:s16], $0x3200  }
0x232: {  	[sflag:s16] =	ssyncset.done $0x0  }
0x233: {  	s11 =	simm.s32 $0x1680;
	[sflag:s16] =	ssyncadd.s32 $0xFFFFCE00  }
0x234: {  	[spmem:s2] =	stream.indirect.scatter.add.f32 [tilespmem:s12], [sflag:$0x5], $0x80, s11, s9, $0xb8;
	[tilespmem:$0x1F480] =	vst v63  }
0x235: {  	_ =	swait.ge [sflag:s18], $0x3200  }
0x236: {  	[sflag:s18] =	ssyncset.done $0x0  }
0x237: {  	s11 =	simm.s32 $0x780;
	[sflag:s18] =	ssyncadd.s32 $0xFFFFCE00  }
0x238: {  	[tilespmem:s10], [sflag:$0x1] =	stream.indirect.gather [hbm4b:s4+s9], $0x80, s11, s9, $0xb8;
	[tilespmem:$0x1F480] =	vst v63  }
0x239: {  	_ =	swait.ge [sflag:s20], $0x3200  }
0x23a: {  	[sflag:s20] =	ssyncset.done $0x0  }
0x23b: {  	s11 =	simm.s32 $0x1700;
	[sflag:s20] =	ssyncadd.s32 $0xFFFFCE00  }
0x23c: {  	[spmem:s2] =	stream.indirect.scatter.add.f32 [tilespmem:s15], [sflag:$0x6], $0x80, s11, s9, $0xb8;
	[tilespmem:$0x1F480] =	vst v63  }
0x23d: {  	_ =	swait.ge [sflag:s22], $0x3200  }
0x23e: {  	[sflag:s22] =	ssyncset.done $0x0  }
0x23f: {  	s11 =	simm.s32 $0x800;
	[sflag:s22] =	ssyncadd.s32 $0xFFFFCE00  }
0x240: {  	[tilespmem:s12], [sflag:$0x2] =	stream.indirect.gather [hbm4b:s4+s9], $0x80, s11, s9, $0xb8;
	[tilespmem:$0x1F480] =	vst v63  }
0x241: {  	_ =	swait.ge [sflag:s13], $0x3200  }
0x242: {  	[sflag:s13] =	ssyncset.done $0x0  }
0x243: {  	s11 =	simm.s32 $0x1780;
	[sflag:s13] =	ssyncadd.s32 $0xFFFFCE00  }
0x244: {  	[spmem:s2] =	stream.indirect.scatter.add.f32 [tilespmem:s10], [sflag:$0x4], $0x80, s11, s9, $0xb8;
	[tilespmem:$0x1F480] =	vst v63  }
0x245: {  	_ =	swait.ge [sflag:s25], $0x3200  }
0x246: {  	[sflag:s25] =	ssyncset.done $0x0  }
0x247: {  	s11 =	simm.s32 $0x880;
	[sflag:s25] =	ssyncadd.s32 $0xFFFFCE00  }
0x248: {  	[tilespmem:s15], [sflag:$0x3] =	stream.indirect.gather [hbm4b:s4+s9], $0x80, s11, s9, $0xb8;
	[tilespmem:$0x1F480] =	vst v63  }
0x249: {  	_ =	swait.ge [sflag:s16], $0x3200  }
0x24a: {  	[sflag:s16] =	ssyncset.done $0x0  }
0x24b: {  	s11 =	simm.s32 $0x1800;
	[sflag:s16] =	ssyncadd.s32 $0xFFFFCE00  }
0x24c: {  	[spmem:s2] =	stream.indirect.scatter.add.f32 [tilespmem:s12], [sflag:$0x5], $0x80, s11, s9, $0xb8;
	[tilespmem:$0x1F480] =	vst v63  }
0x24d: {  	_ =	swait.ge [sflag:s18], $0x3200  }
0x24e: {  	[sflag:s18] =	ssyncset.done $0x0  }
0x24f: {  	s11 =	simm.s32 $0x900;
	[sflag:s18] =	ssyncadd.s32 $0xFFFFCE00  }
0x250: {  	[tilespmem:s10], [sflag:$0x1] =	stream.indirect.gather [hbm4b:s4+s9], $0x80, s11, s9, $0xb8;
	[tilespmem:$0x1F480] =	vst v63  }
0x251: {  	_ =	swait.ge [sflag:s20], $0x3200  }
0x252: {  	[sflag:s20] =	ssyncset.done $0x0  }
0x253: {  	s11 =	simm.s32 $0x1880;
	[sflag:s20] =	ssyncadd.s32 $0xFFFFCE00  }
0x254: {  	[spmem:s2] =	stream.indirect.scatter.add.f32 [tilespmem:s15], [sflag:$0x6], $0x80, s11, s9, $0xb8;
	[tilespmem:$0x1F480] =	vst v63  }
0x255: {  	_ =	swait.ge [sflag:s22], $0x3200  }
0x256: {  	[sflag:s22] =	ssyncset.done $0x0  }
0x257: {  	s11 =	simm.s32 $0x980;
	[sflag:s22] =	ssyncadd.s32 $0xFFFFCE00  }
0x258: {  	[tilespmem:s12], [sflag:$0x2] =	stream.indirect.gather [hbm4b:s4+s9], $0x80, s11, s9, $0xb8;
	[tilespmem:$0x1F480] =	vst v63  }
0x259: {  	_ =	swait.ge [sflag:s13], $0x3200  }
0x25a: {  	[sflag:s13] =	ssyncset.done $0x0  }
0x25b: {  	s11 =	simm.s32 $0x1900;
	[sflag:s13] =	ssyncadd.s32 $0xFFFFCE00  }
0x25c: {  	[spmem:s2] =	stream.indirect.scatter.add.f32 [tilespmem:s10], [sflag:$0x4], $0x80, s11, s9, $0xb8;
	[tilespmem:$0x1F480] =	vst v63  }
0x25d: {  	_ =	swait.ge [sflag:s25], $0x3200  }
0x25e: {  	[sflag:s25] =	ssyncset.done $0x0  }
0x25f: {  	s11 =	simm.s32 $0xA00;
	[sflag:s25] =	ssyncadd.s32 $0xFFFFCE00  }
0x260: {  	[tilespmem:s15], [sflag:$0x3] =	stream.indirect.gather [hbm4b:s4+s9], $0x80, s11, s9, $0xb8;
	[tilespmem:$0x1F480] =	vst v63  }
0x261: {  	_ =	swait.ge [sflag:s16], $0x3200  }
0x262: {  	[sflag:s16] =	ssyncset.done $0x0  }
0x263: {  	s11 =	simm.s32 $0x1980;
	[sflag:s16] =	ssyncadd.s32 $0xFFFFCE00  }
0x264: {  	[spmem:s2] =	stream.indirect.scatter.add.f32 [tilespmem:s12], [sflag:$0x5], $0x80, s11, s9, $0xb8;
	[tilespmem:$0x1F480] =	vst v63  }
0x265: {  	_ =	swait.ge [sflag:s18], $0x3200  }
0x266: {  	[sflag:s18] =	ssyncset.done $0x0  }
0x267: {  	s11 =	simm.s32 $0xA80;
	[sflag:s18] =	ssyncadd.s32 $0xFFFFCE00  }
0x268: {  	[tilespmem:s10], [sflag:$0x1] =	stream.indirect.gather [hbm4b:s4+s9], $0x80, s11, s9, $0xb8;
	[tilespmem:$0x1F480] =	vst v63  }
0x269: {  	_ =	swait.ge [sflag:s20], $0x3200  }
0x26a: {  	[sflag:s20] =	ssyncset.done $0x0  }
0x26b: {  	s11 =	simm.s32 $0x1A00;
	[sflag:s20] =	ssyncadd.s32 $0xFFFFCE00  }
0x26c: {  	[spmem:s2] =	stream.indirect.scatter.add.f32 [tilespmem:s15], [sflag:$0x6], $0x80, s11, s9, $0xb8;
	[tilespmem:$0x1F480] =	vst v63  }
0x26d: {  	_ =	swait.ge [sflag:s22], $0x3200  }
0x26e: {  	[sflag:s22] =	ssyncset.done $0x0  }
0x26f: {  	s11 =	simm.s32 $0xB00;
	[sflag:s22] =	ssyncadd.s32 $0xFFFFCE00  }
0x270: {  	[tilespmem:s12], [sflag:$0x2] =	stream.indirect.gather [hbm4b:s4+s9], $0x80, s11, s9, $0xb8;
	[tilespmem:$0x1F480] =	vst v63  }
0x271: {  	_ =	swait.ge [sflag:s13], $0x3200  }
0x272: {  	[sflag:s13] =	ssyncset.done $0x0  }
0x273: {  	s11 =	simm.s32 $0x1A80;
	[sflag:s13] =	ssyncadd.s32 $0xFFFFCE00  }
0x274: {  	[spmem:s2] =	stream.indirect.scatter.add.f32 [tilespmem:s10], [sflag:$0x4], $0x80, s11, s9, $0xb8;
	[tilespmem:$0x1F480] =	vst v63  }
0x275: {  	_ =	swait.ge [sflag:s25], $0x3200  }
0x276: {  	[sflag:s25] =	ssyncset.done $0x0  }
0x277: {  	s11 =	simm.s32 $0xB80;
	[sflag:s25] =	ssyncadd.s32 $0xFFFFCE00  }
0x278: {  	[tilespmem:s15], [sflag:$0x3] =	stream.indirect.gather [hbm4b:s4+s9], $0x80, s11, s9, $0xb8;
	[tilespmem:$0x1F480] =	vst v63  }
0x279: {  	_ =	swait.ge [sflag:s16], $0x3200  }
0x27a: {  	[sflag:s16] =	ssyncset.done $0x0  }
0x27b: {  	s11 =	simm.s32 $0x1B00;
	[sflag:s16] =	ssyncadd.s32 $0xFFFFCE00  }
0x27c: {  	[spmem:s2] =	stream.indirect.scatter.add.f32 [tilespmem:s12], [sflag:$0x5], $0x80, s11, s9, $0xb8;
	[tilespmem:$0x1F480] =	vst v63  }
0x27d: {  	_ =	swait.ge [sflag:s18], $0x3200  }
0x27e: {  	[sflag:s18] =	ssyncset.done $0x0  }
0x27f: {  	s11 =	simm.s32 $0xC00;
	[sflag:s18] =	ssyncadd.s32 $0xFFFFCE00  }
0x280: {  	[tilespmem:s10], [sflag:$0x1] =	stream.indirect.gather [hbm4b:s4+s9], $0x80, s11, s9, $0xb8;
	[tilespmem:$0x1F480] =	vst v63  }
0x281: {  	_ =	swait.ge [sflag:s20], $0x3200  }
0x282: {  	[sflag:s20] =	ssyncset.done $0x0  }
0x283: {  	s11 =	simm.s32 $0x1B80;
	[sflag:s20] =	ssyncadd.s32 $0xFFFFCE00  }
0x284: {  	[spmem:s2] =	stream.indirect.scatter.add.f32 [tilespmem:s15], [sflag:$0x6], $0x80, s11, s9, $0xb8;
	[tilespmem:$0x1F480] =	vst v63  }
0x285: {  	_ =	swait.ge [sflag:s13], $0x3200  }
0x286: {  	[sflag:s13] =	ssyncset.done $0x0  }
0x287: {  	s11 =	simm.s32 $0x1C00;
	[sflag:s13] =	ssyncadd.s32 $0xFFFFCE00  }
0x288: {  	[spmem:s2] =	stream.indirect.scatter.add.f32 [tilespmem:s10], [sflag:$0x4], $0x80, s11, s9, $0xb8;
	[tilespmem:$0x1F480] =	vst v63  }
0x289: {  	_ =	swait.ge [sflag:s22], $0x3200  }
0x28a: {  	[sflag:s22] =	ssyncset.done $0x0  }
0x28b: {  	[sflag:s22] =	ssyncadd.s32 $0xFFFFCE00  }
0x28c: {  	_ =	swait.ge [sflag:s25], $0x3200  }
0x28d: {  	[sflag:s25] =	ssyncset.done $0x0  }
0x28e: {  	[sflag:s25] =	ssyncadd.s32 $0xFFFFCE00  }
0x28f: {  	_ =	swait.ge [sflag:s18], $0x3200  }
0x290: {  	[sflag:s18] =	ssyncset.done $0x0  }
0x291: {  	s11 =	rddreg [dreg:$0xa];
	[sflag:s18] =	ssyncadd.s32 $0xFFFFCE00  }
0x292: {  	[tilespmem:s31], [sflag:$0x7] =	stream.linear.gather [hbm4b:s11+s31], $0xC80, $0x38;
	[tilespmem:$0x1F480] =	vst v63  }
0x293: {  	_ =	swait.ge [sflag:s5], $0xC80  }
0x294: {  	[sflag:s5] =	ssyncset.done $0x0  }
0x295: {  	s0 =	simm.s32 $0x1000;
	s11 =	rddreg [dreg:$0xb];
	[sflag:s5] =	ssyncadd.s32 $0xFFFFF380  }
0x296: {  	[tilespmem:s0], [sflag:$0x7] =	stream.linear.gather [hbm4b:s11+s31], $0xC80, $0x38;
	[tilespmem:$0x1F480] =	vst v63  }
0x297: {  	_ =	swait.ge [sflag:s5], $0xC80  }
0x298: {  	[sflag:s5] =	ssyncset.done $0x0  }
0x299: {  	[sflag:s5] =	ssyncadd.s32 $0xFFFFF380  }
0x29a: {  	[tilespmem:s10], [sflag:$0x1] =	stream.indirect.gather [hbm4b:s4+s9], $0x80, s31, s9, $0xb8;
	[tilespmem:$0x1F480] =	vst v63  }
0x29b: {  	s31 =	simm.s32 $0x80  }
0x29c: {  	[tilespmem:s12], [sflag:$0x2] =	stream.indirect.gather [hbm4b:s4+s9], $0x80, s31, s9, $0xb8;
	[tilespmem:$0x1F480] =	vst v63  }
0x29d: {  	_ =	swait.ge [sflag:s13], $0x3200  }
0x29e: {  	[sflag:s13] =	ssyncset.done $0x0  }
0x29f: {  	[sflag:s13] =	ssyncadd.s32 $0xFFFFCE00  }
0x2a0: {  	[spmem:s2] =	stream.indirect.scatter.add.f32 [tilespmem:s10], [sflag:$0x4], $0x80, s0, s9, $0xb8;
	[tilespmem:$0x1F480] =	vst v63  }
0x2a1: {  	s1 =	simm.s32 $0x100  }
0x2a2: {  	[tilespmem:s15], [sflag:$0x3] =	stream.indirect.gather [hbm4b:s4+s9], $0x80, s1, s9, $0xb8;
	[tilespmem:$0x1F480] =	vst v63  }
0x2a3: {  	_ =	swait.ge [sflag:s16], $0x3200  }
0x2a4: {  	[sflag:s16] =	ssyncset.done $0x0  }
0x2a5: {  	s3 =	simm.s32 $0x1080;
	[sflag:s16] =	ssyncadd.s32 $0xFFFFCE00  }
0x2a6: {  	[spmem:s2] =	stream.indirect.scatter.add.f32 [tilespmem:s12], [sflag:$0x5], $0x80, s3, s9, $0xb8;
	[tilespmem:$0x1F480] =	vst v63  }
0x2a7: {  	_ =	swait.ge [sflag:s18], $0x3200  }
0x2a8: {  	[sflag:s18] =	ssyncset.done $0x0  }
0x2a9: {  	s6 =	simm.s32 $0x180;
	[sflag:s18] =	ssyncadd.s32 $0xFFFFCE00  }
0x2aa: {  	[tilespmem:s10], [sflag:$0x1] =	stream.indirect.gather [hbm4b:s4+s9], $0x80, s6, s9, $0xb8;
	[tilespmem:$0x1F480] =	vst v63  }
0x2ab: {  	_ =	swait.ge [sflag:s20], $0x3200  }
0x2ac: {  	[sflag:s20] =	ssyncset.done $0x0  }
0x2ad: {  	s7 =	simm.s32 $0x1100;
	[sflag:s20] =	ssyncadd.s32 $0xFFFFCE00  }
0x2ae: {  	[spmem:s2] =	stream.indirect.scatter.add.f32 [tilespmem:s15], [sflag:$0x6], $0x80, s7, s9, $0xb8;
	[tilespmem:$0x1F480] =	vst v63  }
0x2af: {  	_ =	swait.ge [sflag:s22], $0x3200  }
0x2b0: {  	[sflag:s22] =	ssyncset.done $0x0  }
0x2b1: {  	s8 =	simm.s32 $0x200;
	[sflag:s22] =	ssyncadd.s32 $0xFFFFCE00  }
0x2b2: {  	[tilespmem:s12], [sflag:$0x2] =	stream.indirect.gather [hbm4b:s4+s9], $0x80, s8, s9, $0xb8;
	[tilespmem:$0x1F480] =	vst v63  }
0x2b3: {  	_ =	swait.ge [sflag:s13], $0x3200  }
0x2b4: {  	[sflag:s13] =	ssyncset.done $0x0  }
0x2b5: {  	s14 =	simm.s32 $0x1180;
	[sflag:s13] =	ssyncadd.s32 $0xFFFFCE00  }
0x2b6: {  	[spmem:s2] =	stream.indirect.scatter.add.f32 [tilespmem:s10], [sflag:$0x4], $0x80, s14, s9, $0xb8;
	[tilespmem:$0x1F480] =	vst v63  }
0x2b7: {  	_ =	swait.ge [sflag:s25], $0x3200  }
0x2b8: {  	[sflag:s25] =	ssyncset.done $0x0  }
0x2b9: {  	s17 =	simm.s32 $0x280;
	[sflag:s25] =	ssyncadd.s32 $0xFFFFCE00  }
0x2ba: {  	[tilespmem:s15], [sflag:$0x3] =	stream.indirect.gather [hbm4b:s4+s9], $0x80, s17, s9, $0xb8;
	[tilespmem:$0x1F480] =	vst v63  }
0x2bb: {  	_ =	swait.ge [sflag:s16], $0x3200  }
0x2bc: {  	[sflag:s16] =	ssyncset.done $0x0  }
0x2bd: {  	s19 =	simm.s32 $0x1200;
	[sflag:s16] =	ssyncadd.s32 $0xFFFFCE00  }
0x2be: {  	[spmem:s2] =	stream.indirect.scatter.add.f32 [tilespmem:s12], [sflag:$0x5], $0x80, s19, s9, $0xb8;
	[tilespmem:$0x1F480] =	vst v63  }
0x2bf: {  	_ =	swait.ge [sflag:s18], $0x3200  }
0x2c0: {  	[sflag:s18] =	ssyncset.done $0x0  }
0x2c1: {  	s21 =	simm.s32 $0x300;
	[sflag:s18] =	ssyncadd.s32 $0xFFFFCE00  }
0x2c2: {  	[tilespmem:s10], [sflag:$0x1] =	stream.indirect.gather [hbm4b:s4+s9], $0x80, s21, s9, $0xb8;
	[tilespmem:$0x1F480] =	vst v63  }
0x2c3: {  	_ =	swait.ge [sflag:s20], $0x3200  }
0x2c4: {  	[sflag:s20] =	ssyncset.done $0x0  }
0x2c5: {  	s23 =	simm.s32 $0x1280;
	[sflag:s20] =	ssyncadd.s32 $0xFFFFCE00  }
0x2c6: {  	[spmem:s2] =	stream.indirect.scatter.add.f32 [tilespmem:s15], [sflag:$0x6], $0x80, s23, s9, $0xb8;
	[tilespmem:$0x1F480] =	vst v63  }
0x2c7: {  	_ =	swait.ge [sflag:s22], $0x3200  }
0x2c8: {  	[sflag:s22] =	ssyncset.done $0x0  }
0x2c9: {  	s24 =	simm.s32 $0x380;
	[sflag:s22] =	ssyncadd.s32 $0xFFFFCE00  }
0x2ca: {  	[tilespmem:s12], [sflag:$0x2] =	stream.indirect.gather [hbm4b:s4+s9], $0x80, s24, s9, $0xb8;
	[tilespmem:$0x1F480] =	vst v63  }
0x2cb: {  	_ =	swait.ge [sflag:s13], $0x3200  }
0x2cc: {  	[sflag:s13] =	ssyncset.done $0x0  }
0x2cd: {  	s26 =	simm.s32 $0x1300;
	[sflag:s13] =	ssyncadd.s32 $0xFFFFCE00  }
0x2ce: {  	[spmem:s2] =	stream.indirect.scatter.add.f32 [tilespmem:s10], [sflag:$0x4], $0x80, s26, s9, $0xb8;
	[tilespmem:$0x1F480] =	vst v63  }
0x2cf: {  	_ =	swait.ge [sflag:s25], $0x3200  }
0x2d0: {  	[sflag:s25] =	ssyncset.done $0x0  }
0x2d1: {  	s28 =	simm.s32 $0x400;
	[sflag:s25] =	ssyncadd.s32 $0xFFFFCE00  }
0x2d2: {  	[tilespmem:s15], [sflag:$0x3] =	stream.indirect.gather [hbm4b:s4+s9], $0x80, s28, s9, $0xb8;
	[tilespmem:$0x1F480] =	vst v63  }
0x2d3: {  	_ =	swait.ge [sflag:s16], $0x3200  }
0x2d4: {  	[sflag:s16] =	ssyncset.done $0x0  }
0x2d5: {  	s29 =	simm.s32 $0x1380;
	[sflag:s16] =	ssyncadd.s32 $0xFFFFCE00  }
0x2d6: {  	[spmem:s2] =	stream.indirect.scatter.add.f32 [tilespmem:s12], [sflag:$0x5], $0x80, s29, s9, $0xb8;
	[tilespmem:$0x1F480] =	vst v63  }
0x2d7: {  	_ =	swait.ge [sflag:s18], $0x3200  }
0x2d8: {  	[sflag:s18] =	ssyncset.done $0x0  }
0x2d9: {  	s30 =	simm.s32 $0x480;
	[sflag:s18] =	ssyncadd.s32 $0xFFFFCE00  }
0x2da: {  	[tilespmem:s10], [sflag:$0x1] =	stream.indirect.gather [hbm4b:s4+s9], $0x80, s30, s9, $0xb8;
	[tilespmem:$0x1F480] =	vst v63  }
0x2db: {  	_ =	swait.ge [sflag:s20], $0x3200  }
0x2dc: {  	[sflag:s20] =	ssyncset.done $0x0  }
0x2dd: {  	s29 =	simm.s32 $0x1400;
	[sflag:s20] =	ssyncadd.s32 $0xFFFFCE00  }
0x2de: {  	[spmem:s2] =	stream.indirect.scatter.add.f32 [tilespmem:s15], [sflag:$0x6], $0x80, s29, s9, $0xb8;
	[tilespmem:$0x1F480] =	vst v63  }
0x2df: {  	_ =	swait.ge [sflag:s22], $0x3200  }
0x2e0: {  	[sflag:s22] =	ssyncset.done $0x0  }
0x2e1: {  	s30 =	simm.s32 $0x500;
	[sflag:s22] =	ssyncadd.s32 $0xFFFFCE00  }
0x2e2: {  	[tilespmem:s12], [sflag:$0x2] =	stream.indirect.gather [hbm4b:s4+s9], $0x80, s30, s9, $0xb8;
	[tilespmem:$0x1F480] =	vst v63  }
0x2e3: {  	_ =	swait.ge [sflag:s13], $0x3200  }
0x2e4: {  	[sflag:s13] =	ssyncset.done $0x0  }
0x2e5: {  	s31 =	simm.s32 $0x1480;
	[sflag:s13] =	ssyncadd.s32 $0xFFFFCE00  }
0x2e6: {  	[spmem:s2] =	stream.indirect.scatter.add.f32 [tilespmem:s10], [sflag:$0x4], $0x80, s31, s9, $0xb8;
	[tilespmem:$0x1F480] =	vst v63  }
0x2e7: {  	_ =	swait.ge [sflag:s25], $0x3200  }
0x2e8: {  	[sflag:s25] =	ssyncset.done $0x0  }
0x2e9: {  	s1 =	simm.s32 $0x580;
	[sflag:s25] =	ssyncadd.s32 $0xFFFFCE00  }
0x2ea: {  	[tilespmem:s15], [sflag:$0x3] =	stream.indirect.gather [hbm4b:s4+s9], $0x80, s1, s9, $0xb8;
	[tilespmem:$0x1F480] =	vst v63  }
0x2eb: {  	_ =	swait.ge [sflag:s16], $0x3200  }
0x2ec: {  	[sflag:s16] =	ssyncset.done $0x0  }
0x2ed: {  	s3 =	simm.s32 $0x1500;
	[sflag:s16] =	ssyncadd.s32 $0xFFFFCE00  }
0x2ee: {  	[spmem:s2] =	stream.indirect.scatter.add.f32 [tilespmem:s12], [sflag:$0x5], $0x80, s3, s9, $0xb8;
	[tilespmem:$0x1F480] =	vst v63  }
0x2ef: {  	_ =	swait.ge [sflag:s18], $0x3200  }
0x2f0: {  	[sflag:s18] =	ssyncset.done $0x0  }
0x2f1: {  	s6 =	simm.s32 $0x600;
	[sflag:s18] =	ssyncadd.s32 $0xFFFFCE00  }
0x2f2: {  	[tilespmem:s10], [sflag:$0x1] =	stream.indirect.gather [hbm4b:s4+s9], $0x80, s6, s9, $0xb8;
	[tilespmem:$0x1F480] =	vst v63  }
0x2f3: {  	_ =	swait.ge [sflag:s20], $0x3200  }
0x2f4: {  	[sflag:s20] =	ssyncset.done $0x0  }
0x2f5: {  	s7 =	simm.s32 $0x1580;
	[sflag:s20] =	ssyncadd.s32 $0xFFFFCE00  }
0x2f6: {  	[spmem:s2] =	stream.indirect.scatter.add.f32 [tilespmem:s15], [sflag:$0x6], $0x80, s7, s9, $0xb8;
	[tilespmem:$0x1F480] =	vst v63  }
0x2f7: {  	_ =	swait.ge [sflag:s22], $0x3200  }
0x2f8: {  	[sflag:s22] =	ssyncset.done $0x0  }
0x2f9: {  	s8 =	simm.s32 $0x680;
	[sflag:s22] =	ssyncadd.s32 $0xFFFFCE00  }
0x2fa: {  	[tilespmem:s12], [sflag:$0x2] =	stream.indirect.gather [hbm4b:s4+s9], $0x80, s8, s9, $0xb8;
	[tilespmem:$0x1F480] =	vst v63  }
0x2fb: {  	_ =	swait.ge [sflag:s13], $0x3200  }
0x2fc: {  	[sflag:s13] =	ssyncset.done $0x0  }
0x2fd: {  	s11 =	simm.s32 $0x1600;
	[sflag:s13] =	ssyncadd.s32 $0xFFFFCE00  }
0x2fe: {  	[spmem:s2] =	stream.indirect.scatter.add.f32 [tilespmem:s10], [sflag:$0x4], $0x80, s11, s9, $0xb8;
	[tilespmem:$0x1F480] =	vst v63  }
0x2ff: {  	_ =	swait.ge [sflag:s25], $0x3200  }
0x300: {  	[sflag:s25] =	ssyncset.done $0x0  }
0x301: {  	s14 =	simm.s32 $0x700;
	[sflag:s25] =	ssyncadd.s32 $0xFFFFCE00  }
0x302: {  	[tilespmem:s15], [sflag:$0x3] =	stream.indirect.gather [hbm4b:s4+s9], $0x80, s14, s9, $0xb8;
	[tilespmem:$0x1F480] =	vst v63  }
0x303: {  	_ =	swait.ge [sflag:s16], $0x3200  }
0x304: {  	[sflag:s16] =	ssyncset.done $0x0  }
0x305: {  	s17 =	simm.s32 $0x1680;
	[sflag:s16] =	ssyncadd.s32 $0xFFFFCE00  }
0x306: {  	[spmem:s2] =	stream.indirect.scatter.add.f32 [tilespmem:s12], [sflag:$0x5], $0x80, s17, s9, $0xb8;
	[tilespmem:$0x1F480] =	vst v63  }
0x307: {  	_ =	swait.ge [sflag:s18], $0x3200  }
0x308: {  	[sflag:s18] =	ssyncset.done $0x0  }
0x309: {  	s19 =	simm.s32 $0x780;
	[sflag:s18] =	ssyncadd.s32 $0xFFFFCE00  }
0x30a: {  	[tilespmem:s10], [sflag:$0x1] =	stream.indirect.gather [hbm4b:s4+s9], $0x80, s19, s9, $0xb8;
	[tilespmem:$0x1F480] =	vst v63  }
0x30b: {  	_ =	swait.ge [sflag:s20], $0x3200  }
0x30c: {  	[sflag:s20] =	ssyncset.done $0x0  }
0x30d: {  	s21 =	simm.s32 $0x1700;
	[sflag:s20] =	ssyncadd.s32 $0xFFFFCE00  }
0x30e: {  	[spmem:s2] =	stream.indirect.scatter.add.f32 [tilespmem:s15], [sflag:$0x6], $0x80, s21, s9, $0xb8;
	[tilespmem:$0x1F480] =	vst v63  }
0x30f: {  	_ =	swait.ge [sflag:s22], $0x3200  }
0x310: {  	[sflag:s22] =	ssyncset.done $0x0  }
0x311: {  	s23 =	simm.s32 $0x800;
	[sflag:s22] =	ssyncadd.s32 $0xFFFFCE00  }
0x312: {  	[tilespmem:s12], [sflag:$0x2] =	stream.indirect.gather [hbm4b:s4+s9], $0x80, s23, s9, $0xb8;
	[tilespmem:$0x1F480] =	vst v63  }
0x313: {  	_ =	swait.ge [sflag:s13], $0x3200  }
0x314: {  	[sflag:s13] =	ssyncset.done $0x0  }
0x315: {  	s24 =	simm.s32 $0x1780;
	[sflag:s13] =	ssyncadd.s32 $0xFFFFCE00  }
0x316: {  	[spmem:s2] =	stream.indirect.scatter.add.f32 [tilespmem:s10], [sflag:$0x4], $0x80, s24, s9, $0xb8;
	[tilespmem:$0x1F480] =	vst v63  }
0x317: {  	_ =	swait.ge [sflag:s25], $0x3200  }
0x318: {  	[sflag:s25] =	ssyncset.done $0x0  }
0x319: {  	s26 =	simm.s32 $0x880;
	[sflag:s25] =	ssyncadd.s32 $0xFFFFCE00  }
0x31a: {  	[tilespmem:s15], [sflag:$0x3] =	stream.indirect.gather [hbm4b:s4+s9], $0x80, s26, s9, $0xb8;
	[tilespmem:$0x1F480] =	vst v63  }
0x31b: {  	_ =	swait.ge [sflag:s16], $0x3200  }
0x31c: {  	[sflag:s16] =	ssyncset.done $0x0  }
0x31d: {  	s28 =	simm.s32 $0x1800;
	[sflag:s16] =	ssyncadd.s32 $0xFFFFCE00  }
0x31e: {  	[spmem:s2] =	stream.indirect.scatter.add.f32 [tilespmem:s12], [sflag:$0x5], $0x80, s28, s9, $0xb8;
	[tilespmem:$0x1F480] =	vst v63  }
0x31f: {  	_ =	swait.ge [sflag:s18], $0x3200  }
0x320: {  	[sflag:s18] =	ssyncset.done $0x0  }
0x321: {  	s29 =	simm.s32 $0x900;
	[sflag:s18] =	ssyncadd.s32 $0xFFFFCE00  }
0x322: {  	[tilespmem:s10], [sflag:$0x1] =	stream.indirect.gather [hbm4b:s4+s9], $0x80, s29, s9, $0xb8;
	[tilespmem:$0x1F480] =	vst v63  }
0x323: {  	_ =	swait.ge [sflag:s20], $0x3200  }
0x324: {  	[sflag:s20] =	ssyncset.done $0x0  }
0x325: {  	s30 =	simm.s32 $0x1880;
	[sflag:s20] =	ssyncadd.s32 $0xFFFFCE00  }
0x326: {  	[spmem:s2] =	stream.indirect.scatter.add.f32 [tilespmem:s15], [sflag:$0x6], $0x80, s30, s9, $0xb8;
	[tilespmem:$0x1F480] =	vst v63  }
0x327: {  	_ =	swait.ge [sflag:s22], $0x3200  }
0x328: {  	[sflag:s22] =	ssyncset.done $0x0  }
0x329: {  	s31 =	simm.s32 $0x980;
	[sflag:s22] =	ssyncadd.s32 $0xFFFFCE00  }
0x32a: {  	[tilespmem:s12], [sflag:$0x2] =	stream.indirect.gather [hbm4b:s4+s9], $0x80, s31, s9, $0xb8;
	[tilespmem:$0x1F480] =	vst v63  }
0x32b: {  	_ =	swait.ge [sflag:s13], $0x3200  }
0x32c: {  	[sflag:s13] =	ssyncset.done $0x0  }
0x32d: {  	s1 =	simm.s32 $0x1900;
	[sflag:s13] =	ssyncadd.s32 $0xFFFFCE00  }
0x32e: {  	[spmem:s2] =	stream.indirect.scatter.add.f32 [tilespmem:s10], [sflag:$0x4], $0x80, s1, s9, $0xb8;
	[tilespmem:$0x1F480] =	vst v63  }
0x32f: {  	_ =	swait.ge [sflag:s25], $0x3200  }
0x330: {  	[sflag:s25] =	ssyncset.done $0x0  }
0x331: {  	s3 =	simm.s32 $0xA00;
	[sflag:s25] =	ssyncadd.s32 $0xFFFFCE00  }
0x332: {  	[tilespmem:s15], [sflag:$0x3] =	stream.indirect.gather [hbm4b:s4+s9], $0x80, s3, s9, $0xb8;
	[tilespmem:$0x1F480] =	vst v63  }
0x333: {  	_ =	swait.ge [sflag:s16], $0x3200  }
0x334: {  	[sflag:s16] =	ssyncset.done $0x0  }
0x335: {  	s6 =	simm.s32 $0x1980;
	[sflag:s16] =	ssyncadd.s32 $0xFFFFCE00  }
0x336: {  	[spmem:s2] =	stream.indirect.scatter.add.f32 [tilespmem:s12], [sflag:$0x5], $0x80, s6, s9, $0xb8;
	[tilespmem:$0x1F480] =	vst v63  }
0x337: {  	_ =	swait.ge [sflag:s18], $0x3200  }
0x338: {  	[sflag:s18] =	ssyncset.done $0x0  }
0x339: {  	s7 =	simm.s32 $0xA80;
	[sflag:s18] =	ssyncadd.s32 $0xFFFFCE00  }
0x33a: {  	[tilespmem:s10], [sflag:$0x1] =	stream.indirect.gather [hbm4b:s4+s9], $0x80, s7, s9, $0xb8;
	[tilespmem:$0x1F480] =	vst v63  }
0x33b: {  	_ =	swait.ge [sflag:s20], $0x3200  }
0x33c: {  	[sflag:s20] =	ssyncset.done $0x0  }
0x33d: {  	s8 =	simm.s32 $0x1A00;
	[sflag:s20] =	ssyncadd.s32 $0xFFFFCE00  }
0x33e: {  	[spmem:s2] =	stream.indirect.scatter.add.f32 [tilespmem:s15], [sflag:$0x6], $0x80, s8, s9, $0xb8;
	[tilespmem:$0x1F480] =	vst v63  }
0x33f: {  	_ =	swait.ge [sflag:s22], $0x3200  }
0x340: {  	[sflag:s22] =	ssyncset.done $0x0  }
0x341: {  	s11 =	simm.s32 $0xB00;
	[sflag:s22] =	ssyncadd.s32 $0xFFFFCE00  }
0x342: {  	[tilespmem:s12], [sflag:$0x2] =	stream.indirect.gather [hbm4b:s4+s9], $0x80, s11, s9, $0xb8;
	[tilespmem:$0x1F480] =	vst v63  }
0x343: {  	_ =	swait.ge [sflag:s13], $0x3200  }
0x344: {  	[sflag:s13] =	ssyncset.done $0x0  }
0x345: {  	s14 =	simm.s32 $0x1A80;
	[sflag:s13] =	ssyncadd.s32 $0xFFFFCE00  }
0x346: {  	[spmem:s2] =	stream.indirect.scatter.add.f32 [tilespmem:s10], [sflag:$0x4], $0x80, s14, s9, $0xb8;
	[tilespmem:$0x1F480] =	vst v63  }
0x347: {  	_ =	swait.ge [sflag:s25], $0x3200  }
0x348: {  	[sflag:s25] =	ssyncset.done $0x0  }
0x349: {  	s17 =	simm.s32 $0xB80;
	[sflag:s25] =	ssyncadd.s32 $0xFFFFCE00  }
0x34a: {  	[tilespmem:s15], [sflag:$0x3] =	stream.indirect.gather [hbm4b:s4+s9], $0x80, s17, s9, $0xb8;
	[tilespmem:$0x1F480] =	vst v63  }
0x34b: {  	_ =	swait.ge [sflag:s16], $0x3200  }
0x34c: {  	[sflag:s16] =	ssyncset.done $0x0  }
0x34d: {  	s19 =	simm.s32 $0x1B00;
	[sflag:s16] =	ssyncadd.s32 $0xFFFFCE00  }
0x34e: {  	[spmem:s2] =	stream.indirect.scatter.add.f32 [tilespmem:s12], [sflag:$0x5], $0x80, s19, s9, $0xb8;
	[tilespmem:$0x1F480] =	vst v63  }
0x34f: {  	_ =	swait.ge [sflag:s18], $0x3200  }
0x350: {  	[sflag:s18] =	ssyncset.done $0x0  }
0x351: {  	s21 =	simm.s32 $0xC00;
	[sflag:s18] =	ssyncadd.s32 $0xFFFFCE00  }
0x352: {  	[tilespmem:s10], [sflag:$0x1] =	stream.indirect.gather [hbm4b:s4+s9], $0x80, s21, s9, $0xb8;
	[tilespmem:$0x1F480] =	vst v63  }
0x353: {  	_ =	swait.ge [sflag:s20], $0x3200  }
0x354: {  	[sflag:s20] =	ssyncset.done $0x0  }
0x355: {  	s23 =	simm.s32 $0x1B80;
	[sflag:s20] =	ssyncadd.s32 $0xFFFFCE00  }
0x356: {  	[spmem:s2] =	stream.indirect.scatter.add.f32 [tilespmem:s15], [sflag:$0x6], $0x80, s23, s9, $0xb8;
	[tilespmem:$0x1F480] =	vst v63  }
0x357: {  	_ =	swait.ge [sflag:s13], $0x3200  }
0x358: {  	[sflag:s13] =	ssyncset.done $0x0  }
0x359: {  	s24 =	simm.s32 $0x1C00;
	[sflag:s13] =	ssyncadd.s32 $0xFFFFCE00  }
0x35a: {  	[spmem:s2] =	stream.indirect.scatter.add.f32 [tilespmem:s10], [sflag:$0x4], $0x80, s24, s9, $0xb8;
	[tilespmem:$0x1F480] =	vst v63  }
0x35b: {  	_ =	swait.ge [sflag:s22], $0x3200  }
0x35c: {  	[sflag:s22] =	ssyncset.done $0x0  }
0x35d: {  	[sflag:s22] =	ssyncadd.s32 $0xFFFFCE00  }
0x35e: {  	_ =	swait.ge [sflag:s25], $0x3200  }
0x35f: {  	[sflag:s25] =	ssyncset.done $0x0  }
0x360: {  	[sflag:s25] =	ssyncadd.s32 $0xFFFFCE00  }
0x361: {  	_ =	swait.ge [sflag:s18], $0x3200  }
0x362: {  	[sflag:s18] =	ssyncset.done $0x0  }
0x363: {  	[sflag:s18] =	ssyncadd.s32 $0xFFFFCE00  }
0x364: {  	[bflag:$0x0] =	sbarrier.arrive $0xFFFF  }
0x365: {  	s26 =	rddreg [dreg:$0x10]  }
0x366: {  	s0 =	ssub.s32 $0x2, s26  }
0x367: {  	s29 =	sshrl.u32 s0, $0x1  }
0x368: {  	s11 =	ssub.s32 s0, s29  }
0x369: {  	s11 =	smax.u32 s11, $0x1  }
0x36a: {  	p0 =	sne.s32 s11, $0x1  }
.Ltmp0:
0x36b: {  	s28 =	rddreg [dreg:$0xc];
	(pc) =	sbr.rel @!p0 .LBB2_3-.Ltmp0, $4  }
0x36c: {  	s30 =	rddreg [dreg:$0xe]  }
0x36d: {  	s31 =	rddreg [dreg:$0xf]  }
0x36e: {  	[hbm:s28], [sflag:s30] =	dma.local [spmem:s31], $0x2780  }
0x36f: {  	_ =	swait.ge [sflag:s5], $0x2780;
	s11 =	sadd.s32 $0xFFFFFFFF, s11  }
0x370: {  	s3 =	simm.s32 $0x1000  }
.LBB2_2:
0x371: {  	s14 =	rddreg [dreg:$0xd]  }
0x372: {  	[sflag:s5] =	ssyncset.done $0x0;
	s0 =	rddreg [dreg:$0xe]  }
0x373: {  	s1 =	rddreg [dreg:$0xf];
	[sflag:s5] =	ssyncadd.s32 $0xFFFFD880  }
0x374: {  	[spmem:s1], [sflag:s0] =	dma.local [hbm:s14], $0x2780  }
0x375: {  	_ =	swait.ge [sflag:s5], $0x2780  }
0x376: {  	[sflag:s5] =	ssyncset.done $0x0  }
0x377: {  	[sflag:s5] =	ssyncadd.s32 $0xFFFFD880  }
0x378: {  	[bflag:$0x0] =	sbarrier.arrive $0xFFFF  }
0x379: {  	s0 =	simm.s32 $0x0;
	s21 =	rddreg [dreg:$0x4]  }
0x37a: {  	[tilespmem:s0], [sflag:$0x7] =	stream.linear.gather [hbm4b:s21+s0], $0xC80, $0x38;
	[tilespmem:$0x1F480] =	vst v63  }
0x37b: {  	_ =	swait.ge [sflag:s5], $0xC80  }
0x37c: {  	[sflag:s5] =	ssyncset.done $0x0  }
0x37d: {  	s23 =	rddreg [dreg:$0x5];
	[sflag:s5] =	ssyncadd.s32 $0xFFFFF380  }
0x37e: {  	[tilespmem:s3], [sflag:$0x7] =	stream.linear.gather [hbm4b:s23+s0], $0xC80, $0x38;
	[tilespmem:$0x1F480] =	vst v63  }
0x37f: {  	_ =	swait.ge [sflag:s5], $0xC80  }
0x380: {  	[sflag:s5] =	ssyncset.done $0x0  }
0x381: {  	[sflag:s5] =	ssyncadd.s32 $0xFFFFF380  }
0x382: {  	[tilespmem:s10], [sflag:$0x1] =	stream.indirect.gather [hbm4b:s4+s9], $0x80, s0, s9, $0xb8;
	[tilespmem:$0x1F480] =	vst v63  }
0x383: {  	s24 =	simm.s32 $0x80  }
0x384: {  	[tilespmem:s12], [sflag:$0x2] =	stream.indirect.gather [hbm4b:s4+s9], $0x80, s24, s9, $0xb8;
	[tilespmem:$0x1F480] =	vst v63  }
0x385: {  	_ =	swait.ge [sflag:s13], $0x3200  }
0x386: {  	[sflag:s13] =	ssyncset.done $0x0  }
0x387: {  	[sflag:s13] =	ssyncadd.s32 $0xFFFFCE00  }
0x388: {  	[spmem:s2] =	stream.indirect.scatter.add.f32 [tilespmem:s10], [sflag:$0x4], $0x80, s3, s9, $0xb8;
	[tilespmem:$0x1F480] =	vst v63  }
0x389: {  	s26 =	simm.s32 $0x100  }
0x38a: {  	[tilespmem:s15], [sflag:$0x3] =	stream.indirect.gather [hbm4b:s4+s9], $0x80, s26, s9, $0xb8;
	[tilespmem:$0x1F480] =	vst v63  }
0x38b: {  	_ =	swait.ge [sflag:s16], $0x3200  }
0x38c: {  	[sflag:s16] =	ssyncset.done $0x0  }
0x38d: {  	s28 =	simm.s32 $0x1080;
	[sflag:s16] =	ssyncadd.s32 $0xFFFFCE00  }
0x38e: {  	[spmem:s2] =	stream.indirect.scatter.add.f32 [tilespmem:s12], [sflag:$0x5], $0x80, s28, s9, $0xb8;
	[tilespmem:$0x1F480] =	vst v63  }
0x38f: {  	_ =	swait.ge [sflag:s18], $0x3200  }
0x390: {  	[sflag:s18] =	ssyncset.done $0x0  }
0x391: {  	s29 =	simm.s32 $0x180;
	[sflag:s18] =	ssyncadd.s32 $0xFFFFCE00  }
0x392: {  	[tilespmem:s10], [sflag:$0x1] =	stream.indirect.gather [hbm4b:s4+s9], $0x80, s29, s9, $0xb8;
	[tilespmem:$0x1F480] =	vst v63  }
0x393: {  	_ =	swait.ge [sflag:s20], $0x3200  }
0x394: {  	[sflag:s20] =	ssyncset.done $0x0  }
0x395: {  	s30 =	simm.s32 $0x1100;
	[sflag:s20] =	ssyncadd.s32 $0xFFFFCE00  }
0x396: {  	[spmem:s2] =	stream.indirect.scatter.add.f32 [tilespmem:s15], [sflag:$0x6], $0x80, s30, s9, $0xb8;
	[tilespmem:$0x1F480] =	vst v63  }
0x397: {  	_ =	swait.ge [sflag:s22], $0x3200  }
0x398: {  	[sflag:s22] =	ssyncset.done $0x0  }
0x399: {  	s31 =	simm.s32 $0x200;
	[sflag:s22] =	ssyncadd.s32 $0xFFFFCE00  }
0x39a: {  	[tilespmem:s12], [sflag:$0x2] =	stream.indirect.gather [hbm4b:s4+s9], $0x80, s31, s9, $0xb8;
	[tilespmem:$0x1F480] =	vst v63  }
0x39b: {  	_ =	swait.ge [sflag:s13], $0x3200  }
0x39c: {  	[sflag:s13] =	ssyncset.done $0x0  }
0x39d: {  	s6 =	simm.s32 $0x1180;
	[sflag:s13] =	ssyncadd.s32 $0xFFFFCE00  }
0x39e: {  	[spmem:s2] =	stream.indirect.scatter.add.f32 [tilespmem:s10], [sflag:$0x4], $0x80, s6, s9, $0xb8;
	[tilespmem:$0x1F480] =	vst v63  }
0x39f: {  	_ =	swait.ge [sflag:s25], $0x3200  }
0x3a0: {  	[sflag:s25] =	ssyncset.done $0x0  }
0x3a1: {  	s14 =	simm.s32 $0x280;
	[sflag:s25] =	ssyncadd.s32 $0xFFFFCE00  }
0x3a2: {  	[tilespmem:s15], [sflag:$0x3] =	stream.indirect.gather [hbm4b:s4+s9], $0x80, s14, s9, $0xb8;
	[tilespmem:$0x1F480] =	vst v63  }
0x3a3: {  	_ =	swait.ge [sflag:s16], $0x3200  }
0x3a4: {  	[sflag:s16] =	ssyncset.done $0x0  }
0x3a5: {  	s17 =	simm.s32 $0x1200;
	[sflag:s16] =	ssyncadd.s32 $0xFFFFCE00  }
0x3a6: {  	[spmem:s2] =	stream.indirect.scatter.add.f32 [tilespmem:s12], [sflag:$0x5], $0x80, s17, s9, $0xb8;
	[tilespmem:$0x1F480] =	vst v63  }
0x3a7: {  	_ =	swait.ge [sflag:s18], $0x3200  }
0x3a8: {  	[sflag:s18] =	ssyncset.done $0x0  }
0x3a9: {  	s19 =	simm.s32 $0x300;
	[sflag:s18] =	ssyncadd.s32 $0xFFFFCE00  }
0x3aa: {  	[tilespmem:s10], [sflag:$0x1] =	stream.indirect.gather [hbm4b:s4+s9], $0x80, s19, s9, $0xb8;
	[tilespmem:$0x1F480] =	vst v63  }
0x3ab: {  	_ =	swait.ge [sflag:s20], $0x3200  }
0x3ac: {  	[sflag:s20] =	ssyncset.done $0x0  }
0x3ad: {  	s21 =	simm.s32 $0x1280;
	[sflag:s20] =	ssyncadd.s32 $0xFFFFCE00  }
0x3ae: {  	[spmem:s2] =	stream.indirect.scatter.add.f32 [tilespmem:s15], [sflag:$0x6], $0x80, s21, s9, $0xb8;
	[tilespmem:$0x1F480] =	vst v63  }
0x3af: {  	_ =	swait.ge [sflag:s22], $0x3200  }
0x3b0: {  	[sflag:s22] =	ssyncset.done $0x0  }
0x3b1: {  	s23 =	simm.s32 $0x380;
	[sflag:s22] =	ssyncadd.s32 $0xFFFFCE00  }
0x3b2: {  	[tilespmem:s12], [sflag:$0x2] =	stream.indirect.gather [hbm4b:s4+s9], $0x80, s23, s9, $0xb8;
	[tilespmem:$0x1F480] =	vst v63  }
0x3b3: {  	_ =	swait.ge [sflag:s13], $0x3200  }
0x3b4: {  	[sflag:s13] =	ssyncset.done $0x0  }
0x3b5: {  	s24 =	simm.s32 $0x1300;
	[sflag:s13] =	ssyncadd.s32 $0xFFFFCE00  }
0x3b6: {  	[spmem:s2] =	stream.indirect.scatter.add.f32 [tilespmem:s10], [sflag:$0x4], $0x80, s24, s9, $0xb8;
	[tilespmem:$0x1F480] =	vst v63  }
0x3b7: {  	_ =	swait.ge [sflag:s25], $0x3200  }
0x3b8: {  	[sflag:s25] =	ssyncset.done $0x0  }
0x3b9: {  	s26 =	simm.s32 $0x400;
	[sflag:s25] =	ssyncadd.s32 $0xFFFFCE00  }
0x3ba: {  	[tilespmem:s15], [sflag:$0x3] =	stream.indirect.gather [hbm4b:s4+s9], $0x80, s26, s9, $0xb8;
	[tilespmem:$0x1F480] =	vst v63  }
0x3bb: {  	_ =	swait.ge [sflag:s16], $0x3200  }
0x3bc: {  	[sflag:s16] =	ssyncset.done $0x0  }
0x3bd: {  	s28 =	simm.s32 $0x1380;
	[sflag:s16] =	ssyncadd.s32 $0xFFFFCE00  }
0x3be: {  	[spmem:s2] =	stream.indirect.scatter.add.f32 [tilespmem:s12], [sflag:$0x5], $0x80, s28, s9, $0xb8;
	[tilespmem:$0x1F480] =	vst v63  }
0x3bf: {  	_ =	swait.ge [sflag:s18], $0x3200  }
0x3c0: {  	[sflag:s18] =	ssyncset.done $0x0  }
0x3c1: {  	s29 =	simm.s32 $0x480;
	[sflag:s18] =	ssyncadd.s32 $0xFFFFCE00  }
0x3c2: {  	[tilespmem:s10], [sflag:$0x1] =	stream.indirect.gather [hbm4b:s4+s9], $0x80, s29, s9, $0xb8;
	[tilespmem:$0x1F480] =	vst v63  }
0x3c3: {  	_ =	swait.ge [sflag:s20], $0x3200  }
0x3c4: {  	[sflag:s20] =	ssyncset.done $0x0  }
0x3c5: {  	s30 =	simm.s32 $0x1400;
	[sflag:s20] =	ssyncadd.s32 $0xFFFFCE00  }
0x3c6: {  	[spmem:s2] =	stream.indirect.scatter.add.f32 [tilespmem:s15], [sflag:$0x6], $0x80, s30, s9, $0xb8;
	[tilespmem:$0x1F480] =	vst v63  }
0x3c7: {  	_ =	swait.ge [sflag:s22], $0x3200  }
0x3c8: {  	[sflag:s22] =	ssyncset.done $0x0  }
0x3c9: {  	s31 =	simm.s32 $0x500;
	[sflag:s22] =	ssyncadd.s32 $0xFFFFCE00  }
0x3ca: {  	[tilespmem:s12], [sflag:$0x2] =	stream.indirect.gather [hbm4b:s4+s9], $0x80, s31, s9, $0xb8;
	[tilespmem:$0x1F480] =	vst v63  }
0x3cb: {  	_ =	swait.ge [sflag:s13], $0x3200  }
0x3cc: {  	[sflag:s13] =	ssyncset.done $0x0  }
0x3cd: {  	s1 =	simm.s32 $0x1480;
	[sflag:s13] =	ssyncadd.s32 $0xFFFFCE00  }
0x3ce: {  	[spmem:s2] =	stream.indirect.scatter.add.f32 [tilespmem:s10], [sflag:$0x4], $0x80, s1, s9, $0xb8;
	[tilespmem:$0x1F480] =	vst v63  }
0x3cf: {  	_ =	swait.ge [sflag:s25], $0x3200  }
0x3d0: {  	[sflag:s25] =	ssyncset.done $0x0  }
0x3d1: {  	s17 =	simm.s32 $0x580;
	[sflag:s25] =	ssyncadd.s32 $0xFFFFCE00  }
0x3d2: {  	[tilespmem:s15], [sflag:$0x3] =	stream.indirect.gather [hbm4b:s4+s9], $0x80, s17, s9, $0xb8;
	[tilespmem:$0x1F480] =	vst v63  }
0x3d3: {  	_ =	swait.ge [sflag:s16], $0x3200  }
0x3d4: {  	[sflag:s16] =	ssyncset.done $0x0  }
0x3d5: {  	s19 =	simm.s32 $0x1500;
	[sflag:s16] =	ssyncadd.s32 $0xFFFFCE00  }
0x3d6: {  	[spmem:s2] =	stream.indirect.scatter.add.f32 [tilespmem:s12], [sflag:$0x5], $0x80, s19, s9, $0xb8;
	[tilespmem:$0x1F480] =	vst v63  }
0x3d7: {  	_ =	swait.ge [sflag:s18], $0x3200  }
0x3d8: {  	[sflag:s18] =	ssyncset.done $0x0  }
0x3d9: {  	s21 =	simm.s32 $0x600;
	[sflag:s18] =	ssyncadd.s32 $0xFFFFCE00  }
0x3da: {  	[tilespmem:s10], [sflag:$0x1] =	stream.indirect.gather [hbm4b:s4+s9], $0x80, s21, s9, $0xb8;
	[tilespmem:$0x1F480] =	vst v63  }
0x3db: {  	_ =	swait.ge [sflag:s20], $0x3200  }
0x3dc: {  	[sflag:s20] =	ssyncset.done $0x0  }
0x3dd: {  	s23 =	simm.s32 $0x1580;
	[sflag:s20] =	ssyncadd.s32 $0xFFFFCE00  }
0x3de: {  	[spmem:s2] =	stream.indirect.scatter.add.f32 [tilespmem:s15], [sflag:$0x6], $0x80, s23, s9, $0xb8;
	[tilespmem:$0x1F480] =	vst v63  }
0x3df: {  	_ =	swait.ge [sflag:s22], $0x3200  }
0x3e0: {  	[sflag:s22] =	ssyncset.done $0x0  }
0x3e1: {  	s24 =	simm.s32 $0x680;
	[sflag:s22] =	ssyncadd.s32 $0xFFFFCE00  }
0x3e2: {  	[tilespmem:s12], [sflag:$0x2] =	stream.indirect.gather [hbm4b:s4+s9], $0x80, s24, s9, $0xb8;
	[tilespmem:$0x1F480] =	vst v63  }
0x3e3: {  	_ =	swait.ge [sflag:s13], $0x3200  }
0x3e4: {  	[sflag:s13] =	ssyncset.done $0x0  }
0x3e5: {  	s26 =	simm.s32 $0x1600;
	[sflag:s13] =	ssyncadd.s32 $0xFFFFCE00  }
0x3e6: {  	[spmem:s2] =	stream.indirect.scatter.add.f32 [tilespmem:s10], [sflag:$0x4], $0x80, s26, s9, $0xb8;
	[tilespmem:$0x1F480] =	vst v63  }
0x3e7: {  	_ =	swait.ge [sflag:s25], $0x3200  }
0x3e8: {  	[sflag:s25] =	ssyncset.done $0x0  }
0x3e9: {  	s28 =	simm.s32 $0x700;
	[sflag:s25] =	ssyncadd.s32 $0xFFFFCE00  }
0x3ea: {  	[tilespmem:s15], [sflag:$0x3] =	stream.indirect.gather [hbm4b:s4+s9], $0x80, s28, s9, $0xb8;
	[tilespmem:$0x1F480] =	vst v63  }
0x3eb: {  	_ =	swait.ge [sflag:s16], $0x3200  }
0x3ec: {  	[sflag:s16] =	ssyncset.done $0x0  }
0x3ed: {  	s29 =	simm.s32 $0x1680;
	[sflag:s16] =	ssyncadd.s32 $0xFFFFCE00  }
0x3ee: {  	[spmem:s2] =	stream.indirect.scatter.add.f32 [tilespmem:s12], [sflag:$0x5], $0x80, s29, s9, $0xb8;
	[tilespmem:$0x1F480] =	vst v63  }
0x3ef: {  	_ =	swait.ge [sflag:s18], $0x3200  }
0x3f0: {  	[sflag:s18] =	ssyncset.done $0x0  }
0x3f1: {  	s30 =	simm.s32 $0x780;
	[sflag:s18] =	ssyncadd.s32 $0xFFFFCE00  }
0x3f2: {  	[tilespmem:s10], [sflag:$0x1] =	stream.indirect.gather [hbm4b:s4+s9], $0x80, s30, s9, $0xb8;
	[tilespmem:$0x1F480] =	vst v63  }
0x3f3: {  	_ =	swait.ge [sflag:s20], $0x3200  }
0x3f4: {  	[sflag:s20] =	ssyncset.done $0x0  }
0x3f5: {  	s31 =	simm.s32 $0x1700;
	[sflag:s20] =	ssyncadd.s32 $0xFFFFCE00  }
0x3f6: {  	[spmem:s2] =	stream.indirect.scatter.add.f32 [tilespmem:s15], [sflag:$0x6], $0x80, s31, s9, $0xb8;
	[tilespmem:$0x1F480] =	vst v63  }
0x3f7: {  	_ =	swait.ge [sflag:s22], $0x3200  }
0x3f8: {  	[sflag:s22] =	ssyncset.done $0x0  }
0x3f9: {  	s1 =	simm.s32 $0x800;
	[sflag:s22] =	ssyncadd.s32 $0xFFFFCE00  }
0x3fa: {  	[tilespmem:s12], [sflag:$0x2] =	stream.indirect.gather [hbm4b:s4+s9], $0x80, s1, s9, $0xb8;
	[tilespmem:$0x1F480] =	vst v63  }
0x3fb: {  	_ =	swait.ge [sflag:s13], $0x3200  }
0x3fc: {  	[sflag:s13] =	ssyncset.done $0x0  }
0x3fd: {  	s17 =	simm.s32 $0x1780;
	[sflag:s13] =	ssyncadd.s32 $0xFFFFCE00  }
0x3fe: {  	[spmem:s2] =	stream.indirect.scatter.add.f32 [tilespmem:s10], [sflag:$0x4], $0x80, s17, s9, $0xb8;
	[tilespmem:$0x1F480] =	vst v63  }
0x3ff: {  	_ =	swait.ge [sflag:s25], $0x3200  }
0x400: {  	[sflag:s25] =	ssyncset.done $0x0  }
0x401: {  	s19 =	simm.s32 $0x880;
	[sflag:s25] =	ssyncadd.s32 $0xFFFFCE00  }
0x402: {  	[tilespmem:s15], [sflag:$0x3] =	stream.indirect.gather [hbm4b:s4+s9], $0x80, s19, s9, $0xb8;
	[tilespmem:$0x1F480] =	vst v63  }
0x403: {  	_ =	swait.ge [sflag:s16], $0x3200  }
0x404: {  	[sflag:s16] =	ssyncset.done $0x0  }
0x405: {  	s21 =	simm.s32 $0x1800;
	[sflag:s16] =	ssyncadd.s32 $0xFFFFCE00  }
0x406: {  	[spmem:s2] =	stream.indirect.scatter.add.f32 [tilespmem:s12], [sflag:$0x5], $0x80, s21, s9, $0xb8;
	[tilespmem:$0x1F480] =	vst v63  }
0x407: {  	_ =	swait.ge [sflag:s18], $0x3200  }
0x408: {  	[sflag:s18] =	ssyncset.done $0x0  }
0x409: {  	s23 =	simm.s32 $0x900;
	[sflag:s18] =	ssyncadd.s32 $0xFFFFCE00  }
0x40a: {  	[tilespmem:s10], [sflag:$0x1] =	stream.indirect.gather [hbm4b:s4+s9], $0x80, s23, s9, $0xb8;
	[tilespmem:$0x1F480] =	vst v63  }
0x40b: {  	_ =	swait.ge [sflag:s20], $0x3200  }
0x40c: {  	[sflag:s20] =	ssyncset.done $0x0  }
0x40d: {  	s24 =	simm.s32 $0x1880;
	[sflag:s20] =	ssyncadd.s32 $0xFFFFCE00  }
0x40e: {  	[spmem:s2] =	stream.indirect.scatter.add.f32 [tilespmem:s15], [sflag:$0x6], $0x80, s24, s9, $0xb8;
	[tilespmem:$0x1F480] =	vst v63  }
0x40f: {  	_ =	swait.ge [sflag:s22], $0x3200  }
0x410: {  	[sflag:s22] =	ssyncset.done $0x0  }
0x411: {  	s26 =	simm.s32 $0x980;
	[sflag:s22] =	ssyncadd.s32 $0xFFFFCE00  }
0x412: {  	[tilespmem:s12], [sflag:$0x2] =	stream.indirect.gather [hbm4b:s4+s9], $0x80, s26, s9, $0xb8;
	[tilespmem:$0x1F480] =	vst v63  }
0x413: {  	_ =	swait.ge [sflag:s13], $0x3200  }
0x414: {  	[sflag:s13] =	ssyncset.done $0x0  }
0x415: {  	s1 =	simm.s32 $0x1900;
	[sflag:s13] =	ssyncadd.s32 $0xFFFFCE00  }
0x416: {  	[spmem:s2] =	stream.indirect.scatter.add.f32 [tilespmem:s10], [sflag:$0x4], $0x80, s1, s9, $0xb8;
	[tilespmem:$0x1F480] =	vst v63  }
0x417: {  	_ =	swait.ge [sflag:s25], $0x3200  }
0x418: {  	[sflag:s25] =	ssyncset.done $0x0  }
0x419: {  	s17 =	simm.s32 $0xA00;
	[sflag:s25] =	ssyncadd.s32 $0xFFFFCE00  }
0x41a: {  	[tilespmem:s15], [sflag:$0x3] =	stream.indirect.gather [hbm4b:s4+s9], $0x80, s17, s9, $0xb8;
	[tilespmem:$0x1F480] =	vst v63  }
0x41b: {  	_ =	swait.ge [sflag:s16], $0x3200  }
0x41c: {  	[sflag:s16] =	ssyncset.done $0x0  }
0x41d: {  	s19 =	simm.s32 $0x1980;
	[sflag:s16] =	ssyncadd.s32 $0xFFFFCE00  }
0x41e: {  	[spmem:s2] =	stream.indirect.scatter.add.f32 [tilespmem:s12], [sflag:$0x5], $0x80, s19, s9, $0xb8;
	[tilespmem:$0x1F480] =	vst v63  }
0x41f: {  	_ =	swait.ge [sflag:s18], $0x3200  }
0x420: {  	[sflag:s18] =	ssyncset.done $0x0  }
0x421: {  	s21 =	simm.s32 $0xA80;
	[sflag:s18] =	ssyncadd.s32 $0xFFFFCE00  }
0x422: {  	[tilespmem:s10], [sflag:$0x1] =	stream.indirect.gather [hbm4b:s4+s9], $0x80, s21, s9, $0xb8;
	[tilespmem:$0x1F480] =	vst v63  }
0x423: {  	_ =	swait.ge [sflag:s20], $0x3200  }
0x424: {  	[sflag:s20] =	ssyncset.done $0x0  }
0x425: {  	s23 =	simm.s32 $0x1A00;
	[sflag:s20] =	ssyncadd.s32 $0xFFFFCE00  }
0x426: {  	[spmem:s2] =	stream.indirect.scatter.add.f32 [tilespmem:s15], [sflag:$0x6], $0x80, s23, s9, $0xb8;
	[tilespmem:$0x1F480] =	vst v63  }
0x427: {  	_ =	swait.ge [sflag:s22], $0x3200  }
0x428: {  	[sflag:s22] =	ssyncset.done $0x0  }
0x429: {  	s24 =	simm.s32 $0xB00;
	[sflag:s22] =	ssyncadd.s32 $0xFFFFCE00  }
0x42a: {  	[tilespmem:s12], [sflag:$0x2] =	stream.indirect.gather [hbm4b:s4+s9], $0x80, s24, s9, $0xb8;
	[tilespmem:$0x1F480] =	vst v63  }
0x42b: {  	_ =	swait.ge [sflag:s13], $0x3200  }
0x42c: {  	[sflag:s13] =	ssyncset.done $0x0  }
0x42d: {  	s26 =	simm.s32 $0x1A80;
	[sflag:s13] =	ssyncadd.s32 $0xFFFFCE00  }
0x42e: {  	[spmem:s2] =	stream.indirect.scatter.add.f32 [tilespmem:s10], [sflag:$0x4], $0x80, s26, s9, $0xb8;
	[tilespmem:$0x1F480] =	vst v63  }
0x42f: {  	_ =	swait.ge [sflag:s25], $0x3200  }
0x430: {  	[sflag:s25] =	ssyncset.done $0x0  }
0x431: {  	s1 =	simm.s32 $0xB80;
	[sflag:s25] =	ssyncadd.s32 $0xFFFFCE00  }
0x432: {  	[tilespmem:s15], [sflag:$0x3] =	stream.indirect.gather [hbm4b:s4+s9], $0x80, s1, s9, $0xb8;
	[tilespmem:$0x1F480] =	vst v63  }
0x433: {  	_ =	swait.ge [sflag:s16], $0x3200  }
0x434: {  	[sflag:s16] =	ssyncset.done $0x0  }
0x435: {  	s17 =	simm.s32 $0x1B00;
	[sflag:s16] =	ssyncadd.s32 $0xFFFFCE00  }
0x436: {  	[spmem:s2] =	stream.indirect.scatter.add.f32 [tilespmem:s12], [sflag:$0x5], $0x80, s17, s9, $0xb8;
	[tilespmem:$0x1F480] =	vst v63  }
0x437: {  	_ =	swait.ge [sflag:s18], $0x3200  }
0x438: {  	[sflag:s18] =	ssyncset.done $0x0  }
0x439: {  	s19 =	simm.s32 $0xC00;
	[sflag:s18] =	ssyncadd.s32 $0xFFFFCE00  }
0x43a: {  	[tilespmem:s10], [sflag:$0x1] =	stream.indirect.gather [hbm4b:s4+s9], $0x80, s19, s9, $0xb8;
	[tilespmem:$0x1F480] =	vst v63  }
0x43b: {  	_ =	swait.ge [sflag:s20], $0x3200  }
0x43c: {  	[sflag:s20] =	ssyncset.done $0x0  }
0x43d: {  	s21 =	simm.s32 $0x1B80;
	[sflag:s20] =	ssyncadd.s32 $0xFFFFCE00  }
0x43e: {  	[spmem:s2] =	stream.indirect.scatter.add.f32 [tilespmem:s15], [sflag:$0x6], $0x80, s21, s9, $0xb8;
	[tilespmem:$0x1F480] =	vst v63  }
0x43f: {  	_ =	swait.ge [sflag:s13], $0x3200  }
0x440: {  	[sflag:s13] =	ssyncset.done $0x0  }
0x441: {  	s23 =	simm.s32 $0x1C00;
	[sflag:s13] =	ssyncadd.s32 $0xFFFFCE00  }
0x442: {  	[spmem:s2] =	stream.indirect.scatter.add.f32 [tilespmem:s10], [sflag:$0x4], $0x80, s23, s9, $0xb8;
	[tilespmem:$0x1F480] =	vst v63  }
0x443: {  	_ =	swait.ge [sflag:s22], $0x3200  }
0x444: {  	[sflag:s22] =	ssyncset.done $0x0  }
0x445: {  	[sflag:s22] =	ssyncadd.s32 $0xFFFFCE00  }
0x446: {  	_ =	swait.ge [sflag:s25], $0x3200  }
0x447: {  	[sflag:s25] =	ssyncset.done $0x0  }
0x448: {  	[sflag:s25] =	ssyncadd.s32 $0xFFFFCE00  }
0x449: {  	_ =	swait.ge [sflag:s18], $0x3200  }
0x44a: {  	[sflag:s18] =	ssyncset.done $0x0  }
0x44b: {  	s24 =	rddreg [dreg:$0x6];
	[sflag:s18] =	ssyncadd.s32 $0xFFFFCE00  }
0x44c: {  	[tilespmem:s0], [sflag:$0x7] =	stream.linear.gather [hbm4b:s24+s0], $0xC80, $0x38;
	[tilespmem:$0x1F480] =	vst v63  }
0x44d: {  	_ =	swait.ge [sflag:s5], $0xC80  }
0x44e: {  	[sflag:s5] =	ssyncset.done $0x0  }
0x44f: {  	s26 =	rddreg [dreg:$0x7];
	[sflag:s5] =	ssyncadd.s32 $0xFFFFF380  }
0x450: {  	[tilespmem:s3], [sflag:$0x7] =	stream.linear.gather [hbm4b:s26+s0], $0xC80, $0x38;
	[tilespmem:$0x1F480] =	vst v63  }
0x451: {  	_ =	swait.ge [sflag:s5], $0xC80  }
0x452: {  	[sflag:s5] =	ssyncset.done $0x0  }
0x453: {  	[sflag:s5] =	ssyncadd.s32 $0xFFFFF380  }
0x454: {  	[tilespmem:s10], [sflag:$0x1] =	stream.indirect.gather [hbm4b:s4+s9], $0x80, s0, s9, $0xb8;
	[tilespmem:$0x1F480] =	vst v63  }
0x455: {  	s7 =	simm.s32 $0x80  }
0x456: {  	[tilespmem:s12], [sflag:$0x2] =	stream.indirect.gather [hbm4b:s4+s9], $0x80, s7, s9, $0xb8;
	[tilespmem:$0x1F480] =	vst v63  }
0x457: {  	_ =	swait.ge [sflag:s13], $0x3200  }
0x458: {  	[sflag:s13] =	ssyncset.done $0x0  }
0x459: {  	[sflag:s13] =	ssyncadd.s32 $0xFFFFCE00  }
0x45a: {  	[spmem:s2] =	stream.indirect.scatter.add.f32 [tilespmem:s10], [sflag:$0x4], $0x80, s3, s9, $0xb8;
	[tilespmem:$0x1F480] =	vst v63  }
0x45b: {  	s8 =	simm.s32 $0x100  }
0x45c: {  	[tilespmem:s15], [sflag:$0x3] =	stream.indirect.gather [hbm4b:s4+s9], $0x80, s8, s9, $0xb8;
	[tilespmem:$0x1F480] =	vst v63  }
0x45d: {  	_ =	swait.ge [sflag:s16], $0x3200  }
0x45e: {  	[sflag:s16] =	ssyncset.done $0x0  }
0x45f: {  	s17 =	simm.s32 $0x1080;
	[sflag:s16] =	ssyncadd.s32 $0xFFFFCE00  }
0x460: {  	[spmem:s2] =	stream.indirect.scatter.add.f32 [tilespmem:s12], [sflag:$0x5], $0x80, s17, s9, $0xb8;
	[tilespmem:$0x1F480] =	vst v63  }
0x461: {  	_ =	swait.ge [sflag:s18], $0x3200  }
0x462: {  	[sflag:s18] =	ssyncset.done $0x0  }
0x463: {  	s19 =	simm.s32 $0x180;
	[sflag:s18] =	ssyncadd.s32 $0xFFFFCE00  }
0x464: {  	[tilespmem:s10], [sflag:$0x1] =	stream.indirect.gather [hbm4b:s4+s9], $0x80, s19, s9, $0xb8;
	[tilespmem:$0x1F480] =	vst v63  }
0x465: {  	_ =	swait.ge [sflag:s20], $0x3200  }
0x466: {  	[sflag:s20] =	ssyncset.done $0x0  }
0x467: {  	s21 =	simm.s32 $0x1100;
	[sflag:s20] =	ssyncadd.s32 $0xFFFFCE00  }
0x468: {  	[spmem:s2] =	stream.indirect.scatter.add.f32 [tilespmem:s15], [sflag:$0x6], $0x80, s21, s9, $0xb8;
	[tilespmem:$0x1F480] =	vst v63  }
0x469: {  	_ =	swait.ge [sflag:s22], $0x3200  }
0x46a: {  	[sflag:s22] =	ssyncset.done $0x0  }
0x46b: {  	s23 =	simm.s32 $0x200;
	[sflag:s22] =	ssyncadd.s32 $0xFFFFCE00  }
0x46c: {  	[tilespmem:s12], [sflag:$0x2] =	stream.indirect.gather [hbm4b:s4+s9], $0x80, s23, s9, $0xb8;
	[tilespmem:$0x1F480] =	vst v63  }
0x46d: {  	_ =	swait.ge [sflag:s13], $0x3200  }
0x46e: {  	[sflag:s13] =	ssyncset.done $0x0  }
0x46f: {  	s24 =	simm.s32 $0x1180;
	[sflag:s13] =	ssyncadd.s32 $0xFFFFCE00  }
0x470: {  	[spmem:s2] =	stream.indirect.scatter.add.f32 [tilespmem:s10], [sflag:$0x4], $0x80, s24, s9, $0xb8;
	[tilespmem:$0x1F480] =	vst v63  }
0x471: {  	_ =	swait.ge [sflag:s25], $0x3200  }
0x472: {  	[sflag:s25] =	ssyncset.done $0x0  }
0x473: {  	s26 =	simm.s32 $0x280;
	[sflag:s25] =	ssyncadd.s32 $0xFFFFCE00  }
0x474: {  	[tilespmem:s15], [sflag:$0x3] =	stream.indirect.gather [hbm4b:s4+s9], $0x80, s26, s9, $0xb8;
	[tilespmem:$0x1F480] =	vst v63  }
0x475: {  	_ =	swait.ge [sflag:s16], $0x3200  }
0x476: {  	[sflag:s16] =	ssyncset.done $0x0  }
0x477: {  	s6 =	simm.s32 $0x1200;
	[sflag:s16] =	ssyncadd.s32 $0xFFFFCE00  }
0x478: {  	[spmem:s2] =	stream.indirect.scatter.add.f32 [tilespmem:s12], [sflag:$0x5], $0x80, s6, s9, $0xb8;
	[tilespmem:$0x1F480] =	vst v63  }
0x479: {  	_ =	swait.ge [sflag:s18], $0x3200  }
0x47a: {  	[sflag:s18] =	ssyncset.done $0x0  }
0x47b: {  	s1 =	simm.s32 $0x300;
	[sflag:s18] =	ssyncadd.s32 $0xFFFFCE00  }
0x47c: {  	[tilespmem:s10], [sflag:$0x1] =	stream.indirect.gather [hbm4b:s4+s9], $0x80, s1, s9, $0xb8;
	[tilespmem:$0x1F480] =	vst v63  }
0x47d: {  	_ =	swait.ge [sflag:s20], $0x3200  }
0x47e: {  	[sflag:s20] =	ssyncset.done $0x0  }
0x47f: {  	s6 =	simm.s32 $0x1280;
	[sflag:s20] =	ssyncadd.s32 $0xFFFFCE00  }
0x480: {  	[spmem:s2] =	stream.indirect.scatter.add.f32 [tilespmem:s15], [sflag:$0x6], $0x80, s6, s9, $0xb8;
	[tilespmem:$0x1F480] =	vst v63  }
0x481: {  	_ =	swait.ge [sflag:s22], $0x3200  }
0x482: {  	[sflag:s22] =	ssyncset.done $0x0  }
0x483: {  	s7 =	simm.s32 $0x380;
	[sflag:s22] =	ssyncadd.s32 $0xFFFFCE00  }
0x484: {  	[tilespmem:s12], [sflag:$0x2] =	stream.indirect.gather [hbm4b:s4+s9], $0x80, s7, s9, $0xb8;
	[tilespmem:$0x1F480] =	vst v63  }
0x485: {  	_ =	swait.ge [sflag:s13], $0x3200  }
0x486: {  	[sflag:s13] =	ssyncset.done $0x0  }
0x487: {  	s8 =	simm.s32 $0x1300;
	[sflag:s13] =	ssyncadd.s32 $0xFFFFCE00  }
0x488: {  	[spmem:s2] =	stream.indirect.scatter.add.f32 [tilespmem:s10], [sflag:$0x4], $0x80, s8, s9, $0xb8;
	[tilespmem:$0x1F480] =	vst v63  }
0x489: {  	_ =	swait.ge [sflag:s25], $0x3200  }
0x48a: {  	[sflag:s25] =	ssyncset.done $0x0  }
0x48b: {  	s14 =	simm.s32 $0x400;
	[sflag:s25] =	ssyncadd.s32 $0xFFFFCE00  }
0x48c: {  	[tilespmem:s15], [sflag:$0x3] =	stream.indirect.gather [hbm4b:s4+s9], $0x80, s14, s9, $0xb8;
	[tilespmem:$0x1F480] =	vst v63  }
0x48d: {  	_ =	swait.ge [sflag:s16], $0x3200  }
0x48e: {  	[sflag:s16] =	ssyncset.done $0x0  }
0x48f: {  	s14 =	simm.s32 $0x1380;
	[sflag:s16] =	ssyncadd.s32 $0xFFFFCE00  }
0x490: {  	[spmem:s2] =	stream.indirect.scatter.add.f32 [tilespmem:s12], [sflag:$0x5], $0x80, s14, s9, $0xb8;
	[tilespmem:$0x1F480] =	vst v63  }
0x491: {  	_ =	swait.ge [sflag:s18], $0x3200  }
0x492: {  	[sflag:s18] =	ssyncset.done $0x0  }
0x493: {  	s14 =	simm.s32 $0x480;
	[sflag:s18] =	ssyncadd.s32 $0xFFFFCE00  }
0x494: {  	[tilespmem:s10], [sflag:$0x1] =	stream.indirect.gather [hbm4b:s4+s9], $0x80, s14, s9, $0xb8;
	[tilespmem:$0x1F480] =	vst v63  }
0x495: {  	_ =	swait.ge [sflag:s20], $0x3200  }
0x496: {  	[sflag:s20] =	ssyncset.done $0x0  }
0x497: {  	s14 =	simm.s32 $0x1400;
	[sflag:s20] =	ssyncadd.s32 $0xFFFFCE00  }
0x498: {  	[spmem:s2] =	stream.indirect.scatter.add.f32 [tilespmem:s15], [sflag:$0x6], $0x80, s14, s9, $0xb8;
	[tilespmem:$0x1F480] =	vst v63  }
0x499: {  	_ =	swait.ge [sflag:s22], $0x3200  }
0x49a: {  	[sflag:s22] =	ssyncset.done $0x0  }
0x49b: {  	s14 =	simm.s32 $0x500;
	[sflag:s22] =	ssyncadd.s32 $0xFFFFCE00  }
0x49c: {  	[tilespmem:s12], [sflag:$0x2] =	stream.indirect.gather [hbm4b:s4+s9], $0x80, s14, s9, $0xb8;
	[tilespmem:$0x1F480] =	vst v63  }
0x49d: {  	_ =	swait.ge [sflag:s13], $0x3200  }
0x49e: {  	[sflag:s13] =	ssyncset.done $0x0  }
0x49f: {  	s14 =	simm.s32 $0x1480;
	[sflag:s13] =	ssyncadd.s32 $0xFFFFCE00  }
0x4a0: {  	[spmem:s2] =	stream.indirect.scatter.add.f32 [tilespmem:s10], [sflag:$0x4], $0x80, s14, s9, $0xb8;
	[tilespmem:$0x1F480] =	vst v63  }
0x4a1: {  	_ =	swait.ge [sflag:s25], $0x3200  }
0x4a2: {  	[sflag:s25] =	ssyncset.done $0x0  }
0x4a3: {  	s14 =	simm.s32 $0x580;
	[sflag:s25] =	ssyncadd.s32 $0xFFFFCE00  }
0x4a4: {  	[tilespmem:s15], [sflag:$0x3] =	stream.indirect.gather [hbm4b:s4+s9], $0x80, s14, s9, $0xb8;
	[tilespmem:$0x1F480] =	vst v63  }
0x4a5: {  	_ =	swait.ge [sflag:s16], $0x3200  }
0x4a6: {  	[sflag:s16] =	ssyncset.done $0x0  }
0x4a7: {  	s14 =	simm.s32 $0x1500;
	[sflag:s16] =	ssyncadd.s32 $0xFFFFCE00  }
0x4a8: {  	[spmem:s2] =	stream.indirect.scatter.add.f32 [tilespmem:s12], [sflag:$0x5], $0x80, s14, s9, $0xb8;
	[tilespmem:$0x1F480] =	vst v63  }
0x4a9: {  	_ =	swait.ge [sflag:s18], $0x3200  }
0x4aa: {  	[sflag:s18] =	ssyncset.done $0x0  }
0x4ab: {  	s14 =	simm.s32 $0x600;
	[sflag:s18] =	ssyncadd.s32 $0xFFFFCE00  }
0x4ac: {  	[tilespmem:s10], [sflag:$0x1] =	stream.indirect.gather [hbm4b:s4+s9], $0x80, s14, s9, $0xb8;
	[tilespmem:$0x1F480] =	vst v63  }
0x4ad: {  	_ =	swait.ge [sflag:s20], $0x3200  }
0x4ae: {  	[sflag:s20] =	ssyncset.done $0x0  }
0x4af: {  	s14 =	simm.s32 $0x1580;
	[sflag:s20] =	ssyncadd.s32 $0xFFFFCE00  }
0x4b0: {  	[spmem:s2] =	stream.indirect.scatter.add.f32 [tilespmem:s15], [sflag:$0x6], $0x80, s14, s9, $0xb8;
	[tilespmem:$0x1F480] =	vst v63  }
0x4b1: {  	_ =	swait.ge [sflag:s22], $0x3200  }
0x4b2: {  	[sflag:s22] =	ssyncset.done $0x0  }
0x4b3: {  	s14 =	simm.s32 $0x680;
	[sflag:s22] =	ssyncadd.s32 $0xFFFFCE00  }
0x4b4: {  	[tilespmem:s12], [sflag:$0x2] =	stream.indirect.gather [hbm4b:s4+s9], $0x80, s14, s9, $0xb8;
	[tilespmem:$0x1F480] =	vst v63  }
0x4b5: {  	_ =	swait.ge [sflag:s13], $0x3200  }
0x4b6: {  	[sflag:s13] =	ssyncset.done $0x0  }
0x4b7: {  	s14 =	simm.s32 $0x1600;
	[sflag:s13] =	ssyncadd.s32 $0xFFFFCE00  }
0x4b8: {  	[spmem:s2] =	stream.indirect.scatter.add.f32 [tilespmem:s10], [sflag:$0x4], $0x80, s14, s9, $0xb8;
	[tilespmem:$0x1F480] =	vst v63  }
0x4b9: {  	_ =	swait.ge [sflag:s25], $0x3200  }
0x4ba: {  	[sflag:s25] =	ssyncset.done $0x0  }
0x4bb: {  	s28 =	simm.s32 $0x700;
	[sflag:s25] =	ssyncadd.s32 $0xFFFFCE00  }
0x4bc: {  	[tilespmem:s15], [sflag:$0x3] =	stream.indirect.gather [hbm4b:s4+s9], $0x80, s28, s9, $0xb8;
	[tilespmem:$0x1F480] =	vst v63  }
0x4bd: {  	_ =	swait.ge [sflag:s16], $0x3200  }
0x4be: {  	[sflag:s16] =	ssyncset.done $0x0  }
0x4bf: {  	s29 =	simm.s32 $0x1680;
	[sflag:s16] =	ssyncadd.s32 $0xFFFFCE00  }
0x4c0: {  	[spmem:s2] =	stream.indirect.scatter.add.f32 [tilespmem:s12], [sflag:$0x5], $0x80, s29, s9, $0xb8;
	[tilespmem:$0x1F480] =	vst v63  }
0x4c1: {  	_ =	swait.ge [sflag:s18], $0x3200  }
0x4c2: {  	[sflag:s18] =	ssyncset.done $0x0  }
0x4c3: {  	s30 =	simm.s32 $0x780;
	[sflag:s18] =	ssyncadd.s32 $0xFFFFCE00  }
0x4c4: {  	[tilespmem:s10], [sflag:$0x1] =	stream.indirect.gather [hbm4b:s4+s9], $0x80, s30, s9, $0xb8;
	[tilespmem:$0x1F480] =	vst v63  }
0x4c5: {  	_ =	swait.ge [sflag:s20], $0x3200  }
0x4c6: {  	[sflag:s20] =	ssyncset.done $0x0  }
0x4c7: {  	s31 =	simm.s32 $0x1700;
	[sflag:s20] =	ssyncadd.s32 $0xFFFFCE00  }
0x4c8: {  	[spmem:s2] =	stream.indirect.scatter.add.f32 [tilespmem:s15], [sflag:$0x6], $0x80, s31, s9, $0xb8;
	[tilespmem:$0x1F480] =	vst v63  }
0x4c9: {  	_ =	swait.ge [sflag:s22], $0x3200  }
0x4ca: {  	[sflag:s22] =	ssyncset.done $0x0  }
0x4cb: {  	s31 =	simm.s32 $0x800;
	[sflag:s22] =	ssyncadd.s32 $0xFFFFCE00  }
0x4cc: {  	[tilespmem:s12], [sflag:$0x2] =	stream.indirect.gather [hbm4b:s4+s9], $0x80, s31, s9, $0xb8;
	[tilespmem:$0x1F480] =	vst v63  }
0x4cd: {  	_ =	swait.ge [sflag:s13], $0x3200  }
0x4ce: {  	[sflag:s13] =	ssyncset.done $0x0  }
0x4cf: {  	s28 =	simm.s32 $0x1780;
	[sflag:s13] =	ssyncadd.s32 $0xFFFFCE00  }
0x4d0: {  	[spmem:s2] =	stream.indirect.scatter.add.f32 [tilespmem:s10], [sflag:$0x4], $0x80, s28, s9, $0xb8;
	[tilespmem:$0x1F480] =	vst v63  }
0x4d1: {  	_ =	swait.ge [sflag:s25], $0x3200  }
0x4d2: {  	[sflag:s25] =	ssyncset.done $0x0  }
0x4d3: {  	s29 =	simm.s32 $0x880;
	[sflag:s25] =	ssyncadd.s32 $0xFFFFCE00  }
0x4d4: {  	[tilespmem:s15], [sflag:$0x3] =	stream.indirect.gather [hbm4b:s4+s9], $0x80, s29, s9, $0xb8;
	[tilespmem:$0x1F480] =	vst v63  }
0x4d5: {  	_ =	swait.ge [sflag:s16], $0x3200  }
0x4d6: {  	[sflag:s16] =	ssyncset.done $0x0  }
0x4d7: {  	s30 =	simm.s32 $0x1800;
	[sflag:s16] =	ssyncadd.s32 $0xFFFFCE00  }
0x4d8: {  	[spmem:s2] =	stream.indirect.scatter.add.f32 [tilespmem:s12], [sflag:$0x5], $0x80, s30, s9, $0xb8;
	[tilespmem:$0x1F480] =	vst v63  }
0x4d9: {  	_ =	swait.ge [sflag:s18], $0x3200  }
0x4da: {  	[sflag:s18] =	ssyncset.done $0x0  }
0x4db: {  	s31 =	simm.s32 $0x900;
	[sflag:s18] =	ssyncadd.s32 $0xFFFFCE00  }
0x4dc: {  	[tilespmem:s10], [sflag:$0x1] =	stream.indirect.gather [hbm4b:s4+s9], $0x80, s31, s9, $0xb8;
	[tilespmem:$0x1F480] =	vst v63  }
0x4dd: {  	_ =	swait.ge [sflag:s20], $0x3200  }
0x4de: {  	[sflag:s20] =	ssyncset.done $0x0  }
0x4df: {  	s28 =	simm.s32 $0x1880;
	[sflag:s20] =	ssyncadd.s32 $0xFFFFCE00  }
0x4e0: {  	[spmem:s2] =	stream.indirect.scatter.add.f32 [tilespmem:s15], [sflag:$0x6], $0x80, s28, s9, $0xb8;
	[tilespmem:$0x1F480] =	vst v63  }
0x4e1: {  	_ =	swait.ge [sflag:s22], $0x3200  }
0x4e2: {  	[sflag:s22] =	ssyncset.done $0x0  }
0x4e3: {  	s29 =	simm.s32 $0x980;
	[sflag:s22] =	ssyncadd.s32 $0xFFFFCE00  }
0x4e4: {  	[tilespmem:s12], [sflag:$0x2] =	stream.indirect.gather [hbm4b:s4+s9], $0x80, s29, s9, $0xb8;
	[tilespmem:$0x1F480] =	vst v63  }
0x4e5: {  	_ =	swait.ge [sflag:s13], $0x3200  }
0x4e6: {  	[sflag:s13] =	ssyncset.done $0x0  }
0x4e7: {  	s30 =	simm.s32 $0x1900;
	[sflag:s13] =	ssyncadd.s32 $0xFFFFCE00  }
0x4e8: {  	[spmem:s2] =	stream.indirect.scatter.add.f32 [tilespmem:s10], [sflag:$0x4], $0x80, s30, s9, $0xb8;
	[tilespmem:$0x1F480] =	vst v63  }
0x4e9: {  	_ =	swait.ge [sflag:s25], $0x3200  }
0x4ea: {  	[sflag:s25] =	ssyncset.done $0x0  }
0x4eb: {  	s31 =	simm.s32 $0xA00;
	[sflag:s25] =	ssyncadd.s32 $0xFFFFCE00  }
0x4ec: {  	[tilespmem:s15], [sflag:$0x3] =	stream.indirect.gather [hbm4b:s4+s9], $0x80, s31, s9, $0xb8;
	[tilespmem:$0x1F480] =	vst v63  }
0x4ed: {  	_ =	swait.ge [sflag:s16], $0x3200  }
0x4ee: {  	[sflag:s16] =	ssyncset.done $0x0  }
0x4ef: {  	s28 =	simm.s32 $0x1980;
	[sflag:s16] =	ssyncadd.s32 $0xFFFFCE00  }
0x4f0: {  	[spmem:s2] =	stream.indirect.scatter.add.f32 [tilespmem:s12], [sflag:$0x5], $0x80, s28, s9, $0xb8;
	[tilespmem:$0x1F480] =	vst v63  }
0x4f1: {  	_ =	swait.ge [sflag:s18], $0x3200  }
0x4f2: {  	[sflag:s18] =	ssyncset.done $0x0  }
0x4f3: {  	s29 =	simm.s32 $0xA80;
	[sflag:s18] =	ssyncadd.s32 $0xFFFFCE00  }
0x4f4: {  	[tilespmem:s10], [sflag:$0x1] =	stream.indirect.gather [hbm4b:s4+s9], $0x80, s29, s9, $0xb8;
	[tilespmem:$0x1F480] =	vst v63  }
0x4f5: {  	_ =	swait.ge [sflag:s20], $0x3200  }
0x4f6: {  	[sflag:s20] =	ssyncset.done $0x0  }
0x4f7: {  	s30 =	simm.s32 $0x1A00;
	[sflag:s20] =	ssyncadd.s32 $0xFFFFCE00  }
0x4f8: {  	[spmem:s2] =	stream.indirect.scatter.add.f32 [tilespmem:s15], [sflag:$0x6], $0x80, s30, s9, $0xb8;
	[tilespmem:$0x1F480] =	vst v63  }
0x4f9: {  	_ =	swait.ge [sflag:s22], $0x3200  }
0x4fa: {  	[sflag:s22] =	ssyncset.done $0x0  }
0x4fb: {  	s31 =	simm.s32 $0xB00;
	[sflag:s22] =	ssyncadd.s32 $0xFFFFCE00  }
0x4fc: {  	[tilespmem:s12], [sflag:$0x2] =	stream.indirect.gather [hbm4b:s4+s9], $0x80, s31, s9, $0xb8;
	[tilespmem:$0x1F480] =	vst v63  }
0x4fd: {  	_ =	swait.ge [sflag:s13], $0x3200  }
0x4fe: {  	[sflag:s13] =	ssyncset.done $0x0  }
0x4ff: {  	s28 =	simm.s32 $0x1A80;
	[sflag:s13] =	ssyncadd.s32 $0xFFFFCE00  }
0x500: {  	[spmem:s2] =	stream.indirect.scatter.add.f32 [tilespmem:s10], [sflag:$0x4], $0x80, s28, s9, $0xb8;
	[tilespmem:$0x1F480] =	vst v63  }
0x501: {  	_ =	swait.ge [sflag:s25], $0x3200  }
0x502: {  	[sflag:s25] =	ssyncset.done $0x0  }
0x503: {  	s29 =	simm.s32 $0xB80;
	[sflag:s25] =	ssyncadd.s32 $0xFFFFCE00  }
0x504: {  	[tilespmem:s15], [sflag:$0x3] =	stream.indirect.gather [hbm4b:s4+s9], $0x80, s29, s9, $0xb8;
	[tilespmem:$0x1F480] =	vst v63  }
0x505: {  	_ =	swait.ge [sflag:s16], $0x3200  }
0x506: {  	[sflag:s16] =	ssyncset.done $0x0  }
0x507: {  	s30 =	simm.s32 $0x1B00;
	[sflag:s16] =	ssyncadd.s32 $0xFFFFCE00  }
0x508: {  	[spmem:s2] =	stream.indirect.scatter.add.f32 [tilespmem:s12], [sflag:$0x5], $0x80, s30, s9, $0xb8;
	[tilespmem:$0x1F480] =	vst v63  }
0x509: {  	_ =	swait.ge [sflag:s18], $0x3200  }
0x50a: {  	[sflag:s18] =	ssyncset.done $0x0  }
0x50b: {  	s31 =	simm.s32 $0xC00;
	[sflag:s18] =	ssyncadd.s32 $0xFFFFCE00  }
0x50c: {  	[tilespmem:s10], [sflag:$0x1] =	stream.indirect.gather [hbm4b:s4+s9], $0x80, s31, s9, $0xb8;
	[tilespmem:$0x1F480] =	vst v63  }
0x50d: {  	_ =	swait.ge [sflag:s20], $0x3200  }
0x50e: {  	[sflag:s20] =	ssyncset.done $0x0  }
0x50f: {  	s28 =	simm.s32 $0x1B80;
	[sflag:s20] =	ssyncadd.s32 $0xFFFFCE00  }
0x510: {  	[spmem:s2] =	stream.indirect.scatter.add.f32 [tilespmem:s15], [sflag:$0x6], $0x80, s28, s9, $0xb8;
	[tilespmem:$0x1F480] =	vst v63  }
0x511: {  	_ =	swait.ge [sflag:s13], $0x3200  }
0x512: {  	[sflag:s13] =	ssyncset.done $0x0  }
0x513: {  	s29 =	simm.s32 $0x1C00;
	[sflag:s13] =	ssyncadd.s32 $0xFFFFCE00  }
0x514: {  	[spmem:s2] =	stream.indirect.scatter.add.f32 [tilespmem:s10], [sflag:$0x4], $0x80, s29, s9, $0xb8;
	[tilespmem:$0x1F480] =	vst v63  }
0x515: {  	_ =	swait.ge [sflag:s22], $0x3200  }
0x516: {  	[sflag:s22] =	ssyncset.done $0x0  }
0x517: {  	[sflag:s22] =	ssyncadd.s32 $0xFFFFCE00  }
0x518: {  	_ =	swait.ge [sflag:s25], $0x3200  }
0x519: {  	[sflag:s25] =	ssyncset.done $0x0  }
0x51a: {  	[sflag:s25] =	ssyncadd.s32 $0xFFFFCE00  }
0x51b: {  	_ =	swait.ge [sflag:s18], $0x3200  }
0x51c: {  	[sflag:s18] =	ssyncset.done $0x0  }
0x51d: {  	s30 =	rddreg [dreg:$0x8];
	[sflag:s18] =	ssyncadd.s32 $0xFFFFCE00  }
0x51e: {  	[tilespmem:s0], [sflag:$0x7] =	stream.linear.gather [hbm4b:s30+s0], $0xC80, $0x38;
	[tilespmem:$0x1F480] =	vst v63  }
0x51f: {  	_ =	swait.ge [sflag:s5], $0xC80  }
0x520: {  	[sflag:s5] =	ssyncset.done $0x0  }
0x521: {  	s31 =	rddreg [dreg:$0x9];
	[sflag:s5] =	ssyncadd.s32 $0xFFFFF380  }
0x522: {  	[tilespmem:s3], [sflag:$0x7] =	stream.linear.gather [hbm4b:s31+s0], $0xC80, $0x38;
	[tilespmem:$0x1F480] =	vst v63  }
0x523: {  	_ =	swait.ge [sflag:s5], $0xC80  }
0x524: {  	[sflag:s5] =	ssyncset.done $0x0  }
0x525: {  	[sflag:s5] =	ssyncadd.s32 $0xFFFFF380  }
0x526: {  	[tilespmem:s10], [sflag:$0x1] =	stream.indirect.gather [hbm4b:s4+s9], $0x80, s0, s9, $0xb8;
	[tilespmem:$0x1F480] =	vst v63  }
0x527: {  	s28 =	simm.s32 $0x80  }
0x528: {  	[tilespmem:s12], [sflag:$0x2] =	stream.indirect.gather [hbm4b:s4+s9], $0x80, s28, s9, $0xb8;
	[tilespmem:$0x1F480] =	vst v63  }
0x529: {  	_ =	swait.ge [sflag:s13], $0x3200  }
0x52a: {  	[sflag:s13] =	ssyncset.done $0x0  }
0x52b: {  	[sflag:s13] =	ssyncadd.s32 $0xFFFFCE00  }
0x52c: {  	[spmem:s2] =	stream.indirect.scatter.add.f32 [tilespmem:s10], [sflag:$0x4], $0x80, s3, s9, $0xb8;
	[tilespmem:$0x1F480] =	vst v63  }
0x52d: {  	s29 =	simm.s32 $0x100  }
0x52e: {  	[tilespmem:s15], [sflag:$0x3] =	stream.indirect.gather [hbm4b:s4+s9], $0x80, s29, s9, $0xb8;
	[tilespmem:$0x1F480] =	vst v63  }
0x52f: {  	_ =	swait.ge [sflag:s16], $0x3200  }
0x530: {  	[sflag:s16] =	ssyncset.done $0x0  }
0x531: {  	[sflag:s16] =	ssyncadd.s32 $0xFFFFCE00  }
0x532: {  	[spmem:s2] =	stream.indirect.scatter.add.f32 [tilespmem:s12], [sflag:$0x5], $0x80, s17, s9, $0xb8;
	[tilespmem:$0x1F480] =	vst v63  }
0x533: {  	_ =	swait.ge [sflag:s18], $0x3200  }
0x534: {  	[sflag:s18] =	ssyncset.done $0x0  }
0x535: {  	[sflag:s18] =	ssyncadd.s32 $0xFFFFCE00  }
0x536: {  	[tilespmem:s10], [sflag:$0x1] =	stream.indirect.gather [hbm4b:s4+s9], $0x80, s19, s9, $0xb8;
	[tilespmem:$0x1F480] =	vst v63  }
0x537: {  	_ =	swait.ge [sflag:s20], $0x3200  }
0x538: {  	[sflag:s20] =	ssyncset.done $0x0  }
0x539: {  	[sflag:s20] =	ssyncadd.s32 $0xFFFFCE00  }
0x53a: {  	[spmem:s2] =	stream.indirect.scatter.add.f32 [tilespmem:s15], [sflag:$0x6], $0x80, s21, s9, $0xb8;
	[tilespmem:$0x1F480] =	vst v63  }
0x53b: {  	_ =	swait.ge [sflag:s22], $0x3200  }
0x53c: {  	[sflag:s22] =	ssyncset.done $0x0  }
0x53d: {  	[sflag:s22] =	ssyncadd.s32 $0xFFFFCE00  }
0x53e: {  	[tilespmem:s12], [sflag:$0x2] =	stream.indirect.gather [hbm4b:s4+s9], $0x80, s23, s9, $0xb8;
	[tilespmem:$0x1F480] =	vst v63  }
0x53f: {  	_ =	swait.ge [sflag:s13], $0x3200  }
0x540: {  	[sflag:s13] =	ssyncset.done $0x0  }
0x541: {  	[sflag:s13] =	ssyncadd.s32 $0xFFFFCE00  }
0x542: {  	[spmem:s2] =	stream.indirect.scatter.add.f32 [tilespmem:s10], [sflag:$0x4], $0x80, s24, s9, $0xb8;
	[tilespmem:$0x1F480] =	vst v63  }
0x543: {  	_ =	swait.ge [sflag:s25], $0x3200  }
0x544: {  	[sflag:s25] =	ssyncset.done $0x0  }
0x545: {  	[sflag:s25] =	ssyncadd.s32 $0xFFFFCE00  }
0x546: {  	[tilespmem:s15], [sflag:$0x3] =	stream.indirect.gather [hbm4b:s4+s9], $0x80, s26, s9, $0xb8;
	[tilespmem:$0x1F480] =	vst v63  }
0x547: {  	_ =	swait.ge [sflag:s16], $0x3200  }
0x548: {  	[sflag:s16] =	ssyncset.done $0x0  }
0x549: {  	s30 =	simm.s32 $0x1200;
	[sflag:s16] =	ssyncadd.s32 $0xFFFFCE00  }
0x54a: {  	[spmem:s2] =	stream.indirect.scatter.add.f32 [tilespmem:s12], [sflag:$0x5], $0x80, s30, s9, $0xb8;
	[tilespmem:$0x1F480] =	vst v63  }
0x54b: {  	_ =	swait.ge [sflag:s18], $0x3200  }
0x54c: {  	[sflag:s18] =	ssyncset.done $0x0  }
0x54d: {  	[sflag:s18] =	ssyncadd.s32 $0xFFFFCE00  }
0x54e: {  	[tilespmem:s10], [sflag:$0x1] =	stream.indirect.gather [hbm4b:s4+s9], $0x80, s1, s9, $0xb8;
	[tilespmem:$0x1F480] =	vst v63  }
0x54f: {  	_ =	swait.ge [sflag:s20], $0x3200  }
0x550: {  	[sflag:s20] =	ssyncset.done $0x0  }
0x551: {  	[sflag:s20] =	ssyncadd.s32 $0xFFFFCE00  }
0x552: {  	[spmem:s2] =	stream.indirect.scatter.add.f32 [tilespmem:s15], [sflag:$0x6], $0x80, s6, s9, $0xb8;
	[tilespmem:$0x1F480] =	vst v63  }
0x553: {  	_ =	swait.ge [sflag:s22], $0x3200  }
0x554: {  	[sflag:s22] =	ssyncset.done $0x0  }
0x555: {  	[sflag:s22] =	ssyncadd.s32 $0xFFFFCE00  }
0x556: {  	[tilespmem:s12], [sflag:$0x2] =	stream.indirect.gather [hbm4b:s4+s9], $0x80, s7, s9, $0xb8;
	[tilespmem:$0x1F480] =	vst v63  }
0x557: {  	_ =	swait.ge [sflag:s13], $0x3200  }
0x558: {  	[sflag:s13] =	ssyncset.done $0x0  }
0x559: {  	[sflag:s13] =	ssyncadd.s32 $0xFFFFCE00  }
0x55a: {  	[spmem:s2] =	stream.indirect.scatter.add.f32 [tilespmem:s10], [sflag:$0x4], $0x80, s8, s9, $0xb8;
	[tilespmem:$0x1F480] =	vst v63  }
0x55b: {  	_ =	swait.ge [sflag:s25], $0x3200  }
0x55c: {  	[sflag:s25] =	ssyncset.done $0x0  }
0x55d: {  	s31 =	simm.s32 $0x400;
	[sflag:s25] =	ssyncadd.s32 $0xFFFFCE00  }
0x55e: {  	[tilespmem:s15], [sflag:$0x3] =	stream.indirect.gather [hbm4b:s4+s9], $0x80, s31, s9, $0xb8;
	[tilespmem:$0x1F480] =	vst v63  }
0x55f: {  	_ =	swait.ge [sflag:s16], $0x3200  }
0x560: {  	[sflag:s16] =	ssyncset.done $0x0  }
0x561: {  	s28 =	simm.s32 $0x1380;
	[sflag:s16] =	ssyncadd.s32 $0xFFFFCE00  }
0x562: {  	[spmem:s2] =	stream.indirect.scatter.add.f32 [tilespmem:s12], [sflag:$0x5], $0x80, s28, s9, $0xb8;
	[tilespmem:$0x1F480] =	vst v63  }
0x563: {  	_ =	swait.ge [sflag:s18], $0x3200  }
0x564: {  	[sflag:s18] =	ssyncset.done $0x0  }
0x565: {  	s29 =	simm.s32 $0x480;
	[sflag:s18] =	ssyncadd.s32 $0xFFFFCE00  }
0x566: {  	[tilespmem:s10], [sflag:$0x1] =	stream.indirect.gather [hbm4b:s4+s9], $0x80, s29, s9, $0xb8;
	[tilespmem:$0x1F480] =	vst v63  }
0x567: {  	_ =	swait.ge [sflag:s20], $0x3200  }
0x568: {  	[sflag:s20] =	ssyncset.done $0x0  }
0x569: {  	s30 =	simm.s32 $0x1400;
	[sflag:s20] =	ssyncadd.s32 $0xFFFFCE00  }
0x56a: {  	[spmem:s2] =	stream.indirect.scatter.add.f32 [tilespmem:s15], [sflag:$0x6], $0x80, s30, s9, $0xb8;
	[tilespmem:$0x1F480] =	vst v63  }
0x56b: {  	_ =	swait.ge [sflag:s22], $0x3200  }
0x56c: {  	[sflag:s22] =	ssyncset.done $0x0  }
0x56d: {  	s31 =	simm.s32 $0x500;
	[sflag:s22] =	ssyncadd.s32 $0xFFFFCE00  }
0x56e: {  	[tilespmem:s12], [sflag:$0x2] =	stream.indirect.gather [hbm4b:s4+s9], $0x80, s31, s9, $0xb8;
	[tilespmem:$0x1F480] =	vst v63  }
0x56f: {  	_ =	swait.ge [sflag:s13], $0x3200  }
0x570: {  	[sflag:s13] =	ssyncset.done $0x0  }
0x571: {  	s14 =	simm.s32 $0x1480;
	[sflag:s13] =	ssyncadd.s32 $0xFFFFCE00  }
0x572: {  	[spmem:s2] =	stream.indirect.scatter.add.f32 [tilespmem:s10], [sflag:$0x4], $0x80, s14, s9, $0xb8;
	[tilespmem:$0x1F480] =	vst v63  }
0x573: {  	_ =	swait.ge [sflag:s25], $0x3200  }
0x574: {  	[sflag:s25] =	ssyncset.done $0x0  }
0x575: {  	s14 =	simm.s32 $0x580;
	[sflag:s25] =	ssyncadd.s32 $0xFFFFCE00  }
0x576: {  	[tilespmem:s15], [sflag:$0x3] =	stream.indirect.gather [hbm4b:s4+s9], $0x80, s14, s9, $0xb8;
	[tilespmem:$0x1F480] =	vst v63  }
0x577: {  	_ =	swait.ge [sflag:s16], $0x3200  }
0x578: {  	[sflag:s16] =	ssyncset.done $0x0  }
0x579: {  	s14 =	simm.s32 $0x1500;
	[sflag:s16] =	ssyncadd.s32 $0xFFFFCE00  }
0x57a: {  	[spmem:s2] =	stream.indirect.scatter.add.f32 [tilespmem:s12], [sflag:$0x5], $0x80, s14, s9, $0xb8;
	[tilespmem:$0x1F480] =	vst v63  }
0x57b: {  	_ =	swait.ge [sflag:s18], $0x3200  }
0x57c: {  	[sflag:s18] =	ssyncset.done $0x0  }
0x57d: {  	s14 =	simm.s32 $0x600;
	[sflag:s18] =	ssyncadd.s32 $0xFFFFCE00  }
0x57e: {  	[tilespmem:s10], [sflag:$0x1] =	stream.indirect.gather [hbm4b:s4+s9], $0x80, s14, s9, $0xb8;
	[tilespmem:$0x1F480] =	vst v63  }
0x57f: {  	_ =	swait.ge [sflag:s20], $0x3200  }
0x580: {  	[sflag:s20] =	ssyncset.done $0x0  }
0x581: {  	s14 =	simm.s32 $0x1580;
	[sflag:s20] =	ssyncadd.s32 $0xFFFFCE00  }
0x582: {  	[spmem:s2] =	stream.indirect.scatter.add.f32 [tilespmem:s15], [sflag:$0x6], $0x80, s14, s9, $0xb8;
	[tilespmem:$0x1F480] =	vst v63  }
0x583: {  	_ =	swait.ge [sflag:s22], $0x3200  }
0x584: {  	[sflag:s22] =	ssyncset.done $0x0  }
0x585: {  	s14 =	simm.s32 $0x680;
	[sflag:s22] =	ssyncadd.s32 $0xFFFFCE00  }
0x586: {  	[tilespmem:s12], [sflag:$0x2] =	stream.indirect.gather [hbm4b:s4+s9], $0x80, s14, s9, $0xb8;
	[tilespmem:$0x1F480] =	vst v63  }
0x587: {  	_ =	swait.ge [sflag:s13], $0x3200  }
0x588: {  	[sflag:s13] =	ssyncset.done $0x0  }
0x589: {  	s14 =	simm.s32 $0x1600;
	[sflag:s13] =	ssyncadd.s32 $0xFFFFCE00  }
0x58a: {  	[spmem:s2] =	stream.indirect.scatter.add.f32 [tilespmem:s10], [sflag:$0x4], $0x80, s14, s9, $0xb8;
	[tilespmem:$0x1F480] =	vst v63  }
0x58b: {  	_ =	swait.ge [sflag:s25], $0x3200  }
0x58c: {  	[sflag:s25] =	ssyncset.done $0x0  }
0x58d: {  	s14 =	simm.s32 $0x700;
	[sflag:s25] =	ssyncadd.s32 $0xFFFFCE00  }
0x58e: {  	[tilespmem:s15], [sflag:$0x3] =	stream.indirect.gather [hbm4b:s4+s9], $0x80, s14, s9, $0xb8;
	[tilespmem:$0x1F480] =	vst v63  }
0x58f: {  	_ =	swait.ge [sflag:s16], $0x3200  }
0x590: {  	[sflag:s16] =	ssyncset.done $0x0  }
0x591: {  	s14 =	simm.s32 $0x1680;
	[sflag:s16] =	ssyncadd.s32 $0xFFFFCE00  }
0x592: {  	[spmem:s2] =	stream.indirect.scatter.add.f32 [tilespmem:s12], [sflag:$0x5], $0x80, s14, s9, $0xb8;
	[tilespmem:$0x1F480] =	vst v63  }
0x593: {  	_ =	swait.ge [sflag:s18], $0x3200  }
0x594: {  	[sflag:s18] =	ssyncset.done $0x0  }
0x595: {  	s14 =	simm.s32 $0x780;
	[sflag:s18] =	ssyncadd.s32 $0xFFFFCE00  }
0x596: {  	[tilespmem:s10], [sflag:$0x1] =	stream.indirect.gather [hbm4b:s4+s9], $0x80, s14, s9, $0xb8;
	[tilespmem:$0x1F480] =	vst v63  }
0x597: {  	_ =	swait.ge [sflag:s20], $0x3200  }
0x598: {  	[sflag:s20] =	ssyncset.done $0x0  }
0x599: {  	s14 =	simm.s32 $0x1700;
	[sflag:s20] =	ssyncadd.s32 $0xFFFFCE00  }
0x59a: {  	[spmem:s2] =	stream.indirect.scatter.add.f32 [tilespmem:s15], [sflag:$0x6], $0x80, s14, s9, $0xb8;
	[tilespmem:$0x1F480] =	vst v63  }
0x59b: {  	_ =	swait.ge [sflag:s22], $0x3200  }
0x59c: {  	[sflag:s22] =	ssyncset.done $0x0  }
0x59d: {  	s14 =	simm.s32 $0x800;
	[sflag:s22] =	ssyncadd.s32 $0xFFFFCE00  }
0x59e: {  	[tilespmem:s12], [sflag:$0x2] =	stream.indirect.gather [hbm4b:s4+s9], $0x80, s14, s9, $0xb8;
	[tilespmem:$0x1F480] =	vst v63  }
0x59f: {  	_ =	swait.ge [sflag:s13], $0x3200  }
0x5a0: {  	[sflag:s13] =	ssyncset.done $0x0  }
0x5a1: {  	s14 =	simm.s32 $0x1780;
	[sflag:s13] =	ssyncadd.s32 $0xFFFFCE00  }
0x5a2: {  	[spmem:s2] =	stream.indirect.scatter.add.f32 [tilespmem:s10], [sflag:$0x4], $0x80, s14, s9, $0xb8;
	[tilespmem:$0x1F480] =	vst v63  }
0x5a3: {  	_ =	swait.ge [sflag:s25], $0x3200  }
0x5a4: {  	[sflag:s25] =	ssyncset.done $0x0  }
0x5a5: {  	s14 =	simm.s32 $0x880;
	[sflag:s25] =	ssyncadd.s32 $0xFFFFCE00  }
0x5a6: {  	[tilespmem:s15], [sflag:$0x3] =	stream.indirect.gather [hbm4b:s4+s9], $0x80, s14, s9, $0xb8;
	[tilespmem:$0x1F480] =	vst v63  }
0x5a7: {  	_ =	swait.ge [sflag:s16], $0x3200  }
0x5a8: {  	[sflag:s16] =	ssyncset.done $0x0  }
0x5a9: {  	s14 =	simm.s32 $0x1800;
	[sflag:s16] =	ssyncadd.s32 $0xFFFFCE00  }
0x5aa: {  	[spmem:s2] =	stream.indirect.scatter.add.f32 [tilespmem:s12], [sflag:$0x5], $0x80, s14, s9, $0xb8;
	[tilespmem:$0x1F480] =	vst v63  }
0x5ab: {  	_ =	swait.ge [sflag:s18], $0x3200  }
0x5ac: {  	[sflag:s18] =	ssyncset.done $0x0  }
0x5ad: {  	s14 =	simm.s32 $0x900;
	[sflag:s18] =	ssyncadd.s32 $0xFFFFCE00  }
0x5ae: {  	[tilespmem:s10], [sflag:$0x1] =	stream.indirect.gather [hbm4b:s4+s9], $0x80, s14, s9, $0xb8;
	[tilespmem:$0x1F480] =	vst v63  }
0x5af: {  	_ =	swait.ge [sflag:s20], $0x3200  }
0x5b0: {  	[sflag:s20] =	ssyncset.done $0x0  }
0x5b1: {  	s14 =	simm.s32 $0x1880;
	[sflag:s20] =	ssyncadd.s32 $0xFFFFCE00  }
0x5b2: {  	[spmem:s2] =	stream.indirect.scatter.add.f32 [tilespmem:s15], [sflag:$0x6], $0x80, s14, s9, $0xb8;
	[tilespmem:$0x1F480] =	vst v63  }
0x5b3: {  	_ =	swait.ge [sflag:s22], $0x3200  }
0x5b4: {  	[sflag:s22] =	ssyncset.done $0x0  }
0x5b5: {  	s14 =	simm.s32 $0x980;
	[sflag:s22] =	ssyncadd.s32 $0xFFFFCE00  }
0x5b6: {  	[tilespmem:s12], [sflag:$0x2] =	stream.indirect.gather [hbm4b:s4+s9], $0x80, s14, s9, $0xb8;
	[tilespmem:$0x1F480] =	vst v63  }
0x5b7: {  	_ =	swait.ge [sflag:s13], $0x3200  }
0x5b8: {  	[sflag:s13] =	ssyncset.done $0x0  }
0x5b9: {  	s14 =	simm.s32 $0x1900;
	[sflag:s13] =	ssyncadd.s32 $0xFFFFCE00  }
0x5ba: {  	[spmem:s2] =	stream.indirect.scatter.add.f32 [tilespmem:s10], [sflag:$0x4], $0x80, s14, s9, $0xb8;
	[tilespmem:$0x1F480] =	vst v63  }
0x5bb: {  	_ =	swait.ge [sflag:s25], $0x3200  }
0x5bc: {  	[sflag:s25] =	ssyncset.done $0x0  }
0x5bd: {  	s14 =	simm.s32 $0xA00;
	[sflag:s25] =	ssyncadd.s32 $0xFFFFCE00  }
0x5be: {  	[tilespmem:s15], [sflag:$0x3] =	stream.indirect.gather [hbm4b:s4+s9], $0x80, s14, s9, $0xb8;
	[tilespmem:$0x1F480] =	vst v63  }
0x5bf: {  	_ =	swait.ge [sflag:s16], $0x3200  }
0x5c0: {  	[sflag:s16] =	ssyncset.done $0x0  }
0x5c1: {  	s14 =	simm.s32 $0x1980;
	[sflag:s16] =	ssyncadd.s32 $0xFFFFCE00  }
0x5c2: {  	[spmem:s2] =	stream.indirect.scatter.add.f32 [tilespmem:s12], [sflag:$0x5], $0x80, s14, s9, $0xb8;
	[tilespmem:$0x1F480] =	vst v63  }
0x5c3: {  	_ =	swait.ge [sflag:s18], $0x3200  }
0x5c4: {  	[sflag:s18] =	ssyncset.done $0x0  }
0x5c5: {  	s14 =	simm.s32 $0xA80;
	[sflag:s18] =	ssyncadd.s32 $0xFFFFCE00  }
0x5c6: {  	[tilespmem:s10], [sflag:$0x1] =	stream.indirect.gather [hbm4b:s4+s9], $0x80, s14, s9, $0xb8;
	[tilespmem:$0x1F480] =	vst v63  }
0x5c7: {  	_ =	swait.ge [sflag:s20], $0x3200  }
0x5c8: {  	[sflag:s20] =	ssyncset.done $0x0  }
0x5c9: {  	s14 =	simm.s32 $0x1A00;
	[sflag:s20] =	ssyncadd.s32 $0xFFFFCE00  }
0x5ca: {  	[spmem:s2] =	stream.indirect.scatter.add.f32 [tilespmem:s15], [sflag:$0x6], $0x80, s14, s9, $0xb8;
	[tilespmem:$0x1F480] =	vst v63  }
0x5cb: {  	_ =	swait.ge [sflag:s22], $0x3200  }
0x5cc: {  	[sflag:s22] =	ssyncset.done $0x0  }
0x5cd: {  	s14 =	simm.s32 $0xB00;
	[sflag:s22] =	ssyncadd.s32 $0xFFFFCE00  }
0x5ce: {  	[tilespmem:s12], [sflag:$0x2] =	stream.indirect.gather [hbm4b:s4+s9], $0x80, s14, s9, $0xb8;
	[tilespmem:$0x1F480] =	vst v63  }
0x5cf: {  	_ =	swait.ge [sflag:s13], $0x3200  }
0x5d0: {  	[sflag:s13] =	ssyncset.done $0x0  }
0x5d1: {  	s14 =	simm.s32 $0x1A80;
	[sflag:s13] =	ssyncadd.s32 $0xFFFFCE00  }
0x5d2: {  	[spmem:s2] =	stream.indirect.scatter.add.f32 [tilespmem:s10], [sflag:$0x4], $0x80, s14, s9, $0xb8;
	[tilespmem:$0x1F480] =	vst v63  }
0x5d3: {  	_ =	swait.ge [sflag:s25], $0x3200  }
0x5d4: {  	[sflag:s25] =	ssyncset.done $0x0  }
0x5d5: {  	s14 =	simm.s32 $0xB80;
	[sflag:s25] =	ssyncadd.s32 $0xFFFFCE00  }
0x5d6: {  	[tilespmem:s15], [sflag:$0x3] =	stream.indirect.gather [hbm4b:s4+s9], $0x80, s14, s9, $0xb8;
	[tilespmem:$0x1F480] =	vst v63  }
0x5d7: {  	_ =	swait.ge [sflag:s16], $0x3200  }
0x5d8: {  	[sflag:s16] =	ssyncset.done $0x0  }
0x5d9: {  	s14 =	simm.s32 $0x1B00;
	[sflag:s16] =	ssyncadd.s32 $0xFFFFCE00  }
0x5da: {  	[spmem:s2] =	stream.indirect.scatter.add.f32 [tilespmem:s12], [sflag:$0x5], $0x80, s14, s9, $0xb8;
	[tilespmem:$0x1F480] =	vst v63  }
0x5db: {  	_ =	swait.ge [sflag:s18], $0x3200  }
0x5dc: {  	[sflag:s18] =	ssyncset.done $0x0  }
0x5dd: {  	s14 =	simm.s32 $0xC00;
	[sflag:s18] =	ssyncadd.s32 $0xFFFFCE00  }
0x5de: {  	[tilespmem:s10], [sflag:$0x1] =	stream.indirect.gather [hbm4b:s4+s9], $0x80, s14, s9, $0xb8;
	[tilespmem:$0x1F480] =	vst v63  }
0x5df: {  	_ =	swait.ge [sflag:s20], $0x3200  }
0x5e0: {  	[sflag:s20] =	ssyncset.done $0x0  }
0x5e1: {  	s14 =	simm.s32 $0x1B80;
	[sflag:s20] =	ssyncadd.s32 $0xFFFFCE00  }
0x5e2: {  	[spmem:s2] =	stream.indirect.scatter.add.f32 [tilespmem:s15], [sflag:$0x6], $0x80, s14, s9, $0xb8;
	[tilespmem:$0x1F480] =	vst v63  }
0x5e3: {  	_ =	swait.ge [sflag:s13], $0x3200  }
0x5e4: {  	[sflag:s13] =	ssyncset.done $0x0  }
0x5e5: {  	s14 =	simm.s32 $0x1C00;
	[sflag:s13] =	ssyncadd.s32 $0xFFFFCE00  }
0x5e6: {  	[spmem:s2] =	stream.indirect.scatter.add.f32 [tilespmem:s10], [sflag:$0x4], $0x80, s14, s9, $0xb8;
	[tilespmem:$0x1F480] =	vst v63  }
0x5e7: {  	_ =	swait.ge [sflag:s22], $0x3200  }
0x5e8: {  	[sflag:s22] =	ssyncset.done $0x0  }
0x5e9: {  	[sflag:s22] =	ssyncadd.s32 $0xFFFFCE00  }
0x5ea: {  	_ =	swait.ge [sflag:s25], $0x3200  }
0x5eb: {  	[sflag:s25] =	ssyncset.done $0x0  }
0x5ec: {  	[sflag:s25] =	ssyncadd.s32 $0xFFFFCE00  }
0x5ed: {  	_ =	swait.ge [sflag:s18], $0x3200  }
0x5ee: {  	[sflag:s18] =	ssyncset.done $0x0  }
0x5ef: {  	s14 =	rddreg [dreg:$0xa];
	[sflag:s18] =	ssyncadd.s32 $0xFFFFCE00  }
0x5f0: {  	[tilespmem:s0], [sflag:$0x7] =	stream.linear.gather [hbm4b:s14+s0], $0xC80, $0x38;
	[tilespmem:$0x1F480] =	vst v63  }
0x5f1: {  	_ =	swait.ge [sflag:s5], $0xC80  }
0x5f2: {  	[sflag:s5] =	ssyncset.done $0x0  }
0x5f3: {  	s14 =	rddreg [dreg:$0xb];
	[sflag:s5] =	ssyncadd.s32 $0xFFFFF380  }
0x5f4: {  	[tilespmem:s3], [sflag:$0x7] =	stream.linear.gather [hbm4b:s14+s0], $0xC80, $0x38;
	[tilespmem:$0x1F480] =	vst v63  }
0x5f5: {  	_ =	swait.ge [sflag:s5], $0xC80  }
0x5f6: {  	[sflag:s5] =	ssyncset.done $0x0  }
0x5f7: {  	[sflag:s5] =	ssyncadd.s32 $0xFFFFF380  }
0x5f8: {  	[tilespmem:s10], [sflag:$0x1] =	stream.indirect.gather [hbm4b:s4+s9], $0x80, s0, s9, $0xb8;
	[tilespmem:$0x1F480] =	vst v63  }
0x5f9: {  	s14 =	simm.s32 $0x80  }
0x5fa: {  	[tilespmem:s12], [sflag:$0x2] =	stream.indirect.gather [hbm4b:s4+s9], $0x80, s14, s9, $0xb8;
	[tilespmem:$0x1F480] =	vst v63  }
0x5fb: {  	_ =	swait.ge [sflag:s13], $0x3200  }
0x5fc: {  	[sflag:s13] =	ssyncset.done $0x0  }
0x5fd: {  	[sflag:s13] =	ssyncadd.s32 $0xFFFFCE00  }
0x5fe: {  	[spmem:s2] =	stream.indirect.scatter.add.f32 [tilespmem:s10], [sflag:$0x4], $0x80, s3, s9, $0xb8;
	[tilespmem:$0x1F480] =	vst v63  }
0x5ff: {  	s14 =	simm.s32 $0x100  }
0x600: {  	[tilespmem:s15], [sflag:$0x3] =	stream.indirect.gather [hbm4b:s4+s9], $0x80, s14, s9, $0xb8;
	[tilespmem:$0x1F480] =	vst v63  }
0x601: {  	_ =	swait.ge [sflag:s16], $0x3200  }
0x602: {  	[sflag:s16] =	ssyncset.done $0x0  }
0x603: {  	s17 =	simm.s32 $0x1080;
	[sflag:s16] =	ssyncadd.s32 $0xFFFFCE00  }
0x604: {  	[spmem:s2] =	stream.indirect.scatter.add.f32 [tilespmem:s12], [sflag:$0x5], $0x80, s17, s9, $0xb8;
	[tilespmem:$0x1F480] =	vst v63  }
0x605: {  	_ =	swait.ge [sflag:s18], $0x3200  }
0x606: {  	[sflag:s18] =	ssyncset.done $0x0  }
0x607: {  	s19 =	simm.s32 $0x180;
	[sflag:s18] =	ssyncadd.s32 $0xFFFFCE00  }
0x608: {  	[tilespmem:s10], [sflag:$0x1] =	stream.indirect.gather [hbm4b:s4+s9], $0x80, s19, s9, $0xb8;
	[tilespmem:$0x1F480] =	vst v63  }
0x609: {  	_ =	swait.ge [sflag:s20], $0x3200  }
0x60a: {  	[sflag:s20] =	ssyncset.done $0x0  }
0x60b: {  	s21 =	simm.s32 $0x1100;
	[sflag:s20] =	ssyncadd.s32 $0xFFFFCE00  }
0x60c: {  	[spmem:s2] =	stream.indirect.scatter.add.f32 [tilespmem:s15], [sflag:$0x6], $0x80, s21, s9, $0xb8;
	[tilespmem:$0x1F480] =	vst v63  }
0x60d: {  	_ =	swait.ge [sflag:s22], $0x3200  }
0x60e: {  	[sflag:s22] =	ssyncset.done $0x0  }
0x60f: {  	s23 =	simm.s32 $0x200;
	[sflag:s22] =	ssyncadd.s32 $0xFFFFCE00  }
0x610: {  	[tilespmem:s12], [sflag:$0x2] =	stream.indirect.gather [hbm4b:s4+s9], $0x80, s23, s9, $0xb8;
	[tilespmem:$0x1F480] =	vst v63  }
0x611: {  	_ =	swait.ge [sflag:s13], $0x3200  }
0x612: {  	[sflag:s13] =	ssyncset.done $0x0  }
0x613: {  	s24 =	simm.s32 $0x1180;
	[sflag:s13] =	ssyncadd.s32 $0xFFFFCE00  }
0x614: {  	[spmem:s2] =	stream.indirect.scatter.add.f32 [tilespmem:s10], [sflag:$0x4], $0x80, s24, s9, $0xb8;
	[tilespmem:$0x1F480] =	vst v63  }
0x615: {  	_ =	swait.ge [sflag:s25], $0x3200  }
0x616: {  	[sflag:s25] =	ssyncset.done $0x0  }
0x617: {  	s26 =	simm.s32 $0x280;
	[sflag:s25] =	ssyncadd.s32 $0xFFFFCE00  }
0x618: {  	[tilespmem:s15], [sflag:$0x3] =	stream.indirect.gather [hbm4b:s4+s9], $0x80, s26, s9, $0xb8;
	[tilespmem:$0x1F480] =	vst v63  }
0x619: {  	_ =	swait.ge [sflag:s16], $0x3200  }
0x61a: {  	[sflag:s16] =	ssyncset.done $0x0  }
0x61b: {  	s24 =	simm.s32 $0x1200;
	[sflag:s16] =	ssyncadd.s32 $0xFFFFCE00  }
0x61c: {  	[spmem:s2] =	stream.indirect.scatter.add.f32 [tilespmem:s12], [sflag:$0x5], $0x80, s24, s9, $0xb8;
	[tilespmem:$0x1F480] =	vst v63  }
0x61d: {  	_ =	swait.ge [sflag:s18], $0x3200  }
0x61e: {  	[sflag:s18] =	ssyncset.done $0x0  }
0x61f: {  	s1 =	simm.s32 $0x300;
	[sflag:s18] =	ssyncadd.s32 $0xFFFFCE00  }
0x620: {  	[tilespmem:s10], [sflag:$0x1] =	stream.indirect.gather [hbm4b:s4+s9], $0x80, s1, s9, $0xb8;
	[tilespmem:$0x1F480] =	vst v63  }
0x621: {  	_ =	swait.ge [sflag:s20], $0x3200  }
0x622: {  	[sflag:s20] =	ssyncset.done $0x0  }
0x623: {  	s6 =	simm.s32 $0x1280;
	[sflag:s20] =	ssyncadd.s32 $0xFFFFCE00  }
0x624: {  	[spmem:s2] =	stream.indirect.scatter.add.f32 [tilespmem:s15], [sflag:$0x6], $0x80, s6, s9, $0xb8;
	[tilespmem:$0x1F480] =	vst v63  }
0x625: {  	_ =	swait.ge [sflag:s22], $0x3200  }
0x626: {  	[sflag:s22] =	ssyncset.done $0x0  }
0x627: {  	s7 =	simm.s32 $0x380;
	[sflag:s22] =	ssyncadd.s32 $0xFFFFCE00  }
0x628: {  	[tilespmem:s12], [sflag:$0x2] =	stream.indirect.gather [hbm4b:s4+s9], $0x80, s7, s9, $0xb8;
	[tilespmem:$0x1F480] =	vst v63  }
0x629: {  	_ =	swait.ge [sflag:s13], $0x3200  }
0x62a: {  	[sflag:s13] =	ssyncset.done $0x0  }
0x62b: {  	s8 =	simm.s32 $0x1300;
	[sflag:s13] =	ssyncadd.s32 $0xFFFFCE00  }
0x62c: {  	[spmem:s2] =	stream.indirect.scatter.add.f32 [tilespmem:s10], [sflag:$0x4], $0x80, s8, s9, $0xb8;
	[tilespmem:$0x1F480] =	vst v63  }
0x62d: {  	_ =	swait.ge [sflag:s25], $0x3200  }
0x62e: {  	[sflag:s25] =	ssyncset.done $0x0  }
0x62f: {  	s26 =	simm.s32 $0x400;
	[sflag:s25] =	ssyncadd.s32 $0xFFFFCE00  }
0x630: {  	[tilespmem:s15], [sflag:$0x3] =	stream.indirect.gather [hbm4b:s4+s9], $0x80, s26, s9, $0xb8;
	[tilespmem:$0x1F480] =	vst v63  }
0x631: {  	_ =	swait.ge [sflag:s16], $0x3200  }
0x632: {  	[sflag:s16] =	ssyncset.done $0x0  }
0x633: {  	s28 =	simm.s32 $0x1380;
	[sflag:s16] =	ssyncadd.s32 $0xFFFFCE00  }
0x634: {  	[spmem:s2] =	stream.indirect.scatter.add.f32 [tilespmem:s12], [sflag:$0x5], $0x80, s28, s9, $0xb8;
	[tilespmem:$0x1F480] =	vst v63  }
0x635: {  	_ =	swait.ge [sflag:s18], $0x3200  }
0x636: {  	[sflag:s18] =	ssyncset.done $0x0  }
0x637: {  	s29 =	simm.s32 $0x480;
	[sflag:s18] =	ssyncadd.s32 $0xFFFFCE00  }
0x638: {  	[tilespmem:s10], [sflag:$0x1] =	stream.indirect.gather [hbm4b:s4+s9], $0x80, s29, s9, $0xb8;
	[tilespmem:$0x1F480] =	vst v63  }
0x639: {  	_ =	swait.ge [sflag:s20], $0x3200  }
0x63a: {  	[sflag:s20] =	ssyncset.done $0x0  }
0x63b: {  	s30 =	simm.s32 $0x1400;
	[sflag:s20] =	ssyncadd.s32 $0xFFFFCE00  }
0x63c: {  	[spmem:s2] =	stream.indirect.scatter.add.f32 [tilespmem:s15], [sflag:$0x6], $0x80, s30, s9, $0xb8;
	[tilespmem:$0x1F480] =	vst v63  }
0x63d: {  	_ =	swait.ge [sflag:s22], $0x3200  }
0x63e: {  	[sflag:s22] =	ssyncset.done $0x0  }
0x63f: {  	s31 =	simm.s32 $0x500;
	[sflag:s22] =	ssyncadd.s32 $0xFFFFCE00  }
0x640: {  	[tilespmem:s12], [sflag:$0x2] =	stream.indirect.gather [hbm4b:s4+s9], $0x80, s31, s9, $0xb8;
	[tilespmem:$0x1F480] =	vst v63  }
0x641: {  	_ =	swait.ge [sflag:s13], $0x3200  }
0x642: {  	[sflag:s13] =	ssyncset.done $0x0  }
0x643: {  	s29 =	simm.s32 $0x1480;
	[sflag:s13] =	ssyncadd.s32 $0xFFFFCE00  }
0x644: {  	[spmem:s2] =	stream.indirect.scatter.add.f32 [tilespmem:s10], [sflag:$0x4], $0x80, s29, s9, $0xb8;
	[tilespmem:$0x1F480] =	vst v63  }
0x645: {  	_ =	swait.ge [sflag:s25], $0x3200  }
0x646: {  	[sflag:s25] =	ssyncset.done $0x0  }
0x647: {  	s30 =	simm.s32 $0x580;
	[sflag:s25] =	ssyncadd.s32 $0xFFFFCE00  }
0x648: {  	[tilespmem:s15], [sflag:$0x3] =	stream.indirect.gather [hbm4b:s4+s9], $0x80, s30, s9, $0xb8;
	[tilespmem:$0x1F480] =	vst v63  }
0x649: {  	_ =	swait.ge [sflag:s16], $0x3200  }
0x64a: {  	[sflag:s16] =	ssyncset.done $0x0  }
0x64b: {  	s31 =	simm.s32 $0x1500;
	[sflag:s16] =	ssyncadd.s32 $0xFFFFCE00  }
0x64c: {  	[spmem:s2] =	stream.indirect.scatter.add.f32 [tilespmem:s12], [sflag:$0x5], $0x80, s31, s9, $0xb8;
	[tilespmem:$0x1F480] =	vst v63  }
0x64d: {  	_ =	swait.ge [sflag:s18], $0x3200  }
0x64e: {  	[sflag:s18] =	ssyncset.done $0x0  }
0x64f: {  	s1 =	simm.s32 $0x600;
	[sflag:s18] =	ssyncadd.s32 $0xFFFFCE00  }
0x650: {  	[tilespmem:s10], [sflag:$0x1] =	stream.indirect.gather [hbm4b:s4+s9], $0x80, s1, s9, $0xb8;
	[tilespmem:$0x1F480] =	vst v63  }
0x651: {  	_ =	swait.ge [sflag:s20], $0x3200  }
0x652: {  	[sflag:s20] =	ssyncset.done $0x0  }
0x653: {  	s6 =	simm.s32 $0x1580;
	[sflag:s20] =	ssyncadd.s32 $0xFFFFCE00  }
0x654: {  	[spmem:s2] =	stream.indirect.scatter.add.f32 [tilespmem:s15], [sflag:$0x6], $0x80, s6, s9, $0xb8;
	[tilespmem:$0x1F480] =	vst v63  }
0x655: {  	_ =	swait.ge [sflag:s22], $0x3200  }
0x656: {  	[sflag:s22] =	ssyncset.done $0x0  }
0x657: {  	s7 =	simm.s32 $0x680;
	[sflag:s22] =	ssyncadd.s32 $0xFFFFCE00  }
0x658: {  	[tilespmem:s12], [sflag:$0x2] =	stream.indirect.gather [hbm4b:s4+s9], $0x80, s7, s9, $0xb8;
	[tilespmem:$0x1F480] =	vst v63  }
0x659: {  	_ =	swait.ge [sflag:s13], $0x3200  }
0x65a: {  	[sflag:s13] =	ssyncset.done $0x0  }
0x65b: {  	s8 =	simm.s32 $0x1600;
	[sflag:s13] =	ssyncadd.s32 $0xFFFFCE00  }
0x65c: {  	[spmem:s2] =	stream.indirect.scatter.add.f32 [tilespmem:s10], [sflag:$0x4], $0x80, s8, s9, $0xb8;
	[tilespmem:$0x1F480] =	vst v63  }
0x65d: {  	_ =	swait.ge [sflag:s25], $0x3200  }
0x65e: {  	[sflag:s25] =	ssyncset.done $0x0  }
0x65f: {  	s14 =	simm.s32 $0x700;
	[sflag:s25] =	ssyncadd.s32 $0xFFFFCE00  }
0x660: {  	[tilespmem:s15], [sflag:$0x3] =	stream.indirect.gather [hbm4b:s4+s9], $0x80, s14, s9, $0xb8;
	[tilespmem:$0x1F480] =	vst v63  }
0x661: {  	_ =	swait.ge [sflag:s16], $0x3200  }
0x662: {  	[sflag:s16] =	ssyncset.done $0x0  }
0x663: {  	s17 =	simm.s32 $0x1680;
	[sflag:s16] =	ssyncadd.s32 $0xFFFFCE00  }
0x664: {  	[spmem:s2] =	stream.indirect.scatter.add.f32 [tilespmem:s12], [sflag:$0x5], $0x80, s17, s9, $0xb8;
	[tilespmem:$0x1F480] =	vst v63  }
0x665: {  	_ =	swait.ge [sflag:s18], $0x3200  }
0x666: {  	[sflag:s18] =	ssyncset.done $0x0  }
0x667: {  	s19 =	simm.s32 $0x780;
	[sflag:s18] =	ssyncadd.s32 $0xFFFFCE00  }
0x668: {  	[tilespmem:s10], [sflag:$0x1] =	stream.indirect.gather [hbm4b:s4+s9], $0x80, s19, s9, $0xb8;
	[tilespmem:$0x1F480] =	vst v63  }
0x669: {  	_ =	swait.ge [sflag:s20], $0x3200  }
0x66a: {  	[sflag:s20] =	ssyncset.done $0x0  }
0x66b: {  	s21 =	simm.s32 $0x1700;
	[sflag:s20] =	ssyncadd.s32 $0xFFFFCE00  }
0x66c: {  	[spmem:s2] =	stream.indirect.scatter.add.f32 [tilespmem:s15], [sflag:$0x6], $0x80, s21, s9, $0xb8;
	[tilespmem:$0x1F480] =	vst v63  }
0x66d: {  	_ =	swait.ge [sflag:s22], $0x3200  }
0x66e: {  	[sflag:s22] =	ssyncset.done $0x0  }
0x66f: {  	s23 =	simm.s32 $0x800;
	[sflag:s22] =	ssyncadd.s32 $0xFFFFCE00  }
0x670: {  	[tilespmem:s12], [sflag:$0x2] =	stream.indirect.gather [hbm4b:s4+s9], $0x80, s23, s9, $0xb8;
	[tilespmem:$0x1F480] =	vst v63  }
0x671: {  	_ =	swait.ge [sflag:s13], $0x3200  }
0x672: {  	[sflag:s13] =	ssyncset.done $0x0  }
0x673: {  	s24 =	simm.s32 $0x1780;
	[sflag:s13] =	ssyncadd.s32 $0xFFFFCE00  }
0x674: {  	[spmem:s2] =	stream.indirect.scatter.add.f32 [tilespmem:s10], [sflag:$0x4], $0x80, s24, s9, $0xb8;
	[tilespmem:$0x1F480] =	vst v63  }
0x675: {  	_ =	swait.ge [sflag:s25], $0x3200  }
0x676: {  	[sflag:s25] =	ssyncset.done $0x0  }
0x677: {  	s26 =	simm.s32 $0x880;
	[sflag:s25] =	ssyncadd.s32 $0xFFFFCE00  }
0x678: {  	[tilespmem:s15], [sflag:$0x3] =	stream.indirect.gather [hbm4b:s4+s9], $0x80, s26, s9, $0xb8;
	[tilespmem:$0x1F480] =	vst v63  }
0x679: {  	_ =	swait.ge [sflag:s16], $0x3200  }
0x67a: {  	[sflag:s16] =	ssyncset.done $0x0  }
0x67b: {  	s28 =	simm.s32 $0x1800;
	[sflag:s16] =	ssyncadd.s32 $0xFFFFCE00  }
0x67c: {  	[spmem:s2] =	stream.indirect.scatter.add.f32 [tilespmem:s12], [sflag:$0x5], $0x80, s28, s9, $0xb8;
	[tilespmem:$0x1F480] =	vst v63  }
0x67d: {  	_ =	swait.ge [sflag:s18], $0x3200  }
0x67e: {  	[sflag:s18] =	ssyncset.done $0x0  }
0x67f: {  	s29 =	simm.s32 $0x900;
	[sflag:s18] =	ssyncadd.s32 $0xFFFFCE00  }
0x680: {  	[tilespmem:s10], [sflag:$0x1] =	stream.indirect.gather [hbm4b:s4+s9], $0x80, s29, s9, $0xb8;
	[tilespmem:$0x1F480] =	vst v63  }
0x681: {  	_ =	swait.ge [sflag:s20], $0x3200  }
0x682: {  	[sflag:s20] =	ssyncset.done $0x0  }
0x683: {  	s30 =	simm.s32 $0x1880;
	[sflag:s20] =	ssyncadd.s32 $0xFFFFCE00  }
0x684: {  	[spmem:s2] =	stream.indirect.scatter.add.f32 [tilespmem:s15], [sflag:$0x6], $0x80, s30, s9, $0xb8;
	[tilespmem:$0x1F480] =	vst v63  }
0x685: {  	_ =	swait.ge [sflag:s22], $0x3200  }
0x686: {  	[sflag:s22] =	ssyncset.done $0x0  }
0x687: {  	s31 =	simm.s32 $0x980;
	[sflag:s22] =	ssyncadd.s32 $0xFFFFCE00  }
0x688: {  	[tilespmem:s12], [sflag:$0x2] =	stream.indirect.gather [hbm4b:s4+s9], $0x80, s31, s9, $0xb8;
	[tilespmem:$0x1F480] =	vst v63  }
0x689: {  	_ =	swait.ge [sflag:s13], $0x3200  }
0x68a: {  	[sflag:s13] =	ssyncset.done $0x0  }
0x68b: {  	s1 =	simm.s32 $0x1900;
	[sflag:s13] =	ssyncadd.s32 $0xFFFFCE00  }
0x68c: {  	[spmem:s2] =	stream.indirect.scatter.add.f32 [tilespmem:s10], [sflag:$0x4], $0x80, s1, s9, $0xb8;
	[tilespmem:$0x1F480] =	vst v63  }
0x68d: {  	_ =	swait.ge [sflag:s25], $0x3200  }
0x68e: {  	[sflag:s25] =	ssyncset.done $0x0  }
0x68f: {  	s6 =	simm.s32 $0xA00;
	[sflag:s25] =	ssyncadd.s32 $0xFFFFCE00  }
0x690: {  	[tilespmem:s15], [sflag:$0x3] =	stream.indirect.gather [hbm4b:s4+s9], $0x80, s6, s9, $0xb8;
	[tilespmem:$0x1F480] =	vst v63  }
0x691: {  	_ =	swait.ge [sflag:s16], $0x3200  }
0x692: {  	[sflag:s16] =	ssyncset.done $0x0  }
0x693: {  	s7 =	simm.s32 $0x1980;
	[sflag:s16] =	ssyncadd.s32 $0xFFFFCE00  }
0x694: {  	[spmem:s2] =	stream.indirect.scatter.add.f32 [tilespmem:s12], [sflag:$0x5], $0x80, s7, s9, $0xb8;
	[tilespmem:$0x1F480] =	vst v63  }
0x695: {  	_ =	swait.ge [sflag:s18], $0x3200  }
0x696: {  	[sflag:s18] =	ssyncset.done $0x0  }
0x697: {  	s8 =	simm.s32 $0xA80;
	[sflag:s18] =	ssyncadd.s32 $0xFFFFCE00  }
0x698: {  	[tilespmem:s10], [sflag:$0x1] =	stream.indirect.gather [hbm4b:s4+s9], $0x80, s8, s9, $0xb8;
	[tilespmem:$0x1F480] =	vst v63  }
0x699: {  	_ =	swait.ge [sflag:s20], $0x3200  }
0x69a: {  	[sflag:s20] =	ssyncset.done $0x0  }
0x69b: {  	s14 =	simm.s32 $0x1A00;
	[sflag:s20] =	ssyncadd.s32 $0xFFFFCE00  }
0x69c: {  	[spmem:s2] =	stream.indirect.scatter.add.f32 [tilespmem:s15], [sflag:$0x6], $0x80, s14, s9, $0xb8;
	[tilespmem:$0x1F480] =	vst v63  }
0x69d: {  	_ =	swait.ge [sflag:s22], $0x3200  }
0x69e: {  	[sflag:s22] =	ssyncset.done $0x0  }
0x69f: {  	s17 =	simm.s32 $0xB00;
	[sflag:s22] =	ssyncadd.s32 $0xFFFFCE00  }
0x6a0: {  	[tilespmem:s12], [sflag:$0x2] =	stream.indirect.gather [hbm4b:s4+s9], $0x80, s17, s9, $0xb8;
	[tilespmem:$0x1F480] =	vst v63  }
0x6a1: {  	_ =	swait.ge [sflag:s13], $0x3200  }
0x6a2: {  	[sflag:s13] =	ssyncset.done $0x0  }
0x6a3: {  	s19 =	simm.s32 $0x1A80;
	[sflag:s13] =	ssyncadd.s32 $0xFFFFCE00  }
0x6a4: {  	[spmem:s2] =	stream.indirect.scatter.add.f32 [tilespmem:s10], [sflag:$0x4], $0x80, s19, s9, $0xb8;
	[tilespmem:$0x1F480] =	vst v63  }
0x6a5: {  	_ =	swait.ge [sflag:s25], $0x3200  }
0x6a6: {  	[sflag:s25] =	ssyncset.done $0x0  }
0x6a7: {  	s21 =	simm.s32 $0xB80;
	[sflag:s25] =	ssyncadd.s32 $0xFFFFCE00  }
0x6a8: {  	[tilespmem:s15], [sflag:$0x3] =	stream.indirect.gather [hbm4b:s4+s9], $0x80, s21, s9, $0xb8;
	[tilespmem:$0x1F480] =	vst v63  }
0x6a9: {  	_ =	swait.ge [sflag:s16], $0x3200  }
0x6aa: {  	[sflag:s16] =	ssyncset.done $0x0  }
0x6ab: {  	s23 =	simm.s32 $0x1B00;
	[sflag:s16] =	ssyncadd.s32 $0xFFFFCE00  }
0x6ac: {  	[spmem:s2] =	stream.indirect.scatter.add.f32 [tilespmem:s12], [sflag:$0x5], $0x80, s23, s9, $0xb8;
	[tilespmem:$0x1F480] =	vst v63  }
0x6ad: {  	_ =	swait.ge [sflag:s18], $0x3200  }
0x6ae: {  	[sflag:s18] =	ssyncset.done $0x0  }
0x6af: {  	s24 =	simm.s32 $0xC00;
	[sflag:s18] =	ssyncadd.s32 $0xFFFFCE00  }
0x6b0: {  	[tilespmem:s10], [sflag:$0x1] =	stream.indirect.gather [hbm4b:s4+s9], $0x80, s24, s9, $0xb8;
	[tilespmem:$0x1F480] =	vst v63  }
0x6b1: {  	_ =	swait.ge [sflag:s20], $0x3200  }
0x6b2: {  	[sflag:s20] =	ssyncset.done $0x0  }
0x6b3: {  	s26 =	simm.s32 $0x1B80;
	[sflag:s20] =	ssyncadd.s32 $0xFFFFCE00  }
0x6b4: {  	[spmem:s2] =	stream.indirect.scatter.add.f32 [tilespmem:s15], [sflag:$0x6], $0x80, s26, s9, $0xb8;
	[tilespmem:$0x1F480] =	vst v63  }
0x6b5: {  	_ =	swait.ge [sflag:s13], $0x3200  }
0x6b6: {  	[sflag:s13] =	ssyncset.done $0x0  }
0x6b7: {  	s28 =	simm.s32 $0x1C00;
	[sflag:s13] =	ssyncadd.s32 $0xFFFFCE00  }
0x6b8: {  	[spmem:s2] =	stream.indirect.scatter.add.f32 [tilespmem:s10], [sflag:$0x4], $0x80, s28, s9, $0xb8;
	[tilespmem:$0x1F480] =	vst v63  }
0x6b9: {  	_ =	swait.ge [sflag:s22], $0x3200  }
0x6ba: {  	[sflag:s22] =	ssyncset.done $0x0  }
0x6bb: {  	[sflag:s22] =	ssyncadd.s32 $0xFFFFCE00  }
0x6bc: {  	_ =	swait.ge [sflag:s25], $0x3200  }
0x6bd: {  	[sflag:s25] =	ssyncset.done $0x0  }
0x6be: {  	[sflag:s25] =	ssyncadd.s32 $0xFFFFCE00  }
0x6bf: {  	_ =	swait.ge [sflag:s18], $0x3200  }
0x6c0: {  	[sflag:s18] =	ssyncset.done $0x0  }
0x6c1: {  	[sflag:s18] =	ssyncadd.s32 $0xFFFFCE00  }
0x6c2: {  	p0 =	sne.s32 s11, $0x1;
	[bflag:$0x0] =	sbarrier.arrive $0xFFFF  }
.Ltmp1:
0x6c3: {  	s29 =	rddreg [dreg:$0xc];
	(pc) =	sbr.rel @p0 .LBB2_2-.Ltmp1, $4  }
0x6c4: {  	s30 =	rddreg [dreg:$0xf]  }
0x6c5: {  	s31 =	rddreg [dreg:$0xe]  }
0x6c6: {  	[hbm:s29], [sflag:s31] =	dma.local [spmem:s30], $0x2780  }
0x6c7: {  	s11 =	sadd.s32 $0xFFFFFFFF, s11;
	_ =	swait.ge [sflag:s5], $0x2780  }
.LBB2_3:
0x6c8: {  	[sflag:s5] =	ssyncset.done $0x0  }
0x6c9: {  	[sflag:s5] =	ssyncadd.s32 $0xFFFFD880  }
0x6ca: {  	_ =	sfence.sel $0x180000  }
0x6cb: {  	[bflag:$0x0] =	sbarrier.arrive $0xFFFF  }
0x6cc: {  	_ =	strace $0x9000004A  }
0x6cd: {  	s0 =	stileid.u32;
	[bflag:$0x2] =	sbarrier.arrive $0xFFFF  }
0x6ce: {  	p0 =	sne.s32 s0, $0x0;
	s0 =	rddreg [dreg:$0x3]  }
0x6cf: {  	s0 =	sadd.s32 @!p0 $0x100000, s0  }
0x6d0: {  	[sflag:s0] =	ssyncadd.tile.s32 @!p0 $0x1;
	_ =	shalt  }
.Lfunc_end2:
_tile_overlayer_lowered:
.L_overlay_start_2:
0x6d1: {  	(tag) =	ssettag $0x2  }
0x6d2: {  	s0 =	rddreg [dreg:$0x0];
	s2 =	stileid.u32  }
0x6d3: {  	s1 =	rddreg [dreg:$0x1];
	p0 =	sne.s32 s2, $0x0  }
0x6d4: {  	s3 =	rddreg [dreg:$0x2];
	[bflag:$0x3] =	sbarrier.arrive $0xFFFF;
	s2 =	simm.s32 @!p0 $0x1C07  }
0x6d5: {  	[timem:s3], [sflag:s2] =	dma.local @!p0 [hbm:s0], s1  }
0x6d6: {  	s0 =	simm.s32 @!p0 $0x7  }
0x6d7: {  	_ =	swait.ge @!p0 [sflag:s0], s1  }
0x6d8: {  	s1 =	ssub.s32 @!p0 $0x0, s1;
	[sflag:s0] =	ssyncset.done @!p0 $0x0  }
0x6d9: {  	[sflag:s0] =	ssyncadd.s32 @!p0 s1  }
0x6da: {  	[bflag:$0x3] =	sbarrier.arrive $0xFFFF  }
0x6db: {  	_ =	shalt  }

</sc_bundles>
